<compile_context>
chip_gen: v7x
topology: tpu7x:2x2x1
jax: 0.10.2.dev20260603
libtpu: 0.0.44.dev20260713+nightly
codegen_flags: <defaults>
</compile_context>

<pallas_src>
import functools

import jax
import jax.numpy as jnp
from jax import lax
from jax.experimental import pallas as pl
from jax.experimental.pallas import tpu as pltpu
from jax.experimental.pallas import tpu_sc as plsc

_B, _C, _H, _W = 4, 4, 384, 384
_N = _H * _W
_K = _N * 10 // 100
_ROWS = _N // 128
_NSLICES = _B * _C
_HALF = _N // 2
_HALFV = _HALF // 16


def _stage_a(no_ref, t_ref, mp_ref, res_ref, mt_ref, mpx_ref):
    no = no_ref[0, 0]
    t = t_ref[0, 0]
    res_ref[0, 0] = jnp.maximum(-(t * jnp.log(no)), 0.0)
    mt_ref[...] = jnp.full((1, 1, 1, 128), jnp.max(t), jnp.float32)
    mpx_ref[...] = jnp.full((1, 1, 1, 128), jnp.max(mp_ref[0, 0]), jnp.float32)


_SC_MESH = plsc.VectorSubcoreMesh(core_axis_name="c", subcore_axis_name="s")


@functools.partial(
    pl.kernel,
    out_type=jax.ShapeDtypeStruct((_NSLICES, 16), jnp.float32),
    mesh=_SC_MESH,
    scratch_types=[
        pltpu.VMEM((_H // 2, _W), jnp.float32),
        pltpu.VMEM((2048,), jnp.float32),
        pltpu.VMEM((2048,), jnp.float32),
        pltpu.VMEM((16,), jnp.float32),
        pltpu.VMEM_SHARED((16, 2048), jnp.float32),
    ],
    compiler_params=pltpu.CompilerParams(needs_layout_passes=False),
)
def _sc_topk(res_hbm, out_hbm, data, hcnt, pbuf, loss_ref, shared):
    c = lax.axis_index("c")
    s = lax.axis_index("s")
    sl = c * 8 + lax.shift_right_logical(s, 1)
    half = jnp.bitwise_and(s, 1)
    partner = jnp.bitwise_xor(s, 1)

    pltpu.sync_copy(
        res_hbm.at[lax.shift_right_logical(sl, 2), jnp.bitwise_and(sl, 3),
                   pl.ds(half * (_H // 2), _H // 2)],
        data)

    ones = jnp.ones((16,), jnp.float32)
    io16 = lax.broadcasted_iota(jnp.int32, (16,), 0)

    def hist_round(sh, msk, ash, prefix):
        def _z(i, carry):
            for u in range(8):
                hcnt[pl.ds((i * 8 + u) * 16, 16)] = jnp.zeros(
                    (16,), jnp.float32)
            return carry

        lax.fori_loop(0, 2048 // 128, _z, 0)

        def _grp(r, g):
            b32s = [lax.bitcast_convert_type(
                data[r, pl.ds((g + u) * 16, 16)], jnp.int32)
                for u in range(8)]
            digs = [lax.shift_right_logical(b, sh) for b in b32s]
            if msk is not None:
                digs = [jnp.bitwise_and(d, msk) for d in digs]
            if ash is None:
                acts = [None] * 8
            else:
                acts = [lax.shift_right_logical(b, ash) == prefix
                        for b in b32s]
            return digs, acts

        def _scat(grp):
            for d, a in zip(*grp):
                plsc.addupdate_scatter(hcnt, [d], ones, mask=a)

        def _h(r, carry):
            prev = _grp(r, 0)
            for g in range(8, _W // 16, 8):
                cur = _grp(r, g)
                _scat(prev)
                prev = cur
            _scat(prev)
            return carry

        lax.fori_loop(0, _H // 2, _h, 0)

        pltpu.sync_copy(hcnt, shared.at[s])
        plsc.subcore_barrier()
        pltpu.sync_copy(shared.at[partner], pbuf)
        plsc.subcore_barrier()

        def _m(i, carry):
            for u in range(8):
                j = (i * 8 + u) * 16
                hcnt[pl.ds(j, 16)] += pbuf[pl.ds(j, 16)]
            return carry

        lax.fori_loop(0, 2048 // 128, _m, 0)

    def scan_round(nbins, kleft):
        nv = nbins // 16

        def sbody(i, carry):
            done, bsel, cex, cnt_ab = carry
            idx = nv - 1 - i
            cv = hcnt[pl.ds(idx * 16, 16)]
            tot_c = jnp.sum(cv)
            suf = lax.rev(plsc.cumsum(lax.rev(cv, (0,))), (0,))
            m = (cnt_ab + suf) >= kleft
            np_s = jnp.max(plsc.all_reduce_population_count(m))
            found = jnp.logical_and(jnp.logical_not(done), np_s >= 1)
            b_l = np_s - 1
            above = io16 > b_l
            c_excl = cnt_ab + jnp.sum(jnp.where(above, cv, 0.0))
            bsel = jnp.where(found, idx * 16 + b_l, bsel)
            cex = jnp.where(found, c_excl, cex)
            done = jnp.logical_or(done, found)
            return (done, bsel, cex, cnt_ab + tot_c)

        init = (jnp.bool_(False), jnp.int32(0), jnp.float32(0.0),
                jnp.float32(0.0))
        _, bsel, cex, _ = lax.fori_loop(0, nv, sbody, init)
        return bsel, cex

    kleft = jnp.float32(_K)

    hist_round(21, None, None, None)
    b1, cex = scan_round(1024, kleft)
    kleft = kleft - cex

    hist_round(10, 2047, 21, b1)
    b2, cex = scan_round(2048, kleft)
    kleft = kleft - cex
    p2 = lax.shift_left(b1, 11) | b2

    hist_round(0, 1023, 10, p2)
    b3, cex = scan_round(1024, kleft)
    kleft = kleft - cex

    pivot_bits = lax.shift_left(p2, 10) | b3
    pv = jnp.max(lax.bitcast_convert_type(
        jnp.full((16,), pivot_bits, jnp.int32), jnp.float32))

    z16 = jnp.zeros((16,), jnp.float32)

    def _sum_body(r, acc):
        a = list(acc)
        for k in range(_W // 16):
            v = data[r, pl.ds(k * 16, 16)]
            a[k % 4] = a[k % 4] + jnp.where(v > pv, v, 0.0)
        return tuple(a)

    accs = lax.fori_loop(0, _H // 2, _sum_body, (z16, z16, z16, z16))

    my_sum = jnp.sum(accs[0] + accs[1] + accs[2] + accs[3])
    loss_ref[...] = jnp.full((16,), my_sum, jnp.float32)
    pltpu.sync_copy(loss_ref, shared.at[s, pl.ds(0, 16)])
    plsc.subcore_barrier()
    pltpu.sync_copy(shared.at[partner, pl.ds(0, 16)], loss_ref)
    sum_gt = my_sum + jnp.max(loss_ref[...])

    loss = (sum_gt + kleft * pv) * jnp.float32(1.0 / _K)

    @pl.when(half == 0)
    def _():
        loss_ref[...] = jnp.full((16,), loss, jnp.float32)
        pltpu.sync_copy(loss_ref, out_hbm.at[sl])


@jax.jit
def kernel(net_out, target, max_positiones):
    in_spec = pl.BlockSpec((1, 1, _H, _W), lambda i, j: (i, j, 0, 0))
    res, mt, mpx = pl.pallas_call(
        _stage_a,
        grid=(_B, _C),
        in_specs=[in_spec, in_spec, in_spec],
        out_specs=[
            pl.BlockSpec((1, 1, _H, _W), lambda i, j: (i, j, 0, 0)),
            pl.BlockSpec((1, 1, 1, 128), lambda i, j: (i, j, 0, 0)),
            pl.BlockSpec((1, 1, 1, 128), lambda i, j: (i, j, 0, 0)),
        ],
        out_shape=[
            jax.ShapeDtypeStruct((_B, _C, _H, _W), jnp.float32),
            jax.ShapeDtypeStruct((_B, _C, 1, 128), jnp.float32),
            jax.ShapeDtypeStruct((_B, _C, 1, 128), jnp.float32),
        ],
    )(net_out, target, max_positiones)
    sc_loss = _sc_topk(res)[:, 0].reshape(_B, _C)
    skip = (mt[:, :, 0, 0] == 0.0) & (mpx[:, :, 0, 0] == 0.0)
    per = jnp.where(skip, 0.0, sc_loss)
    counts = jnp.count_nonzero(per, axis=1)
    img_losses = per.sum(axis=1) / counts
    return img_losses.sum() / _B

# --- scband reference (transcript-rebuilt; emitter-appended) ---
"""Pipeline reference for scband-mismatch-loss-19018115187338 (READ-ONLY COPY).

The authoritative reference and input builder live on the scoring server;
editing this copy changes nothing except your own understanding.
"""

import jax, jax.numpy as jnp
import numpy as np

B, C, H, W = 4, 4, 384, 384

def setup_inputs(seed: int = 0):
    key = jax.random.key(seed)
    k1, k2, k3 = jax.random.split(key, 3)
    net_out = jax.random.uniform(k1, (B, C, H, W), dtype=jnp.float32, minval=1e-6, maxval=1.0)
    target = jax.random.uniform(k2, (B, C, H, W), dtype=jnp.float32)
    max_positiones = jax.random.uniform(k3, (B, C, H, W), dtype=jnp.float32)
    return {"net_out": net_out, "target": target, "max_positiones": max_positiones}

def reference(net_out, target, max_positiones):
    num_voxels = H * W
    k = int(num_voxels * 10 / 100)

    def topk_loss(no_s, t_s):
        res = -(t_s * jnp.log(no_s))
        vals, _ = jax.lax.top_k(res.reshape(-1), k)
        return vals.mean()

    def per_class(no_s, t_s, mp_s):
        max_t = jnp.max(t_s)
        max_p = jnp.max(mp_s)
        skip = (max_t == 0) & (max_p == 0)
        loss = topk_loss(no_s, t_s)
        return jnp.where(skip, jnp.float32(0.0), loss)

    per = jax.vmap(jax.vmap(per_class))(net_out, target, max_positiones)  # [B, C]
    counts = jnp.count_nonzero(per, axis=1)
    img_losses = per.sum(axis=1) / counts
    return img_losses.sum() / B

if __name__ == "__main__":
    import jax
    _d = setup_inputs()
    print(jax.jit(kernel)(*tuple(_d.values())))

</pallas_src>

<mosaic_0001>
#map = affine_map<(d0, d1) -> (0, 0, 0, 0)>
#map1 = affine_map<(d0, d1) -> (0, 0)>
module attributes {stable_mosaic.version = 14 : i64} {
  func.func @_sc_topk(%arg0: i32, %arg1: i32, %arg2: memref<4x4x384x384xf32, #tpu.memory_space<hbm>>, %arg3: memref<16x16xf32, #tpu.memory_space<hbm>>, %arg4: memref<192x384xf32, #tpu.memory_space<vmem>>, %arg5: memref<2048xf32, #tpu.memory_space<vmem>>, %arg6: memref<2048xf32, #tpu.memory_space<vmem>>, %arg7: memref<16xf32, #tpu.memory_space<vmem>>, %arg8: memref<16x2048xf32, #tpu.memory_space<vmem_shared>>) attributes {dimension_semantics = [#tpu.dimension_semantics<core_parallel>, #tpu.dimension_semantics<subcore_parallel>], iteration_bounds = array<i64: 2, 16>, scalar_prefetch = 0 : i64, scratch_operands = 5 : i64, tpu.core_type = #tpu.core_type<sc_vector_subcore>, window_params = [{transform_indices = #map}, {transform_indices = #map1}]} {
    %mul3A = arith.constant 8 : i32
    %mul3A_0 = arith.muli %arg0, %mul3A : i32
    %shift_right_logical3A = arith.constant 1 : i32
    %shift_right_logical3A_1 = arith.shrui %arg1, %shift_right_logical3A : i32
    %add3A = arith.addi %mul3A_0, %shift_right_logical3A_1 : i32
    %and3A = arith.constant 1 : i32
    %and3A_2 = arith.andi %arg1, %and3A : i32
    %xor3A = arith.constant 1 : i32
    %xor3A_3 = arith.xori %arg1, %xor3A : i32
    %shift_right_logical3A_4 = arith.constant 2 : i32
    %shift_right_logical3A_5 = arith.shrui %add3A, %shift_right_logical3A_4 : i32
    %and3A_6 = arith.constant 3 : i32
    %and3A_7 = arith.andi %add3A, %and3A_6 : i32
    %mul3A_8 = arith.constant 192 : i32
    %mul3A_9 = arith.muli %and3A_2, %mul3A_8 : i32
    "tpu.region"() ({
      %run_scoped3A = tpu.sem_alloc : memref<!tpu.dma_semaphore, #tpu.memory_space<semaphore_mem>>
      %dma_start3A = arith.constant 0 : i32
      %dma_start3A_140 = tpu.memref_slice %arg2[%shift_right_logical3A_5, %and3A_7, %mul3A_9, %dma_start3A] : memref<4x4x384x384xf32, #tpu.memory_space<hbm>> -> memref<1x1x192x384xf32, #tpu.memory_space<hbm>>
      %dma_start3A_141 = tpu.memref_squeeze %dma_start3A_140 : memref<1x1x192x384xf32, #tpu.memory_space<hbm>> -> memref<192x384xf32, #tpu.memory_space<hbm>>
      %dma_start3A_142 = arith.constant 0 : i32
      %dma_start3A_143 = tpu.memref_slice %arg2[%shift_right_logical3A_5, %and3A_7, %mul3A_9, %dma_start3A_142] : memref<4x4x384x384xf32, #tpu.memory_space<hbm>> -> memref<1x1x192x384xf32, #tpu.memory_space<hbm>>
      %dma_start3A_144 = tpu.memref_squeeze %dma_start3A_143 : memref<1x1x192x384xf32, #tpu.memory_space<hbm>> -> memref<192x384xf32, #tpu.memory_space<hbm>>
      tpu.enqueue_dma source(%dma_start3A_144 : memref<192x384xf32, #tpu.memory_space<hbm>>) target(%arg4 : memref<192x384xf32, #tpu.memory_space<vmem>>) target_semaphore(%run_scoped3A : memref<!tpu.dma_semaphore, #tpu.memory_space<semaphore_mem>>)
      %dma_wait3A = arith.constant 0 : i32
      %dma_wait3A_145 = tpu.memref_slice %arg2[%shift_right_logical3A_5, %and3A_7, %mul3A_9, %dma_wait3A] : memref<4x4x384x384xf32, #tpu.memory_space<hbm>> -> memref<1x1x192x384xf32, #tpu.memory_space<hbm>>
      %dma_wait3A_146 = tpu.memref_squeeze %dma_wait3A_145 : memref<1x1x192x384xf32, #tpu.memory_space<hbm>> -> memref<192x384xf32, #tpu.memory_space<hbm>>
      %dma_wait3A_147 = arith.constant 0 : i32
      %dma_wait3A_148 = tpu.memref_slice %arg2[%shift_right_logical3A_5, %and3A_7, %mul3A_9, %dma_wait3A_147] : memref<4x4x384x384xf32, #tpu.memory_space<hbm>> -> memref<1x1x192x384xf32, #tpu.memory_space<hbm>>
      %dma_wait3A_149 = tpu.memref_squeeze %dma_wait3A_148 : memref<1x1x192x384xf32, #tpu.memory_space<hbm>> -> memref<192x384xf32, #tpu.memory_space<hbm>>
      tpu.wait_dma2 semaphore(%run_scoped3A : memref<!tpu.dma_semaphore, #tpu.memory_space<semaphore_mem>>) src(%dma_wait3A_149 : memref<192x384xf32, #tpu.memory_space<hbm>>) dst(%arg4 : memref<192x384xf32, #tpu.memory_space<vmem>>)
      tpu.yield
    }) : () -> ()
    %broadcast_in_dim3A = arith.constant 1.000000e+00 : f32
    %broadcast_in_dim3A_10 = vector.broadcast %broadcast_in_dim3A : f32 to vector<16xf32>
    %iota3A = tpu.iota {dimensions = array<i32: 0>} : vector<16xi32>
    %scan3A = arith.constant 0 : i32
    %scan3A_11 = arith.constant 0 : i32
    %scan3A_12 = arith.constant 16 : i32
    %scan3A_13 = arith.addi %scan3A_11, %scan3A_12 : i32
    %scan3A_14 = arith.constant 1 : i32
    scf.for %scan3A_140 = %scan3A_11 to %scan3A_13 step %scan3A_14  : i32 {
      %broadcast_in_dim3A_141 = arith.constant 0.000000e+00 : f32
      %broadcast_in_dim3A_142 = vector.broadcast %broadcast_in_dim3A_141 : f32 to vector<16xf32>
      %mul3A_143 = arith.constant 8 : i32
      %mul3A_144 = arith.muli %scan3A_140, %mul3A_143 : i32
      %add3A_145 = arith.constant 0 : i32
      %add3A_146 = arith.addi %mul3A_144, %add3A_145 : i32
      %mul3A_147 = arith.constant 16 : i32
      %mul3A_148 = arith.muli %add3A_146, %mul3A_147 : i32
      %swap3A_149 = arith.index_cast %mul3A_148 : i32 to index
      %swap3A_150 = tpu.vector_load %arg5[%swap3A_149] {strides = array<i32>} : memref<2048xf32, #tpu.memory_space<vmem>>, vector<16xf32>,
      tpu.vector_store %arg5[%swap3A_149], %broadcast_in_dim3A_142 {strides = array<i32>} : memref<2048xf32, #tpu.memory_space<vmem>>, vector<16xf32>,
      %broadcast_in_dim3A_151 = arith.constant 0.000000e+00 : f32
      %broadcast_in_dim3A_152 = vector.broadcast %broadcast_in_dim3A_151 : f32 to vector<16xf32>
      %mul3A_153 = arith.constant 8 : i32
      %mul3A_154 = arith.muli %scan3A_140, %mul3A_153 : i32
      %add3A_155 = arith.constant 1 : i32
      %add3A_156 = arith.addi %mul3A_154, %add3A_155 : i32
      %mul3A_157 = arith.constant 16 : i32
      %mul3A_158 = arith.muli %add3A_156, %mul3A_157 : i32
      %swap3A_159 = arith.index_cast %mul3A_158 : i32 to index
      %swap3A_160 = tpu.vector_load %arg5[%swap3A_159] {strides = array<i32>} : memref<2048xf32, #tpu.memory_space<vmem>>, vector<16xf32>,
      tpu.vector_store %arg5[%swap3A_159], %broadcast_in_dim3A_152 {strides = array<i32>} : memref<2048xf32, #tpu.memory_space<vmem>>, vector<16xf32>,
      %broadcast_in_dim3A_161 = arith.constant 0.000000e+00 : f32
      %broadcast_in_dim3A_162 = vector.broadcast %broadcast_in_dim3A_161 : f32 to vector<16xf32>
      %mul3A_163 = arith.constant 8 : i32
      %mul3A_164 = arith.muli %scan3A_140, %mul3A_163 : i32
      %add3A_165 = arith.constant 2 : i32
      %add3A_166 = arith.addi %mul3A_164, %add3A_165 : i32
      %mul3A_167 = arith.constant 16 : i32
      %mul3A_168 = arith.muli %add3A_166, %mul3A_167 : i32
      %swap3A_169 = arith.index_cast %mul3A_168 : i32 to index
      %swap3A_170 = tpu.vector_load %arg5[%swap3A_169] {strides = array<i32>} : memref<2048xf32, #tpu.memory_space<vmem>>, vector<16xf32>,
      tpu.vector_store %arg5[%swap3A_169], %broadcast_in_dim3A_162 {strides = array<i32>} : memref<2048xf32, #tpu.memory_space<vmem>>, vector<16xf32>,
      %broadcast_in_dim3A_171 = arith.constant 0.000000e+00 : f32
      %broadcast_in_dim3A_172 = vector.broadcast %broadcast_in_dim3A_171 : f32 to vector<16xf32>
      %mul3A_173 = arith.constant 8 : i32
      %mul3A_174 = arith.muli %scan3A_140, %mul3A_173 : i32
      %add3A_175 = arith.constant 3 : i32
      %add3A_176 = arith.addi %mul3A_174, %add3A_175 : i32
      %mul3A_177 = arith.constant 16 : i32
      %mul3A_178 = arith.muli %add3A_176, %mul3A_177 : i32
      %swap3A_179 = arith.index_cast %mul3A_178 : i32 to index
      %swap3A_180 = tpu.vector_load %arg5[%swap3A_179] {strides = array<i32>} : memref<2048xf32, #tpu.memory_space<vmem>>, vector<16xf32>,
      tpu.vector_store %arg5[%swap3A_179], %broadcast_in_dim3A_172 {strides = array<i32>} : memref<2048xf32, #tpu.memory_space<vmem>>, vector<16xf32>,
      %broadcast_in_dim3A_181 = arith.constant 0.000000e+00 : f32
      %broadcast_in_dim3A_182 = vector.broadcast %broadcast_in_dim3A_181 : f32 to vector<16xf32>
      %mul3A_183 = arith.constant 8 : i32
      %mul3A_184 = arith.muli %scan3A_140, %mul3A_183 : i32
      %add3A_185 = arith.constant 4 : i32
      %add3A_186 = arith.addi %mul3A_184, %add3A_185 : i32
      %mul3A_187 = arith.constant 16 : i32
      %mul3A_188 = arith.muli %add3A_186, %mul3A_187 : i32
      %swap3A_189 = arith.index_cast %mul3A_188 : i32 to index
      %swap3A_190 = tpu.vector_load %arg5[%swap3A_189] {strides = array<i32>} : memref<2048xf32, #tpu.memory_space<vmem>>, vector<16xf32>,
      tpu.vector_store %arg5[%swap3A_189], %broadcast_in_dim3A_182 {strides = array<i32>} : memref<2048xf32, #tpu.memory_space<vmem>>, vector<16xf32>,
      %broadcast_in_dim3A_191 = arith.constant 0.000000e+00 : f32
      %broadcast_in_dim3A_192 = vector.broadcast %broadcast_in_dim3A_191 : f32 to vector<16xf32>
      %mul3A_193 = arith.constant 8 : i32
      %mul3A_194 = arith.muli %scan3A_140, %mul3A_193 : i32
      %add3A_195 = arith.constant 5 : i32
      %add3A_196 = arith.addi %mul3A_194, %add3A_195 : i32
      %mul3A_197 = arith.constant 16 : i32
      %mul3A_198 = arith.muli %add3A_196, %mul3A_197 : i32
      %swap3A_199 = arith.index_cast %mul3A_198 : i32 to index
      %swap3A_200 = tpu.vector_load %arg5[%swap3A_199] {strides = array<i32>} : memref<2048xf32, #tpu.memory_space<vmem>>, vector<16xf32>,
      tpu.vector_store %arg5[%swap3A_199], %broadcast_in_dim3A_192 {strides = array<i32>} : memref<2048xf32, #tpu.memory_space<vmem>>, vector<16xf32>,
      %broadcast_in_dim3A_201 = arith.constant 0.000000e+00 : f32
      %broadcast_in_dim3A_202 = vector.broadcast %broadcast_in_dim3A_201 : f32 to vector<16xf32>
      %mul3A_203 = arith.constant 8 : i32
      %mul3A_204 = arith.muli %scan3A_140, %mul3A_203 : i32
      %add3A_205 = arith.constant 6 : i32
      %add3A_206 = arith.addi %mul3A_204, %add3A_205 : i32
      %mul3A_207 = arith.constant 16 : i32
      %mul3A_208 = arith.muli %add3A_206, %mul3A_207 : i32
      %swap3A_209 = arith.index_cast %mul3A_208 : i32 to index
      %swap3A_210 = tpu.vector_load %arg5[%swap3A_209] {strides = array<i32>} : memref<2048xf32, #tpu.memory_space<vmem>>, vector<16xf32>,
      tpu.vector_store %arg5[%swap3A_209], %broadcast_in_dim3A_202 {strides = array<i32>} : memref<2048xf32, #tpu.memory_space<vmem>>, vector<16xf32>,
      %broadcast_in_dim3A_211 = arith.constant 0.000000e+00 : f32
      %broadcast_in_dim3A_212 = vector.broadcast %broadcast_in_dim3A_211 : f32 to vector<16xf32>
      %mul3A_213 = arith.constant 8 : i32
      %mul3A_214 = arith.muli %scan3A_140, %mul3A_213 : i32
      %add3A_215 = arith.constant 7 : i32
      %add3A_216 = arith.addi %mul3A_214, %add3A_215 : i32
      %mul3A_217 = arith.constant 16 : i32
      %mul3A_218 = arith.muli %add3A_216, %mul3A_217 : i32
      %swap3A_219 = arith.index_cast %mul3A_218 : i32 to index
      %swap3A_220 = tpu.vector_load %arg5[%swap3A_219] {strides = array<i32>} : memref<2048xf32, #tpu.memory_space<vmem>>, vector<16xf32>,
      tpu.vector_store %arg5[%swap3A_219], %broadcast_in_dim3A_212 {strides = array<i32>} : memref<2048xf32, #tpu.memory_space<vmem>>, vector<16xf32>,
    }
    %scan3A_15 = arith.constant 16 : i32
    %scan3A_16 = arith.constant 0 : i32
    %scan3A_17 = arith.constant 0 : i32
    %scan3A_18 = arith.constant 192 : i32
    %scan3A_19 = arith.addi %scan3A_17, %scan3A_18 : i32
    %scan3A_20 = arith.constant 1 : i32
    scf.for %scan3A_140 = %scan3A_17 to %scan3A_19 step %scan3A_20  : i32 {
      %get3A_141 = arith.index_cast %scan3A_140 : i32 to index
      %get3A_142 = arith.constant 0 : index
      %get3A_143 = tpu.vector_load %arg4[%get3A_141, %get3A_142] {strides = array<i32>} : memref<192x384xf32, #tpu.memory_space<vmem>>, vector<16xf32>,
      %bitcast_convert_type3A_144 = tpu.bitcast %get3A_143 : vector<16xf32> -> vector<16xi32>
      %get3A_145 = arith.index_cast %scan3A_140 : i32 to index
      %get3A_146 = arith.constant 16 : index
      %get3A_147 = tpu.vector_load %arg4[%get3A_145, %get3A_146] {strides = array<i32>} : memref<192x384xf32, #tpu.memory_space<vmem>>, vector<16xf32>,
      %bitcast_convert_type3A_148 = tpu.bitcast %get3A_147 : vector<16xf32> -> vector<16xi32>
      %get3A_149 = arith.index_cast %scan3A_140 : i32 to index
      %get3A_150 = arith.constant 32 : index
      %get3A_151 = tpu.vector_load %arg4[%get3A_149, %get3A_150] {strides = array<i32>} : memref<192x384xf32, #tpu.memory_space<vmem>>, vector<16xf32>,
      %bitcast_convert_type3A_152 = tpu.bitcast %get3A_151 : vector<16xf32> -> vector<16xi32>
      %get3A_153 = arith.index_cast %scan3A_140 : i32 to index
      %get3A_154 = arith.constant 48 : index
      %get3A_155 = tpu.vector_load %arg4[%get3A_153, %get3A_154] {strides = array<i32>} : memref<192x384xf32, #tpu.memory_space<vmem>>, vector<16xf32>,
      %bitcast_convert_type3A_156 = tpu.bitcast %get3A_155 : vector<16xf32> -> vector<16xi32>
      %get3A_157 = arith.index_cast %scan3A_140 : i32 to index
      %get3A_158 = arith.constant 64 : index
      %get3A_159 = tpu.vector_load %arg4[%get3A_157, %get3A_158] {strides = array<i32>} : memref<192x384xf32, #tpu.memory_space<vmem>>, vector<16xf32>,
      %bitcast_convert_type3A_160 = tpu.bitcast %get3A_159 : vector<16xf32> -> vector<16xi32>
      %get3A_161 = arith.index_cast %scan3A_140 : i32 to index
      %get3A_162 = arith.constant 80 : index
      %get3A_163 = tpu.vector_load %arg4[%get3A_161, %get3A_162] {strides = array<i32>} : memref<192x384xf32, #tpu.memory_space<vmem>>, vector<16xf32>,
      %bitcast_convert_type3A_164 = tpu.bitcast %get3A_163 : vector<16xf32> -> vector<16xi32>
      %get3A_165 = arith.index_cast %scan3A_140 : i32 to index
      %get3A_166 = arith.constant 96 : index
      %get3A_167 = tpu.vector_load %arg4[%get3A_165, %get3A_166] {strides = array<i32>} : memref<192x384xf32, #tpu.memory_space<vmem>>, vector<16xf32>,
      %bitcast_convert_type3A_168 = tpu.bitcast %get3A_167 : vector<16xf32> -> vector<16xi32>
      %get3A_169 = arith.index_cast %scan3A_140 : i32 to index
      %get3A_170 = arith.constant 112 : index
      %get3A_171 = tpu.vector_load %arg4[%get3A_169, %get3A_170] {strides = array<i32>} : memref<192x384xf32, #tpu.memory_space<vmem>>, vector<16xf32>,
      %bitcast_convert_type3A_172 = tpu.bitcast %get3A_171 : vector<16xf32> -> vector<16xi32>
      %shift_right_logical3A_173 = arith.constant 21 : i32
      %shift_right_logical3A_174 = vector.broadcast %shift_right_logical3A_173 : i32 to vector<16xi32>
      %shift_right_logical3A_175 = arith.shrui %bitcast_convert_type3A_144, %shift_right_logical3A_174 : vector<16xi32>
      %shift_right_logical3A_176 = arith.constant 21 : i32
      %shift_right_logical3A_177 = vector.broadcast %shift_right_logical3A_176 : i32 to vector<16xi32>
      %shift_right_logical3A_178 = arith.shrui %bitcast_convert_type3A_148, %shift_right_logical3A_177 : vector<16xi32>
      %shift_right_logical3A_179 = arith.constant 21 : i32
      %shift_right_logical3A_180 = vector.broadcast %shift_right_logical3A_179 : i32 to vector<16xi32>
      %shift_right_logical3A_181 = arith.shrui %bitcast_convert_type3A_152, %shift_right_logical3A_180 : vector<16xi32>
      %shift_right_logical3A_182 = arith.constant 21 : i32
      %shift_right_logical3A_183 = vector.broadcast %shift_right_logical3A_182 : i32 to vector<16xi32>
      %shift_right_logical3A_184 = arith.shrui %bitcast_convert_type3A_156, %shift_right_logical3A_183 : vector<16xi32>
      %shift_right_logical3A_185 = arith.constant 21 : i32
      %shift_right_logical3A_186 = vector.broadcast %shift_right_logical3A_185 : i32 to vector<16xi32>
      %shift_right_logical3A_187 = arith.shrui %bitcast_convert_type3A_160, %shift_right_logical3A_186 : vector<16xi32>
      %shift_right_logical3A_188 = arith.constant 21 : i32
      %shift_right_logical3A_189 = vector.broadcast %shift_right_logical3A_188 : i32 to vector<16xi32>
      %shift_right_logical3A_190 = arith.shrui %bitcast_convert_type3A_164, %shift_right_logical3A_189 : vector<16xi32>
      %shift_right_logical3A_191 = arith.constant 21 : i32
      %shift_right_logical3A_192 = vector.broadcast %shift_right_logical3A_191 : i32 to vector<16xi32>
      %shift_right_logical3A_193 = arith.shrui %bitcast_convert_type3A_168, %shift_right_logical3A_192 : vector<16xi32>
      %shift_right_logical3A_194 = arith.constant 21 : i32
      %shift_right_logical3A_195 = vector.broadcast %shift_right_logical3A_194 : i32 to vector<16xi32>
      %shift_right_logical3A_196 = arith.shrui %bitcast_convert_type3A_172, %shift_right_logical3A_195 : vector<16xi32>
      %get3A_197 = arith.index_cast %scan3A_140 : i32 to index
      %get3A_198 = arith.constant 128 : index
      %get3A_199 = tpu.vector_load %arg4[%get3A_197, %get3A_198] {strides = array<i32>} : memref<192x384xf32, #tpu.memory_space<vmem>>, vector<16xf32>,
      %bitcast_convert_type3A_200 = tpu.bitcast %get3A_199 : vector<16xf32> -> vector<16xi32>
      %get3A_201 = arith.index_cast %scan3A_140 : i32 to index
      %get3A_202 = arith.constant 144 : index
      %get3A_203 = tpu.vector_load %arg4[%get3A_201, %get3A_202] {strides = array<i32>} : memref<192x384xf32, #tpu.memory_space<vmem>>, vector<16xf32>,
      %bitcast_convert_type3A_204 = tpu.bitcast %get3A_203 : vector<16xf32> -> vector<16xi32>
      %get3A_205 = arith.index_cast %scan3A_140 : i32 to index
      %get3A_206 = arith.constant 160 : index
      %get3A_207 = tpu.vector_load %arg4[%get3A_205, %get3A_206] {strides = array<i32>} : memref<192x384xf32, #tpu.memory_space<vmem>>, vector<16xf32>,
      %bitcast_convert_type3A_208 = tpu.bitcast %get3A_207 : vector<16xf32> -> vector<16xi32>
      %get3A_209 = arith.index_cast %scan3A_140 : i32 to index
      %get3A_210 = arith.constant 176 : index
      %get3A_211 = tpu.vector_load %arg4[%get3A_209, %get3A_210] {strides = array<i32>} : memref<192x384xf32, #tpu.memory_space<vmem>>, vector<16xf32>,
      %bitcast_convert_type3A_212 = tpu.bitcast %get3A_211 : vector<16xf32> -> vector<16xi32>
      %get3A_213 = arith.index_cast %scan3A_140 : i32 to index
      %get3A_214 = arith.constant 192 : index
      %get3A_215 = tpu.vector_load %arg4[%get3A_213, %get3A_214] {strides = array<i32>} : memref<192x384xf32, #tpu.memory_space<vmem>>, vector<16xf32>,
      %bitcast_convert_type3A_216 = tpu.bitcast %get3A_215 : vector<16xf32> -> vector<16xi32>
      %get3A_217 = arith.index_cast %scan3A_140 : i32 to index
      %get3A_218 = arith.constant 208 : index
      %get3A_219 = tpu.vector_load %arg4[%get3A_217, %get3A_218] {strides = array<i32>} : memref<192x384xf32, #tpu.memory_space<vmem>>, vector<16xf32>,
      %bitcast_convert_type3A_220 = tpu.bitcast %get3A_219 : vector<16xf32> -> vector<16xi32>
      %get3A_221 = arith.index_cast %scan3A_140 : i32 to index
      %get3A_222 = arith.constant 224 : index
      %get3A_223 = tpu.vector_load %arg4[%get3A_221, %get3A_222] {strides = array<i32>} : memref<192x384xf32, #tpu.memory_space<vmem>>, vector<16xf32>,
      %bitcast_convert_type3A_224 = tpu.bitcast %get3A_223 : vector<16xf32> -> vector<16xi32>
      %get3A_225 = arith.index_cast %scan3A_140 : i32 to index
      %get3A_226 = arith.constant 240 : index
      %get3A_227 = tpu.vector_load %arg4[%get3A_225, %get3A_226] {strides = array<i32>} : memref<192x384xf32, #tpu.memory_space<vmem>>, vector<16xf32>,
      %bitcast_convert_type3A_228 = tpu.bitcast %get3A_227 : vector<16xf32> -> vector<16xi32>
      %shift_right_logical3A_229 = arith.constant 21 : i32
      %shift_right_logical3A_230 = vector.broadcast %shift_right_logical3A_229 : i32 to vector<16xi32>
      %shift_right_logical3A_231 = arith.shrui %bitcast_convert_type3A_200, %shift_right_logical3A_230 : vector<16xi32>
      %shift_right_logical3A_232 = arith.constant 21 : i32
      %shift_right_logical3A_233 = vector.broadcast %shift_right_logical3A_232 : i32 to vector<16xi32>
      %shift_right_logical3A_234 = arith.shrui %bitcast_convert_type3A_204, %shift_right_logical3A_233 : vector<16xi32>
      %shift_right_logical3A_235 = arith.constant 21 : i32
      %shift_right_logical3A_236 = vector.broadcast %shift_right_logical3A_235 : i32 to vector<16xi32>
      %shift_right_logical3A_237 = arith.shrui %bitcast_convert_type3A_208, %shift_right_logical3A_236 : vector<16xi32>
      %shift_right_logical3A_238 = arith.constant 21 : i32
      %shift_right_logical3A_239 = vector.broadcast %shift_right_logical3A_238 : i32 to vector<16xi32>
      %shift_right_logical3A_240 = arith.shrui %bitcast_convert_type3A_212, %shift_right_logical3A_239 : vector<16xi32>
      %shift_right_logical3A_241 = arith.constant 21 : i32
      %shift_right_logical3A_242 = vector.broadcast %shift_right_logical3A_241 : i32 to vector<16xi32>
      %shift_right_logical3A_243 = arith.shrui %bitcast_convert_type3A_216, %shift_right_logical3A_242 : vector<16xi32>
      %shift_right_logical3A_244 = arith.constant 21 : i32
      %shift_right_logical3A_245 = vector.broadcast %shift_right_logical3A_244 : i32 to vector<16xi32>
      %shift_right_logical3A_246 = arith.shrui %bitcast_convert_type3A_220, %shift_right_logical3A_245 : vector<16xi32>
      %shift_right_logical3A_247 = arith.constant 21 : i32
      %shift_right_logical3A_248 = vector.broadcast %shift_right_logical3A_247 : i32 to vector<16xi32>
      %shift_right_logical3A_249 = arith.shrui %bitcast_convert_type3A_224, %shift_right_logical3A_248 : vector<16xi32>
      %shift_right_logical3A_250 = arith.constant 21 : i32
      %shift_right_logical3A_251 = vector.broadcast %shift_right_logical3A_250 : i32 to vector<16xi32>
      %shift_right_logical3A_252 = arith.shrui %bitcast_convert_type3A_228, %shift_right_logical3A_251 : vector<16xi32>
      tpu.vector_store_idx %arg5[%shift_right_logical3A_175], %broadcast_in_dim3A_10 {add = true} : memref<2048xf32, #tpu.memory_space<vmem>>[vector<16xi32>], vector<16xf32>,
      tpu.vector_store_idx %arg5[%shift_right_logical3A_178], %broadcast_in_dim3A_10 {add = true} : memref<2048xf32, #tpu.memory_space<vmem>>[vector<16xi32>], vector<16xf32>,
      tpu.vector_store_idx %arg5[%shift_right_logical3A_181], %broadcast_in_dim3A_10 {add = true} : memref<2048xf32, #tpu.memory_space<vmem>>[vector<16xi32>], vector<16xf32>,
      tpu.vector_store_idx %arg5[%shift_right_logical3A_184], %broadcast_in_dim3A_10 {add = true} : memref<2048xf32, #tpu.memory_space<vmem>>[vector<16xi32>], vector<16xf32>,
      tpu.vector_store_idx %arg5[%shift_right_logical3A_187], %broadcast_in_dim3A_10 {add = true} : memref<2048xf32, #tpu.memory_space<vmem>>[vector<16xi32>], vector<16xf32>,
      tpu.vector_store_idx %arg5[%shift_right_logical3A_190], %broadcast_in_dim3A_10 {add = true} : memref<2048xf32, #tpu.memory_space<vmem>>[vector<16xi32>], vector<16xf32>,
      tpu.vector_store_idx %arg5[%shift_right_logical3A_193], %broadcast_in_dim3A_10 {add = true} : memref<2048xf32, #tpu.memory_space<vmem>>[vector<16xi32>], vector<16xf32>,
      tpu.vector_store_idx %arg5[%shift_right_logical3A_196], %broadcast_in_dim3A_10 {add = true} : memref<2048xf32, #tpu.memory_space<vmem>>[vector<16xi32>], vector<16xf32>,
      %get3A_253 = arith.index_cast %scan3A_140 : i32 to index
      %get3A_254 = arith.constant 256 : index
      %get3A_255 = tpu.vector_load %arg4[%get3A_253, %get3A_254] {strides = array<i32>} : memref<192x384xf32, #tpu.memory_space<vmem>>, vector<16xf32>,
      %bitcast_convert_type3A_256 = tpu.bitcast %get3A_255 : vector<16xf32> -> vector<16xi32>
      %get3A_257 = arith.index_cast %scan3A_140 : i32 to index
      %get3A_258 = arith.constant 272 : index
      %get3A_259 = tpu.vector_load %arg4[%get3A_257, %get3A_258] {strides = array<i32>} : memref<192x384xf32, #tpu.memory_space<vmem>>, vector<16xf32>,
      %bitcast_convert_type3A_260 = tpu.bitcast %get3A_259 : vector<16xf32> -> vector<16xi32>
      %get3A_261 = arith.index_cast %scan3A_140 : i32 to index
      %get3A_262 = arith.constant 288 : index
      %get3A_263 = tpu.vector_load %arg4[%get3A_261, %get3A_262] {strides = array<i32>} : memref<192x384xf32, #tpu.memory_space<vmem>>, vector<16xf32>,
      %bitcast_convert_type3A_264 = tpu.bitcast %get3A_263 : vector<16xf32> -> vector<16xi32>
      %get3A_265 = arith.index_cast %scan3A_140 : i32 to index
      %get3A_266 = arith.constant 304 : index
      %get3A_267 = tpu.vector_load %arg4[%get3A_265, %get3A_266] {strides = array<i32>} : memref<192x384xf32, #tpu.memory_space<vmem>>, vector<16xf32>,
      %bitcast_convert_type3A_268 = tpu.bitcast %get3A_267 : vector<16xf32> -> vector<16xi32>
      %get3A_269 = arith.index_cast %scan3A_140 : i32 to index
      %get3A_270 = arith.constant 320 : index
      %get3A_271 = tpu.vector_load %arg4[%get3A_269, %get3A_270] {strides = array<i32>} : memref<192x384xf32, #tpu.memory_space<vmem>>, vector<16xf32>,
      %bitcast_convert_type3A_272 = tpu.bitcast %get3A_271 : vector<16xf32> -> vector<16xi32>
      %get3A_273 = arith.index_cast %scan3A_140 : i32 to index
      %get3A_274 = arith.constant 336 : index
      %get3A_275 = tpu.vector_load %arg4[%get3A_273, %get3A_274] {strides = array<i32>} : memref<192x384xf32, #tpu.memory_space<vmem>>, vector<16xf32>,
      %bitcast_convert_type3A_276 = tpu.bitcast %get3A_275 : vector<16xf32> -> vector<16xi32>
      %get3A_277 = arith.index_cast %scan3A_140 : i32 to index
      %get3A_278 = arith.constant 352 : index
      %get3A_279 = tpu.vector_load %arg4[%get3A_277, %get3A_278] {strides = array<i32>} : memref<192x384xf32, #tpu.memory_space<vmem>>, vector<16xf32>,
      %bitcast_convert_type3A_280 = tpu.bitcast %get3A_279 : vector<16xf32> -> vector<16xi32>
      %get3A_281 = arith.index_cast %scan3A_140 : i32 to index
      %get3A_282 = arith.constant 368 : index
      %get3A_283 = tpu.vector_load %arg4[%get3A_281, %get3A_282] {strides = array<i32>} : memref<192x384xf32, #tpu.memory_space<vmem>>, vector<16xf32>,
      %bitcast_convert_type3A_284 = tpu.bitcast %get3A_283 : vector<16xf32> -> vector<16xi32>
      %shift_right_logical3A_285 = arith.constant 21 : i32
      %shift_right_logical3A_286 = vector.broadcast %shift_right_logical3A_285 : i32 to vector<16xi32>
      %shift_right_logical3A_287 = arith.shrui %bitcast_convert_type3A_256, %shift_right_logical3A_286 : vector<16xi32>
      %shift_right_logical3A_288 = arith.constant 21 : i32
      %shift_right_logical3A_289 = vector.broadcast %shift_right_logical3A_288 : i32 to vector<16xi32>
      %shift_right_logical3A_290 = arith.shrui %bitcast_convert_type3A_260, %shift_right_logical3A_289 : vector<16xi32>
      %shift_right_logical3A_291 = arith.constant 21 : i32
      %shift_right_logical3A_292 = vector.broadcast %shift_right_logical3A_291 : i32 to vector<16xi32>
      %shift_right_logical3A_293 = arith.shrui %bitcast_convert_type3A_264, %shift_right_logical3A_292 : vector<16xi32>
      %shift_right_logical3A_294 = arith.constant 21 : i32
      %shift_right_logical3A_295 = vector.broadcast %shift_right_logical3A_294 : i32 to vector<16xi32>
      %shift_right_logical3A_296 = arith.shrui %bitcast_convert_type3A_268, %shift_right_logical3A_295 : vector<16xi32>
      %shift_right_logical3A_297 = arith.constant 21 : i32
      %shift_right_logical3A_298 = vector.broadcast %shift_right_logical3A_297 : i32 to vector<16xi32>
      %shift_right_logical3A_299 = arith.shrui %bitcast_convert_type3A_272, %shift_right_logical3A_298 : vector<16xi32>
      %shift_right_logical3A_300 = arith.constant 21 : i32
      %shift_right_logical3A_301 = vector.broadcast %shift_right_logical3A_300 : i32 to vector<16xi32>
      %shift_right_logical3A_302 = arith.shrui %bitcast_convert_type3A_276, %shift_right_logical3A_301 : vector<16xi32>
      %shift_right_logical3A_303 = arith.constant 21 : i32
      %shift_right_logical3A_304 = vector.broadcast %shift_right_logical3A_303 : i32 to vector<16xi32>
      %shift_right_logical3A_305 = arith.shrui %bitcast_convert_type3A_280, %shift_right_logical3A_304 : vector<16xi32>
      %shift_right_logical3A_306 = arith.constant 21 : i32
      %shift_right_logical3A_307 = vector.broadcast %shift_right_logical3A_306 : i32 to vector<16xi32>
      %shift_right_logical3A_308 = arith.shrui %bitcast_convert_type3A_284, %shift_right_logical3A_307 : vector<16xi32>
      tpu.vector_store_idx %arg5[%shift_right_logical3A_231], %broadcast_in_dim3A_10 {add = true} : memref<2048xf32, #tpu.memory_space<vmem>>[vector<16xi32>], vector<16xf32>,
      tpu.vector_store_idx %arg5[%shift_right_logical3A_234], %broadcast_in_dim3A_10 {add = true} : memref<2048xf32, #tpu.memory_space<vmem>>[vector<16xi32>], vector<16xf32>,
      tpu.vector_store_idx %arg5[%shift_right_logical3A_237], %broadcast_in_dim3A_10 {add = true} : memref<2048xf32, #tpu.memory_space<vmem>>[vector<16xi32>], vector<16xf32>,
      tpu.vector_store_idx %arg5[%shift_right_logical3A_240], %broadcast_in_dim3A_10 {add = true} : memref<2048xf32, #tpu.memory_space<vmem>>[vector<16xi32>], vector<16xf32>,
      tpu.vector_store_idx %arg5[%shift_right_logical3A_243], %broadcast_in_dim3A_10 {add = true} : memref<2048xf32, #tpu.memory_space<vmem>>[vector<16xi32>], vector<16xf32>,
      tpu.vector_store_idx %arg5[%shift_right_logical3A_246], %broadcast_in_dim3A_10 {add = true} : memref<2048xf32, #tpu.memory_space<vmem>>[vector<16xi32>], vector<16xf32>,
      tpu.vector_store_idx %arg5[%shift_right_logical3A_249], %broadcast_in_dim3A_10 {add = true} : memref<2048xf32, #tpu.memory_space<vmem>>[vector<16xi32>], vector<16xf32>,
      tpu.vector_store_idx %arg5[%shift_right_logical3A_252], %broadcast_in_dim3A_10 {add = true} : memref<2048xf32, #tpu.memory_space<vmem>>[vector<16xi32>], vector<16xf32>,
      tpu.vector_store_idx %arg5[%shift_right_logical3A_287], %broadcast_in_dim3A_10 {add = true} : memref<2048xf32, #tpu.memory_space<vmem>>[vector<16xi32>], vector<16xf32>,
      tpu.vector_store_idx %arg5[%shift_right_logical3A_290], %broadcast_in_dim3A_10 {add = true} : memref<2048xf32, #tpu.memory_space<vmem>>[vector<16xi32>], vector<16xf32>,
      tpu.vector_store_idx %arg5[%shift_right_logical3A_293], %broadcast_in_dim3A_10 {add = true} : memref<2048xf32, #tpu.memory_space<vmem>>[vector<16xi32>], vector<16xf32>,
      tpu.vector_store_idx %arg5[%shift_right_logical3A_296], %broadcast_in_dim3A_10 {add = true} : memref<2048xf32, #tpu.memory_space<vmem>>[vector<16xi32>], vector<16xf32>,
      tpu.vector_store_idx %arg5[%shift_right_logical3A_299], %broadcast_in_dim3A_10 {add = true} : memref<2048xf32, #tpu.memory_space<vmem>>[vector<16xi32>], vector<16xf32>,
      tpu.vector_store_idx %arg5[%shift_right_logical3A_302], %broadcast_in_dim3A_10 {add = true} : memref<2048xf32, #tpu.memory_space<vmem>>[vector<16xi32>], vector<16xf32>,
      tpu.vector_store_idx %arg5[%shift_right_logical3A_305], %broadcast_in_dim3A_10 {add = true} : memref<2048xf32, #tpu.memory_space<vmem>>[vector<16xi32>], vector<16xf32>,
      tpu.vector_store_idx %arg5[%shift_right_logical3A_308], %broadcast_in_dim3A_10 {add = true} : memref<2048xf32, #tpu.memory_space<vmem>>[vector<16xi32>], vector<16xf32>,
    }
    %scan3A_21 = arith.constant 192 : i32
    "tpu.region"() ({
      %run_scoped3A = tpu.sem_alloc : memref<!tpu.dma_semaphore, #tpu.memory_space<semaphore_mem>>
      %dma_start3A = arith.constant 0 : i32
      %dma_start3A_140 = tpu.memref_slice %arg8[%arg1, %dma_start3A] : memref<16x2048xf32, #tpu.memory_space<vmem_shared>> -> memref<1x2048xf32, #tpu.memory_space<vmem_shared>>
      %dma_start3A_141 = tpu.memref_squeeze %dma_start3A_140 : memref<1x2048xf32, #tpu.memory_space<vmem_shared>> -> memref<2048xf32, #tpu.memory_space<vmem_shared>>
      %dma_start3A_142 = arith.constant 0 : i32
      %dma_start3A_143 = tpu.memref_slice %arg8[%arg1, %dma_start3A_142] : memref<16x2048xf32, #tpu.memory_space<vmem_shared>> -> memref<1x2048xf32, #tpu.memory_space<vmem_shared>>
      %dma_start3A_144 = tpu.memref_squeeze %dma_start3A_143 : memref<1x2048xf32, #tpu.memory_space<vmem_shared>> -> memref<2048xf32, #tpu.memory_space<vmem_shared>>
      tpu.enqueue_dma source(%arg5 : memref<2048xf32, #tpu.memory_space<vmem>>) target(%dma_start3A_144 : memref<2048xf32, #tpu.memory_space<vmem_shared>>) target_semaphore(%run_scoped3A : memref<!tpu.dma_semaphore, #tpu.memory_space<semaphore_mem>>)
      %dma_wait3A = arith.constant 0 : i32
      %dma_wait3A_145 = tpu.memref_slice %arg8[%arg1, %dma_wait3A] : memref<16x2048xf32, #tpu.memory_space<vmem_shared>> -> memref<1x2048xf32, #tpu.memory_space<vmem_shared>>
      %dma_wait3A_146 = tpu.memref_squeeze %dma_wait3A_145 : memref<1x2048xf32, #tpu.memory_space<vmem_shared>> -> memref<2048xf32, #tpu.memory_space<vmem_shared>>
      %dma_wait3A_147 = arith.constant 0 : i32
      %dma_wait3A_148 = tpu.memref_slice %arg8[%arg1, %dma_wait3A_147] : memref<16x2048xf32, #tpu.memory_space<vmem_shared>> -> memref<1x2048xf32, #tpu.memory_space<vmem_shared>>
      %dma_wait3A_149 = tpu.memref_squeeze %dma_wait3A_148 : memref<1x2048xf32, #tpu.memory_space<vmem_shared>> -> memref<2048xf32, #tpu.memory_space<vmem_shared>>
      tpu.wait_dma2 semaphore(%run_scoped3A : memref<!tpu.dma_semaphore, #tpu.memory_space<semaphore_mem>>) src(%arg5 : memref<2048xf32, #tpu.memory_space<vmem>>) dst(%dma_wait3A_149 : memref<2048xf32, #tpu.memory_space<vmem_shared>>)
      tpu.yield
    }) : () -> ()
    %barrier3A = arith.constant 0 : index
    tpu.barrier barrier_id(%barrier3A)
    "tpu.region"() ({
      %run_scoped3A = tpu.sem_alloc : memref<!tpu.dma_semaphore, #tpu.memory_space<semaphore_mem>>
      %dma_start3A = arith.constant 0 : i32
      %dma_start3A_140 = tpu.memref_slice %arg8[%xor3A_3, %dma_start3A] : memref<16x2048xf32, #tpu.memory_space<vmem_shared>> -> memref<1x2048xf32, #tpu.memory_space<vmem_shared>>
      %dma_start3A_141 = tpu.memref_squeeze %dma_start3A_140 : memref<1x2048xf32, #tpu.memory_space<vmem_shared>> -> memref<2048xf32, #tpu.memory_space<vmem_shared>>
      %dma_start3A_142 = arith.constant 0 : i32
      %dma_start3A_143 = tpu.memref_slice %arg8[%xor3A_3, %dma_start3A_142] : memref<16x2048xf32, #tpu.memory_space<vmem_shared>> -> memref<1x2048xf32, #tpu.memory_space<vmem_shared>>
      %dma_start3A_144 = tpu.memref_squeeze %dma_start3A_143 : memref<1x2048xf32, #tpu.memory_space<vmem_shared>> -> memref<2048xf32, #tpu.memory_space<vmem_shared>>
      tpu.enqueue_dma source(%dma_start3A_144 : memref<2048xf32, #tpu.memory_space<vmem_shared>>) target(%arg6 : memref<2048xf32, #tpu.memory_space<vmem>>) target_semaphore(%run_scoped3A : memref<!tpu.dma_semaphore, #tpu.memory_space<semaphore_mem>>)
      %dma_wait3A = arith.constant 0 : i32
      %dma_wait3A_145 = tpu.memref_slice %arg8[%xor3A_3, %dma_wait3A] : memref<16x2048xf32, #tpu.memory_space<vmem_shared>> -> memref<1x2048xf32, #tpu.memory_space<vmem_shared>>
      %dma_wait3A_146 = tpu.memref_squeeze %dma_wait3A_145 : memref<1x2048xf32, #tpu.memory_space<vmem_shared>> -> memref<2048xf32, #tpu.memory_space<vmem_shared>>
      %dma_wait3A_147 = arith.constant 0 : i32
      %dma_wait3A_148 = tpu.memref_slice %arg8[%xor3A_3, %dma_wait3A_147] : memref<16x2048xf32, #tpu.memory_space<vmem_shared>> -> memref<1x2048xf32, #tpu.memory_space<vmem_shared>>
      %dma_wait3A_149 = tpu.memref_squeeze %dma_wait3A_148 : memref<1x2048xf32, #tpu.memory_space<vmem_shared>> -> memref<2048xf32, #tpu.memory_space<vmem_shared>>
      tpu.wait_dma2 semaphore(%run_scoped3A : memref<!tpu.dma_semaphore, #tpu.memory_space<semaphore_mem>>) src(%dma_wait3A_149 : memref<2048xf32, #tpu.memory_space<vmem_shared>>) dst(%arg6 : memref<2048xf32, #tpu.memory_space<vmem>>)
      tpu.yield
    }) : () -> ()
    %barrier3A_22 = arith.constant 0 : index
    tpu.barrier barrier_id(%barrier3A_22)
    %scan3A_23 = arith.constant 0 : i32
    %scan3A_24 = arith.constant 0 : i32
    %scan3A_25 = arith.constant 16 : i32
    %scan3A_26 = arith.addi %scan3A_24, %scan3A_25 : i32
    %scan3A_27 = arith.constant 1 : i32
    scf.for %scan3A_140 = %scan3A_24 to %scan3A_26 step %scan3A_27  : i32 {
      %mul3A_141 = arith.constant 8 : i32
      %mul3A_142 = arith.muli %scan3A_140, %mul3A_141 : i32
      %add3A_143 = arith.constant 0 : i32
      %add3A_144 = arith.addi %mul3A_142, %add3A_143 : i32
      %mul3A_145 = arith.constant 16 : i32
      %mul3A_146 = arith.muli %add3A_144, %mul3A_145 : i32
      %get3A_147 = arith.index_cast %mul3A_146 : i32 to index
      %get3A_148 = tpu.vector_load %arg5[%get3A_147] {strides = array<i32>} : memref<2048xf32, #tpu.memory_space<vmem>>, vector<16xf32>,
      %get3A_149 = arith.index_cast %mul3A_146 : i32 to index
      %get3A_150 = tpu.vector_load %arg6[%get3A_149] {strides = array<i32>} : memref<2048xf32, #tpu.memory_space<vmem>>, vector<16xf32>,
      %add3A_151 = arith.addf %get3A_148, %get3A_150 : vector<16xf32>
      %swap3A_152 = arith.index_cast %mul3A_146 : i32 to index
      %swap3A_153 = tpu.vector_load %arg5[%swap3A_152] {strides = array<i32>} : memref<2048xf32, #tpu.memory_space<vmem>>, vector<16xf32>,
      tpu.vector_store %arg5[%swap3A_152], %add3A_151 {strides = array<i32>} : memref<2048xf32, #tpu.memory_space<vmem>>, vector<16xf32>,
      %mul3A_154 = arith.constant 8 : i32
      %mul3A_155 = arith.muli %scan3A_140, %mul3A_154 : i32
      %add3A_156 = arith.constant 1 : i32
      %add3A_157 = arith.addi %mul3A_155, %add3A_156 : i32
      %mul3A_158 = arith.constant 16 : i32
      %mul3A_159 = arith.muli %add3A_157, %mul3A_158 : i32
      %get3A_160 = arith.index_cast %mul3A_159 : i32 to index
      %get3A_161 = tpu.vector_load %arg5[%get3A_160] {strides = array<i32>} : memref<2048xf32, #tpu.memory_space<vmem>>, vector<16xf32>,
      %get3A_162 = arith.index_cast %mul3A_159 : i32 to index
      %get3A_163 = tpu.vector_load %arg6[%get3A_162] {strides = array<i32>} : memref<2048xf32, #tpu.memory_space<vmem>>, vector<16xf32>,
      %add3A_164 = arith.addf %get3A_161, %get3A_163 : vector<16xf32>
      %swap3A_165 = arith.index_cast %mul3A_159 : i32 to index
      %swap3A_166 = tpu.vector_load %arg5[%swap3A_165] {strides = array<i32>} : memref<2048xf32, #tpu.memory_space<vmem>>, vector<16xf32>,
      tpu.vector_store %arg5[%swap3A_165], %add3A_164 {strides = array<i32>} : memref<2048xf32, #tpu.memory_space<vmem>>, vector<16xf32>,
      %mul3A_167 = arith.constant 8 : i32
      %mul3A_168 = arith.muli %scan3A_140, %mul3A_167 : i32
      %add3A_169 = arith.constant 2 : i32
      %add3A_170 = arith.addi %mul3A_168, %add3A_169 : i32
      %mul3A_171 = arith.constant 16 : i32
      %mul3A_172 = arith.muli %add3A_170, %mul3A_171 : i32
      %get3A_173 = arith.index_cast %mul3A_172 : i32 to index
      %get3A_174 = tpu.vector_load %arg5[%get3A_173] {strides = array<i32>} : memref<2048xf32, #tpu.memory_space<vmem>>, vector<16xf32>,
      %get3A_175 = arith.index_cast %mul3A_172 : i32 to index
      %get3A_176 = tpu.vector_load %arg6[%get3A_175] {strides = array<i32>} : memref<2048xf32, #tpu.memory_space<vmem>>, vector<16xf32>,
      %add3A_177 = arith.addf %get3A_174, %get3A_176 : vector<16xf32>
      %swap3A_178 = arith.index_cast %mul3A_172 : i32 to index
      %swap3A_179 = tpu.vector_load %arg5[%swap3A_178] {strides = array<i32>} : memref<2048xf32, #tpu.memory_space<vmem>>, vector<16xf32>,
      tpu.vector_store %arg5[%swap3A_178], %add3A_177 {strides = array<i32>} : memref<2048xf32, #tpu.memory_space<vmem>>, vector<16xf32>,
      %mul3A_180 = arith.constant 8 : i32
      %mul3A_181 = arith.muli %scan3A_140, %mul3A_180 : i32
      %add3A_182 = arith.constant 3 : i32
      %add3A_183 = arith.addi %mul3A_181, %add3A_182 : i32
      %mul3A_184 = arith.constant 16 : i32
      %mul3A_185 = arith.muli %add3A_183, %mul3A_184 : i32
      %get3A_186 = arith.index_cast %mul3A_185 : i32 to index
      %get3A_187 = tpu.vector_load %arg5[%get3A_186] {strides = array<i32>} : memref<2048xf32, #tpu.memory_space<vmem>>, vector<16xf32>,
      %get3A_188 = arith.index_cast %mul3A_185 : i32 to index
      %get3A_189 = tpu.vector_load %arg6[%get3A_188] {strides = array<i32>} : memref<2048xf32, #tpu.memory_space<vmem>>, vector<16xf32>,
      %add3A_190 = arith.addf %get3A_187, %get3A_189 : vector<16xf32>
      %swap3A_191 = arith.index_cast %mul3A_185 : i32 to index
      %swap3A_192 = tpu.vector_load %arg5[%swap3A_191] {strides = array<i32>} : memref<2048xf32, #tpu.memory_space<vmem>>, vector<16xf32>,
      tpu.vector_store %arg5[%swap3A_191], %add3A_190 {strides = array<i32>} : memref<2048xf32, #tpu.memory_space<vmem>>, vector<16xf32>,
      %mul3A_193 = arith.constant 8 : i32
      %mul3A_194 = arith.muli %scan3A_140, %mul3A_193 : i32
      %add3A_195 = arith.constant 4 : i32
      %add3A_196 = arith.addi %mul3A_194, %add3A_195 : i32
      %mul3A_197 = arith.constant 16 : i32
      %mul3A_198 = arith.muli %add3A_196, %mul3A_197 : i32
      %get3A_199 = arith.index_cast %mul3A_198 : i32 to index
      %get3A_200 = tpu.vector_load %arg5[%get3A_199] {strides = array<i32>} : memref<2048xf32, #tpu.memory_space<vmem>>, vector<16xf32>,
      %get3A_201 = arith.index_cast %mul3A_198 : i32 to index
      %get3A_202 = tpu.vector_load %arg6[%get3A_201] {strides = array<i32>} : memref<2048xf32, #tpu.memory_space<vmem>>, vector<16xf32>,
      %add3A_203 = arith.addf %get3A_200, %get3A_202 : vector<16xf32>
      %swap3A_204 = arith.index_cast %mul3A_198 : i32 to index
      %swap3A_205 = tpu.vector_load %arg5[%swap3A_204] {strides = array<i32>} : memref<2048xf32, #tpu.memory_space<vmem>>, vector<16xf32>,
      tpu.vector_store %arg5[%swap3A_204], %add3A_203 {strides = array<i32>} : memref<2048xf32, #tpu.memory_space<vmem>>, vector<16xf32>,
      %mul3A_206 = arith.constant 8 : i32
      %mul3A_207 = arith.muli %scan3A_140, %mul3A_206 : i32
      %add3A_208 = arith.constant 5 : i32
      %add3A_209 = arith.addi %mul3A_207, %add3A_208 : i32
      %mul3A_210 = arith.constant 16 : i32
      %mul3A_211 = arith.muli %add3A_209, %mul3A_210 : i32
      %get3A_212 = arith.index_cast %mul3A_211 : i32 to index
      %get3A_213 = tpu.vector_load %arg5[%get3A_212] {strides = array<i32>} : memref<2048xf32, #tpu.memory_space<vmem>>, vector<16xf32>,
      %get3A_214 = arith.index_cast %mul3A_211 : i32 to index
      %get3A_215 = tpu.vector_load %arg6[%get3A_214] {strides = array<i32>} : memref<2048xf32, #tpu.memory_space<vmem>>, vector<16xf32>,
      %add3A_216 = arith.addf %get3A_213, %get3A_215 : vector<16xf32>
      %swap3A_217 = arith.index_cast %mul3A_211 : i32 to index
      %swap3A_218 = tpu.vector_load %arg5[%swap3A_217] {strides = array<i32>} : memref<2048xf32, #tpu.memory_space<vmem>>, vector<16xf32>,
      tpu.vector_store %arg5[%swap3A_217], %add3A_216 {strides = array<i32>} : memref<2048xf32, #tpu.memory_space<vmem>>, vector<16xf32>,
      %mul3A_219 = arith.constant 8 : i32
      %mul3A_220 = arith.muli %scan3A_140, %mul3A_219 : i32
      %add3A_221 = arith.constant 6 : i32
      %add3A_222 = arith.addi %mul3A_220, %add3A_221 : i32
      %mul3A_223 = arith.constant 16 : i32
      %mul3A_224 = arith.muli %add3A_222, %mul3A_223 : i32
      %get3A_225 = arith.index_cast %mul3A_224 : i32 to index
      %get3A_226 = tpu.vector_load %arg5[%get3A_225] {strides = array<i32>} : memref<2048xf32, #tpu.memory_space<vmem>>, vector<16xf32>,
      %get3A_227 = arith.index_cast %mul3A_224 : i32 to index
      %get3A_228 = tpu.vector_load %arg6[%get3A_227] {strides = array<i32>} : memref<2048xf32, #tpu.memory_space<vmem>>, vector<16xf32>,
      %add3A_229 = arith.addf %get3A_226, %get3A_228 : vector<16xf32>
      %swap3A_230 = arith.index_cast %mul3A_224 : i32 to index
      %swap3A_231 = tpu.vector_load %arg5[%swap3A_230] {strides = array<i32>} : memref<2048xf32, #tpu.memory_space<vmem>>, vector<16xf32>,
      tpu.vector_store %arg5[%swap3A_230], %add3A_229 {strides = array<i32>} : memref<2048xf32, #tpu.memory_space<vmem>>, vector<16xf32>,
      %mul3A_232 = arith.constant 8 : i32
      %mul3A_233 = arith.muli %scan3A_140, %mul3A_232 : i32
      %add3A_234 = arith.constant 7 : i32
      %add3A_235 = arith.addi %mul3A_233, %add3A_234 : i32
      %mul3A_236 = arith.constant 16 : i32
      %mul3A_237 = arith.muli %add3A_235, %mul3A_236 : i32
      %get3A_238 = arith.index_cast %mul3A_237 : i32 to index
      %get3A_239 = tpu.vector_load %arg5[%get3A_238] {strides = array<i32>} : memref<2048xf32, #tpu.memory_space<vmem>>, vector<16xf32>,
      %get3A_240 = arith.index_cast %mul3A_237 : i32 to index
      %get3A_241 = tpu.vector_load %arg6[%get3A_240] {strides = array<i32>} : memref<2048xf32, #tpu.memory_space<vmem>>, vector<16xf32>,
      %add3A_242 = arith.addf %get3A_239, %get3A_241 : vector<16xf32>
      %swap3A_243 = arith.index_cast %mul3A_237 : i32 to index
      %swap3A_244 = tpu.vector_load %arg5[%swap3A_243] {strides = array<i32>} : memref<2048xf32, #tpu.memory_space<vmem>>, vector<16xf32>,
      tpu.vector_store %arg5[%swap3A_243], %add3A_242 {strides = array<i32>} : memref<2048xf32, #tpu.memory_space<vmem>>, vector<16xf32>,
    }
    %scan3A_28 = arith.constant 16 : i32
    %scan3A_29 = arith.constant 1.474500e+04 : f32
    %scan3A_30 = arith.constant false
    %scan3A_31 = arith.constant 0 : i32
    %scan3A_32 = arith.constant 0.000000e+00 : f32
    %scan3A_33 = arith.constant 0.000000e+00 : f32
    %scan3A_34 = arith.constant 0 : i32
    %scan3A_35 = arith.constant 64 : i32
    %scan3A_36 = arith.addi %scan3A_34, %scan3A_35 : i32
    %scan3A_37 = arith.constant 1 : i32
    %scan3A_38:4 = scf.for %scan3A_140 = %scan3A_34 to %scan3A_36 step %scan3A_37 iter_args(%scan3A_141 = %scan3A_30, %scan3A_142 = %scan3A_31, %scan3A_143 = %scan3A_32, %scan3A_144 = %scan3A_33) -> (i1, i32, f32, f32)  : i32 {
      %sub3A_145 = arith.constant 63 : i32
      %sub3A_146 = arith.subi %sub3A_145, %scan3A_140 : i32
      %mul3A_147 = arith.constant 16 : i32
      %mul3A_148 = arith.muli %sub3A_146, %mul3A_147 : i32
      %get3A_149 = arith.index_cast %mul3A_148 : i32 to index
      %get3A_150 = tpu.vector_load %arg5[%get3A_149] {strides = array<i32>} : memref<2048xf32, #tpu.memory_space<vmem>>, vector<16xf32>,
      %reduce_sum3A_151 = arith.constant true
      %reduce_sum3A_152 = vector.broadcast %reduce_sum3A_151 : i1 to vector<16xi1>
      %reduce_sum3A_153 = tpu.scan <sum>, %get3A_150 masked %reduce_sum3A_152 : vector<16xf32>, vector<16xi1> -> vector<16xf32>
      %reduce_sum3A_154 = vector.extract %reduce_sum3A_153[15] : f32 from vector<16xf32>
      %rev3A = arith.constant 15 : i32
      %rev3A_155 = vector.broadcast %rev3A : i32 to vector<16xi32>
      %rev3A_156 = tpu.iota {dimensions = array<i32: 0>} : vector<16xi32>
      %rev3A_157 = arith.subi %rev3A_155, %rev3A_156 : vector<16xi32>
      %rev3A_158 = tpu.dynamic_gather %get3A_150[%rev3A_157] in [0] : vector<16xf32>, vector<16xi32> -> vector<16xf32>
      %broadcast_in_dim3A_159 = arith.constant true
      %broadcast_in_dim3A_160 = vector.broadcast %broadcast_in_dim3A_159 : i1 to vector<16xi1>
      %masked_cumsum3A = tpu.scan <sum>, %rev3A_158 masked %broadcast_in_dim3A_160 : vector<16xf32>, vector<16xi1> -> vector<16xf32>
      %rev3A_161 = arith.constant 15 : i32
      %rev3A_162 = vector.broadcast %rev3A_161 : i32 to vector<16xi32>
      %rev3A_163 = tpu.iota {dimensions = array<i32: 0>} : vector<16xi32>
      %rev3A_164 = arith.subi %rev3A_162, %rev3A_163 : vector<16xi32>
      %rev3A_165 = tpu.dynamic_gather %masked_cumsum3A[%rev3A_164] in [0] : vector<16xf32>, vector<16xi32> -> vector<16xf32>
      %add3A_166 = vector.broadcast %scan3A_144 : f32 to vector<16xf32>
      %add3A_167 = arith.addf %add3A_166, %rev3A_165 : vector<16xf32>
      %ge3A = vector.broadcast %scan3A_29 : f32 to vector<16xf32>
      %ge3A_168 = arith.cmpf oge, %add3A_167, %ge3A : vector<16xf32>
      %all_reduce_population_count3A = tpu.all_reduce %ge3A_168 {dim = 0 : i64, kind = #tpu.reduction_kind<sum>} : vector<16xi1> -> vector<16xi32>
      %reduce_max3A_169 = arith.constant true
      %reduce_max3A_170 = vector.broadcast %reduce_max3A_169 : i1 to vector<16xi1>
      %reduce_max3A_171 = arith.constant -2147483648 : i32
      %reduce_max3A_172 = vector.broadcast %reduce_max3A_171 : i32 to vector<16xi32>
      %reduce_max3A_173 = arith.xori %all_reduce_population_count3A, %reduce_max3A_172 : vector<16xi32>
      %reduce_max3A_174 = tpu.scan <max>, %reduce_max3A_173 masked %reduce_max3A_170 : vector<16xi32>, vector<16xi1> -> vector<16xi32>
      %reduce_max3A_175 = arith.xori %reduce_max3A_174, %reduce_max3A_172 : vector<16xi32>
      %reduce_max3A_176 = vector.extract %reduce_max3A_175[15] : i32 from vector<16xi32>
      %not3A = arith.constant true
      %not3A_177 = arith.xori %scan3A_141, %not3A : i1
      %ge3A_178 = arith.constant 1 : i32
      %ge3A_179 = arith.cmpi sge, %reduce_max3A_176, %ge3A_178 : i32
      %and3A_180 = arith.andi %not3A_177, %ge3A_179 : i1
      %sub3A_181 = arith.constant 1 : i32
      %sub3A_182 = arith.subi %reduce_max3A_176, %sub3A_181 : i32
      %gt3A = vector.broadcast %sub3A_182 : i32 to vector<16xi32>
      %gt3A_183 = arith.cmpi sgt, %iota3A, %gt3A : vector<16xi32>
      %jit3A = arith.constant 0.000000e+00 : f32
      %broadcast_in_dim3A_184 = vector.broadcast %jit3A : f32 to vector<16xf32>
      %select_n3A = arith.select %gt3A_183, %get3A_150, %broadcast_in_dim3A_184 : vector<16xi1>, vector<16xf32>
      %reduce_sum3A_185 = arith.constant true
      %reduce_sum3A_186 = vector.broadcast %reduce_sum3A_185 : i1 to vector<16xi1>
      %reduce_sum3A_187 = tpu.scan <sum>, %select_n3A masked %reduce_sum3A_186 : vector<16xf32>, vector<16xi1> -> vector<16xf32>
      %reduce_sum3A_188 = vector.extract %reduce_sum3A_187[15] : f32 from vector<16xf32>
      %add3A_189 = arith.addf %scan3A_144, %reduce_sum3A_188 : f32
      %mul3A_190 = arith.constant 16 : i32
      %mul3A_191 = arith.muli %sub3A_146, %mul3A_190 : i32
      %add3A_192 = arith.addi %mul3A_191, %sub3A_182 : i32
      %select_n3A_193 = arith.select %and3A_180, %add3A_192, %scan3A_142 : i32
      %select_n3A_194 = arith.select %and3A_180, %add3A_189, %scan3A_143 : f32
      %or3A_195 = arith.ori %scan3A_141, %and3A_180 : i1
      %add3A_196 = arith.addf %scan3A_144, %reduce_sum3A_154 : f32
      scf.yield %or3A_195, %select_n3A_193, %select_n3A_194, %add3A_196 : i1, i32, f32, f32
    }
    %scan3A_39 = arith.constant 64 : i32
    %sub3A = arith.constant 1.474500e+04 : f32
    %sub3A_40 = arith.subf %sub3A, %scan3A_38#2 : f32
    %scan3A_41 = arith.constant 0 : i32
    %scan3A_42 = arith.constant 0 : i32
    %scan3A_43 = arith.constant 16 : i32
    %scan3A_44 = arith.addi %scan3A_42, %scan3A_43 : i32
    %scan3A_45 = arith.constant 1 : i32
    scf.for %scan3A_140 = %scan3A_42 to %scan3A_44 step %scan3A_45  : i32 {
      %broadcast_in_dim3A_141 = arith.constant 0.000000e+00 : f32
      %broadcast_in_dim3A_142 = vector.broadcast %broadcast_in_dim3A_141 : f32 to vector<16xf32>
      %mul3A_143 = arith.constant 8 : i32
      %mul3A_144 = arith.muli %scan3A_140, %mul3A_143 : i32
      %add3A_145 = arith.constant 0 : i32
      %add3A_146 = arith.addi %mul3A_144, %add3A_145 : i32
      %mul3A_147 = arith.constant 16 : i32
      %mul3A_148 = arith.muli %add3A_146, %mul3A_147 : i32
      %swap3A_149 = arith.index_cast %mul3A_148 : i32 to index
      %swap3A_150 = tpu.vector_load %arg5[%swap3A_149] {strides = array<i32>} : memref<2048xf32, #tpu.memory_space<vmem>>, vector<16xf32>,
      tpu.vector_store %arg5[%swap3A_149], %broadcast_in_dim3A_142 {strides = array<i32>} : memref<2048xf32, #tpu.memory_space<vmem>>, vector<16xf32>,
      %broadcast_in_dim3A_151 = arith.constant 0.000000e+00 : f32
      %broadcast_in_dim3A_152 = vector.broadcast %broadcast_in_dim3A_151 : f32 to vector<16xf32>
      %mul3A_153 = arith.constant 8 : i32
      %mul3A_154 = arith.muli %scan3A_140, %mul3A_153 : i32
      %add3A_155 = arith.constant 1 : i32
      %add3A_156 = arith.addi %mul3A_154, %add3A_155 : i32
      %mul3A_157 = arith.constant 16 : i32
      %mul3A_158 = arith.muli %add3A_156, %mul3A_157 : i32
      %swap3A_159 = arith.index_cast %mul3A_158 : i32 to index
      %swap3A_160 = tpu.vector_load %arg5[%swap3A_159] {strides = array<i32>} : memref<2048xf32, #tpu.memory_space<vmem>>, vector<16xf32>,
      tpu.vector_store %arg5[%swap3A_159], %broadcast_in_dim3A_152 {strides = array<i32>} : memref<2048xf32, #tpu.memory_space<vmem>>, vector<16xf32>,
      %broadcast_in_dim3A_161 = arith.constant 0.000000e+00 : f32
      %broadcast_in_dim3A_162 = vector.broadcast %broadcast_in_dim3A_161 : f32 to vector<16xf32>
      %mul3A_163 = arith.constant 8 : i32
      %mul3A_164 = arith.muli %scan3A_140, %mul3A_163 : i32
      %add3A_165 = arith.constant 2 : i32
      %add3A_166 = arith.addi %mul3A_164, %add3A_165 : i32
      %mul3A_167 = arith.constant 16 : i32
      %mul3A_168 = arith.muli %add3A_166, %mul3A_167 : i32
      %swap3A_169 = arith.index_cast %mul3A_168 : i32 to index
      %swap3A_170 = tpu.vector_load %arg5[%swap3A_169] {strides = array<i32>} : memref<2048xf32, #tpu.memory_space<vmem>>, vector<16xf32>,
      tpu.vector_store %arg5[%swap3A_169], %broadcast_in_dim3A_162 {strides = array<i32>} : memref<2048xf32, #tpu.memory_space<vmem>>, vector<16xf32>,
      %broadcast_in_dim3A_171 = arith.constant 0.000000e+00 : f32
      %broadcast_in_dim3A_172 = vector.broadcast %broadcast_in_dim3A_171 : f32 to vector<16xf32>
      %mul3A_173 = arith.constant 8 : i32
      %mul3A_174 = arith.muli %scan3A_140, %mul3A_173 : i32
      %add3A_175 = arith.constant 3 : i32
      %add3A_176 = arith.addi %mul3A_174, %add3A_175 : i32
      %mul3A_177 = arith.constant 16 : i32
      %mul3A_178 = arith.muli %add3A_176, %mul3A_177 : i32
      %swap3A_179 = arith.index_cast %mul3A_178 : i32 to index
      %swap3A_180 = tpu.vector_load %arg5[%swap3A_179] {strides = array<i32>} : memref<2048xf32, #tpu.memory_space<vmem>>, vector<16xf32>,
      tpu.vector_store %arg5[%swap3A_179], %broadcast_in_dim3A_172 {strides = array<i32>} : memref<2048xf32, #tpu.memory_space<vmem>>, vector<16xf32>,
      %broadcast_in_dim3A_181 = arith.constant 0.000000e+00 : f32
      %broadcast_in_dim3A_182 = vector.broadcast %broadcast_in_dim3A_181 : f32 to vector<16xf32>
      %mul3A_183 = arith.constant 8 : i32
      %mul3A_184 = arith.muli %scan3A_140, %mul3A_183 : i32
      %add3A_185 = arith.constant 4 : i32
      %add3A_186 = arith.addi %mul3A_184, %add3A_185 : i32
      %mul3A_187 = arith.constant 16 : i32
      %mul3A_188 = arith.muli %add3A_186, %mul3A_187 : i32
      %swap3A_189 = arith.index_cast %mul3A_188 : i32 to index
      %swap3A_190 = tpu.vector_load %arg5[%swap3A_189] {strides = array<i32>} : memref<2048xf32, #tpu.memory_space<vmem>>, vector<16xf32>,
      tpu.vector_store %arg5[%swap3A_189], %broadcast_in_dim3A_182 {strides = array<i32>} : memref<2048xf32, #tpu.memory_space<vmem>>, vector<16xf32>,
      %broadcast_in_dim3A_191 = arith.constant 0.000000e+00 : f32
      %broadcast_in_dim3A_192 = vector.broadcast %broadcast_in_dim3A_191 : f32 to vector<16xf32>
      %mul3A_193 = arith.constant 8 : i32
      %mul3A_194 = arith.muli %scan3A_140, %mul3A_193 : i32
      %add3A_195 = arith.constant 5 : i32
      %add3A_196 = arith.addi %mul3A_194, %add3A_195 : i32
      %mul3A_197 = arith.constant 16 : i32
      %mul3A_198 = arith.muli %add3A_196, %mul3A_197 : i32
      %swap3A_199 = arith.index_cast %mul3A_198 : i32 to index
      %swap3A_200 = tpu.vector_load %arg5[%swap3A_199] {strides = array<i32>} : memref<2048xf32, #tpu.memory_space<vmem>>, vector<16xf32>,
      tpu.vector_store %arg5[%swap3A_199], %broadcast_in_dim3A_192 {strides = array<i32>} : memref<2048xf32, #tpu.memory_space<vmem>>, vector<16xf32>,
      %broadcast_in_dim3A_201 = arith.constant 0.000000e+00 : f32
      %broadcast_in_dim3A_202 = vector.broadcast %broadcast_in_dim3A_201 : f32 to vector<16xf32>
      %mul3A_203 = arith.constant 8 : i32
      %mul3A_204 = arith.muli %scan3A_140, %mul3A_203 : i32
      %add3A_205 = arith.constant 6 : i32
      %add3A_206 = arith.addi %mul3A_204, %add3A_205 : i32
      %mul3A_207 = arith.constant 16 : i32
      %mul3A_208 = arith.muli %add3A_206, %mul3A_207 : i32
      %swap3A_209 = arith.index_cast %mul3A_208 : i32 to index
      %swap3A_210 = tpu.vector_load %arg5[%swap3A_209] {strides = array<i32>} : memref<2048xf32, #tpu.memory_space<vmem>>, vector<16xf32>,
      tpu.vector_store %arg5[%swap3A_209], %broadcast_in_dim3A_202 {strides = array<i32>} : memref<2048xf32, #tpu.memory_space<vmem>>, vector<16xf32>,
      %broadcast_in_dim3A_211 = arith.constant 0.000000e+00 : f32
      %broadcast_in_dim3A_212 = vector.broadcast %broadcast_in_dim3A_211 : f32 to vector<16xf32>
      %mul3A_213 = arith.constant 8 : i32
      %mul3A_214 = arith.muli %scan3A_140, %mul3A_213 : i32
      %add3A_215 = arith.constant 7 : i32
      %add3A_216 = arith.addi %mul3A_214, %add3A_215 : i32
      %mul3A_217 = arith.constant 16 : i32
      %mul3A_218 = arith.muli %add3A_216, %mul3A_217 : i32
      %swap3A_219 = arith.index_cast %mul3A_218 : i32 to index
      %swap3A_220 = tpu.vector_load %arg5[%swap3A_219] {strides = array<i32>} : memref<2048xf32, #tpu.memory_space<vmem>>, vector<16xf32>,
      tpu.vector_store %arg5[%swap3A_219], %broadcast_in_dim3A_212 {strides = array<i32>} : memref<2048xf32, #tpu.memory_space<vmem>>, vector<16xf32>,
    }
    %scan3A_46 = arith.constant 16 : i32
    %scan3A_47 = arith.constant 0 : i32
    %scan3A_48 = arith.constant 0 : i32
    %scan3A_49 = arith.constant 192 : i32
    %scan3A_50 = arith.addi %scan3A_48, %scan3A_49 : i32
    %scan3A_51 = arith.constant 1 : i32
    scf.for %scan3A_140 = %scan3A_48 to %scan3A_50 step %scan3A_51  : i32 {
      %get3A_141 = arith.index_cast %scan3A_140 : i32 to index
      %get3A_142 = arith.constant 0 : index
      %get3A_143 = tpu.vector_load %arg4[%get3A_141, %get3A_142] {strides = array<i32>} : memref<192x384xf32, #tpu.memory_space<vmem>>, vector<16xf32>,
      %bitcast_convert_type3A_144 = tpu.bitcast %get3A_143 : vector<16xf32> -> vector<16xi32>
      %get3A_145 = arith.index_cast %scan3A_140 : i32 to index
      %get3A_146 = arith.constant 16 : index
      %get3A_147 = tpu.vector_load %arg4[%get3A_145, %get3A_146] {strides = array<i32>} : memref<192x384xf32, #tpu.memory_space<vmem>>, vector<16xf32>,
      %bitcast_convert_type3A_148 = tpu.bitcast %get3A_147 : vector<16xf32> -> vector<16xi32>
      %get3A_149 = arith.index_cast %scan3A_140 : i32 to index
      %get3A_150 = arith.constant 32 : index
      %get3A_151 = tpu.vector_load %arg4[%get3A_149, %get3A_150] {strides = array<i32>} : memref<192x384xf32, #tpu.memory_space<vmem>>, vector<16xf32>,
      %bitcast_convert_type3A_152 = tpu.bitcast %get3A_151 : vector<16xf32> -> vector<16xi32>
      %get3A_153 = arith.index_cast %scan3A_140 : i32 to index
      %get3A_154 = arith.constant 48 : index
      %get3A_155 = tpu.vector_load %arg4[%get3A_153, %get3A_154] {strides = array<i32>} : memref<192x384xf32, #tpu.memory_space<vmem>>, vector<16xf32>,
      %bitcast_convert_type3A_156 = tpu.bitcast %get3A_155 : vector<16xf32> -> vector<16xi32>
      %get3A_157 = arith.index_cast %scan3A_140 : i32 to index
      %get3A_158 = arith.constant 64 : index
      %get3A_159 = tpu.vector_load %arg4[%get3A_157, %get3A_158] {strides = array<i32>} : memref<192x384xf32, #tpu.memory_space<vmem>>, vector<16xf32>,
      %bitcast_convert_type3A_160 = tpu.bitcast %get3A_159 : vector<16xf32> -> vector<16xi32>
      %get3A_161 = arith.index_cast %scan3A_140 : i32 to index
      %get3A_162 = arith.constant 80 : index
      %get3A_163 = tpu.vector_load %arg4[%get3A_161, %get3A_162] {strides = array<i32>} : memref<192x384xf32, #tpu.memory_space<vmem>>, vector<16xf32>,
      %bitcast_convert_type3A_164 = tpu.bitcast %get3A_163 : vector<16xf32> -> vector<16xi32>
      %get3A_165 = arith.index_cast %scan3A_140 : i32 to index
      %get3A_166 = arith.constant 96 : index
      %get3A_167 = tpu.vector_load %arg4[%get3A_165, %get3A_166] {strides = array<i32>} : memref<192x384xf32, #tpu.memory_space<vmem>>, vector<16xf32>,
      %bitcast_convert_type3A_168 = tpu.bitcast %get3A_167 : vector<16xf32> -> vector<16xi32>
      %get3A_169 = arith.index_cast %scan3A_140 : i32 to index
      %get3A_170 = arith.constant 112 : index
      %get3A_171 = tpu.vector_load %arg4[%get3A_169, %get3A_170] {strides = array<i32>} : memref<192x384xf32, #tpu.memory_space<vmem>>, vector<16xf32>,
      %bitcast_convert_type3A_172 = tpu.bitcast %get3A_171 : vector<16xf32> -> vector<16xi32>
      %shift_right_logical3A_173 = arith.constant 10 : i32
      %shift_right_logical3A_174 = vector.broadcast %shift_right_logical3A_173 : i32 to vector<16xi32>
      %shift_right_logical3A_175 = arith.shrui %bitcast_convert_type3A_144, %shift_right_logical3A_174 : vector<16xi32>
      %shift_right_logical3A_176 = arith.constant 10 : i32
      %shift_right_logical3A_177 = vector.broadcast %shift_right_logical3A_176 : i32 to vector<16xi32>
      %shift_right_logical3A_178 = arith.shrui %bitcast_convert_type3A_148, %shift_right_logical3A_177 : vector<16xi32>
      %shift_right_logical3A_179 = arith.constant 10 : i32
      %shift_right_logical3A_180 = vector.broadcast %shift_right_logical3A_179 : i32 to vector<16xi32>
      %shift_right_logical3A_181 = arith.shrui %bitcast_convert_type3A_152, %shift_right_logical3A_180 : vector<16xi32>
      %shift_right_logical3A_182 = arith.constant 10 : i32
      %shift_right_logical3A_183 = vector.broadcast %shift_right_logical3A_182 : i32 to vector<16xi32>
      %shift_right_logical3A_184 = arith.shrui %bitcast_convert_type3A_156, %shift_right_logical3A_183 : vector<16xi32>
      %shift_right_logical3A_185 = arith.constant 10 : i32
      %shift_right_logical3A_186 = vector.broadcast %shift_right_logical3A_185 : i32 to vector<16xi32>
      %shift_right_logical3A_187 = arith.shrui %bitcast_convert_type3A_160, %shift_right_logical3A_186 : vector<16xi32>
      %shift_right_logical3A_188 = arith.constant 10 : i32
      %shift_right_logical3A_189 = vector.broadcast %shift_right_logical3A_188 : i32 to vector<16xi32>
      %shift_right_logical3A_190 = arith.shrui %bitcast_convert_type3A_164, %shift_right_logical3A_189 : vector<16xi32>
      %shift_right_logical3A_191 = arith.constant 10 : i32
      %shift_right_logical3A_192 = vector.broadcast %shift_right_logical3A_191 : i32 to vector<16xi32>
      %shift_right_logical3A_193 = arith.shrui %bitcast_convert_type3A_168, %shift_right_logical3A_192 : vector<16xi32>
      %shift_right_logical3A_194 = arith.constant 10 : i32
      %shift_right_logical3A_195 = vector.broadcast %shift_right_logical3A_194 : i32 to vector<16xi32>
      %shift_right_logical3A_196 = arith.shrui %bitcast_convert_type3A_172, %shift_right_logical3A_195 : vector<16xi32>
      %and3A_197 = arith.constant 2047 : i32
      %and3A_198 = vector.broadcast %and3A_197 : i32 to vector<16xi32>
      %and3A_199 = arith.andi %shift_right_logical3A_175, %and3A_198 : vector<16xi32>
      %and3A_200 = arith.constant 2047 : i32
      %and3A_201 = vector.broadcast %and3A_200 : i32 to vector<16xi32>
      %and3A_202 = arith.andi %shift_right_logical3A_178, %and3A_201 : vector<16xi32>
      %and3A_203 = arith.constant 2047 : i32
      %and3A_204 = vector.broadcast %and3A_203 : i32 to vector<16xi32>
      %and3A_205 = arith.andi %shift_right_logical3A_181, %and3A_204 : vector<16xi32>
      %and3A_206 = arith.constant 2047 : i32
      %and3A_207 = vector.broadcast %and3A_206 : i32 to vector<16xi32>
      %and3A_208 = arith.andi %shift_right_logical3A_184, %and3A_207 : vector<16xi32>
      %and3A_209 = arith.constant 2047 : i32
      %and3A_210 = vector.broadcast %and3A_209 : i32 to vector<16xi32>
      %and3A_211 = arith.andi %shift_right_logical3A_187, %and3A_210 : vector<16xi32>
      %and3A_212 = arith.constant 2047 : i32
      %and3A_213 = vector.broadcast %and3A_212 : i32 to vector<16xi32>
      %and3A_214 = arith.andi %shift_right_logical3A_190, %and3A_213 : vector<16xi32>
      %and3A_215 = arith.constant 2047 : i32
      %and3A_216 = vector.broadcast %and3A_215 : i32 to vector<16xi32>
      %and3A_217 = arith.andi %shift_right_logical3A_193, %and3A_216 : vector<16xi32>
      %and3A_218 = arith.constant 2047 : i32
      %and3A_219 = vector.broadcast %and3A_218 : i32 to vector<16xi32>
      %and3A_220 = arith.andi %shift_right_logical3A_196, %and3A_219 : vector<16xi32>
      %shift_right_logical3A_221 = arith.constant 21 : i32
      %shift_right_logical3A_222 = vector.broadcast %shift_right_logical3A_221 : i32 to vector<16xi32>
      %shift_right_logical3A_223 = arith.shrui %bitcast_convert_type3A_144, %shift_right_logical3A_222 : vector<16xi32>
      %eq3A_224 = vector.broadcast %scan3A_38#1 : i32 to vector<16xi32>
      %eq3A_225 = arith.cmpi eq, %shift_right_logical3A_223, %eq3A_224 : vector<16xi32>
      %shift_right_logical3A_226 = arith.constant 21 : i32
      %shift_right_logical3A_227 = vector.broadcast %shift_right_logical3A_226 : i32 to vector<16xi32>
      %shift_right_logical3A_228 = arith.shrui %bitcast_convert_type3A_148, %shift_right_logical3A_227 : vector<16xi32>
      %eq3A_229 = vector.broadcast %scan3A_38#1 : i32 to vector<16xi32>
      %eq3A_230 = arith.cmpi eq, %shift_right_logical3A_228, %eq3A_229 : vector<16xi32>
      %shift_right_logical3A_231 = arith.constant 21 : i32
      %shift_right_logical3A_232 = vector.broadcast %shift_right_logical3A_231 : i32 to vector<16xi32>
      %shift_right_logical3A_233 = arith.shrui %bitcast_convert_type3A_152, %shift_right_logical3A_232 : vector<16xi32>
      %eq3A_234 = vector.broadcast %scan3A_38#1 : i32 to vector<16xi32>
      %eq3A_235 = arith.cmpi eq, %shift_right_logical3A_233, %eq3A_234 : vector<16xi32>
      %shift_right_logical3A_236 = arith.constant 21 : i32
      %shift_right_logical3A_237 = vector.broadcast %shift_right_logical3A_236 : i32 to vector<16xi32>
      %shift_right_logical3A_238 = arith.shrui %bitcast_convert_type3A_156, %shift_right_logical3A_237 : vector<16xi32>
      %eq3A_239 = vector.broadcast %scan3A_38#1 : i32 to vector<16xi32>
      %eq3A_240 = arith.cmpi eq, %shift_right_logical3A_238, %eq3A_239 : vector<16xi32>
      %shift_right_logical3A_241 = arith.constant 21 : i32
      %shift_right_logical3A_242 = vector.broadcast %shift_right_logical3A_241 : i32 to vector<16xi32>
      %shift_right_logical3A_243 = arith.shrui %bitcast_convert_type3A_160, %shift_right_logical3A_242 : vector<16xi32>
      %eq3A_244 = vector.broadcast %scan3A_38#1 : i32 to vector<16xi32>
      %eq3A_245 = arith.cmpi eq, %shift_right_logical3A_243, %eq3A_244 : vector<16xi32>
      %shift_right_logical3A_246 = arith.constant 21 : i32
      %shift_right_logical3A_247 = vector.broadcast %shift_right_logical3A_246 : i32 to vector<16xi32>
      %shift_right_logical3A_248 = arith.shrui %bitcast_convert_type3A_164, %shift_right_logical3A_247 : vector<16xi32>
      %eq3A_249 = vector.broadcast %scan3A_38#1 : i32 to vector<16xi32>
      %eq3A_250 = arith.cmpi eq, %shift_right_logical3A_248, %eq3A_249 : vector<16xi32>
      %shift_right_logical3A_251 = arith.constant 21 : i32
      %shift_right_logical3A_252 = vector.broadcast %shift_right_logical3A_251 : i32 to vector<16xi32>
      %shift_right_logical3A_253 = arith.shrui %bitcast_convert_type3A_168, %shift_right_logical3A_252 : vector<16xi32>
      %eq3A_254 = vector.broadcast %scan3A_38#1 : i32 to vector<16xi32>
      %eq3A_255 = arith.cmpi eq, %shift_right_logical3A_253, %eq3A_254 : vector<16xi32>
      %shift_right_logical3A_256 = arith.constant 21 : i32
      %shift_right_logical3A_257 = vector.broadcast %shift_right_logical3A_256 : i32 to vector<16xi32>
      %shift_right_logical3A_258 = arith.shrui %bitcast_convert_type3A_172, %shift_right_logical3A_257 : vector<16xi32>
      %eq3A_259 = vector.broadcast %scan3A_38#1 : i32 to vector<16xi32>
      %eq3A_260 = arith.cmpi eq, %shift_right_logical3A_258, %eq3A_259 : vector<16xi32>
      %get3A_261 = arith.index_cast %scan3A_140 : i32 to index
      %get3A_262 = arith.constant 128 : index
      %get3A_263 = tpu.vector_load %arg4[%get3A_261, %get3A_262] {strides = array<i32>} : memref<192x384xf32, #tpu.memory_space<vmem>>, vector<16xf32>,
      %bitcast_convert_type3A_264 = tpu.bitcast %get3A_263 : vector<16xf32> -> vector<16xi32>
      %get3A_265 = arith.index_cast %scan3A_140 : i32 to index
      %get3A_266 = arith.constant 144 : index
      %get3A_267 = tpu.vector_load %arg4[%get3A_265, %get3A_266] {strides = array<i32>} : memref<192x384xf32, #tpu.memory_space<vmem>>, vector<16xf32>,
      %bitcast_convert_type3A_268 = tpu.bitcast %get3A_267 : vector<16xf32> -> vector<16xi32>
      %get3A_269 = arith.index_cast %scan3A_140 : i32 to index
      %get3A_270 = arith.constant 160 : index
      %get3A_271 = tpu.vector_load %arg4[%get3A_269, %get3A_270] {strides = array<i32>} : memref<192x384xf32, #tpu.memory_space<vmem>>, vector<16xf32>,
      %bitcast_convert_type3A_272 = tpu.bitcast %get3A_271 : vector<16xf32> -> vector<16xi32>
      %get3A_273 = arith.index_cast %scan3A_140 : i32 to index
      %get3A_274 = arith.constant 176 : index
      %get3A_275 = tpu.vector_load %arg4[%get3A_273, %get3A_274] {strides = array<i32>} : memref<192x384xf32, #tpu.memory_space<vmem>>, vector<16xf32>,
      %bitcast_convert_type3A_276 = tpu.bitcast %get3A_275 : vector<16xf32> -> vector<16xi32>
      %get3A_277 = arith.index_cast %scan3A_140 : i32 to index
      %get3A_278 = arith.constant 192 : index
      %get3A_279 = tpu.vector_load %arg4[%get3A_277, %get3A_278] {strides = array<i32>} : memref<192x384xf32, #tpu.memory_space<vmem>>, vector<16xf32>,
      %bitcast_convert_type3A_280 = tpu.bitcast %get3A_279 : vector<16xf32> -> vector<16xi32>
      %get3A_281 = arith.index_cast %scan3A_140 : i32 to index
      %get3A_282 = arith.constant 208 : index
      %get3A_283 = tpu.vector_load %arg4[%get3A_281, %get3A_282] {strides = array<i32>} : memref<192x384xf32, #tpu.memory_space<vmem>>, vector<16xf32>,
      %bitcast_convert_type3A_284 = tpu.bitcast %get3A_283 : vector<16xf32> -> vector<16xi32>
      %get3A_285 = arith.index_cast %scan3A_140 : i32 to index
      %get3A_286 = arith.constant 224 : index
      %get3A_287 = tpu.vector_load %arg4[%get3A_285, %get3A_286] {strides = array<i32>} : memref<192x384xf32, #tpu.memory_space<vmem>>, vector<16xf32>,
      %bitcast_convert_type3A_288 = tpu.bitcast %get3A_287 : vector<16xf32> -> vector<16xi32>
      %get3A_289 = arith.index_cast %scan3A_140 : i32 to index
      %get3A_290 = arith.constant 240 : index
      %get3A_291 = tpu.vector_load %arg4[%get3A_289, %get3A_290] {strides = array<i32>} : memref<192x384xf32, #tpu.memory_space<vmem>>, vector<16xf32>,
      %bitcast_convert_type3A_292 = tpu.bitcast %get3A_291 : vector<16xf32> -> vector<16xi32>
      %shift_right_logical3A_293 = arith.constant 10 : i32
      %shift_right_logical3A_294 = vector.broadcast %shift_right_logical3A_293 : i32 to vector<16xi32>
      %shift_right_logical3A_295 = arith.shrui %bitcast_convert_type3A_264, %shift_right_logical3A_294 : vector<16xi32>
      %shift_right_logical3A_296 = arith.constant 10 : i32
      %shift_right_logical3A_297 = vector.broadcast %shift_right_logical3A_296 : i32 to vector<16xi32>
      %shift_right_logical3A_298 = arith.shrui %bitcast_convert_type3A_268, %shift_right_logical3A_297 : vector<16xi32>
      %shift_right_logical3A_299 = arith.constant 10 : i32
      %shift_right_logical3A_300 = vector.broadcast %shift_right_logical3A_299 : i32 to vector<16xi32>
      %shift_right_logical3A_301 = arith.shrui %bitcast_convert_type3A_272, %shift_right_logical3A_300 : vector<16xi32>
      %shift_right_logical3A_302 = arith.constant 10 : i32
      %shift_right_logical3A_303 = vector.broadcast %shift_right_logical3A_302 : i32 to vector<16xi32>
      %shift_right_logical3A_304 = arith.shrui %bitcast_convert_type3A_276, %shift_right_logical3A_303 : vector<16xi32>
      %shift_right_logical3A_305 = arith.constant 10 : i32
      %shift_right_logical3A_306 = vector.broadcast %shift_right_logical3A_305 : i32 to vector<16xi32>
      %shift_right_logical3A_307 = arith.shrui %bitcast_convert_type3A_280, %shift_right_logical3A_306 : vector<16xi32>
      %shift_right_logical3A_308 = arith.constant 10 : i32
      %shift_right_logical3A_309 = vector.broadcast %shift_right_logical3A_308 : i32 to vector<16xi32>
      %shift_right_logical3A_310 = arith.shrui %bitcast_convert_type3A_284, %shift_right_logical3A_309 : vector<16xi32>
      %shift_right_logical3A_311 = arith.constant 10 : i32
      %shift_right_logical3A_312 = vector.broadcast %shift_right_logical3A_311 : i32 to vector<16xi32>
      %shift_right_logical3A_313 = arith.shrui %bitcast_convert_type3A_288, %shift_right_logical3A_312 : vector<16xi32>
      %shift_right_logical3A_314 = arith.constant 10 : i32
      %shift_right_logical3A_315 = vector.broadcast %shift_right_logical3A_314 : i32 to vector<16xi32>
      %shift_right_logical3A_316 = arith.shrui %bitcast_convert_type3A_292, %shift_right_logical3A_315 : vector<16xi32>
      %and3A_317 = arith.constant 2047 : i32
      %and3A_318 = vector.broadcast %and3A_317 : i32 to vector<16xi32>
      %and3A_319 = arith.andi %shift_right_logical3A_295, %and3A_318 : vector<16xi32>
      %and3A_320 = arith.constant 2047 : i32
      %and3A_321 = vector.broadcast %and3A_320 : i32 to vector<16xi32>
      %and3A_322 = arith.andi %shift_right_logical3A_298, %and3A_321 : vector<16xi32>
      %and3A_323 = arith.constant 2047 : i32
      %and3A_324 = vector.broadcast %and3A_323 : i32 to vector<16xi32>
      %and3A_325 = arith.andi %shift_right_logical3A_301, %and3A_324 : vector<16xi32>
      %and3A_326 = arith.constant 2047 : i32
      %and3A_327 = vector.broadcast %and3A_326 : i32 to vector<16xi32>
      %and3A_328 = arith.andi %shift_right_logical3A_304, %and3A_327 : vector<16xi32>
      %and3A_329 = arith.constant 2047 : i32
      %and3A_330 = vector.broadcast %and3A_329 : i32 to vector<16xi32>
      %and3A_331 = arith.andi %shift_right_logical3A_307, %and3A_330 : vector<16xi32>
      %and3A_332 = arith.constant 2047 : i32
      %and3A_333 = vector.broadcast %and3A_332 : i32 to vector<16xi32>
      %and3A_334 = arith.andi %shift_right_logical3A_310, %and3A_333 : vector<16xi32>
      %and3A_335 = arith.constant 2047 : i32
      %and3A_336 = vector.broadcast %and3A_335 : i32 to vector<16xi32>
      %and3A_337 = arith.andi %shift_right_logical3A_313, %and3A_336 : vector<16xi32>
      %and3A_338 = arith.constant 2047 : i32
      %and3A_339 = vector.broadcast %and3A_338 : i32 to vector<16xi32>
      %and3A_340 = arith.andi %shift_right_logical3A_316, %and3A_339 : vector<16xi32>
      %shift_right_logical3A_341 = arith.constant 21 : i32
      %shift_right_logical3A_342 = vector.broadcast %shift_right_logical3A_341 : i32 to vector<16xi32>
      %shift_right_logical3A_343 = arith.shrui %bitcast_convert_type3A_264, %shift_right_logical3A_342 : vector<16xi32>
      %eq3A_344 = vector.broadcast %scan3A_38#1 : i32 to vector<16xi32>
      %eq3A_345 = arith.cmpi eq, %shift_right_logical3A_343, %eq3A_344 : vector<16xi32>
      %shift_right_logical3A_346 = arith.constant 21 : i32
      %shift_right_logical3A_347 = vector.broadcast %shift_right_logical3A_346 : i32 to vector<16xi32>
      %shift_right_logical3A_348 = arith.shrui %bitcast_convert_type3A_268, %shift_right_logical3A_347 : vector<16xi32>
      %eq3A_349 = vector.broadcast %scan3A_38#1 : i32 to vector<16xi32>
      %eq3A_350 = arith.cmpi eq, %shift_right_logical3A_348, %eq3A_349 : vector<16xi32>
      %shift_right_logical3A_351 = arith.constant 21 : i32
      %shift_right_logical3A_352 = vector.broadcast %shift_right_logical3A_351 : i32 to vector<16xi32>
      %shift_right_logical3A_353 = arith.shrui %bitcast_convert_type3A_272, %shift_right_logical3A_352 : vector<16xi32>
      %eq3A_354 = vector.broadcast %scan3A_38#1 : i32 to vector<16xi32>
      %eq3A_355 = arith.cmpi eq, %shift_right_logical3A_353, %eq3A_354 : vector<16xi32>
      %shift_right_logical3A_356 = arith.constant 21 : i32
      %shift_right_logical3A_357 = vector.broadcast %shift_right_logical3A_356 : i32 to vector<16xi32>
      %shift_right_logical3A_358 = arith.shrui %bitcast_convert_type3A_276, %shift_right_logical3A_357 : vector<16xi32>
      %eq3A_359 = vector.broadcast %scan3A_38#1 : i32 to vector<16xi32>
      %eq3A_360 = arith.cmpi eq, %shift_right_logical3A_358, %eq3A_359 : vector<16xi32>
      %shift_right_logical3A_361 = arith.constant 21 : i32
      %shift_right_logical3A_362 = vector.broadcast %shift_right_logical3A_361 : i32 to vector<16xi32>
      %shift_right_logical3A_363 = arith.shrui %bitcast_convert_type3A_280, %shift_right_logical3A_362 : vector<16xi32>
      %eq3A_364 = vector.broadcast %scan3A_38#1 : i32 to vector<16xi32>
      %eq3A_365 = arith.cmpi eq, %shift_right_logical3A_363, %eq3A_364 : vector<16xi32>
      %shift_right_logical3A_366 = arith.constant 21 : i32
      %shift_right_logical3A_367 = vector.broadcast %shift_right_logical3A_366 : i32 to vector<16xi32>
      %shift_right_logical3A_368 = arith.shrui %bitcast_convert_type3A_284, %shift_right_logical3A_367 : vector<16xi32>
      %eq3A_369 = vector.broadcast %scan3A_38#1 : i32 to vector<16xi32>
      %eq3A_370 = arith.cmpi eq, %shift_right_logical3A_368, %eq3A_369 : vector<16xi32>
      %shift_right_logical3A_371 = arith.constant 21 : i32
      %shift_right_logical3A_372 = vector.broadcast %shift_right_logical3A_371 : i32 to vector<16xi32>
      %shift_right_logical3A_373 = arith.shrui %bitcast_convert_type3A_288, %shift_right_logical3A_372 : vector<16xi32>
      %eq3A_374 = vector.broadcast %scan3A_38#1 : i32 to vector<16xi32>
      %eq3A_375 = arith.cmpi eq, %shift_right_logical3A_373, %eq3A_374 : vector<16xi32>
      %shift_right_logical3A_376 = arith.constant 21 : i32
      %shift_right_logical3A_377 = vector.broadcast %shift_right_logical3A_376 : i32 to vector<16xi32>
      %shift_right_logical3A_378 = arith.shrui %bitcast_convert_type3A_292, %shift_right_logical3A_377 : vector<16xi32>
      %eq3A_379 = vector.broadcast %scan3A_38#1 : i32 to vector<16xi32>
      %eq3A_380 = arith.cmpi eq, %shift_right_logical3A_378, %eq3A_379 : vector<16xi32>
      tpu.vector_store_idx %arg5[%and3A_199], %broadcast_in_dim3A_10 masked %eq3A_225 {add = true} : memref<2048xf32, #tpu.memory_space<vmem>>[vector<16xi32>], vector<16xf32>, vector<16xi1>
      tpu.vector_store_idx %arg5[%and3A_202], %broadcast_in_dim3A_10 masked %eq3A_230 {add = true} : memref<2048xf32, #tpu.memory_space<vmem>>[vector<16xi32>], vector<16xf32>, vector<16xi1>
      tpu.vector_store_idx %arg5[%and3A_205], %broadcast_in_dim3A_10 masked %eq3A_235 {add = true} : memref<2048xf32, #tpu.memory_space<vmem>>[vector<16xi32>], vector<16xf32>, vector<16xi1>
      tpu.vector_store_idx %arg5[%and3A_208], %broadcast_in_dim3A_10 masked %eq3A_240 {add = true} : memref<2048xf32, #tpu.memory_space<vmem>>[vector<16xi32>], vector<16xf32>, vector<16xi1>
      tpu.vector_store_idx %arg5[%and3A_211], %broadcast_in_dim3A_10 masked %eq3A_245 {add = true} : memref<2048xf32, #tpu.memory_space<vmem>>[vector<16xi32>], vector<16xf32>, vector<16xi1>
      tpu.vector_store_idx %arg5[%and3A_214], %broadcast_in_dim3A_10 masked %eq3A_250 {add = true} : memref<2048xf32, #tpu.memory_space<vmem>>[vector<16xi32>], vector<16xf32>, vector<16xi1>
      tpu.vector_store_idx %arg5[%and3A_217], %broadcast_in_dim3A_10 masked %eq3A_255 {add = true} : memref<2048xf32, #tpu.memory_space<vmem>>[vector<16xi32>], vector<16xf32>, vector<16xi1>
      tpu.vector_store_idx %arg5[%and3A_220], %broadcast_in_dim3A_10 masked %eq3A_260 {add = true} : memref<2048xf32, #tpu.memory_space<vmem>>[vector<16xi32>], vector<16xf32>, vector<16xi1>
      %get3A_381 = arith.index_cast %scan3A_140 : i32 to index
      %get3A_382 = arith.constant 256 : index
      %get3A_383 = tpu.vector_load %arg4[%get3A_381, %get3A_382] {strides = array<i32>} : memref<192x384xf32, #tpu.memory_space<vmem>>, vector<16xf32>,
      %bitcast_convert_type3A_384 = tpu.bitcast %get3A_383 : vector<16xf32> -> vector<16xi32>
      %get3A_385 = arith.index_cast %scan3A_140 : i32 to index
      %get3A_386 = arith.constant 272 : index
      %get3A_387 = tpu.vector_load %arg4[%get3A_385, %get3A_386] {strides = array<i32>} : memref<192x384xf32, #tpu.memory_space<vmem>>, vector<16xf32>,
      %bitcast_convert_type3A_388 = tpu.bitcast %get3A_387 : vector<16xf32> -> vector<16xi32>
      %get3A_389 = arith.index_cast %scan3A_140 : i32 to index
      %get3A_390 = arith.constant 288 : index
      %get3A_391 = tpu.vector_load %arg4[%get3A_389, %get3A_390] {strides = array<i32>} : memref<192x384xf32, #tpu.memory_space<vmem>>, vector<16xf32>,
      %bitcast_convert_type3A_392 = tpu.bitcast %get3A_391 : vector<16xf32> -> vector<16xi32>
      %get3A_393 = arith.index_cast %scan3A_140 : i32 to index
      %get3A_394 = arith.constant 304 : index
      %get3A_395 = tpu.vector_load %arg4[%get3A_393, %get3A_394] {strides = array<i32>} : memref<192x384xf32, #tpu.memory_space<vmem>>, vector<16xf32>,
      %bitcast_convert_type3A_396 = tpu.bitcast %get3A_395 : vector<16xf32> -> vector<16xi32>
      %get3A_397 = arith.index_cast %scan3A_140 : i32 to index
      %get3A_398 = arith.constant 320 : index
      %get3A_399 = tpu.vector_load %arg4[%get3A_397, %get3A_398] {strides = array<i32>} : memref<192x384xf32, #tpu.memory_space<vmem>>, vector<16xf32>,
      %bitcast_convert_type3A_400 = tpu.bitcast %get3A_399 : vector<16xf32> -> vector<16xi32>
      %get3A_401 = arith.index_cast %scan3A_140 : i32 to index
      %get3A_402 = arith.constant 336 : index
      %get3A_403 = tpu.vector_load %arg4[%get3A_401, %get3A_402] {strides = array<i32>} : memref<192x384xf32, #tpu.memory_space<vmem>>, vector<16xf32>,
      %bitcast_convert_type3A_404 = tpu.bitcast %get3A_403 : vector<16xf32> -> vector<16xi32>
      %get3A_405 = arith.index_cast %scan3A_140 : i32 to index
      %get3A_406 = arith.constant 352 : index
      %get3A_407 = tpu.vector_load %arg4[%get3A_405, %get3A_406] {strides = array<i32>} : memref<192x384xf32, #tpu.memory_space<vmem>>, vector<16xf32>,
      %bitcast_convert_type3A_408 = tpu.bitcast %get3A_407 : vector<16xf32> -> vector<16xi32>
      %get3A_409 = arith.index_cast %scan3A_140 : i32 to index
      %get3A_410 = arith.constant 368 : index
      %get3A_411 = tpu.vector_load %arg4[%get3A_409, %get3A_410] {strides = array<i32>} : memref<192x384xf32, #tpu.memory_space<vmem>>, vector<16xf32>,
      %bitcast_convert_type3A_412 = tpu.bitcast %get3A_411 : vector<16xf32> -> vector<16xi32>
      %shift_right_logical3A_413 = arith.constant 10 : i32
      %shift_right_logical3A_414 = vector.broadcast %shift_right_logical3A_413 : i32 to vector<16xi32>
      %shift_right_logical3A_415 = arith.shrui %bitcast_convert_type3A_384, %shift_right_logical3A_414 : vector<16xi32>
      %shift_right_logical3A_416 = arith.constant 10 : i32
      %shift_right_logical3A_417 = vector.broadcast %shift_right_logical3A_416 : i32 to vector<16xi32>
      %shift_right_logical3A_418 = arith.shrui %bitcast_convert_type3A_388, %shift_right_logical3A_417 : vector<16xi32>
      %shift_right_logical3A_419 = arith.constant 10 : i32
      %shift_right_logical3A_420 = vector.broadcast %shift_right_logical3A_419 : i32 to vector<16xi32>
      %shift_right_logical3A_421 = arith.shrui %bitcast_convert_type3A_392, %shift_right_logical3A_420 : vector<16xi32>
      %shift_right_logical3A_422 = arith.constant 10 : i32
      %shift_right_logical3A_423 = vector.broadcast %shift_right_logical3A_422 : i32 to vector<16xi32>
      %shift_right_logical3A_424 = arith.shrui %bitcast_convert_type3A_396, %shift_right_logical3A_423 : vector<16xi32>
      %shift_right_logical3A_425 = arith.constant 10 : i32
      %shift_right_logical3A_426 = vector.broadcast %shift_right_logical3A_425 : i32 to vector<16xi32>
      %shift_right_logical3A_427 = arith.shrui %bitcast_convert_type3A_400, %shift_right_logical3A_426 : vector<16xi32>
      %shift_right_logical3A_428 = arith.constant 10 : i32
      %shift_right_logical3A_429 = vector.broadcast %shift_right_logical3A_428 : i32 to vector<16xi32>
      %shift_right_logical3A_430 = arith.shrui %bitcast_convert_type3A_404, %shift_right_logical3A_429 : vector<16xi32>
      %shift_right_logical3A_431 = arith.constant 10 : i32
      %shift_right_logical3A_432 = vector.broadcast %shift_right_logical3A_431 : i32 to vector<16xi32>
      %shift_right_logical3A_433 = arith.shrui %bitcast_convert_type3A_408, %shift_right_logical3A_432 : vector<16xi32>
      %shift_right_logical3A_434 = arith.constant 10 : i32
      %shift_right_logical3A_435 = vector.broadcast %shift_right_logical3A_434 : i32 to vector<16xi32>
      %shift_right_logical3A_436 = arith.shrui %bitcast_convert_type3A_412, %shift_right_logical3A_435 : vector<16xi32>
      %and3A_437 = arith.constant 2047 : i32
      %and3A_438 = vector.broadcast %and3A_437 : i32 to vector<16xi32>
      %and3A_439 = arith.andi %shift_right_logical3A_415, %and3A_438 : vector<16xi32>
      %and3A_440 = arith.constant 2047 : i32
      %and3A_441 = vector.broadcast %and3A_440 : i32 to vector<16xi32>
      %and3A_442 = arith.andi %shift_right_logical3A_418, %and3A_441 : vector<16xi32>
      %and3A_443 = arith.constant 2047 : i32
      %and3A_444 = vector.broadcast %and3A_443 : i32 to vector<16xi32>
      %and3A_445 = arith.andi %shift_right_logical3A_421, %and3A_444 : vector<16xi32>
      %and3A_446 = arith.constant 2047 : i32
      %and3A_447 = vector.broadcast %and3A_446 : i32 to vector<16xi32>
      %and3A_448 = arith.andi %shift_right_logical3A_424, %and3A_447 : vector<16xi32>
      %and3A_449 = arith.constant 2047 : i32
      %and3A_450 = vector.broadcast %and3A_449 : i32 to vector<16xi32>
      %and3A_451 = arith.andi %shift_right_logical3A_427, %and3A_450 : vector<16xi32>
      %and3A_452 = arith.constant 2047 : i32
      %and3A_453 = vector.broadcast %and3A_452 : i32 to vector<16xi32>
      %and3A_454 = arith.andi %shift_right_logical3A_430, %and3A_453 : vector<16xi32>
      %and3A_455 = arith.constant 2047 : i32
      %and3A_456 = vector.broadcast %and3A_455 : i32 to vector<16xi32>
      %and3A_457 = arith.andi %shift_right_logical3A_433, %and3A_456 : vector<16xi32>
      %and3A_458 = arith.constant 2047 : i32
      %and3A_459 = vector.broadcast %and3A_458 : i32 to vector<16xi32>
      %and3A_460 = arith.andi %shift_right_logical3A_436, %and3A_459 : vector<16xi32>
      %shift_right_logical3A_461 = arith.constant 21 : i32
      %shift_right_logical3A_462 = vector.broadcast %shift_right_logical3A_461 : i32 to vector<16xi32>
      %shift_right_logical3A_463 = arith.shrui %bitcast_convert_type3A_384, %shift_right_logical3A_462 : vector<16xi32>
      %eq3A_464 = vector.broadcast %scan3A_38#1 : i32 to vector<16xi32>
      %eq3A_465 = arith.cmpi eq, %shift_right_logical3A_463, %eq3A_464 : vector<16xi32>
      %shift_right_logical3A_466 = arith.constant 21 : i32
      %shift_right_logical3A_467 = vector.broadcast %shift_right_logical3A_466 : i32 to vector<16xi32>
      %shift_right_logical3A_468 = arith.shrui %bitcast_convert_type3A_388, %shift_right_logical3A_467 : vector<16xi32>
      %eq3A_469 = vector.broadcast %scan3A_38#1 : i32 to vector<16xi32>
      %eq3A_470 = arith.cmpi eq, %shift_right_logical3A_468, %eq3A_469 : vector<16xi32>
      %shift_right_logical3A_471 = arith.constant 21 : i32
      %shift_right_logical3A_472 = vector.broadcast %shift_right_logical3A_471 : i32 to vector<16xi32>
      %shift_right_logical3A_473 = arith.shrui %bitcast_convert_type3A_392, %shift_right_logical3A_472 : vector<16xi32>
      %eq3A_474 = vector.broadcast %scan3A_38#1 : i32 to vector<16xi32>
      %eq3A_475 = arith.cmpi eq, %shift_right_logical3A_473, %eq3A_474 : vector<16xi32>
      %shift_right_logical3A_476 = arith.constant 21 : i32
      %shift_right_logical3A_477 = vector.broadcast %shift_right_logical3A_476 : i32 to vector<16xi32>
      %shift_right_logical3A_478 = arith.shrui %bitcast_convert_type3A_396, %shift_right_logical3A_477 : vector<16xi32>
      %eq3A_479 = vector.broadcast %scan3A_38#1 : i32 to vector<16xi32>
      %eq3A_480 = arith.cmpi eq, %shift_right_logical3A_478, %eq3A_479 : vector<16xi32>
      %shift_right_logical3A_481 = arith.constant 21 : i32
      %shift_right_logical3A_482 = vector.broadcast %shift_right_logical3A_481 : i32 to vector<16xi32>
      %shift_right_logical3A_483 = arith.shrui %bitcast_convert_type3A_400, %shift_right_logical3A_482 : vector<16xi32>
      %eq3A_484 = vector.broadcast %scan3A_38#1 : i32 to vector<16xi32>
      %eq3A_485 = arith.cmpi eq, %shift_right_logical3A_483, %eq3A_484 : vector<16xi32>
      %shift_right_logical3A_486 = arith.constant 21 : i32
      %shift_right_logical3A_487 = vector.broadcast %shift_right_logical3A_486 : i32 to vector<16xi32>
      %shift_right_logical3A_488 = arith.shrui %bitcast_convert_type3A_404, %shift_right_logical3A_487 : vector<16xi32>
      %eq3A_489 = vector.broadcast %scan3A_38#1 : i32 to vector<16xi32>
      %eq3A_490 = arith.cmpi eq, %shift_right_logical3A_488, %eq3A_489 : vector<16xi32>
      %shift_right_logical3A_491 = arith.constant 21 : i32
      %shift_right_logical3A_492 = vector.broadcast %shift_right_logical3A_491 : i32 to vector<16xi32>
      %shift_right_logical3A_493 = arith.shrui %bitcast_convert_type3A_408, %shift_right_logical3A_492 : vector<16xi32>
      %eq3A_494 = vector.broadcast %scan3A_38#1 : i32 to vector<16xi32>
      %eq3A_495 = arith.cmpi eq, %shift_right_logical3A_493, %eq3A_494 : vector<16xi32>
      %shift_right_logical3A_496 = arith.constant 21 : i32
      %shift_right_logical3A_497 = vector.broadcast %shift_right_logical3A_496 : i32 to vector<16xi32>
      %shift_right_logical3A_498 = arith.shrui %bitcast_convert_type3A_412, %shift_right_logical3A_497 : vector<16xi32>
      %eq3A_499 = vector.broadcast %scan3A_38#1 : i32 to vector<16xi32>
      %eq3A_500 = arith.cmpi eq, %shift_right_logical3A_498, %eq3A_499 : vector<16xi32>
      tpu.vector_store_idx %arg5[%and3A_319], %broadcast_in_dim3A_10 masked %eq3A_345 {add = true} : memref<2048xf32, #tpu.memory_space<vmem>>[vector<16xi32>], vector<16xf32>, vector<16xi1>
      tpu.vector_store_idx %arg5[%and3A_322], %broadcast_in_dim3A_10 masked %eq3A_350 {add = true} : memref<2048xf32, #tpu.memory_space<vmem>>[vector<16xi32>], vector<16xf32>, vector<16xi1>
      tpu.vector_store_idx %arg5[%and3A_325], %broadcast_in_dim3A_10 masked %eq3A_355 {add = true} : memref<2048xf32, #tpu.memory_space<vmem>>[vector<16xi32>], vector<16xf32>, vector<16xi1>
      tpu.vector_store_idx %arg5[%and3A_328], %broadcast_in_dim3A_10 masked %eq3A_360 {add = true} : memref<2048xf32, #tpu.memory_space<vmem>>[vector<16xi32>], vector<16xf32>, vector<16xi1>
      tpu.vector_store_idx %arg5[%and3A_331], %broadcast_in_dim3A_10 masked %eq3A_365 {add = true} : memref<2048xf32, #tpu.memory_space<vmem>>[vector<16xi32>], vector<16xf32>, vector<16xi1>
      tpu.vector_store_idx %arg5[%and3A_334], %broadcast_in_dim3A_10 masked %eq3A_370 {add = true} : memref<2048xf32, #tpu.memory_space<vmem>>[vector<16xi32>], vector<16xf32>, vector<16xi1>
      tpu.vector_store_idx %arg5[%and3A_337], %broadcast_in_dim3A_10 masked %eq3A_375 {add = true} : memref<2048xf32, #tpu.memory_space<vmem>>[vector<16xi32>], vector<16xf32>, vector<16xi1>
      tpu.vector_store_idx %arg5[%and3A_340], %broadcast_in_dim3A_10 masked %eq3A_380 {add = true} : memref<2048xf32, #tpu.memory_space<vmem>>[vector<16xi32>], vector<16xf32>, vector<16xi1>
      tpu.vector_store_idx %arg5[%and3A_439], %broadcast_in_dim3A_10 masked %eq3A_465 {add = true} : memref<2048xf32, #tpu.memory_space<vmem>>[vector<16xi32>], vector<16xf32>, vector<16xi1>
      tpu.vector_store_idx %arg5[%and3A_442], %broadcast_in_dim3A_10 masked %eq3A_470 {add = true} : memref<2048xf32, #tpu.memory_space<vmem>>[vector<16xi32>], vector<16xf32>, vector<16xi1>
      tpu.vector_store_idx %arg5[%and3A_445], %broadcast_in_dim3A_10 masked %eq3A_475 {add = true} : memref<2048xf32, #tpu.memory_space<vmem>>[vector<16xi32>], vector<16xf32>, vector<16xi1>
      tpu.vector_store_idx %arg5[%and3A_448], %broadcast_in_dim3A_10 masked %eq3A_480 {add = true} : memref<2048xf32, #tpu.memory_space<vmem>>[vector<16xi32>], vector<16xf32>, vector<16xi1>
      tpu.vector_store_idx %arg5[%and3A_451], %broadcast_in_dim3A_10 masked %eq3A_485 {add = true} : memref<2048xf32, #tpu.memory_space<vmem>>[vector<16xi32>], vector<16xf32>, vector<16xi1>
      tpu.vector_store_idx %arg5[%and3A_454], %broadcast_in_dim3A_10 masked %eq3A_490 {add = true} : memref<2048xf32, #tpu.memory_space<vmem>>[vector<16xi32>], vector<16xf32>, vector<16xi1>
      tpu.vector_store_idx %arg5[%and3A_457], %broadcast_in_dim3A_10 masked %eq3A_495 {add = true} : memref<2048xf32, #tpu.memory_space<vmem>>[vector<16xi32>], vector<16xf32>, vector<16xi1>
      tpu.vector_store_idx %arg5[%and3A_460], %broadcast_in_dim3A_10 masked %eq3A_500 {add = true} : memref<2048xf32, #tpu.memory_space<vmem>>[vector<16xi32>], vector<16xf32>, vector<16xi1>
    }
    %scan3A_52 = arith.constant 192 : i32
    "tpu.region"() ({
      %run_scoped3A = tpu.sem_alloc : memref<!tpu.dma_semaphore, #tpu.memory_space<semaphore_mem>>
      %dma_start3A = arith.constant 0 : i32
      %dma_start3A_140 = tpu.memref_slice %arg8[%arg1, %dma_start3A] : memref<16x2048xf32, #tpu.memory_space<vmem_shared>> -> memref<1x2048xf32, #tpu.memory_space<vmem_shared>>
      %dma_start3A_141 = tpu.memref_squeeze %dma_start3A_140 : memref<1x2048xf32, #tpu.memory_space<vmem_shared>> -> memref<2048xf32, #tpu.memory_space<vmem_shared>>
      %dma_start3A_142 = arith.constant 0 : i32
      %dma_start3A_143 = tpu.memref_slice %arg8[%arg1, %dma_start3A_142] : memref<16x2048xf32, #tpu.memory_space<vmem_shared>> -> memref<1x2048xf32, #tpu.memory_space<vmem_shared>>
      %dma_start3A_144 = tpu.memref_squeeze %dma_start3A_143 : memref<1x2048xf32, #tpu.memory_space<vmem_shared>> -> memref<2048xf32, #tpu.memory_space<vmem_shared>>
      tpu.enqueue_dma source(%arg5 : memref<2048xf32, #tpu.memory_space<vmem>>) target(%dma_start3A_144 : memref<2048xf32, #tpu.memory_space<vmem_shared>>) target_semaphore(%run_scoped3A : memref<!tpu.dma_semaphore, #tpu.memory_space<semaphore_mem>>)
      %dma_wait3A = arith.constant 0 : i32
      %dma_wait3A_145 = tpu.memref_slice %arg8[%arg1, %dma_wait3A] : memref<16x2048xf32, #tpu.memory_space<vmem_shared>> -> memref<1x2048xf32, #tpu.memory_space<vmem_shared>>
      %dma_wait3A_146 = tpu.memref_squeeze %dma_wait3A_145 : memref<1x2048xf32, #tpu.memory_space<vmem_shared>> -> memref<2048xf32, #tpu.memory_space<vmem_shared>>
      %dma_wait3A_147 = arith.constant 0 : i32
      %dma_wait3A_148 = tpu.memref_slice %arg8[%arg1, %dma_wait3A_147] : memref<16x2048xf32, #tpu.memory_space<vmem_shared>> -> memref<1x2048xf32, #tpu.memory_space<vmem_shared>>
      %dma_wait3A_149 = tpu.memref_squeeze %dma_wait3A_148 : memref<1x2048xf32, #tpu.memory_space<vmem_shared>> -> memref<2048xf32, #tpu.memory_space<vmem_shared>>
      tpu.wait_dma2 semaphore(%run_scoped3A : memref<!tpu.dma_semaphore, #tpu.memory_space<semaphore_mem>>) src(%arg5 : memref<2048xf32, #tpu.memory_space<vmem>>) dst(%dma_wait3A_149 : memref<2048xf32, #tpu.memory_space<vmem_shared>>)
      tpu.yield
    }) : () -> ()
    %barrier3A_53 = arith.constant 0 : index
    tpu.barrier barrier_id(%barrier3A_53)
    "tpu.region"() ({
      %run_scoped3A = tpu.sem_alloc : memref<!tpu.dma_semaphore, #tpu.memory_space<semaphore_mem>>
      %dma_start3A = arith.constant 0 : i32
      %dma_start3A_140 = tpu.memref_slice %arg8[%xor3A_3, %dma_start3A] : memref<16x2048xf32, #tpu.memory_space<vmem_shared>> -> memref<1x2048xf32, #tpu.memory_space<vmem_shared>>
      %dma_start3A_141 = tpu.memref_squeeze %dma_start3A_140 : memref<1x2048xf32, #tpu.memory_space<vmem_shared>> -> memref<2048xf32, #tpu.memory_space<vmem_shared>>
      %dma_start3A_142 = arith.constant 0 : i32
      %dma_start3A_143 = tpu.memref_slice %arg8[%xor3A_3, %dma_start3A_142] : memref<16x2048xf32, #tpu.memory_space<vmem_shared>> -> memref<1x2048xf32, #tpu.memory_space<vmem_shared>>
      %dma_start3A_144 = tpu.memref_squeeze %dma_start3A_143 : memref<1x2048xf32, #tpu.memory_space<vmem_shared>> -> memref<2048xf32, #tpu.memory_space<vmem_shared>>
      tpu.enqueue_dma source(%dma_start3A_144 : memref<2048xf32, #tpu.memory_space<vmem_shared>>) target(%arg6 : memref<2048xf32, #tpu.memory_space<vmem>>) target_semaphore(%run_scoped3A : memref<!tpu.dma_semaphore, #tpu.memory_space<semaphore_mem>>)
      %dma_wait3A = arith.constant 0 : i32
      %dma_wait3A_145 = tpu.memref_slice %arg8[%xor3A_3, %dma_wait3A] : memref<16x2048xf32, #tpu.memory_space<vmem_shared>> -> memref<1x2048xf32, #tpu.memory_space<vmem_shared>>
      %dma_wait3A_146 = tpu.memref_squeeze %dma_wait3A_145 : memref<1x2048xf32, #tpu.memory_space<vmem_shared>> -> memref<2048xf32, #tpu.memory_space<vmem_shared>>
      %dma_wait3A_147 = arith.constant 0 : i32
      %dma_wait3A_148 = tpu.memref_slice %arg8[%xor3A_3, %dma_wait3A_147] : memref<16x2048xf32, #tpu.memory_space<vmem_shared>> -> memref<1x2048xf32, #tpu.memory_space<vmem_shared>>
      %dma_wait3A_149 = tpu.memref_squeeze %dma_wait3A_148 : memref<1x2048xf32, #tpu.memory_space<vmem_shared>> -> memref<2048xf32, #tpu.memory_space<vmem_shared>>
      tpu.wait_dma2 semaphore(%run_scoped3A : memref<!tpu.dma_semaphore, #tpu.memory_space<semaphore_mem>>) src(%dma_wait3A_149 : memref<2048xf32, #tpu.memory_space<vmem_shared>>) dst(%arg6 : memref<2048xf32, #tpu.memory_space<vmem>>)
      tpu.yield
    }) : () -> ()
    %barrier3A_54 = arith.constant 0 : index
    tpu.barrier barrier_id(%barrier3A_54)
    %scan3A_55 = arith.constant 0 : i32
    %scan3A_56 = arith.constant 0 : i32
    %scan3A_57 = arith.constant 16 : i32
    %scan3A_58 = arith.addi %scan3A_56, %scan3A_57 : i32
    %scan3A_59 = arith.constant 1 : i32
    scf.for %scan3A_140 = %scan3A_56 to %scan3A_58 step %scan3A_59  : i32 {
      %mul3A_141 = arith.constant 8 : i32
      %mul3A_142 = arith.muli %scan3A_140, %mul3A_141 : i32
      %add3A_143 = arith.constant 0 : i32
      %add3A_144 = arith.addi %mul3A_142, %add3A_143 : i32
      %mul3A_145 = arith.constant 16 : i32
      %mul3A_146 = arith.muli %add3A_144, %mul3A_145 : i32
      %get3A_147 = arith.index_cast %mul3A_146 : i32 to index
      %get3A_148 = tpu.vector_load %arg5[%get3A_147] {strides = array<i32>} : memref<2048xf32, #tpu.memory_space<vmem>>, vector<16xf32>,
      %get3A_149 = arith.index_cast %mul3A_146 : i32 to index
      %get3A_150 = tpu.vector_load %arg6[%get3A_149] {strides = array<i32>} : memref<2048xf32, #tpu.memory_space<vmem>>, vector<16xf32>,
      %add3A_151 = arith.addf %get3A_148, %get3A_150 : vector<16xf32>
      %swap3A_152 = arith.index_cast %mul3A_146 : i32 to index
      %swap3A_153 = tpu.vector_load %arg5[%swap3A_152] {strides = array<i32>} : memref<2048xf32, #tpu.memory_space<vmem>>, vector<16xf32>,
      tpu.vector_store %arg5[%swap3A_152], %add3A_151 {strides = array<i32>} : memref<2048xf32, #tpu.memory_space<vmem>>, vector<16xf32>,
      %mul3A_154 = arith.constant 8 : i32
      %mul3A_155 = arith.muli %scan3A_140, %mul3A_154 : i32
      %add3A_156 = arith.constant 1 : i32
      %add3A_157 = arith.addi %mul3A_155, %add3A_156 : i32
      %mul3A_158 = arith.constant 16 : i32
      %mul3A_159 = arith.muli %add3A_157, %mul3A_158 : i32
      %get3A_160 = arith.index_cast %mul3A_159 : i32 to index
      %get3A_161 = tpu.vector_load %arg5[%get3A_160] {strides = array<i32>} : memref<2048xf32, #tpu.memory_space<vmem>>, vector<16xf32>,
      %get3A_162 = arith.index_cast %mul3A_159 : i32 to index
      %get3A_163 = tpu.vector_load %arg6[%get3A_162] {strides = array<i32>} : memref<2048xf32, #tpu.memory_space<vmem>>, vector<16xf32>,
      %add3A_164 = arith.addf %get3A_161, %get3A_163 : vector<16xf32>
      %swap3A_165 = arith.index_cast %mul3A_159 : i32 to index
      %swap3A_166 = tpu.vector_load %arg5[%swap3A_165] {strides = array<i32>} : memref<2048xf32, #tpu.memory_space<vmem>>, vector<16xf32>,
      tpu.vector_store %arg5[%swap3A_165], %add3A_164 {strides = array<i32>} : memref<2048xf32, #tpu.memory_space<vmem>>, vector<16xf32>,
      %mul3A_167 = arith.constant 8 : i32
      %mul3A_168 = arith.muli %scan3A_140, %mul3A_167 : i32
      %add3A_169 = arith.constant 2 : i32
      %add3A_170 = arith.addi %mul3A_168, %add3A_169 : i32
      %mul3A_171 = arith.constant 16 : i32
      %mul3A_172 = arith.muli %add3A_170, %mul3A_171 : i32
      %get3A_173 = arith.index_cast %mul3A_172 : i32 to index
      %get3A_174 = tpu.vector_load %arg5[%get3A_173] {strides = array<i32>} : memref<2048xf32, #tpu.memory_space<vmem>>, vector<16xf32>,
      %get3A_175 = arith.index_cast %mul3A_172 : i32 to index
      %get3A_176 = tpu.vector_load %arg6[%get3A_175] {strides = array<i32>} : memref<2048xf32, #tpu.memory_space<vmem>>, vector<16xf32>,
      %add3A_177 = arith.addf %get3A_174, %get3A_176 : vector<16xf32>
      %swap3A_178 = arith.index_cast %mul3A_172 : i32 to index
      %swap3A_179 = tpu.vector_load %arg5[%swap3A_178] {strides = array<i32>} : memref<2048xf32, #tpu.memory_space<vmem>>, vector<16xf32>,
      tpu.vector_store %arg5[%swap3A_178], %add3A_177 {strides = array<i32>} : memref<2048xf32, #tpu.memory_space<vmem>>, vector<16xf32>,
      %mul3A_180 = arith.constant 8 : i32
      %mul3A_181 = arith.muli %scan3A_140, %mul3A_180 : i32
      %add3A_182 = arith.constant 3 : i32
      %add3A_183 = arith.addi %mul3A_181, %add3A_182 : i32
      %mul3A_184 = arith.constant 16 : i32
      %mul3A_185 = arith.muli %add3A_183, %mul3A_184 : i32
      %get3A_186 = arith.index_cast %mul3A_185 : i32 to index
      %get3A_187 = tpu.vector_load %arg5[%get3A_186] {strides = array<i32>} : memref<2048xf32, #tpu.memory_space<vmem>>, vector<16xf32>,
      %get3A_188 = arith.index_cast %mul3A_185 : i32 to index
      %get3A_189 = tpu.vector_load %arg6[%get3A_188] {strides = array<i32>} : memref<2048xf32, #tpu.memory_space<vmem>>, vector<16xf32>,
      %add3A_190 = arith.addf %get3A_187, %get3A_189 : vector<16xf32>
      %swap3A_191 = arith.index_cast %mul3A_185 : i32 to index
      %swap3A_192 = tpu.vector_load %arg5[%swap3A_191] {strides = array<i32>} : memref<2048xf32, #tpu.memory_space<vmem>>, vector<16xf32>,
      tpu.vector_store %arg5[%swap3A_191], %add3A_190 {strides = array<i32>} : memref<2048xf32, #tpu.memory_space<vmem>>, vector<16xf32>,
      %mul3A_193 = arith.constant 8 : i32
      %mul3A_194 = arith.muli %scan3A_140, %mul3A_193 : i32
      %add3A_195 = arith.constant 4 : i32
      %add3A_196 = arith.addi %mul3A_194, %add3A_195 : i32
      %mul3A_197 = arith.constant 16 : i32
      %mul3A_198 = arith.muli %add3A_196, %mul3A_197 : i32
      %get3A_199 = arith.index_cast %mul3A_198 : i32 to index
      %get3A_200 = tpu.vector_load %arg5[%get3A_199] {strides = array<i32>} : memref<2048xf32, #tpu.memory_space<vmem>>, vector<16xf32>,
      %get3A_201 = arith.index_cast %mul3A_198 : i32 to index
      %get3A_202 = tpu.vector_load %arg6[%get3A_201] {strides = array<i32>} : memref<2048xf32, #tpu.memory_space<vmem>>, vector<16xf32>,
      %add3A_203 = arith.addf %get3A_200, %get3A_202 : vector<16xf32>
      %swap3A_204 = arith.index_cast %mul3A_198 : i32 to index
      %swap3A_205 = tpu.vector_load %arg5[%swap3A_204] {strides = array<i32>} : memref<2048xf32, #tpu.memory_space<vmem>>, vector<16xf32>,
      tpu.vector_store %arg5[%swap3A_204], %add3A_203 {strides = array<i32>} : memref<2048xf32, #tpu.memory_space<vmem>>, vector<16xf32>,
      %mul3A_206 = arith.constant 8 : i32
      %mul3A_207 = arith.muli %scan3A_140, %mul3A_206 : i32
      %add3A_208 = arith.constant 5 : i32
      %add3A_209 = arith.addi %mul3A_207, %add3A_208 : i32
      %mul3A_210 = arith.constant 16 : i32
      %mul3A_211 = arith.muli %add3A_209, %mul3A_210 : i32
      %get3A_212 = arith.index_cast %mul3A_211 : i32 to index
      %get3A_213 = tpu.vector_load %arg5[%get3A_212] {strides = array<i32>} : memref<2048xf32, #tpu.memory_space<vmem>>, vector<16xf32>,
      %get3A_214 = arith.index_cast %mul3A_211 : i32 to index
      %get3A_215 = tpu.vector_load %arg6[%get3A_214] {strides = array<i32>} : memref<2048xf32, #tpu.memory_space<vmem>>, vector<16xf32>,
      %add3A_216 = arith.addf %get3A_213, %get3A_215 : vector<16xf32>
      %swap3A_217 = arith.index_cast %mul3A_211 : i32 to index
      %swap3A_218 = tpu.vector_load %arg5[%swap3A_217] {strides = array<i32>} : memref<2048xf32, #tpu.memory_space<vmem>>, vector<16xf32>,
      tpu.vector_store %arg5[%swap3A_217], %add3A_216 {strides = array<i32>} : memref<2048xf32, #tpu.memory_space<vmem>>, vector<16xf32>,
      %mul3A_219 = arith.constant 8 : i32
      %mul3A_220 = arith.muli %scan3A_140, %mul3A_219 : i32
      %add3A_221 = arith.constant 6 : i32
      %add3A_222 = arith.addi %mul3A_220, %add3A_221 : i32
      %mul3A_223 = arith.constant 16 : i32
      %mul3A_224 = arith.muli %add3A_222, %mul3A_223 : i32
      %get3A_225 = arith.index_cast %mul3A_224 : i32 to index
      %get3A_226 = tpu.vector_load %arg5[%get3A_225] {strides = array<i32>} : memref<2048xf32, #tpu.memory_space<vmem>>, vector<16xf32>,
      %get3A_227 = arith.index_cast %mul3A_224 : i32 to index
      %get3A_228 = tpu.vector_load %arg6[%get3A_227] {strides = array<i32>} : memref<2048xf32, #tpu.memory_space<vmem>>, vector<16xf32>,
      %add3A_229 = arith.addf %get3A_226, %get3A_228 : vector<16xf32>
      %swap3A_230 = arith.index_cast %mul3A_224 : i32 to index
      %swap3A_231 = tpu.vector_load %arg5[%swap3A_230] {strides = array<i32>} : memref<2048xf32, #tpu.memory_space<vmem>>, vector<16xf32>,
      tpu.vector_store %arg5[%swap3A_230], %add3A_229 {strides = array<i32>} : memref<2048xf32, #tpu.memory_space<vmem>>, vector<16xf32>,
      %mul3A_232 = arith.constant 8 : i32
      %mul3A_233 = arith.muli %scan3A_140, %mul3A_232 : i32
      %add3A_234 = arith.constant 7 : i32
      %add3A_235 = arith.addi %mul3A_233, %add3A_234 : i32
      %mul3A_236 = arith.constant 16 : i32
      %mul3A_237 = arith.muli %add3A_235, %mul3A_236 : i32
      %get3A_238 = arith.index_cast %mul3A_237 : i32 to index
      %get3A_239 = tpu.vector_load %arg5[%get3A_238] {strides = array<i32>} : memref<2048xf32, #tpu.memory_space<vmem>>, vector<16xf32>,
      %get3A_240 = arith.index_cast %mul3A_237 : i32 to index
      %get3A_241 = tpu.vector_load %arg6[%get3A_240] {strides = array<i32>} : memref<2048xf32, #tpu.memory_space<vmem>>, vector<16xf32>,
      %add3A_242 = arith.addf %get3A_239, %get3A_241 : vector<16xf32>
      %swap3A_243 = arith.index_cast %mul3A_237 : i32 to index
      %swap3A_244 = tpu.vector_load %arg5[%swap3A_243] {strides = array<i32>} : memref<2048xf32, #tpu.memory_space<vmem>>, vector<16xf32>,
      tpu.vector_store %arg5[%swap3A_243], %add3A_242 {strides = array<i32>} : memref<2048xf32, #tpu.memory_space<vmem>>, vector<16xf32>,
    }
    %scan3A_60 = arith.constant 16 : i32
    %scan3A_61 = arith.constant false
    %scan3A_62 = arith.constant 0 : i32
    %scan3A_63 = arith.constant 0.000000e+00 : f32
    %scan3A_64 = arith.constant 0.000000e+00 : f32
    %scan3A_65 = arith.constant 0 : i32
    %scan3A_66 = arith.constant 128 : i32
    %scan3A_67 = arith.addi %scan3A_65, %scan3A_66 : i32
    %scan3A_68 = arith.constant 1 : i32
    %scan3A_69:4 = scf.for %scan3A_140 = %scan3A_65 to %scan3A_67 step %scan3A_68 iter_args(%scan3A_141 = %scan3A_61, %scan3A_142 = %scan3A_62, %scan3A_143 = %scan3A_63, %scan3A_144 = %scan3A_64) -> (i1, i32, f32, f32)  : i32 {
      %sub3A_145 = arith.constant 127 : i32
      %sub3A_146 = arith.subi %sub3A_145, %scan3A_140 : i32
      %mul3A_147 = arith.constant 16 : i32
      %mul3A_148 = arith.muli %sub3A_146, %mul3A_147 : i32
      %get3A_149 = arith.index_cast %mul3A_148 : i32 to index
      %get3A_150 = tpu.vector_load %arg5[%get3A_149] {strides = array<i32>} : memref<2048xf32, #tpu.memory_space<vmem>>, vector<16xf32>,
      %reduce_sum3A_151 = arith.constant true
      %reduce_sum3A_152 = vector.broadcast %reduce_sum3A_151 : i1 to vector<16xi1>
      %reduce_sum3A_153 = tpu.scan <sum>, %get3A_150 masked %reduce_sum3A_152 : vector<16xf32>, vector<16xi1> -> vector<16xf32>
      %reduce_sum3A_154 = vector.extract %reduce_sum3A_153[15] : f32 from vector<16xf32>
      %rev3A = arith.constant 15 : i32
      %rev3A_155 = vector.broadcast %rev3A : i32 to vector<16xi32>
      %rev3A_156 = tpu.iota {dimensions = array<i32: 0>} : vector<16xi32>
      %rev3A_157 = arith.subi %rev3A_155, %rev3A_156 : vector<16xi32>
      %rev3A_158 = tpu.dynamic_gather %get3A_150[%rev3A_157] in [0] : vector<16xf32>, vector<16xi32> -> vector<16xf32>
      %broadcast_in_dim3A_159 = arith.constant true
      %broadcast_in_dim3A_160 = vector.broadcast %broadcast_in_dim3A_159 : i1 to vector<16xi1>
      %masked_cumsum3A = tpu.scan <sum>, %rev3A_158 masked %broadcast_in_dim3A_160 : vector<16xf32>, vector<16xi1> -> vector<16xf32>
      %rev3A_161 = arith.constant 15 : i32
      %rev3A_162 = vector.broadcast %rev3A_161 : i32 to vector<16xi32>
      %rev3A_163 = tpu.iota {dimensions = array<i32: 0>} : vector<16xi32>
      %rev3A_164 = arith.subi %rev3A_162, %rev3A_163 : vector<16xi32>
      %rev3A_165 = tpu.dynamic_gather %masked_cumsum3A[%rev3A_164] in [0] : vector<16xf32>, vector<16xi32> -> vector<16xf32>
      %add3A_166 = vector.broadcast %scan3A_144 : f32 to vector<16xf32>
      %add3A_167 = arith.addf %add3A_166, %rev3A_165 : vector<16xf32>
      %ge3A = vector.broadcast %sub3A_40 : f32 to vector<16xf32>
      %ge3A_168 = arith.cmpf oge, %add3A_167, %ge3A : vector<16xf32>
      %all_reduce_population_count3A = tpu.all_reduce %ge3A_168 {dim = 0 : i64, kind = #tpu.reduction_kind<sum>} : vector<16xi1> -> vector<16xi32>
      %reduce_max3A_169 = arith.constant true
      %reduce_max3A_170 = vector.broadcast %reduce_max3A_169 : i1 to vector<16xi1>
      %reduce_max3A_171 = arith.constant -2147483648 : i32
      %reduce_max3A_172 = vector.broadcast %reduce_max3A_171 : i32 to vector<16xi32>
      %reduce_max3A_173 = arith.xori %all_reduce_population_count3A, %reduce_max3A_172 : vector<16xi32>
      %reduce_max3A_174 = tpu.scan <max>, %reduce_max3A_173 masked %reduce_max3A_170 : vector<16xi32>, vector<16xi1> -> vector<16xi32>
      %reduce_max3A_175 = arith.xori %reduce_max3A_174, %reduce_max3A_172 : vector<16xi32>
      %reduce_max3A_176 = vector.extract %reduce_max3A_175[15] : i32 from vector<16xi32>
      %not3A = arith.constant true
      %not3A_177 = arith.xori %scan3A_141, %not3A : i1
      %ge3A_178 = arith.constant 1 : i32
      %ge3A_179 = arith.cmpi sge, %reduce_max3A_176, %ge3A_178 : i32
      %and3A_180 = arith.andi %not3A_177, %ge3A_179 : i1
      %sub3A_181 = arith.constant 1 : i32
      %sub3A_182 = arith.subi %reduce_max3A_176, %sub3A_181 : i32
      %gt3A = vector.broadcast %sub3A_182 : i32 to vector<16xi32>
      %gt3A_183 = arith.cmpi sgt, %iota3A, %gt3A : vector<16xi32>
      %jit3A = arith.constant 0.000000e+00 : f32
      %broadcast_in_dim3A_184 = vector.broadcast %jit3A : f32 to vector<16xf32>
      %select_n3A = arith.select %gt3A_183, %get3A_150, %broadcast_in_dim3A_184 : vector<16xi1>, vector<16xf32>
      %reduce_sum3A_185 = arith.constant true
      %reduce_sum3A_186 = vector.broadcast %reduce_sum3A_185 : i1 to vector<16xi1>
      %reduce_sum3A_187 = tpu.scan <sum>, %select_n3A masked %reduce_sum3A_186 : vector<16xf32>, vector<16xi1> -> vector<16xf32>
      %reduce_sum3A_188 = vector.extract %reduce_sum3A_187[15] : f32 from vector<16xf32>
      %add3A_189 = arith.addf %scan3A_144, %reduce_sum3A_188 : f32
      %mul3A_190 = arith.constant 16 : i32
      %mul3A_191 = arith.muli %sub3A_146, %mul3A_190 : i32
      %add3A_192 = arith.addi %mul3A_191, %sub3A_182 : i32
      %select_n3A_193 = arith.select %and3A_180, %add3A_192, %scan3A_142 : i32
      %select_n3A_194 = arith.select %and3A_180, %add3A_189, %scan3A_143 : f32
      %or3A_195 = arith.ori %scan3A_141, %and3A_180 : i1
      %add3A_196 = arith.addf %scan3A_144, %reduce_sum3A_154 : f32
      scf.yield %or3A_195, %select_n3A_193, %select_n3A_194, %add3A_196 : i1, i32, f32, f32
    }
    %scan3A_70 = arith.constant 128 : i32
    %sub3A_71 = arith.subf %sub3A_40, %scan3A_69#2 : f32
    %shift_left3A = arith.constant 11 : i32
    %shift_left3A_72 = arith.shli %scan3A_38#1, %shift_left3A : i32
    %or3A = arith.ori %shift_left3A_72, %scan3A_69#1 : i32
    %scan3A_73 = arith.constant 0 : i32
    %scan3A_74 = arith.constant 0 : i32
    %scan3A_75 = arith.constant 16 : i32
    %scan3A_76 = arith.addi %scan3A_74, %scan3A_75 : i32
    %scan3A_77 = arith.constant 1 : i32
    scf.for %scan3A_140 = %scan3A_74 to %scan3A_76 step %scan3A_77  : i32 {
      %broadcast_in_dim3A_141 = arith.constant 0.000000e+00 : f32
      %broadcast_in_dim3A_142 = vector.broadcast %broadcast_in_dim3A_141 : f32 to vector<16xf32>
      %mul3A_143 = arith.constant 8 : i32
      %mul3A_144 = arith.muli %scan3A_140, %mul3A_143 : i32
      %add3A_145 = arith.constant 0 : i32
      %add3A_146 = arith.addi %mul3A_144, %add3A_145 : i32
      %mul3A_147 = arith.constant 16 : i32
      %mul3A_148 = arith.muli %add3A_146, %mul3A_147 : i32
      %swap3A_149 = arith.index_cast %mul3A_148 : i32 to index
      %swap3A_150 = tpu.vector_load %arg5[%swap3A_149] {strides = array<i32>} : memref<2048xf32, #tpu.memory_space<vmem>>, vector<16xf32>,
      tpu.vector_store %arg5[%swap3A_149], %broadcast_in_dim3A_142 {strides = array<i32>} : memref<2048xf32, #tpu.memory_space<vmem>>, vector<16xf32>,
      %broadcast_in_dim3A_151 = arith.constant 0.000000e+00 : f32
      %broadcast_in_dim3A_152 = vector.broadcast %broadcast_in_dim3A_151 : f32 to vector<16xf32>
      %mul3A_153 = arith.constant 8 : i32
      %mul3A_154 = arith.muli %scan3A_140, %mul3A_153 : i32
      %add3A_155 = arith.constant 1 : i32
      %add3A_156 = arith.addi %mul3A_154, %add3A_155 : i32
      %mul3A_157 = arith.constant 16 : i32
      %mul3A_158 = arith.muli %add3A_156, %mul3A_157 : i32
      %swap3A_159 = arith.index_cast %mul3A_158 : i32 to index
      %swap3A_160 = tpu.vector_load %arg5[%swap3A_159] {strides = array<i32>} : memref<2048xf32, #tpu.memory_space<vmem>>, vector<16xf32>,
      tpu.vector_store %arg5[%swap3A_159], %broadcast_in_dim3A_152 {strides = array<i32>} : memref<2048xf32, #tpu.memory_space<vmem>>, vector<16xf32>,
      %broadcast_in_dim3A_161 = arith.constant 0.000000e+00 : f32
      %broadcast_in_dim3A_162 = vector.broadcast %broadcast_in_dim3A_161 : f32 to vector<16xf32>
      %mul3A_163 = arith.constant 8 : i32
      %mul3A_164 = arith.muli %scan3A_140, %mul3A_163 : i32
      %add3A_165 = arith.constant 2 : i32
      %add3A_166 = arith.addi %mul3A_164, %add3A_165 : i32
      %mul3A_167 = arith.constant 16 : i32
      %mul3A_168 = arith.muli %add3A_166, %mul3A_167 : i32
      %swap3A_169 = arith.index_cast %mul3A_168 : i32 to index
      %swap3A_170 = tpu.vector_load %arg5[%swap3A_169] {strides = array<i32>} : memref<2048xf32, #tpu.memory_space<vmem>>, vector<16xf32>,
      tpu.vector_store %arg5[%swap3A_169], %broadcast_in_dim3A_162 {strides = array<i32>} : memref<2048xf32, #tpu.memory_space<vmem>>, vector<16xf32>,
      %broadcast_in_dim3A_171 = arith.constant 0.000000e+00 : f32
      %broadcast_in_dim3A_172 = vector.broadcast %broadcast_in_dim3A_171 : f32 to vector<16xf32>
      %mul3A_173 = arith.constant 8 : i32
      %mul3A_174 = arith.muli %scan3A_140, %mul3A_173 : i32
      %add3A_175 = arith.constant 3 : i32
      %add3A_176 = arith.addi %mul3A_174, %add3A_175 : i32
      %mul3A_177 = arith.constant 16 : i32
      %mul3A_178 = arith.muli %add3A_176, %mul3A_177 : i32
      %swap3A_179 = arith.index_cast %mul3A_178 : i32 to index
      %swap3A_180 = tpu.vector_load %arg5[%swap3A_179] {strides = array<i32>} : memref<2048xf32, #tpu.memory_space<vmem>>, vector<16xf32>,
      tpu.vector_store %arg5[%swap3A_179], %broadcast_in_dim3A_172 {strides = array<i32>} : memref<2048xf32, #tpu.memory_space<vmem>>, vector<16xf32>,
      %broadcast_in_dim3A_181 = arith.constant 0.000000e+00 : f32
      %broadcast_in_dim3A_182 = vector.broadcast %broadcast_in_dim3A_181 : f32 to vector<16xf32>
      %mul3A_183 = arith.constant 8 : i32
      %mul3A_184 = arith.muli %scan3A_140, %mul3A_183 : i32
      %add3A_185 = arith.constant 4 : i32
      %add3A_186 = arith.addi %mul3A_184, %add3A_185 : i32
      %mul3A_187 = arith.constant 16 : i32
      %mul3A_188 = arith.muli %add3A_186, %mul3A_187 : i32
      %swap3A_189 = arith.index_cast %mul3A_188 : i32 to index
      %swap3A_190 = tpu.vector_load %arg5[%swap3A_189] {strides = array<i32>} : memref<2048xf32, #tpu.memory_space<vmem>>, vector<16xf32>,
      tpu.vector_store %arg5[%swap3A_189], %broadcast_in_dim3A_182 {strides = array<i32>} : memref<2048xf32, #tpu.memory_space<vmem>>, vector<16xf32>,
      %broadcast_in_dim3A_191 = arith.constant 0.000000e+00 : f32
      %broadcast_in_dim3A_192 = vector.broadcast %broadcast_in_dim3A_191 : f32 to vector<16xf32>
      %mul3A_193 = arith.constant 8 : i32
      %mul3A_194 = arith.muli %scan3A_140, %mul3A_193 : i32
      %add3A_195 = arith.constant 5 : i32
      %add3A_196 = arith.addi %mul3A_194, %add3A_195 : i32
      %mul3A_197 = arith.constant 16 : i32
      %mul3A_198 = arith.muli %add3A_196, %mul3A_197 : i32
      %swap3A_199 = arith.index_cast %mul3A_198 : i32 to index
      %swap3A_200 = tpu.vector_load %arg5[%swap3A_199] {strides = array<i32>} : memref<2048xf32, #tpu.memory_space<vmem>>, vector<16xf32>,
      tpu.vector_store %arg5[%swap3A_199], %broadcast_in_dim3A_192 {strides = array<i32>} : memref<2048xf32, #tpu.memory_space<vmem>>, vector<16xf32>,
      %broadcast_in_dim3A_201 = arith.constant 0.000000e+00 : f32
      %broadcast_in_dim3A_202 = vector.broadcast %broadcast_in_dim3A_201 : f32 to vector<16xf32>
      %mul3A_203 = arith.constant 8 : i32
      %mul3A_204 = arith.muli %scan3A_140, %mul3A_203 : i32
      %add3A_205 = arith.constant 6 : i32
      %add3A_206 = arith.addi %mul3A_204, %add3A_205 : i32
      %mul3A_207 = arith.constant 16 : i32
      %mul3A_208 = arith.muli %add3A_206, %mul3A_207 : i32
      %swap3A_209 = arith.index_cast %mul3A_208 : i32 to index
      %swap3A_210 = tpu.vector_load %arg5[%swap3A_209] {strides = array<i32>} : memref<2048xf32, #tpu.memory_space<vmem>>, vector<16xf32>,
      tpu.vector_store %arg5[%swap3A_209], %broadcast_in_dim3A_202 {strides = array<i32>} : memref<2048xf32, #tpu.memory_space<vmem>>, vector<16xf32>,
      %broadcast_in_dim3A_211 = arith.constant 0.000000e+00 : f32
      %broadcast_in_dim3A_212 = vector.broadcast %broadcast_in_dim3A_211 : f32 to vector<16xf32>
      %mul3A_213 = arith.constant 8 : i32
      %mul3A_214 = arith.muli %scan3A_140, %mul3A_213 : i32
      %add3A_215 = arith.constant 7 : i32
      %add3A_216 = arith.addi %mul3A_214, %add3A_215 : i32
      %mul3A_217 = arith.constant 16 : i32
      %mul3A_218 = arith.muli %add3A_216, %mul3A_217 : i32
      %swap3A_219 = arith.index_cast %mul3A_218 : i32 to index
      %swap3A_220 = tpu.vector_load %arg5[%swap3A_219] {strides = array<i32>} : memref<2048xf32, #tpu.memory_space<vmem>>, vector<16xf32>,
      tpu.vector_store %arg5[%swap3A_219], %broadcast_in_dim3A_212 {strides = array<i32>} : memref<2048xf32, #tpu.memory_space<vmem>>, vector<16xf32>,
    }
    %scan3A_78 = arith.constant 16 : i32
    %scan3A_79 = arith.constant 0 : i32
    %scan3A_80 = arith.constant 0 : i32
    %scan3A_81 = arith.constant 192 : i32
    %scan3A_82 = arith.addi %scan3A_80, %scan3A_81 : i32
    %scan3A_83 = arith.constant 1 : i32
    scf.for %scan3A_140 = %scan3A_80 to %scan3A_82 step %scan3A_83  : i32 {
      %get3A_141 = arith.index_cast %scan3A_140 : i32 to index
      %get3A_142 = arith.constant 0 : index
      %get3A_143 = tpu.vector_load %arg4[%get3A_141, %get3A_142] {strides = array<i32>} : memref<192x384xf32, #tpu.memory_space<vmem>>, vector<16xf32>,
      %bitcast_convert_type3A_144 = tpu.bitcast %get3A_143 : vector<16xf32> -> vector<16xi32>
      %get3A_145 = arith.index_cast %scan3A_140 : i32 to index
      %get3A_146 = arith.constant 16 : index
      %get3A_147 = tpu.vector_load %arg4[%get3A_145, %get3A_146] {strides = array<i32>} : memref<192x384xf32, #tpu.memory_space<vmem>>, vector<16xf32>,
      %bitcast_convert_type3A_148 = tpu.bitcast %get3A_147 : vector<16xf32> -> vector<16xi32>
      %get3A_149 = arith.index_cast %scan3A_140 : i32 to index
      %get3A_150 = arith.constant 32 : index
      %get3A_151 = tpu.vector_load %arg4[%get3A_149, %get3A_150] {strides = array<i32>} : memref<192x384xf32, #tpu.memory_space<vmem>>, vector<16xf32>,
      %bitcast_convert_type3A_152 = tpu.bitcast %get3A_151 : vector<16xf32> -> vector<16xi32>
      %get3A_153 = arith.index_cast %scan3A_140 : i32 to index
      %get3A_154 = arith.constant 48 : index
      %get3A_155 = tpu.vector_load %arg4[%get3A_153, %get3A_154] {strides = array<i32>} : memref<192x384xf32, #tpu.memory_space<vmem>>, vector<16xf32>,
      %bitcast_convert_type3A_156 = tpu.bitcast %get3A_155 : vector<16xf32> -> vector<16xi32>
      %get3A_157 = arith.index_cast %scan3A_140 : i32 to index
      %get3A_158 = arith.constant 64 : index
      %get3A_159 = tpu.vector_load %arg4[%get3A_157, %get3A_158] {strides = array<i32>} : memref<192x384xf32, #tpu.memory_space<vmem>>, vector<16xf32>,
      %bitcast_convert_type3A_160 = tpu.bitcast %get3A_159 : vector<16xf32> -> vector<16xi32>
      %get3A_161 = arith.index_cast %scan3A_140 : i32 to index
      %get3A_162 = arith.constant 80 : index
      %get3A_163 = tpu.vector_load %arg4[%get3A_161, %get3A_162] {strides = array<i32>} : memref<192x384xf32, #tpu.memory_space<vmem>>, vector<16xf32>,
      %bitcast_convert_type3A_164 = tpu.bitcast %get3A_163 : vector<16xf32> -> vector<16xi32>
      %get3A_165 = arith.index_cast %scan3A_140 : i32 to index
      %get3A_166 = arith.constant 96 : index
      %get3A_167 = tpu.vector_load %arg4[%get3A_165, %get3A_166] {strides = array<i32>} : memref<192x384xf32, #tpu.memory_space<vmem>>, vector<16xf32>,
      %bitcast_convert_type3A_168 = tpu.bitcast %get3A_167 : vector<16xf32> -> vector<16xi32>
      %get3A_169 = arith.index_cast %scan3A_140 : i32 to index
      %get3A_170 = arith.constant 112 : index
      %get3A_171 = tpu.vector_load %arg4[%get3A_169, %get3A_170] {strides = array<i32>} : memref<192x384xf32, #tpu.memory_space<vmem>>, vector<16xf32>,
      %bitcast_convert_type3A_172 = tpu.bitcast %get3A_171 : vector<16xf32> -> vector<16xi32>
      %shift_right_logical3A_173 = arith.constant 0 : i32
      %shift_right_logical3A_174 = vector.broadcast %shift_right_logical3A_173 : i32 to vector<16xi32>
      %shift_right_logical3A_175 = arith.shrui %bitcast_convert_type3A_144, %shift_right_logical3A_174 : vector<16xi32>
      %shift_right_logical3A_176 = arith.constant 0 : i32
      %shift_right_logical3A_177 = vector.broadcast %shift_right_logical3A_176 : i32 to vector<16xi32>
      %shift_right_logical3A_178 = arith.shrui %bitcast_convert_type3A_148, %shift_right_logical3A_177 : vector<16xi32>
      %shift_right_logical3A_179 = arith.constant 0 : i32
      %shift_right_logical3A_180 = vector.broadcast %shift_right_logical3A_179 : i32 to vector<16xi32>
      %shift_right_logical3A_181 = arith.shrui %bitcast_convert_type3A_152, %shift_right_logical3A_180 : vector<16xi32>
      %shift_right_logical3A_182 = arith.constant 0 : i32
      %shift_right_logical3A_183 = vector.broadcast %shift_right_logical3A_182 : i32 to vector<16xi32>
      %shift_right_logical3A_184 = arith.shrui %bitcast_convert_type3A_156, %shift_right_logical3A_183 : vector<16xi32>
      %shift_right_logical3A_185 = arith.constant 0 : i32
      %shift_right_logical3A_186 = vector.broadcast %shift_right_logical3A_185 : i32 to vector<16xi32>
      %shift_right_logical3A_187 = arith.shrui %bitcast_convert_type3A_160, %shift_right_logical3A_186 : vector<16xi32>
      %shift_right_logical3A_188 = arith.constant 0 : i32
      %shift_right_logical3A_189 = vector.broadcast %shift_right_logical3A_188 : i32 to vector<16xi32>
      %shift_right_logical3A_190 = arith.shrui %bitcast_convert_type3A_164, %shift_right_logical3A_189 : vector<16xi32>
      %shift_right_logical3A_191 = arith.constant 0 : i32
      %shift_right_logical3A_192 = vector.broadcast %shift_right_logical3A_191 : i32 to vector<16xi32>
      %shift_right_logical3A_193 = arith.shrui %bitcast_convert_type3A_168, %shift_right_logical3A_192 : vector<16xi32>
      %shift_right_logical3A_194 = arith.constant 0 : i32
      %shift_right_logical3A_195 = vector.broadcast %shift_right_logical3A_194 : i32 to vector<16xi32>
      %shift_right_logical3A_196 = arith.shrui %bitcast_convert_type3A_172, %shift_right_logical3A_195 : vector<16xi32>
      %and3A_197 = arith.constant 1023 : i32
      %and3A_198 = vector.broadcast %and3A_197 : i32 to vector<16xi32>
      %and3A_199 = arith.andi %shift_right_logical3A_175, %and3A_198 : vector<16xi32>
      %and3A_200 = arith.constant 1023 : i32
      %and3A_201 = vector.broadcast %and3A_200 : i32 to vector<16xi32>
      %and3A_202 = arith.andi %shift_right_logical3A_178, %and3A_201 : vector<16xi32>
      %and3A_203 = arith.constant 1023 : i32
      %and3A_204 = vector.broadcast %and3A_203 : i32 to vector<16xi32>
      %and3A_205 = arith.andi %shift_right_logical3A_181, %and3A_204 : vector<16xi32>
      %and3A_206 = arith.constant 1023 : i32
      %and3A_207 = vector.broadcast %and3A_206 : i32 to vector<16xi32>
      %and3A_208 = arith.andi %shift_right_logical3A_184, %and3A_207 : vector<16xi32>
      %and3A_209 = arith.constant 1023 : i32
      %and3A_210 = vector.broadcast %and3A_209 : i32 to vector<16xi32>
      %and3A_211 = arith.andi %shift_right_logical3A_187, %and3A_210 : vector<16xi32>
      %and3A_212 = arith.constant 1023 : i32
      %and3A_213 = vector.broadcast %and3A_212 : i32 to vector<16xi32>
      %and3A_214 = arith.andi %shift_right_logical3A_190, %and3A_213 : vector<16xi32>
      %and3A_215 = arith.constant 1023 : i32
      %and3A_216 = vector.broadcast %and3A_215 : i32 to vector<16xi32>
      %and3A_217 = arith.andi %shift_right_logical3A_193, %and3A_216 : vector<16xi32>
      %and3A_218 = arith.constant 1023 : i32
      %and3A_219 = vector.broadcast %and3A_218 : i32 to vector<16xi32>
      %and3A_220 = arith.andi %shift_right_logical3A_196, %and3A_219 : vector<16xi32>
      %shift_right_logical3A_221 = arith.constant 10 : i32
      %shift_right_logical3A_222 = vector.broadcast %shift_right_logical3A_221 : i32 to vector<16xi32>
      %shift_right_logical3A_223 = arith.shrui %bitcast_convert_type3A_144, %shift_right_logical3A_222 : vector<16xi32>
      %eq3A_224 = vector.broadcast %or3A : i32 to vector<16xi32>
      %eq3A_225 = arith.cmpi eq, %shift_right_logical3A_223, %eq3A_224 : vector<16xi32>
      %shift_right_logical3A_226 = arith.constant 10 : i32
      %shift_right_logical3A_227 = vector.broadcast %shift_right_logical3A_226 : i32 to vector<16xi32>
      %shift_right_logical3A_228 = arith.shrui %bitcast_convert_type3A_148, %shift_right_logical3A_227 : vector<16xi32>
      %eq3A_229 = vector.broadcast %or3A : i32 to vector<16xi32>
      %eq3A_230 = arith.cmpi eq, %shift_right_logical3A_228, %eq3A_229 : vector<16xi32>
      %shift_right_logical3A_231 = arith.constant 10 : i32
      %shift_right_logical3A_232 = vector.broadcast %shift_right_logical3A_231 : i32 to vector<16xi32>
      %shift_right_logical3A_233 = arith.shrui %bitcast_convert_type3A_152, %shift_right_logical3A_232 : vector<16xi32>
      %eq3A_234 = vector.broadcast %or3A : i32 to vector<16xi32>
      %eq3A_235 = arith.cmpi eq, %shift_right_logical3A_233, %eq3A_234 : vector<16xi32>
      %shift_right_logical3A_236 = arith.constant 10 : i32
      %shift_right_logical3A_237 = vector.broadcast %shift_right_logical3A_236 : i32 to vector<16xi32>
      %shift_right_logical3A_238 = arith.shrui %bitcast_convert_type3A_156, %shift_right_logical3A_237 : vector<16xi32>
      %eq3A_239 = vector.broadcast %or3A : i32 to vector<16xi32>
      %eq3A_240 = arith.cmpi eq, %shift_right_logical3A_238, %eq3A_239 : vector<16xi32>
      %shift_right_logical3A_241 = arith.constant 10 : i32
      %shift_right_logical3A_242 = vector.broadcast %shift_right_logical3A_241 : i32 to vector<16xi32>
      %shift_right_logical3A_243 = arith.shrui %bitcast_convert_type3A_160, %shift_right_logical3A_242 : vector<16xi32>
      %eq3A_244 = vector.broadcast %or3A : i32 to vector<16xi32>
      %eq3A_245 = arith.cmpi eq, %shift_right_logical3A_243, %eq3A_244 : vector<16xi32>
      %shift_right_logical3A_246 = arith.constant 10 : i32
      %shift_right_logical3A_247 = vector.broadcast %shift_right_logical3A_246 : i32 to vector<16xi32>
      %shift_right_logical3A_248 = arith.shrui %bitcast_convert_type3A_164, %shift_right_logical3A_247 : vector<16xi32>
      %eq3A_249 = vector.broadcast %or3A : i32 to vector<16xi32>
      %eq3A_250 = arith.cmpi eq, %shift_right_logical3A_248, %eq3A_249 : vector<16xi32>
      %shift_right_logical3A_251 = arith.constant 10 : i32
      %shift_right_logical3A_252 = vector.broadcast %shift_right_logical3A_251 : i32 to vector<16xi32>
      %shift_right_logical3A_253 = arith.shrui %bitcast_convert_type3A_168, %shift_right_logical3A_252 : vector<16xi32>
      %eq3A_254 = vector.broadcast %or3A : i32 to vector<16xi32>
      %eq3A_255 = arith.cmpi eq, %shift_right_logical3A_253, %eq3A_254 : vector<16xi32>
      %shift_right_logical3A_256 = arith.constant 10 : i32
      %shift_right_logical3A_257 = vector.broadcast %shift_right_logical3A_256 : i32 to vector<16xi32>
      %shift_right_logical3A_258 = arith.shrui %bitcast_convert_type3A_172, %shift_right_logical3A_257 : vector<16xi32>
      %eq3A_259 = vector.broadcast %or3A : i32 to vector<16xi32>
      %eq3A_260 = arith.cmpi eq, %shift_right_logical3A_258, %eq3A_259 : vector<16xi32>
      %get3A_261 = arith.index_cast %scan3A_140 : i32 to index
      %get3A_262 = arith.constant 128 : index
      %get3A_263 = tpu.vector_load %arg4[%get3A_261, %get3A_262] {strides = array<i32>} : memref<192x384xf32, #tpu.memory_space<vmem>>, vector<16xf32>,
      %bitcast_convert_type3A_264 = tpu.bitcast %get3A_263 : vector<16xf32> -> vector<16xi32>
      %get3A_265 = arith.index_cast %scan3A_140 : i32 to index
      %get3A_266 = arith.constant 144 : index
      %get3A_267 = tpu.vector_load %arg4[%get3A_265, %get3A_266] {strides = array<i32>} : memref<192x384xf32, #tpu.memory_space<vmem>>, vector<16xf32>,
      %bitcast_convert_type3A_268 = tpu.bitcast %get3A_267 : vector<16xf32> -> vector<16xi32>
      %get3A_269 = arith.index_cast %scan3A_140 : i32 to index
      %get3A_270 = arith.constant 160 : index
      %get3A_271 = tpu.vector_load %arg4[%get3A_269, %get3A_270] {strides = array<i32>} : memref<192x384xf32, #tpu.memory_space<vmem>>, vector<16xf32>,
      %bitcast_convert_type3A_272 = tpu.bitcast %get3A_271 : vector<16xf32> -> vector<16xi32>
      %get3A_273 = arith.index_cast %scan3A_140 : i32 to index
      %get3A_274 = arith.constant 176 : index
      %get3A_275 = tpu.vector_load %arg4[%get3A_273, %get3A_274] {strides = array<i32>} : memref<192x384xf32, #tpu.memory_space<vmem>>, vector<16xf32>,
      %bitcast_convert_type3A_276 = tpu.bitcast %get3A_275 : vector<16xf32> -> vector<16xi32>
      %get3A_277 = arith.index_cast %scan3A_140 : i32 to index
      %get3A_278 = arith.constant 192 : index
      %get3A_279 = tpu.vector_load %arg4[%get3A_277, %get3A_278] {strides = array<i32>} : memref<192x384xf32, #tpu.memory_space<vmem>>, vector<16xf32>,
      %bitcast_convert_type3A_280 = tpu.bitcast %get3A_279 : vector<16xf32> -> vector<16xi32>
      %get3A_281 = arith.index_cast %scan3A_140 : i32 to index
      %get3A_282 = arith.constant 208 : index
      %get3A_283 = tpu.vector_load %arg4[%get3A_281, %get3A_282] {strides = array<i32>} : memref<192x384xf32, #tpu.memory_space<vmem>>, vector<16xf32>,
      %bitcast_convert_type3A_284 = tpu.bitcast %get3A_283 : vector<16xf32> -> vector<16xi32>
      %get3A_285 = arith.index_cast %scan3A_140 : i32 to index
      %get3A_286 = arith.constant 224 : index
      %get3A_287 = tpu.vector_load %arg4[%get3A_285, %get3A_286] {strides = array<i32>} : memref<192x384xf32, #tpu.memory_space<vmem>>, vector<16xf32>,
      %bitcast_convert_type3A_288 = tpu.bitcast %get3A_287 : vector<16xf32> -> vector<16xi32>
      %get3A_289 = arith.index_cast %scan3A_140 : i32 to index
      %get3A_290 = arith.constant 240 : index
      %get3A_291 = tpu.vector_load %arg4[%get3A_289, %get3A_290] {strides = array<i32>} : memref<192x384xf32, #tpu.memory_space<vmem>>, vector<16xf32>,
      %bitcast_convert_type3A_292 = tpu.bitcast %get3A_291 : vector<16xf32> -> vector<16xi32>
      %shift_right_logical3A_293 = arith.constant 0 : i32
      %shift_right_logical3A_294 = vector.broadcast %shift_right_logical3A_293 : i32 to vector<16xi32>
      %shift_right_logical3A_295 = arith.shrui %bitcast_convert_type3A_264, %shift_right_logical3A_294 : vector<16xi32>
      %shift_right_logical3A_296 = arith.constant 0 : i32
      %shift_right_logical3A_297 = vector.broadcast %shift_right_logical3A_296 : i32 to vector<16xi32>
      %shift_right_logical3A_298 = arith.shrui %bitcast_convert_type3A_268, %shift_right_logical3A_297 : vector<16xi32>
      %shift_right_logical3A_299 = arith.constant 0 : i32
      %shift_right_logical3A_300 = vector.broadcast %shift_right_logical3A_299 : i32 to vector<16xi32>
      %shift_right_logical3A_301 = arith.shrui %bitcast_convert_type3A_272, %shift_right_logical3A_300 : vector<16xi32>
      %shift_right_logical3A_302 = arith.constant 0 : i32
      %shift_right_logical3A_303 = vector.broadcast %shift_right_logical3A_302 : i32 to vector<16xi32>
      %shift_right_logical3A_304 = arith.shrui %bitcast_convert_type3A_276, %shift_right_logical3A_303 : vector<16xi32>
      %shift_right_logical3A_305 = arith.constant 0 : i32
      %shift_right_logical3A_306 = vector.broadcast %shift_right_logical3A_305 : i32 to vector<16xi32>
      %shift_right_logical3A_307 = arith.shrui %bitcast_convert_type3A_280, %shift_right_logical3A_306 : vector<16xi32>
      %shift_right_logical3A_308 = arith.constant 0 : i32
      %shift_right_logical3A_309 = vector.broadcast %shift_right_logical3A_308 : i32 to vector<16xi32>
      %shift_right_logical3A_310 = arith.shrui %bitcast_convert_type3A_284, %shift_right_logical3A_309 : vector<16xi32>
      %shift_right_logical3A_311 = arith.constant 0 : i32
      %shift_right_logical3A_312 = vector.broadcast %shift_right_logical3A_311 : i32 to vector<16xi32>
      %shift_right_logical3A_313 = arith.shrui %bitcast_convert_type3A_288, %shift_right_logical3A_312 : vector<16xi32>
      %shift_right_logical3A_314 = arith.constant 0 : i32
      %shift_right_logical3A_315 = vector.broadcast %shift_right_logical3A_314 : i32 to vector<16xi32>
      %shift_right_logical3A_316 = arith.shrui %bitcast_convert_type3A_292, %shift_right_logical3A_315 : vector<16xi32>
      %and3A_317 = arith.constant 1023 : i32
      %and3A_318 = vector.broadcast %and3A_317 : i32 to vector<16xi32>
      %and3A_319 = arith.andi %shift_right_logical3A_295, %and3A_318 : vector<16xi32>
      %and3A_320 = arith.constant 1023 : i32
      %and3A_321 = vector.broadcast %and3A_320 : i32 to vector<16xi32>
      %and3A_322 = arith.andi %shift_right_logical3A_298, %and3A_321 : vector<16xi32>
      %and3A_323 = arith.constant 1023 : i32
      %and3A_324 = vector.broadcast %and3A_323 : i32 to vector<16xi32>
      %and3A_325 = arith.andi %shift_right_logical3A_301, %and3A_324 : vector<16xi32>
      %and3A_326 = arith.constant 1023 : i32
      %and3A_327 = vector.broadcast %and3A_326 : i32 to vector<16xi32>
      %and3A_328 = arith.andi %shift_right_logical3A_304, %and3A_327 : vector<16xi32>
      %and3A_329 = arith.constant 1023 : i32
      %and3A_330 = vector.broadcast %and3A_329 : i32 to vector<16xi32>
      %and3A_331 = arith.andi %shift_right_logical3A_307, %and3A_330 : vector<16xi32>
      %and3A_332 = arith.constant 1023 : i32
      %and3A_333 = vector.broadcast %and3A_332 : i32 to vector<16xi32>
      %and3A_334 = arith.andi %shift_right_logical3A_310, %and3A_333 : vector<16xi32>
      %and3A_335 = arith.constant 1023 : i32
      %and3A_336 = vector.broadcast %and3A_335 : i32 to vector<16xi32>
      %and3A_337 = arith.andi %shift_right_logical3A_313, %and3A_336 : vector<16xi32>
      %and3A_338 = arith.constant 1023 : i32
      %and3A_339 = vector.broadcast %and3A_338 : i32 to vector<16xi32>
      %and3A_340 = arith.andi %shift_right_logical3A_316, %and3A_339 : vector<16xi32>
      %shift_right_logical3A_341 = arith.constant 10 : i32
      %shift_right_logical3A_342 = vector.broadcast %shift_right_logical3A_341 : i32 to vector<16xi32>
      %shift_right_logical3A_343 = arith.shrui %bitcast_convert_type3A_264, %shift_right_logical3A_342 : vector<16xi32>
      %eq3A_344 = vector.broadcast %or3A : i32 to vector<16xi32>
      %eq3A_345 = arith.cmpi eq, %shift_right_logical3A_343, %eq3A_344 : vector<16xi32>
      %shift_right_logical3A_346 = arith.constant 10 : i32
      %shift_right_logical3A_347 = vector.broadcast %shift_right_logical3A_346 : i32 to vector<16xi32>
      %shift_right_logical3A_348 = arith.shrui %bitcast_convert_type3A_268, %shift_right_logical3A_347 : vector<16xi32>
      %eq3A_349 = vector.broadcast %or3A : i32 to vector<16xi32>
      %eq3A_350 = arith.cmpi eq, %shift_right_logical3A_348, %eq3A_349 : vector<16xi32>
      %shift_right_logical3A_351 = arith.constant 10 : i32
      %shift_right_logical3A_352 = vector.broadcast %shift_right_logical3A_351 : i32 to vector<16xi32>
      %shift_right_logical3A_353 = arith.shrui %bitcast_convert_type3A_272, %shift_right_logical3A_352 : vector<16xi32>
      %eq3A_354 = vector.broadcast %or3A : i32 to vector<16xi32>
      %eq3A_355 = arith.cmpi eq, %shift_right_logical3A_353, %eq3A_354 : vector<16xi32>
      %shift_right_logical3A_356 = arith.constant 10 : i32
      %shift_right_logical3A_357 = vector.broadcast %shift_right_logical3A_356 : i32 to vector<16xi32>
      %shift_right_logical3A_358 = arith.shrui %bitcast_convert_type3A_276, %shift_right_logical3A_357 : vector<16xi32>
      %eq3A_359 = vector.broadcast %or3A : i32 to vector<16xi32>
      %eq3A_360 = arith.cmpi eq, %shift_right_logical3A_358, %eq3A_359 : vector<16xi32>
      %shift_right_logical3A_361 = arith.constant 10 : i32
      %shift_right_logical3A_362 = vector.broadcast %shift_right_logical3A_361 : i32 to vector<16xi32>
      %shift_right_logical3A_363 = arith.shrui %bitcast_convert_type3A_280, %shift_right_logical3A_362 : vector<16xi32>
      %eq3A_364 = vector.broadcast %or3A : i32 to vector<16xi32>
      %eq3A_365 = arith.cmpi eq, %shift_right_logical3A_363, %eq3A_364 : vector<16xi32>
      %shift_right_logical3A_366 = arith.constant 10 : i32
      %shift_right_logical3A_367 = vector.broadcast %shift_right_logical3A_366 : i32 to vector<16xi32>
      %shift_right_logical3A_368 = arith.shrui %bitcast_convert_type3A_284, %shift_right_logical3A_367 : vector<16xi32>
      %eq3A_369 = vector.broadcast %or3A : i32 to vector<16xi32>
      %eq3A_370 = arith.cmpi eq, %shift_right_logical3A_368, %eq3A_369 : vector<16xi32>
      %shift_right_logical3A_371 = arith.constant 10 : i32
      %shift_right_logical3A_372 = vector.broadcast %shift_right_logical3A_371 : i32 to vector<16xi32>
      %shift_right_logical3A_373 = arith.shrui %bitcast_convert_type3A_288, %shift_right_logical3A_372 : vector<16xi32>
      %eq3A_374 = vector.broadcast %or3A : i32 to vector<16xi32>
      %eq3A_375 = arith.cmpi eq, %shift_right_logical3A_373, %eq3A_374 : vector<16xi32>
      %shift_right_logical3A_376 = arith.constant 10 : i32
      %shift_right_logical3A_377 = vector.broadcast %shift_right_logical3A_376 : i32 to vector<16xi32>
      %shift_right_logical3A_378 = arith.shrui %bitcast_convert_type3A_292, %shift_right_logical3A_377 : vector<16xi32>
      %eq3A_379 = vector.broadcast %or3A : i32 to vector<16xi32>
      %eq3A_380 = arith.cmpi eq, %shift_right_logical3A_378, %eq3A_379 : vector<16xi32>
      tpu.vector_store_idx %arg5[%and3A_199], %broadcast_in_dim3A_10 masked %eq3A_225 {add = true} : memref<2048xf32, #tpu.memory_space<vmem>>[vector<16xi32>], vector<16xf32>, vector<16xi1>
      tpu.vector_store_idx %arg5[%and3A_202], %broadcast_in_dim3A_10 masked %eq3A_230 {add = true} : memref<2048xf32, #tpu.memory_space<vmem>>[vector<16xi32>], vector<16xf32>, vector<16xi1>
      tpu.vector_store_idx %arg5[%and3A_205], %broadcast_in_dim3A_10 masked %eq3A_235 {add = true} : memref<2048xf32, #tpu.memory_space<vmem>>[vector<16xi32>], vector<16xf32>, vector<16xi1>
      tpu.vector_store_idx %arg5[%and3A_208], %broadcast_in_dim3A_10 masked %eq3A_240 {add = true} : memref<2048xf32, #tpu.memory_space<vmem>>[vector<16xi32>], vector<16xf32>, vector<16xi1>
      tpu.vector_store_idx %arg5[%and3A_211], %broadcast_in_dim3A_10 masked %eq3A_245 {add = true} : memref<2048xf32, #tpu.memory_space<vmem>>[vector<16xi32>], vector<16xf32>, vector<16xi1>
      tpu.vector_store_idx %arg5[%and3A_214], %broadcast_in_dim3A_10 masked %eq3A_250 {add = true} : memref<2048xf32, #tpu.memory_space<vmem>>[vector<16xi32>], vector<16xf32>, vector<16xi1>
      tpu.vector_store_idx %arg5[%and3A_217], %broadcast_in_dim3A_10 masked %eq3A_255 {add = true} : memref<2048xf32, #tpu.memory_space<vmem>>[vector<16xi32>], vector<16xf32>, vector<16xi1>
      tpu.vector_store_idx %arg5[%and3A_220], %broadcast_in_dim3A_10 masked %eq3A_260 {add = true} : memref<2048xf32, #tpu.memory_space<vmem>>[vector<16xi32>], vector<16xf32>, vector<16xi1>
      %get3A_381 = arith.index_cast %scan3A_140 : i32 to index
      %get3A_382 = arith.constant 256 : index
      %get3A_383 = tpu.vector_load %arg4[%get3A_381, %get3A_382] {strides = array<i32>} : memref<192x384xf32, #tpu.memory_space<vmem>>, vector<16xf32>,
      %bitcast_convert_type3A_384 = tpu.bitcast %get3A_383 : vector<16xf32> -> vector<16xi32>
      %get3A_385 = arith.index_cast %scan3A_140 : i32 to index
      %get3A_386 = arith.constant 272 : index
      %get3A_387 = tpu.vector_load %arg4[%get3A_385, %get3A_386] {strides = array<i32>} : memref<192x384xf32, #tpu.memory_space<vmem>>, vector<16xf32>,
      %bitcast_convert_type3A_388 = tpu.bitcast %get3A_387 : vector<16xf32> -> vector<16xi32>
      %get3A_389 = arith.index_cast %scan3A_140 : i32 to index
      %get3A_390 = arith.constant 288 : index
      %get3A_391 = tpu.vector_load %arg4[%get3A_389, %get3A_390] {strides = array<i32>} : memref<192x384xf32, #tpu.memory_space<vmem>>, vector<16xf32>,
      %bitcast_convert_type3A_392 = tpu.bitcast %get3A_391 : vector<16xf32> -> vector<16xi32>
      %get3A_393 = arith.index_cast %scan3A_140 : i32 to index
      %get3A_394 = arith.constant 304 : index
      %get3A_395 = tpu.vector_load %arg4[%get3A_393, %get3A_394] {strides = array<i32>} : memref<192x384xf32, #tpu.memory_space<vmem>>, vector<16xf32>,
      %bitcast_convert_type3A_396 = tpu.bitcast %get3A_395 : vector<16xf32> -> vector<16xi32>
      %get3A_397 = arith.index_cast %scan3A_140 : i32 to index
      %get3A_398 = arith.constant 320 : index
      %get3A_399 = tpu.vector_load %arg4[%get3A_397, %get3A_398] {strides = array<i32>} : memref<192x384xf32, #tpu.memory_space<vmem>>, vector<16xf32>,
      %bitcast_convert_type3A_400 = tpu.bitcast %get3A_399 : vector<16xf32> -> vector<16xi32>
      %get3A_401 = arith.index_cast %scan3A_140 : i32 to index
      %get3A_402 = arith.constant 336 : index
      %get3A_403 = tpu.vector_load %arg4[%get3A_401, %get3A_402] {strides = array<i32>} : memref<192x384xf32, #tpu.memory_space<vmem>>, vector<16xf32>,
      %bitcast_convert_type3A_404 = tpu.bitcast %get3A_403 : vector<16xf32> -> vector<16xi32>
      %get3A_405 = arith.index_cast %scan3A_140 : i32 to index
      %get3A_406 = arith.constant 352 : index
      %get3A_407 = tpu.vector_load %arg4[%get3A_405, %get3A_406] {strides = array<i32>} : memref<192x384xf32, #tpu.memory_space<vmem>>, vector<16xf32>,
      %bitcast_convert_type3A_408 = tpu.bitcast %get3A_407 : vector<16xf32> -> vector<16xi32>
      %get3A_409 = arith.index_cast %scan3A_140 : i32 to index
      %get3A_410 = arith.constant 368 : index
      %get3A_411 = tpu.vector_load %arg4[%get3A_409, %get3A_410] {strides = array<i32>} : memref<192x384xf32, #tpu.memory_space<vmem>>, vector<16xf32>,
      %bitcast_convert_type3A_412 = tpu.bitcast %get3A_411 : vector<16xf32> -> vector<16xi32>
      %shift_right_logical3A_413 = arith.constant 0 : i32
      %shift_right_logical3A_414 = vector.broadcast %shift_right_logical3A_413 : i32 to vector<16xi32>
      %shift_right_logical3A_415 = arith.shrui %bitcast_convert_type3A_384, %shift_right_logical3A_414 : vector<16xi32>
      %shift_right_logical3A_416 = arith.constant 0 : i32
      %shift_right_logical3A_417 = vector.broadcast %shift_right_logical3A_416 : i32 to vector<16xi32>
      %shift_right_logical3A_418 = arith.shrui %bitcast_convert_type3A_388, %shift_right_logical3A_417 : vector<16xi32>
      %shift_right_logical3A_419 = arith.constant 0 : i32
      %shift_right_logical3A_420 = vector.broadcast %shift_right_logical3A_419 : i32 to vector<16xi32>
      %shift_right_logical3A_421 = arith.shrui %bitcast_convert_type3A_392, %shift_right_logical3A_420 : vector<16xi32>
      %shift_right_logical3A_422 = arith.constant 0 : i32
      %shift_right_logical3A_423 = vector.broadcast %shift_right_logical3A_422 : i32 to vector<16xi32>
      %shift_right_logical3A_424 = arith.shrui %bitcast_convert_type3A_396, %shift_right_logical3A_423 : vector<16xi32>
      %shift_right_logical3A_425 = arith.constant 0 : i32
      %shift_right_logical3A_426 = vector.broadcast %shift_right_logical3A_425 : i32 to vector<16xi32>
      %shift_right_logical3A_427 = arith.shrui %bitcast_convert_type3A_400, %shift_right_logical3A_426 : vector<16xi32>
      %shift_right_logical3A_428 = arith.constant 0 : i32
      %shift_right_logical3A_429 = vector.broadcast %shift_right_logical3A_428 : i32 to vector<16xi32>
      %shift_right_logical3A_430 = arith.shrui %bitcast_convert_type3A_404, %shift_right_logical3A_429 : vector<16xi32>
      %shift_right_logical3A_431 = arith.constant 0 : i32
      %shift_right_logical3A_432 = vector.broadcast %shift_right_logical3A_431 : i32 to vector<16xi32>
      %shift_right_logical3A_433 = arith.shrui %bitcast_convert_type3A_408, %shift_right_logical3A_432 : vector<16xi32>
      %shift_right_logical3A_434 = arith.constant 0 : i32
      %shift_right_logical3A_435 = vector.broadcast %shift_right_logical3A_434 : i32 to vector<16xi32>
      %shift_right_logical3A_436 = arith.shrui %bitcast_convert_type3A_412, %shift_right_logical3A_435 : vector<16xi32>
      %and3A_437 = arith.constant 1023 : i32
      %and3A_438 = vector.broadcast %and3A_437 : i32 to vector<16xi32>
      %and3A_439 = arith.andi %shift_right_logical3A_415, %and3A_438 : vector<16xi32>
      %and3A_440 = arith.constant 1023 : i32
      %and3A_441 = vector.broadcast %and3A_440 : i32 to vector<16xi32>
      %and3A_442 = arith.andi %shift_right_logical3A_418, %and3A_441 : vector<16xi32>
      %and3A_443 = arith.constant 1023 : i32
      %and3A_444 = vector.broadcast %and3A_443 : i32 to vector<16xi32>
      %and3A_445 = arith.andi %shift_right_logical3A_421, %and3A_444 : vector<16xi32>
      %and3A_446 = arith.constant 1023 : i32
      %and3A_447 = vector.broadcast %and3A_446 : i32 to vector<16xi32>
      %and3A_448 = arith.andi %shift_right_logical3A_424, %and3A_447 : vector<16xi32>
      %and3A_449 = arith.constant 1023 : i32
      %and3A_450 = vector.broadcast %and3A_449 : i32 to vector<16xi32>
      %and3A_451 = arith.andi %shift_right_logical3A_427, %and3A_450 : vector<16xi32>
      %and3A_452 = arith.constant 1023 : i32
      %and3A_453 = vector.broadcast %and3A_452 : i32 to vector<16xi32>
      %and3A_454 = arith.andi %shift_right_logical3A_430, %and3A_453 : vector<16xi32>
      %and3A_455 = arith.constant 1023 : i32
      %and3A_456 = vector.broadcast %and3A_455 : i32 to vector<16xi32>
      %and3A_457 = arith.andi %shift_right_logical3A_433, %and3A_456 : vector<16xi32>
      %and3A_458 = arith.constant 1023 : i32
      %and3A_459 = vector.broadcast %and3A_458 : i32 to vector<16xi32>
      %and3A_460 = arith.andi %shift_right_logical3A_436, %and3A_459 : vector<16xi32>
      %shift_right_logical3A_461 = arith.constant 10 : i32
      %shift_right_logical3A_462 = vector.broadcast %shift_right_logical3A_461 : i32 to vector<16xi32>
      %shift_right_logical3A_463 = arith.shrui %bitcast_convert_type3A_384, %shift_right_logical3A_462 : vector<16xi32>
      %eq3A_464 = vector.broadcast %or3A : i32 to vector<16xi32>
      %eq3A_465 = arith.cmpi eq, %shift_right_logical3A_463, %eq3A_464 : vector<16xi32>
      %shift_right_logical3A_466 = arith.constant 10 : i32
      %shift_right_logical3A_467 = vector.broadcast %shift_right_logical3A_466 : i32 to vector<16xi32>
      %shift_right_logical3A_468 = arith.shrui %bitcast_convert_type3A_388, %shift_right_logical3A_467 : vector<16xi32>
      %eq3A_469 = vector.broadcast %or3A : i32 to vector<16xi32>
      %eq3A_470 = arith.cmpi eq, %shift_right_logical3A_468, %eq3A_469 : vector<16xi32>
      %shift_right_logical3A_471 = arith.constant 10 : i32
      %shift_right_logical3A_472 = vector.broadcast %shift_right_logical3A_471 : i32 to vector<16xi32>
      %shift_right_logical3A_473 = arith.shrui %bitcast_convert_type3A_392, %shift_right_logical3A_472 : vector<16xi32>
      %eq3A_474 = vector.broadcast %or3A : i32 to vector<16xi32>
      %eq3A_475 = arith.cmpi eq, %shift_right_logical3A_473, %eq3A_474 : vector<16xi32>
      %shift_right_logical3A_476 = arith.constant 10 : i32
      %shift_right_logical3A_477 = vector.broadcast %shift_right_logical3A_476 : i32 to vector<16xi32>
      %shift_right_logical3A_478 = arith.shrui %bitcast_convert_type3A_396, %shift_right_logical3A_477 : vector<16xi32>
      %eq3A_479 = vector.broadcast %or3A : i32 to vector<16xi32>
      %eq3A_480 = arith.cmpi eq, %shift_right_logical3A_478, %eq3A_479 : vector<16xi32>
      %shift_right_logical3A_481 = arith.constant 10 : i32
      %shift_right_logical3A_482 = vector.broadcast %shift_right_logical3A_481 : i32 to vector<16xi32>
      %shift_right_logical3A_483 = arith.shrui %bitcast_convert_type3A_400, %shift_right_logical3A_482 : vector<16xi32>
      %eq3A_484 = vector.broadcast %or3A : i32 to vector<16xi32>
      %eq3A_485 = arith.cmpi eq, %shift_right_logical3A_483, %eq3A_484 : vector<16xi32>
      %shift_right_logical3A_486 = arith.constant 10 : i32
      %shift_right_logical3A_487 = vector.broadcast %shift_right_logical3A_486 : i32 to vector<16xi32>
      %shift_right_logical3A_488 = arith.shrui %bitcast_convert_type3A_404, %shift_right_logical3A_487 : vector<16xi32>
      %eq3A_489 = vector.broadcast %or3A : i32 to vector<16xi32>
      %eq3A_490 = arith.cmpi eq, %shift_right_logical3A_488, %eq3A_489 : vector<16xi32>
      %shift_right_logical3A_491 = arith.constant 10 : i32
      %shift_right_logical3A_492 = vector.broadcast %shift_right_logical3A_491 : i32 to vector<16xi32>
      %shift_right_logical3A_493 = arith.shrui %bitcast_convert_type3A_408, %shift_right_logical3A_492 : vector<16xi32>
      %eq3A_494 = vector.broadcast %or3A : i32 to vector<16xi32>
      %eq3A_495 = arith.cmpi eq, %shift_right_logical3A_493, %eq3A_494 : vector<16xi32>
      %shift_right_logical3A_496 = arith.constant 10 : i32
      %shift_right_logical3A_497 = vector.broadcast %shift_right_logical3A_496 : i32 to vector<16xi32>
      %shift_right_logical3A_498 = arith.shrui %bitcast_convert_type3A_412, %shift_right_logical3A_497 : vector<16xi32>
      %eq3A_499 = vector.broadcast %or3A : i32 to vector<16xi32>
      %eq3A_500 = arith.cmpi eq, %shift_right_logical3A_498, %eq3A_499 : vector<16xi32>
      tpu.vector_store_idx %arg5[%and3A_319], %broadcast_in_dim3A_10 masked %eq3A_345 {add = true} : memref<2048xf32, #tpu.memory_space<vmem>>[vector<16xi32>], vector<16xf32>, vector<16xi1>
      tpu.vector_store_idx %arg5[%and3A_322], %broadcast_in_dim3A_10 masked %eq3A_350 {add = true} : memref<2048xf32, #tpu.memory_space<vmem>>[vector<16xi32>], vector<16xf32>, vector<16xi1>
      tpu.vector_store_idx %arg5[%and3A_325], %broadcast_in_dim3A_10 masked %eq3A_355 {add = true} : memref<2048xf32, #tpu.memory_space<vmem>>[vector<16xi32>], vector<16xf32>, vector<16xi1>
      tpu.vector_store_idx %arg5[%and3A_328], %broadcast_in_dim3A_10 masked %eq3A_360 {add = true} : memref<2048xf32, #tpu.memory_space<vmem>>[vector<16xi32>], vector<16xf32>, vector<16xi1>
      tpu.vector_store_idx %arg5[%and3A_331], %broadcast_in_dim3A_10 masked %eq3A_365 {add = true} : memref<2048xf32, #tpu.memory_space<vmem>>[vector<16xi32>], vector<16xf32>, vector<16xi1>
      tpu.vector_store_idx %arg5[%and3A_334], %broadcast_in_dim3A_10 masked %eq3A_370 {add = true} : memref<2048xf32, #tpu.memory_space<vmem>>[vector<16xi32>], vector<16xf32>, vector<16xi1>
      tpu.vector_store_idx %arg5[%and3A_337], %broadcast_in_dim3A_10 masked %eq3A_375 {add = true} : memref<2048xf32, #tpu.memory_space<vmem>>[vector<16xi32>], vector<16xf32>, vector<16xi1>
      tpu.vector_store_idx %arg5[%and3A_340], %broadcast_in_dim3A_10 masked %eq3A_380 {add = true} : memref<2048xf32, #tpu.memory_space<vmem>>[vector<16xi32>], vector<16xf32>, vector<16xi1>
      tpu.vector_store_idx %arg5[%and3A_439], %broadcast_in_dim3A_10 masked %eq3A_465 {add = true} : memref<2048xf32, #tpu.memory_space<vmem>>[vector<16xi32>], vector<16xf32>, vector<16xi1>
      tpu.vector_store_idx %arg5[%and3A_442], %broadcast_in_dim3A_10 masked %eq3A_470 {add = true} : memref<2048xf32, #tpu.memory_space<vmem>>[vector<16xi32>], vector<16xf32>, vector<16xi1>
      tpu.vector_store_idx %arg5[%and3A_445], %broadcast_in_dim3A_10 masked %eq3A_475 {add = true} : memref<2048xf32, #tpu.memory_space<vmem>>[vector<16xi32>], vector<16xf32>, vector<16xi1>
      tpu.vector_store_idx %arg5[%and3A_448], %broadcast_in_dim3A_10 masked %eq3A_480 {add = true} : memref<2048xf32, #tpu.memory_space<vmem>>[vector<16xi32>], vector<16xf32>, vector<16xi1>
      tpu.vector_store_idx %arg5[%and3A_451], %broadcast_in_dim3A_10 masked %eq3A_485 {add = true} : memref<2048xf32, #tpu.memory_space<vmem>>[vector<16xi32>], vector<16xf32>, vector<16xi1>
      tpu.vector_store_idx %arg5[%and3A_454], %broadcast_in_dim3A_10 masked %eq3A_490 {add = true} : memref<2048xf32, #tpu.memory_space<vmem>>[vector<16xi32>], vector<16xf32>, vector<16xi1>
      tpu.vector_store_idx %arg5[%and3A_457], %broadcast_in_dim3A_10 masked %eq3A_495 {add = true} : memref<2048xf32, #tpu.memory_space<vmem>>[vector<16xi32>], vector<16xf32>, vector<16xi1>
      tpu.vector_store_idx %arg5[%and3A_460], %broadcast_in_dim3A_10 masked %eq3A_500 {add = true} : memref<2048xf32, #tpu.memory_space<vmem>>[vector<16xi32>], vector<16xf32>, vector<16xi1>
    }
    %scan3A_84 = arith.constant 192 : i32
    "tpu.region"() ({
      %run_scoped3A = tpu.sem_alloc : memref<!tpu.dma_semaphore, #tpu.memory_space<semaphore_mem>>
      %dma_start3A = arith.constant 0 : i32
      %dma_start3A_140 = tpu.memref_slice %arg8[%arg1, %dma_start3A] : memref<16x2048xf32, #tpu.memory_space<vmem_shared>> -> memref<1x2048xf32, #tpu.memory_space<vmem_shared>>
      %dma_start3A_141 = tpu.memref_squeeze %dma_start3A_140 : memref<1x2048xf32, #tpu.memory_space<vmem_shared>> -> memref<2048xf32, #tpu.memory_space<vmem_shared>>
      %dma_start3A_142 = arith.constant 0 : i32
      %dma_start3A_143 = tpu.memref_slice %arg8[%arg1, %dma_start3A_142] : memref<16x2048xf32, #tpu.memory_space<vmem_shared>> -> memref<1x2048xf32, #tpu.memory_space<vmem_shared>>
      %dma_start3A_144 = tpu.memref_squeeze %dma_start3A_143 : memref<1x2048xf32, #tpu.memory_space<vmem_shared>> -> memref<2048xf32, #tpu.memory_space<vmem_shared>>
      tpu.enqueue_dma source(%arg5 : memref<2048xf32, #tpu.memory_space<vmem>>) target(%dma_start3A_144 : memref<2048xf32, #tpu.memory_space<vmem_shared>>) target_semaphore(%run_scoped3A : memref<!tpu.dma_semaphore, #tpu.memory_space<semaphore_mem>>)
      %dma_wait3A = arith.constant 0 : i32
      %dma_wait3A_145 = tpu.memref_slice %arg8[%arg1, %dma_wait3A] : memref<16x2048xf32, #tpu.memory_space<vmem_shared>> -> memref<1x2048xf32, #tpu.memory_space<vmem_shared>>
      %dma_wait3A_146 = tpu.memref_squeeze %dma_wait3A_145 : memref<1x2048xf32, #tpu.memory_space<vmem_shared>> -> memref<2048xf32, #tpu.memory_space<vmem_shared>>
      %dma_wait3A_147 = arith.constant 0 : i32
      %dma_wait3A_148 = tpu.memref_slice %arg8[%arg1, %dma_wait3A_147] : memref<16x2048xf32, #tpu.memory_space<vmem_shared>> -> memref<1x2048xf32, #tpu.memory_space<vmem_shared>>
      %dma_wait3A_149 = tpu.memref_squeeze %dma_wait3A_148 : memref<1x2048xf32, #tpu.memory_space<vmem_shared>> -> memref<2048xf32, #tpu.memory_space<vmem_shared>>
      tpu.wait_dma2 semaphore(%run_scoped3A : memref<!tpu.dma_semaphore, #tpu.memory_space<semaphore_mem>>) src(%arg5 : memref<2048xf32, #tpu.memory_space<vmem>>) dst(%dma_wait3A_149 : memref<2048xf32, #tpu.memory_space<vmem_shared>>)
      tpu.yield
    }) : () -> ()
    %barrier3A_85 = arith.constant 0 : index
    tpu.barrier barrier_id(%barrier3A_85)
    "tpu.region"() ({
      %run_scoped3A = tpu.sem_alloc : memref<!tpu.dma_semaphore, #tpu.memory_space<semaphore_mem>>
      %dma_start3A = arith.constant 0 : i32
      %dma_start3A_140 = tpu.memref_slice %arg8[%xor3A_3, %dma_start3A] : memref<16x2048xf32, #tpu.memory_space<vmem_shared>> -> memref<1x2048xf32, #tpu.memory_space<vmem_shared>>
      %dma_start3A_141 = tpu.memref_squeeze %dma_start3A_140 : memref<1x2048xf32, #tpu.memory_space<vmem_shared>> -> memref<2048xf32, #tpu.memory_space<vmem_shared>>
      %dma_start3A_142 = arith.constant 0 : i32
      %dma_start3A_143 = tpu.memref_slice %arg8[%xor3A_3, %dma_start3A_142] : memref<16x2048xf32, #tpu.memory_space<vmem_shared>> -> memref<1x2048xf32, #tpu.memory_space<vmem_shared>>
      %dma_start3A_144 = tpu.memref_squeeze %dma_start3A_143 : memref<1x2048xf32, #tpu.memory_space<vmem_shared>> -> memref<2048xf32, #tpu.memory_space<vmem_shared>>
      tpu.enqueue_dma source(%dma_start3A_144 : memref<2048xf32, #tpu.memory_space<vmem_shared>>) target(%arg6 : memref<2048xf32, #tpu.memory_space<vmem>>) target_semaphore(%run_scoped3A : memref<!tpu.dma_semaphore, #tpu.memory_space<semaphore_mem>>)
      %dma_wait3A = arith.constant 0 : i32
      %dma_wait3A_145 = tpu.memref_slice %arg8[%xor3A_3, %dma_wait3A] : memref<16x2048xf32, #tpu.memory_space<vmem_shared>> -> memref<1x2048xf32, #tpu.memory_space<vmem_shared>>
      %dma_wait3A_146 = tpu.memref_squeeze %dma_wait3A_145 : memref<1x2048xf32, #tpu.memory_space<vmem_shared>> -> memref<2048xf32, #tpu.memory_space<vmem_shared>>
      %dma_wait3A_147 = arith.constant 0 : i32
      %dma_wait3A_148 = tpu.memref_slice %arg8[%xor3A_3, %dma_wait3A_147] : memref<16x2048xf32, #tpu.memory_space<vmem_shared>> -> memref<1x2048xf32, #tpu.memory_space<vmem_shared>>
      %dma_wait3A_149 = tpu.memref_squeeze %dma_wait3A_148 : memref<1x2048xf32, #tpu.memory_space<vmem_shared>> -> memref<2048xf32, #tpu.memory_space<vmem_shared>>
      tpu.wait_dma2 semaphore(%run_scoped3A : memref<!tpu.dma_semaphore, #tpu.memory_space<semaphore_mem>>) src(%dma_wait3A_149 : memref<2048xf32, #tpu.memory_space<vmem_shared>>) dst(%arg6 : memref<2048xf32, #tpu.memory_space<vmem>>)
      tpu.yield
    }) : () -> ()
    %barrier3A_86 = arith.constant 0 : index
    tpu.barrier barrier_id(%barrier3A_86)
    %scan3A_87 = arith.constant 0 : i32
    %scan3A_88 = arith.constant 0 : i32
    %scan3A_89 = arith.constant 16 : i32
    %scan3A_90 = arith.addi %scan3A_88, %scan3A_89 : i32
    %scan3A_91 = arith.constant 1 : i32
    scf.for %scan3A_140 = %scan3A_88 to %scan3A_90 step %scan3A_91  : i32 {
      %mul3A_141 = arith.constant 8 : i32
      %mul3A_142 = arith.muli %scan3A_140, %mul3A_141 : i32
      %add3A_143 = arith.constant 0 : i32
      %add3A_144 = arith.addi %mul3A_142, %add3A_143 : i32
      %mul3A_145 = arith.constant 16 : i32
      %mul3A_146 = arith.muli %add3A_144, %mul3A_145 : i32
      %get3A_147 = arith.index_cast %mul3A_146 : i32 to index
      %get3A_148 = tpu.vector_load %arg5[%get3A_147] {strides = array<i32>} : memref<2048xf32, #tpu.memory_space<vmem>>, vector<16xf32>,
      %get3A_149 = arith.index_cast %mul3A_146 : i32 to index
      %get3A_150 = tpu.vector_load %arg6[%get3A_149] {strides = array<i32>} : memref<2048xf32, #tpu.memory_space<vmem>>, vector<16xf32>,
      %add3A_151 = arith.addf %get3A_148, %get3A_150 : vector<16xf32>
      %swap3A_152 = arith.index_cast %mul3A_146 : i32 to index
      %swap3A_153 = tpu.vector_load %arg5[%swap3A_152] {strides = array<i32>} : memref<2048xf32, #tpu.memory_space<vmem>>, vector<16xf32>,
      tpu.vector_store %arg5[%swap3A_152], %add3A_151 {strides = array<i32>} : memref<2048xf32, #tpu.memory_space<vmem>>, vector<16xf32>,
      %mul3A_154 = arith.constant 8 : i32
      %mul3A_155 = arith.muli %scan3A_140, %mul3A_154 : i32
      %add3A_156 = arith.constant 1 : i32
      %add3A_157 = arith.addi %mul3A_155, %add3A_156 : i32
      %mul3A_158 = arith.constant 16 : i32
      %mul3A_159 = arith.muli %add3A_157, %mul3A_158 : i32
      %get3A_160 = arith.index_cast %mul3A_159 : i32 to index
      %get3A_161 = tpu.vector_load %arg5[%get3A_160] {strides = array<i32>} : memref<2048xf32, #tpu.memory_space<vmem>>, vector<16xf32>,
      %get3A_162 = arith.index_cast %mul3A_159 : i32 to index
      %get3A_163 = tpu.vector_load %arg6[%get3A_162] {strides = array<i32>} : memref<2048xf32, #tpu.memory_space<vmem>>, vector<16xf32>,
      %add3A_164 = arith.addf %get3A_161, %get3A_163 : vector<16xf32>
      %swap3A_165 = arith.index_cast %mul3A_159 : i32 to index
      %swap3A_166 = tpu.vector_load %arg5[%swap3A_165] {strides = array<i32>} : memref<2048xf32, #tpu.memory_space<vmem>>, vector<16xf32>,
      tpu.vector_store %arg5[%swap3A_165], %add3A_164 {strides = array<i32>} : memref<2048xf32, #tpu.memory_space<vmem>>, vector<16xf32>,
      %mul3A_167 = arith.constant 8 : i32
      %mul3A_168 = arith.muli %scan3A_140, %mul3A_167 : i32
      %add3A_169 = arith.constant 2 : i32
      %add3A_170 = arith.addi %mul3A_168, %add3A_169 : i32
      %mul3A_171 = arith.constant 16 : i32
      %mul3A_172 = arith.muli %add3A_170, %mul3A_171 : i32
      %get3A_173 = arith.index_cast %mul3A_172 : i32 to index
      %get3A_174 = tpu.vector_load %arg5[%get3A_173] {strides = array<i32>} : memref<2048xf32, #tpu.memory_space<vmem>>, vector<16xf32>,
      %get3A_175 = arith.index_cast %mul3A_172 : i32 to index
      %get3A_176 = tpu.vector_load %arg6[%get3A_175] {strides = array<i32>} : memref<2048xf32, #tpu.memory_space<vmem>>, vector<16xf32>,
      %add3A_177 = arith.addf %get3A_174, %get3A_176 : vector<16xf32>
      %swap3A_178 = arith.index_cast %mul3A_172 : i32 to index
      %swap3A_179 = tpu.vector_load %arg5[%swap3A_178] {strides = array<i32>} : memref<2048xf32, #tpu.memory_space<vmem>>, vector<16xf32>,
      tpu.vector_store %arg5[%swap3A_178], %add3A_177 {strides = array<i32>} : memref<2048xf32, #tpu.memory_space<vmem>>, vector<16xf32>,
      %mul3A_180 = arith.constant 8 : i32
      %mul3A_181 = arith.muli %scan3A_140, %mul3A_180 : i32
      %add3A_182 = arith.constant 3 : i32
      %add3A_183 = arith.addi %mul3A_181, %add3A_182 : i32
      %mul3A_184 = arith.constant 16 : i32
      %mul3A_185 = arith.muli %add3A_183, %mul3A_184 : i32
      %get3A_186 = arith.index_cast %mul3A_185 : i32 to index
      %get3A_187 = tpu.vector_load %arg5[%get3A_186] {strides = array<i32>} : memref<2048xf32, #tpu.memory_space<vmem>>, vector<16xf32>,
      %get3A_188 = arith.index_cast %mul3A_185 : i32 to index
      %get3A_189 = tpu.vector_load %arg6[%get3A_188] {strides = array<i32>} : memref<2048xf32, #tpu.memory_space<vmem>>, vector<16xf32>,
      %add3A_190 = arith.addf %get3A_187, %get3A_189 : vector<16xf32>
      %swap3A_191 = arith.index_cast %mul3A_185 : i32 to index
      %swap3A_192 = tpu.vector_load %arg5[%swap3A_191] {strides = array<i32>} : memref<2048xf32, #tpu.memory_space<vmem>>, vector<16xf32>,
      tpu.vector_store %arg5[%swap3A_191], %add3A_190 {strides = array<i32>} : memref<2048xf32, #tpu.memory_space<vmem>>, vector<16xf32>,
      %mul3A_193 = arith.constant 8 : i32
      %mul3A_194 = arith.muli %scan3A_140, %mul3A_193 : i32
      %add3A_195 = arith.constant 4 : i32
      %add3A_196 = arith.addi %mul3A_194, %add3A_195 : i32
      %mul3A_197 = arith.constant 16 : i32
      %mul3A_198 = arith.muli %add3A_196, %mul3A_197 : i32
      %get3A_199 = arith.index_cast %mul3A_198 : i32 to index
      %get3A_200 = tpu.vector_load %arg5[%get3A_199] {strides = array<i32>} : memref<2048xf32, #tpu.memory_space<vmem>>, vector<16xf32>,
      %get3A_201 = arith.index_cast %mul3A_198 : i32 to index
      %get3A_202 = tpu.vector_load %arg6[%get3A_201] {strides = array<i32>} : memref<2048xf32, #tpu.memory_space<vmem>>, vector<16xf32>,
      %add3A_203 = arith.addf %get3A_200, %get3A_202 : vector<16xf32>
      %swap3A_204 = arith.index_cast %mul3A_198 : i32 to index
      %swap3A_205 = tpu.vector_load %arg5[%swap3A_204] {strides = array<i32>} : memref<2048xf32, #tpu.memory_space<vmem>>, vector<16xf32>,
      tpu.vector_store %arg5[%swap3A_204], %add3A_203 {strides = array<i32>} : memref<2048xf32, #tpu.memory_space<vmem>>, vector<16xf32>,
      %mul3A_206 = arith.constant 8 : i32
      %mul3A_207 = arith.muli %scan3A_140, %mul3A_206 : i32
      %add3A_208 = arith.constant 5 : i32
      %add3A_209 = arith.addi %mul3A_207, %add3A_208 : i32
      %mul3A_210 = arith.constant 16 : i32
      %mul3A_211 = arith.muli %add3A_209, %mul3A_210 : i32
      %get3A_212 = arith.index_cast %mul3A_211 : i32 to index
      %get3A_213 = tpu.vector_load %arg5[%get3A_212] {strides = array<i32>} : memref<2048xf32, #tpu.memory_space<vmem>>, vector<16xf32>,
      %get3A_214 = arith.index_cast %mul3A_211 : i32 to index
      %get3A_215 = tpu.vector_load %arg6[%get3A_214] {strides = array<i32>} : memref<2048xf32, #tpu.memory_space<vmem>>, vector<16xf32>,
      %add3A_216 = arith.addf %get3A_213, %get3A_215 : vector<16xf32>
      %swap3A_217 = arith.index_cast %mul3A_211 : i32 to index
      %swap3A_218 = tpu.vector_load %arg5[%swap3A_217] {strides = array<i32>} : memref<2048xf32, #tpu.memory_space<vmem>>, vector<16xf32>,
      tpu.vector_store %arg5[%swap3A_217], %add3A_216 {strides = array<i32>} : memref<2048xf32, #tpu.memory_space<vmem>>, vector<16xf32>,
      %mul3A_219 = arith.constant 8 : i32
      %mul3A_220 = arith.muli %scan3A_140, %mul3A_219 : i32
      %add3A_221 = arith.constant 6 : i32
      %add3A_222 = arith.addi %mul3A_220, %add3A_221 : i32
      %mul3A_223 = arith.constant 16 : i32
      %mul3A_224 = arith.muli %add3A_222, %mul3A_223 : i32
      %get3A_225 = arith.index_cast %mul3A_224 : i32 to index
      %get3A_226 = tpu.vector_load %arg5[%get3A_225] {strides = array<i32>} : memref<2048xf32, #tpu.memory_space<vmem>>, vector<16xf32>,
      %get3A_227 = arith.index_cast %mul3A_224 : i32 to index
      %get3A_228 = tpu.vector_load %arg6[%get3A_227] {strides = array<i32>} : memref<2048xf32, #tpu.memory_space<vmem>>, vector<16xf32>,
      %add3A_229 = arith.addf %get3A_226, %get3A_228 : vector<16xf32>
      %swap3A_230 = arith.index_cast %mul3A_224 : i32 to index
      %swap3A_231 = tpu.vector_load %arg5[%swap3A_230] {strides = array<i32>} : memref<2048xf32, #tpu.memory_space<vmem>>, vector<16xf32>,
      tpu.vector_store %arg5[%swap3A_230], %add3A_229 {strides = array<i32>} : memref<2048xf32, #tpu.memory_space<vmem>>, vector<16xf32>,
      %mul3A_232 = arith.constant 8 : i32
      %mul3A_233 = arith.muli %scan3A_140, %mul3A_232 : i32
      %add3A_234 = arith.constant 7 : i32
      %add3A_235 = arith.addi %mul3A_233, %add3A_234 : i32
      %mul3A_236 = arith.constant 16 : i32
      %mul3A_237 = arith.muli %add3A_235, %mul3A_236 : i32
      %get3A_238 = arith.index_cast %mul3A_237 : i32 to index
      %get3A_239 = tpu.vector_load %arg5[%get3A_238] {strides = array<i32>} : memref<2048xf32, #tpu.memory_space<vmem>>, vector<16xf32>,
      %get3A_240 = arith.index_cast %mul3A_237 : i32 to index
      %get3A_241 = tpu.vector_load %arg6[%get3A_240] {strides = array<i32>} : memref<2048xf32, #tpu.memory_space<vmem>>, vector<16xf32>,
      %add3A_242 = arith.addf %get3A_239, %get3A_241 : vector<16xf32>
      %swap3A_243 = arith.index_cast %mul3A_237 : i32 to index
      %swap3A_244 = tpu.vector_load %arg5[%swap3A_243] {strides = array<i32>} : memref<2048xf32, #tpu.memory_space<vmem>>, vector<16xf32>,
      tpu.vector_store %arg5[%swap3A_243], %add3A_242 {strides = array<i32>} : memref<2048xf32, #tpu.memory_space<vmem>>, vector<16xf32>,
    }
    %scan3A_92 = arith.constant 16 : i32
    %scan3A_93 = arith.constant false
    %scan3A_94 = arith.constant 0 : i32
    %scan3A_95 = arith.constant 0.000000e+00 : f32
    %scan3A_96 = arith.constant 0.000000e+00 : f32
    %scan3A_97 = arith.constant 0 : i32
    %scan3A_98 = arith.constant 64 : i32
    %scan3A_99 = arith.addi %scan3A_97, %scan3A_98 : i32
    %scan3A_100 = arith.constant 1 : i32
    %scan3A_101:4 = scf.for %scan3A_140 = %scan3A_97 to %scan3A_99 step %scan3A_100 iter_args(%scan3A_141 = %scan3A_93, %scan3A_142 = %scan3A_94, %scan3A_143 = %scan3A_95, %scan3A_144 = %scan3A_96) -> (i1, i32, f32, f32)  : i32 {
      %sub3A_145 = arith.constant 63 : i32
      %sub3A_146 = arith.subi %sub3A_145, %scan3A_140 : i32
      %mul3A_147 = arith.constant 16 : i32
      %mul3A_148 = arith.muli %sub3A_146, %mul3A_147 : i32
      %get3A_149 = arith.index_cast %mul3A_148 : i32 to index
      %get3A_150 = tpu.vector_load %arg5[%get3A_149] {strides = array<i32>} : memref<2048xf32, #tpu.memory_space<vmem>>, vector<16xf32>,
      %reduce_sum3A_151 = arith.constant true
      %reduce_sum3A_152 = vector.broadcast %reduce_sum3A_151 : i1 to vector<16xi1>
      %reduce_sum3A_153 = tpu.scan <sum>, %get3A_150 masked %reduce_sum3A_152 : vector<16xf32>, vector<16xi1> -> vector<16xf32>
      %reduce_sum3A_154 = vector.extract %reduce_sum3A_153[15] : f32 from vector<16xf32>
      %rev3A = arith.constant 15 : i32
      %rev3A_155 = vector.broadcast %rev3A : i32 to vector<16xi32>
      %rev3A_156 = tpu.iota {dimensions = array<i32: 0>} : vector<16xi32>
      %rev3A_157 = arith.subi %rev3A_155, %rev3A_156 : vector<16xi32>
      %rev3A_158 = tpu.dynamic_gather %get3A_150[%rev3A_157] in [0] : vector<16xf32>, vector<16xi32> -> vector<16xf32>
      %broadcast_in_dim3A_159 = arith.constant true
      %broadcast_in_dim3A_160 = vector.broadcast %broadcast_in_dim3A_159 : i1 to vector<16xi1>
      %masked_cumsum3A = tpu.scan <sum>, %rev3A_158 masked %broadcast_in_dim3A_160 : vector<16xf32>, vector<16xi1> -> vector<16xf32>
      %rev3A_161 = arith.constant 15 : i32
      %rev3A_162 = vector.broadcast %rev3A_161 : i32 to vector<16xi32>
      %rev3A_163 = tpu.iota {dimensions = array<i32: 0>} : vector<16xi32>
      %rev3A_164 = arith.subi %rev3A_162, %rev3A_163 : vector<16xi32>
      %rev3A_165 = tpu.dynamic_gather %masked_cumsum3A[%rev3A_164] in [0] : vector<16xf32>, vector<16xi32> -> vector<16xf32>
      %add3A_166 = vector.broadcast %scan3A_144 : f32 to vector<16xf32>
      %add3A_167 = arith.addf %add3A_166, %rev3A_165 : vector<16xf32>
      %ge3A = vector.broadcast %sub3A_71 : f32 to vector<16xf32>
      %ge3A_168 = arith.cmpf oge, %add3A_167, %ge3A : vector<16xf32>
      %all_reduce_population_count3A = tpu.all_reduce %ge3A_168 {dim = 0 : i64, kind = #tpu.reduction_kind<sum>} : vector<16xi1> -> vector<16xi32>
      %reduce_max3A_169 = arith.constant true
      %reduce_max3A_170 = vector.broadcast %reduce_max3A_169 : i1 to vector<16xi1>
      %reduce_max3A_171 = arith.constant -2147483648 : i32
      %reduce_max3A_172 = vector.broadcast %reduce_max3A_171 : i32 to vector<16xi32>
      %reduce_max3A_173 = arith.xori %all_reduce_population_count3A, %reduce_max3A_172 : vector<16xi32>
      %reduce_max3A_174 = tpu.scan <max>, %reduce_max3A_173 masked %reduce_max3A_170 : vector<16xi32>, vector<16xi1> -> vector<16xi32>
      %reduce_max3A_175 = arith.xori %reduce_max3A_174, %reduce_max3A_172 : vector<16xi32>
      %reduce_max3A_176 = vector.extract %reduce_max3A_175[15] : i32 from vector<16xi32>
      %not3A = arith.constant true
      %not3A_177 = arith.xori %scan3A_141, %not3A : i1
      %ge3A_178 = arith.constant 1 : i32
      %ge3A_179 = arith.cmpi sge, %reduce_max3A_176, %ge3A_178 : i32
      %and3A_180 = arith.andi %not3A_177, %ge3A_179 : i1
      %sub3A_181 = arith.constant 1 : i32
      %sub3A_182 = arith.subi %reduce_max3A_176, %sub3A_181 : i32
      %gt3A = vector.broadcast %sub3A_182 : i32 to vector<16xi32>
      %gt3A_183 = arith.cmpi sgt, %iota3A, %gt3A : vector<16xi32>
      %jit3A = arith.constant 0.000000e+00 : f32
      %broadcast_in_dim3A_184 = vector.broadcast %jit3A : f32 to vector<16xf32>
      %select_n3A = arith.select %gt3A_183, %get3A_150, %broadcast_in_dim3A_184 : vector<16xi1>, vector<16xf32>
      %reduce_sum3A_185 = arith.constant true
      %reduce_sum3A_186 = vector.broadcast %reduce_sum3A_185 : i1 to vector<16xi1>
      %reduce_sum3A_187 = tpu.scan <sum>, %select_n3A masked %reduce_sum3A_186 : vector<16xf32>, vector<16xi1> -> vector<16xf32>
      %reduce_sum3A_188 = vector.extract %reduce_sum3A_187[15] : f32 from vector<16xf32>
      %add3A_189 = arith.addf %scan3A_144, %reduce_sum3A_188 : f32
      %mul3A_190 = arith.constant 16 : i32
      %mul3A_191 = arith.muli %sub3A_146, %mul3A_190 : i32
      %add3A_192 = arith.addi %mul3A_191, %sub3A_182 : i32
      %select_n3A_193 = arith.select %and3A_180, %add3A_192, %scan3A_142 : i32
      %select_n3A_194 = arith.select %and3A_180, %add3A_189, %scan3A_143 : f32
      %or3A_195 = arith.ori %scan3A_141, %and3A_180 : i1
      %add3A_196 = arith.addf %scan3A_144, %reduce_sum3A_154 : f32
      scf.yield %or3A_195, %select_n3A_193, %select_n3A_194, %add3A_196 : i1, i32, f32, f32
    }
    %scan3A_102 = arith.constant 64 : i32
    %sub3A_103 = arith.subf %sub3A_71, %scan3A_101#2 : f32
    %shift_left3A_104 = arith.constant 10 : i32
    %shift_left3A_105 = arith.shli %or3A, %shift_left3A_104 : i32
    %or3A_106 = arith.ori %shift_left3A_105, %scan3A_101#1 : i32
    %broadcast_in_dim3A_107 = vector.broadcast %or3A_106 : i32 to vector<16xi32>
    %bitcast_convert_type3A = tpu.bitcast %broadcast_in_dim3A_107 : vector<16xi32> -> vector<16xf32>
    %reduce_max3A = arith.constant true
    %reduce_max3A_108 = vector.broadcast %reduce_max3A : i1 to vector<16xi1>
    %reduce_max3A_109 = tpu.scan <max>, %bitcast_convert_type3A masked %reduce_max3A_108 : vector<16xf32>, vector<16xi1> -> vector<16xf32>
    %reduce_max3A_110 = vector.extract %reduce_max3A_109[15] : f32 from vector<16xf32>
    %broadcast_in_dim3A_111 = arith.constant 0.000000e+00 : f32
    %broadcast_in_dim3A_112 = vector.broadcast %broadcast_in_dim3A_111 : f32 to vector<16xf32>
    %scan3A_113 = arith.constant 0 : i32
    %scan3A_114 = arith.constant 192 : i32
    %scan3A_115 = arith.addi %scan3A_113, %scan3A_114 : i32
    %scan3A_116 = arith.constant 1 : i32
    %scan3A_117:4 = scf.for %scan3A_140 = %scan3A_113 to %scan3A_115 step %scan3A_116 iter_args(%scan3A_141 = %broadcast_in_dim3A_112, %scan3A_142 = %broadcast_in_dim3A_112, %scan3A_143 = %broadcast_in_dim3A_112, %scan3A_144 = %broadcast_in_dim3A_112) -> (vector<16xf32>, vector<16xf32>, vector<16xf32>, vector<16xf32>)  : i32 {
      %get3A_145 = arith.index_cast %scan3A_140 : i32 to index
      %get3A_146 = arith.constant 0 : index
      %get3A_147 = tpu.vector_load %arg4[%get3A_145, %get3A_146] {strides = array<i32>} : memref<192x384xf32, #tpu.memory_space<vmem>>, vector<16xf32>,
      %gt3A = vector.broadcast %reduce_max3A_110 : f32 to vector<16xf32>
      %gt3A_148 = arith.cmpf ogt, %get3A_147, %gt3A : vector<16xf32>
      %jit3A = arith.constant 0.000000e+00 : f32
      %broadcast_in_dim3A_149 = vector.broadcast %jit3A : f32 to vector<16xf32>
      %select_n3A = arith.select %gt3A_148, %get3A_147, %broadcast_in_dim3A_149 : vector<16xi1>, vector<16xf32>
      %add3A_150 = arith.addf %scan3A_141, %select_n3A : vector<16xf32>
      %get3A_151 = arith.index_cast %scan3A_140 : i32 to index
      %get3A_152 = arith.constant 16 : index
      %get3A_153 = tpu.vector_load %arg4[%get3A_151, %get3A_152] {strides = array<i32>} : memref<192x384xf32, #tpu.memory_space<vmem>>, vector<16xf32>,
      %gt3A_154 = vector.broadcast %reduce_max3A_110 : f32 to vector<16xf32>
      %gt3A_155 = arith.cmpf ogt, %get3A_153, %gt3A_154 : vector<16xf32>
      %jit3A_156 = arith.constant 0.000000e+00 : f32
      %broadcast_in_dim3A_157 = vector.broadcast %jit3A_156 : f32 to vector<16xf32>
      %select_n3A_158 = arith.select %gt3A_155, %get3A_153, %broadcast_in_dim3A_157 : vector<16xi1>, vector<16xf32>
      %add3A_159 = arith.addf %scan3A_142, %select_n3A_158 : vector<16xf32>
      %get3A_160 = arith.index_cast %scan3A_140 : i32 to index
      %get3A_161 = arith.constant 32 : index
      %get3A_162 = tpu.vector_load %arg4[%get3A_160, %get3A_161] {strides = array<i32>} : memref<192x384xf32, #tpu.memory_space<vmem>>, vector<16xf32>,
      %gt3A_163 = vector.broadcast %reduce_max3A_110 : f32 to vector<16xf32>
      %gt3A_164 = arith.cmpf ogt, %get3A_162, %gt3A_163 : vector<16xf32>
      %jit3A_165 = arith.constant 0.000000e+00 : f32
      %broadcast_in_dim3A_166 = vector.broadcast %jit3A_165 : f32 to vector<16xf32>
      %select_n3A_167 = arith.select %gt3A_164, %get3A_162, %broadcast_in_dim3A_166 : vector<16xi1>, vector<16xf32>
      %add3A_168 = arith.addf %scan3A_143, %select_n3A_167 : vector<16xf32>
      %get3A_169 = arith.index_cast %scan3A_140 : i32 to index
      %get3A_170 = arith.constant 48 : index
      %get3A_171 = tpu.vector_load %arg4[%get3A_169, %get3A_170] {strides = array<i32>} : memref<192x384xf32, #tpu.memory_space<vmem>>, vector<16xf32>,
      %gt3A_172 = vector.broadcast %reduce_max3A_110 : f32 to vector<16xf32>
      %gt3A_173 = arith.cmpf ogt, %get3A_171, %gt3A_172 : vector<16xf32>
      %jit3A_174 = arith.constant 0.000000e+00 : f32
      %broadcast_in_dim3A_175 = vector.broadcast %jit3A_174 : f32 to vector<16xf32>
      %select_n3A_176 = arith.select %gt3A_173, %get3A_171, %broadcast_in_dim3A_175 : vector<16xi1>, vector<16xf32>
      %add3A_177 = arith.addf %scan3A_144, %select_n3A_176 : vector<16xf32>
      %get3A_178 = arith.index_cast %scan3A_140 : i32 to index
      %get3A_179 = arith.constant 64 : index
      %get3A_180 = tpu.vector_load %arg4[%get3A_178, %get3A_179] {strides = array<i32>} : memref<192x384xf32, #tpu.memory_space<vmem>>, vector<16xf32>,
      %gt3A_181 = vector.broadcast %reduce_max3A_110 : f32 to vector<16xf32>
      %gt3A_182 = arith.cmpf ogt, %get3A_180, %gt3A_181 : vector<16xf32>
      %jit3A_183 = arith.constant 0.000000e+00 : f32
      %broadcast_in_dim3A_184 = vector.broadcast %jit3A_183 : f32 to vector<16xf32>
      %select_n3A_185 = arith.select %gt3A_182, %get3A_180, %broadcast_in_dim3A_184 : vector<16xi1>, vector<16xf32>
      %add3A_186 = arith.addf %add3A_150, %select_n3A_185 : vector<16xf32>
      %get3A_187 = arith.index_cast %scan3A_140 : i32 to index
      %get3A_188 = arith.constant 80 : index
      %get3A_189 = tpu.vector_load %arg4[%get3A_187, %get3A_188] {strides = array<i32>} : memref<192x384xf32, #tpu.memory_space<vmem>>, vector<16xf32>,
      %gt3A_190 = vector.broadcast %reduce_max3A_110 : f32 to vector<16xf32>
      %gt3A_191 = arith.cmpf ogt, %get3A_189, %gt3A_190 : vector<16xf32>
      %jit3A_192 = arith.constant 0.000000e+00 : f32
      %broadcast_in_dim3A_193 = vector.broadcast %jit3A_192 : f32 to vector<16xf32>
      %select_n3A_194 = arith.select %gt3A_191, %get3A_189, %broadcast_in_dim3A_193 : vector<16xi1>, vector<16xf32>
      %add3A_195 = arith.addf %add3A_159, %select_n3A_194 : vector<16xf32>
      %get3A_196 = arith.index_cast %scan3A_140 : i32 to index
      %get3A_197 = arith.constant 96 : index
      %get3A_198 = tpu.vector_load %arg4[%get3A_196, %get3A_197] {strides = array<i32>} : memref<192x384xf32, #tpu.memory_space<vmem>>, vector<16xf32>,
      %gt3A_199 = vector.broadcast %reduce_max3A_110 : f32 to vector<16xf32>
      %gt3A_200 = arith.cmpf ogt, %get3A_198, %gt3A_199 : vector<16xf32>
      %jit3A_201 = arith.constant 0.000000e+00 : f32
      %broadcast_in_dim3A_202 = vector.broadcast %jit3A_201 : f32 to vector<16xf32>
      %select_n3A_203 = arith.select %gt3A_200, %get3A_198, %broadcast_in_dim3A_202 : vector<16xi1>, vector<16xf32>
      %add3A_204 = arith.addf %add3A_168, %select_n3A_203 : vector<16xf32>
      %get3A_205 = arith.index_cast %scan3A_140 : i32 to index
      %get3A_206 = arith.constant 112 : index
      %get3A_207 = tpu.vector_load %arg4[%get3A_205, %get3A_206] {strides = array<i32>} : memref<192x384xf32, #tpu.memory_space<vmem>>, vector<16xf32>,
      %gt3A_208 = vector.broadcast %reduce_max3A_110 : f32 to vector<16xf32>
      %gt3A_209 = arith.cmpf ogt, %get3A_207, %gt3A_208 : vector<16xf32>
      %jit3A_210 = arith.constant 0.000000e+00 : f32
      %broadcast_in_dim3A_211 = vector.broadcast %jit3A_210 : f32 to vector<16xf32>
      %select_n3A_212 = arith.select %gt3A_209, %get3A_207, %broadcast_in_dim3A_211 : vector<16xi1>, vector<16xf32>
      %add3A_213 = arith.addf %add3A_177, %select_n3A_212 : vector<16xf32>
      %get3A_214 = arith.index_cast %scan3A_140 : i32 to index
      %get3A_215 = arith.constant 128 : index
      %get3A_216 = tpu.vector_load %arg4[%get3A_214, %get3A_215] {strides = array<i32>} : memref<192x384xf32, #tpu.memory_space<vmem>>, vector<16xf32>,
      %gt3A_217 = vector.broadcast %reduce_max3A_110 : f32 to vector<16xf32>
      %gt3A_218 = arith.cmpf ogt, %get3A_216, %gt3A_217 : vector<16xf32>
      %jit3A_219 = arith.constant 0.000000e+00 : f32
      %broadcast_in_dim3A_220 = vector.broadcast %jit3A_219 : f32 to vector<16xf32>
      %select_n3A_221 = arith.select %gt3A_218, %get3A_216, %broadcast_in_dim3A_220 : vector<16xi1>, vector<16xf32>
      %add3A_222 = arith.addf %add3A_186, %select_n3A_221 : vector<16xf32>
      %get3A_223 = arith.index_cast %scan3A_140 : i32 to index
      %get3A_224 = arith.constant 144 : index
      %get3A_225 = tpu.vector_load %arg4[%get3A_223, %get3A_224] {strides = array<i32>} : memref<192x384xf32, #tpu.memory_space<vmem>>, vector<16xf32>,
      %gt3A_226 = vector.broadcast %reduce_max3A_110 : f32 to vector<16xf32>
      %gt3A_227 = arith.cmpf ogt, %get3A_225, %gt3A_226 : vector<16xf32>
      %jit3A_228 = arith.constant 0.000000e+00 : f32
      %broadcast_in_dim3A_229 = vector.broadcast %jit3A_228 : f32 to vector<16xf32>
      %select_n3A_230 = arith.select %gt3A_227, %get3A_225, %broadcast_in_dim3A_229 : vector<16xi1>, vector<16xf32>
      %add3A_231 = arith.addf %add3A_195, %select_n3A_230 : vector<16xf32>
      %get3A_232 = arith.index_cast %scan3A_140 : i32 to index
      %get3A_233 = arith.constant 160 : index
      %get3A_234 = tpu.vector_load %arg4[%get3A_232, %get3A_233] {strides = array<i32>} : memref<192x384xf32, #tpu.memory_space<vmem>>, vector<16xf32>,
      %gt3A_235 = vector.broadcast %reduce_max3A_110 : f32 to vector<16xf32>
      %gt3A_236 = arith.cmpf ogt, %get3A_234, %gt3A_235 : vector<16xf32>
      %jit3A_237 = arith.constant 0.000000e+00 : f32
      %broadcast_in_dim3A_238 = vector.broadcast %jit3A_237 : f32 to vector<16xf32>
      %select_n3A_239 = arith.select %gt3A_236, %get3A_234, %broadcast_in_dim3A_238 : vector<16xi1>, vector<16xf32>
      %add3A_240 = arith.addf %add3A_204, %select_n3A_239 : vector<16xf32>
      %get3A_241 = arith.index_cast %scan3A_140 : i32 to index
      %get3A_242 = arith.constant 176 : index
      %get3A_243 = tpu.vector_load %arg4[%get3A_241, %get3A_242] {strides = array<i32>} : memref<192x384xf32, #tpu.memory_space<vmem>>, vector<16xf32>,
      %gt3A_244 = vector.broadcast %reduce_max3A_110 : f32 to vector<16xf32>
      %gt3A_245 = arith.cmpf ogt, %get3A_243, %gt3A_244 : vector<16xf32>
      %jit3A_246 = arith.constant 0.000000e+00 : f32
      %broadcast_in_dim3A_247 = vector.broadcast %jit3A_246 : f32 to vector<16xf32>
      %select_n3A_248 = arith.select %gt3A_245, %get3A_243, %broadcast_in_dim3A_247 : vector<16xi1>, vector<16xf32>
      %add3A_249 = arith.addf %add3A_213, %select_n3A_248 : vector<16xf32>
      %get3A_250 = arith.index_cast %scan3A_140 : i32 to index
      %get3A_251 = arith.constant 192 : index
      %get3A_252 = tpu.vector_load %arg4[%get3A_250, %get3A_251] {strides = array<i32>} : memref<192x384xf32, #tpu.memory_space<vmem>>, vector<16xf32>,
      %gt3A_253 = vector.broadcast %reduce_max3A_110 : f32 to vector<16xf32>
      %gt3A_254 = arith.cmpf ogt, %get3A_252, %gt3A_253 : vector<16xf32>
      %jit3A_255 = arith.constant 0.000000e+00 : f32
      %broadcast_in_dim3A_256 = vector.broadcast %jit3A_255 : f32 to vector<16xf32>
      %select_n3A_257 = arith.select %gt3A_254, %get3A_252, %broadcast_in_dim3A_256 : vector<16xi1>, vector<16xf32>
      %add3A_258 = arith.addf %add3A_222, %select_n3A_257 : vector<16xf32>
      %get3A_259 = arith.index_cast %scan3A_140 : i32 to index
      %get3A_260 = arith.constant 208 : index
      %get3A_261 = tpu.vector_load %arg4[%get3A_259, %get3A_260] {strides = array<i32>} : memref<192x384xf32, #tpu.memory_space<vmem>>, vector<16xf32>,
      %gt3A_262 = vector.broadcast %reduce_max3A_110 : f32 to vector<16xf32>
      %gt3A_263 = arith.cmpf ogt, %get3A_261, %gt3A_262 : vector<16xf32>
      %jit3A_264 = arith.constant 0.000000e+00 : f32
      %broadcast_in_dim3A_265 = vector.broadcast %jit3A_264 : f32 to vector<16xf32>
      %select_n3A_266 = arith.select %gt3A_263, %get3A_261, %broadcast_in_dim3A_265 : vector<16xi1>, vector<16xf32>
      %add3A_267 = arith.addf %add3A_231, %select_n3A_266 : vector<16xf32>
      %get3A_268 = arith.index_cast %scan3A_140 : i32 to index
      %get3A_269 = arith.constant 224 : index
      %get3A_270 = tpu.vector_load %arg4[%get3A_268, %get3A_269] {strides = array<i32>} : memref<192x384xf32, #tpu.memory_space<vmem>>, vector<16xf32>,
      %gt3A_271 = vector.broadcast %reduce_max3A_110 : f32 to vector<16xf32>
      %gt3A_272 = arith.cmpf ogt, %get3A_270, %gt3A_271 : vector<16xf32>
      %jit3A_273 = arith.constant 0.000000e+00 : f32
      %broadcast_in_dim3A_274 = vector.broadcast %jit3A_273 : f32 to vector<16xf32>
      %select_n3A_275 = arith.select %gt3A_272, %get3A_270, %broadcast_in_dim3A_274 : vector<16xi1>, vector<16xf32>
      %add3A_276 = arith.addf %add3A_240, %select_n3A_275 : vector<16xf32>
      %get3A_277 = arith.index_cast %scan3A_140 : i32 to index
      %get3A_278 = arith.constant 240 : index
      %get3A_279 = tpu.vector_load %arg4[%get3A_277, %get3A_278] {strides = array<i32>} : memref<192x384xf32, #tpu.memory_space<vmem>>, vector<16xf32>,
      %gt3A_280 = vector.broadcast %reduce_max3A_110 : f32 to vector<16xf32>
      %gt3A_281 = arith.cmpf ogt, %get3A_279, %gt3A_280 : vector<16xf32>
      %jit3A_282 = arith.constant 0.000000e+00 : f32
      %broadcast_in_dim3A_283 = vector.broadcast %jit3A_282 : f32 to vector<16xf32>
      %select_n3A_284 = arith.select %gt3A_281, %get3A_279, %broadcast_in_dim3A_283 : vector<16xi1>, vector<16xf32>
      %add3A_285 = arith.addf %add3A_249, %select_n3A_284 : vector<16xf32>
      %get3A_286 = arith.index_cast %scan3A_140 : i32 to index
      %get3A_287 = arith.constant 256 : index
      %get3A_288 = tpu.vector_load %arg4[%get3A_286, %get3A_287] {strides = array<i32>} : memref<192x384xf32, #tpu.memory_space<vmem>>, vector<16xf32>,
      %gt3A_289 = vector.broadcast %reduce_max3A_110 : f32 to vector<16xf32>
      %gt3A_290 = arith.cmpf ogt, %get3A_288, %gt3A_289 : vector<16xf32>
      %jit3A_291 = arith.constant 0.000000e+00 : f32
      %broadcast_in_dim3A_292 = vector.broadcast %jit3A_291 : f32 to vector<16xf32>
      %select_n3A_293 = arith.select %gt3A_290, %get3A_288, %broadcast_in_dim3A_292 : vector<16xi1>, vector<16xf32>
      %add3A_294 = arith.addf %add3A_258, %select_n3A_293 : vector<16xf32>
      %get3A_295 = arith.index_cast %scan3A_140 : i32 to index
      %get3A_296 = arith.constant 272 : index
      %get3A_297 = tpu.vector_load %arg4[%get3A_295, %get3A_296] {strides = array<i32>} : memref<192x384xf32, #tpu.memory_space<vmem>>, vector<16xf32>,
      %gt3A_298 = vector.broadcast %reduce_max3A_110 : f32 to vector<16xf32>
      %gt3A_299 = arith.cmpf ogt, %get3A_297, %gt3A_298 : vector<16xf32>
      %jit3A_300 = arith.constant 0.000000e+00 : f32
      %broadcast_in_dim3A_301 = vector.broadcast %jit3A_300 : f32 to vector<16xf32>
      %select_n3A_302 = arith.select %gt3A_299, %get3A_297, %broadcast_in_dim3A_301 : vector<16xi1>, vector<16xf32>
      %add3A_303 = arith.addf %add3A_267, %select_n3A_302 : vector<16xf32>
      %get3A_304 = arith.index_cast %scan3A_140 : i32 to index
      %get3A_305 = arith.constant 288 : index
      %get3A_306 = tpu.vector_load %arg4[%get3A_304, %get3A_305] {strides = array<i32>} : memref<192x384xf32, #tpu.memory_space<vmem>>, vector<16xf32>,
      %gt3A_307 = vector.broadcast %reduce_max3A_110 : f32 to vector<16xf32>
      %gt3A_308 = arith.cmpf ogt, %get3A_306, %gt3A_307 : vector<16xf32>
      %jit3A_309 = arith.constant 0.000000e+00 : f32
      %broadcast_in_dim3A_310 = vector.broadcast %jit3A_309 : f32 to vector<16xf32>
      %select_n3A_311 = arith.select %gt3A_308, %get3A_306, %broadcast_in_dim3A_310 : vector<16xi1>, vector<16xf32>
      %add3A_312 = arith.addf %add3A_276, %select_n3A_311 : vector<16xf32>
      %get3A_313 = arith.index_cast %scan3A_140 : i32 to index
      %get3A_314 = arith.constant 304 : index
      %get3A_315 = tpu.vector_load %arg4[%get3A_313, %get3A_314] {strides = array<i32>} : memref<192x384xf32, #tpu.memory_space<vmem>>, vector<16xf32>,
      %gt3A_316 = vector.broadcast %reduce_max3A_110 : f32 to vector<16xf32>
      %gt3A_317 = arith.cmpf ogt, %get3A_315, %gt3A_316 : vector<16xf32>
      %jit3A_318 = arith.constant 0.000000e+00 : f32
      %broadcast_in_dim3A_319 = vector.broadcast %jit3A_318 : f32 to vector<16xf32>
      %select_n3A_320 = arith.select %gt3A_317, %get3A_315, %broadcast_in_dim3A_319 : vector<16xi1>, vector<16xf32>
      %add3A_321 = arith.addf %add3A_285, %select_n3A_320 : vector<16xf32>
      %get3A_322 = arith.index_cast %scan3A_140 : i32 to index
      %get3A_323 = arith.constant 320 : index
      %get3A_324 = tpu.vector_load %arg4[%get3A_322, %get3A_323] {strides = array<i32>} : memref<192x384xf32, #tpu.memory_space<vmem>>, vector<16xf32>,
      %gt3A_325 = vector.broadcast %reduce_max3A_110 : f32 to vector<16xf32>
      %gt3A_326 = arith.cmpf ogt, %get3A_324, %gt3A_325 : vector<16xf32>
      %jit3A_327 = arith.constant 0.000000e+00 : f32
      %broadcast_in_dim3A_328 = vector.broadcast %jit3A_327 : f32 to vector<16xf32>
      %select_n3A_329 = arith.select %gt3A_326, %get3A_324, %broadcast_in_dim3A_328 : vector<16xi1>, vector<16xf32>
      %add3A_330 = arith.addf %add3A_294, %select_n3A_329 : vector<16xf32>
      %get3A_331 = arith.index_cast %scan3A_140 : i32 to index
      %get3A_332 = arith.constant 336 : index
      %get3A_333 = tpu.vector_load %arg4[%get3A_331, %get3A_332] {strides = array<i32>} : memref<192x384xf32, #tpu.memory_space<vmem>>, vector<16xf32>,
      %gt3A_334 = vector.broadcast %reduce_max3A_110 : f32 to vector<16xf32>
      %gt3A_335 = arith.cmpf ogt, %get3A_333, %gt3A_334 : vector<16xf32>
      %jit3A_336 = arith.constant 0.000000e+00 : f32
      %broadcast_in_dim3A_337 = vector.broadcast %jit3A_336 : f32 to vector<16xf32>
      %select_n3A_338 = arith.select %gt3A_335, %get3A_333, %broadcast_in_dim3A_337 : vector<16xi1>, vector<16xf32>
      %add3A_339 = arith.addf %add3A_303, %select_n3A_338 : vector<16xf32>
      %get3A_340 = arith.index_cast %scan3A_140 : i32 to index
      %get3A_341 = arith.constant 352 : index
      %get3A_342 = tpu.vector_load %arg4[%get3A_340, %get3A_341] {strides = array<i32>} : memref<192x384xf32, #tpu.memory_space<vmem>>, vector<16xf32>,
      %gt3A_343 = vector.broadcast %reduce_max3A_110 : f32 to vector<16xf32>
      %gt3A_344 = arith.cmpf ogt, %get3A_342, %gt3A_343 : vector<16xf32>
      %jit3A_345 = arith.constant 0.000000e+00 : f32
      %broadcast_in_dim3A_346 = vector.broadcast %jit3A_345 : f32 to vector<16xf32>
      %select_n3A_347 = arith.select %gt3A_344, %get3A_342, %broadcast_in_dim3A_346 : vector<16xi1>, vector<16xf32>
      %add3A_348 = arith.addf %add3A_312, %select_n3A_347 : vector<16xf32>
      %get3A_349 = arith.index_cast %scan3A_140 : i32 to index
      %get3A_350 = arith.constant 368 : index
      %get3A_351 = tpu.vector_load %arg4[%get3A_349, %get3A_350] {strides = array<i32>} : memref<192x384xf32, #tpu.memory_space<vmem>>, vector<16xf32>,
      %gt3A_352 = vector.broadcast %reduce_max3A_110 : f32 to vector<16xf32>
      %gt3A_353 = arith.cmpf ogt, %get3A_351, %gt3A_352 : vector<16xf32>
      %jit3A_354 = arith.constant 0.000000e+00 : f32
      %broadcast_in_dim3A_355 = vector.broadcast %jit3A_354 : f32 to vector<16xf32>
      %select_n3A_356 = arith.select %gt3A_353, %get3A_351, %broadcast_in_dim3A_355 : vector<16xi1>, vector<16xf32>
      %add3A_357 = arith.addf %add3A_321, %select_n3A_356 : vector<16xf32>
      scf.yield %add3A_330, %add3A_339, %add3A_348, %add3A_357 : vector<16xf32>, vector<16xf32>, vector<16xf32>, vector<16xf32>
    }
    %scan3A_118 = arith.constant 192 : i32
    %add3A_119 = arith.addf %scan3A_117#0, %scan3A_117#1 : vector<16xf32>
    %add3A_120 = arith.addf %add3A_119, %scan3A_117#2 : vector<16xf32>
    %add3A_121 = arith.addf %add3A_120, %scan3A_117#3 : vector<16xf32>
    %reduce_sum3A = arith.constant true
    %reduce_sum3A_122 = vector.broadcast %reduce_sum3A : i1 to vector<16xi1>
    %reduce_sum3A_123 = tpu.scan <sum>, %add3A_121 masked %reduce_sum3A_122 : vector<16xf32>, vector<16xi1> -> vector<16xf32>
    %reduce_sum3A_124 = vector.extract %reduce_sum3A_123[15] : f32 from vector<16xf32>
    %broadcast_in_dim3A_125 = vector.broadcast %reduce_sum3A_124 : f32 to vector<16xf32>
    %swap3A = arith.constant 0 : index
    %swap3A_126 = tpu.vector_load %arg7[%swap3A] {strides = array<i32>} : memref<16xf32, #tpu.memory_space<vmem>>, vector<16xf32>,
    tpu.vector_store %arg7[%swap3A], %broadcast_in_dim3A_125 {strides = array<i32>} : memref<16xf32, #tpu.memory_space<vmem>>, vector<16xf32>,
    "tpu.region"() ({
      %run_scoped3A = tpu.sem_alloc : memref<!tpu.dma_semaphore, #tpu.memory_space<semaphore_mem>>
      %dma_start3A = arith.constant 0 : i32
      %dma_start3A_140 = tpu.memref_slice %arg8[%arg1, %dma_start3A] : memref<16x2048xf32, #tpu.memory_space<vmem_shared>> -> memref<1x16xf32, #tpu.memory_space<vmem_shared>>
      %dma_start3A_141 = tpu.memref_squeeze %dma_start3A_140 : memref<1x16xf32, #tpu.memory_space<vmem_shared>> -> memref<16xf32, #tpu.memory_space<vmem_shared>>
      %dma_start3A_142 = arith.constant 0 : i32
      %dma_start3A_143 = tpu.memref_slice %arg8[%arg1, %dma_start3A_142] : memref<16x2048xf32, #tpu.memory_space<vmem_shared>> -> memref<1x16xf32, #tpu.memory_space<vmem_shared>>
      %dma_start3A_144 = tpu.memref_squeeze %dma_start3A_143 : memref<1x16xf32, #tpu.memory_space<vmem_shared>> -> memref<16xf32, #tpu.memory_space<vmem_shared>>
      tpu.enqueue_dma source(%arg7 : memref<16xf32, #tpu.memory_space<vmem>>) target(%dma_start3A_144 : memref<16xf32, #tpu.memory_space<vmem_shared>>) target_semaphore(%run_scoped3A : memref<!tpu.dma_semaphore, #tpu.memory_space<semaphore_mem>>)
      %dma_wait3A = arith.constant 0 : i32
      %dma_wait3A_145 = tpu.memref_slice %arg8[%arg1, %dma_wait3A] : memref<16x2048xf32, #tpu.memory_space<vmem_shared>> -> memref<1x16xf32, #tpu.memory_space<vmem_shared>>
      %dma_wait3A_146 = tpu.memref_squeeze %dma_wait3A_145 : memref<1x16xf32, #tpu.memory_space<vmem_shared>> -> memref<16xf32, #tpu.memory_space<vmem_shared>>
      %dma_wait3A_147 = arith.constant 0 : i32
      %dma_wait3A_148 = tpu.memref_slice %arg8[%arg1, %dma_wait3A_147] : memref<16x2048xf32, #tpu.memory_space<vmem_shared>> -> memref<1x16xf32, #tpu.memory_space<vmem_shared>>
      %dma_wait3A_149 = tpu.memref_squeeze %dma_wait3A_148 : memref<1x16xf32, #tpu.memory_space<vmem_shared>> -> memref<16xf32, #tpu.memory_space<vmem_shared>>
      tpu.wait_dma2 semaphore(%run_scoped3A : memref<!tpu.dma_semaphore, #tpu.memory_space<semaphore_mem>>) src(%arg7 : memref<16xf32, #tpu.memory_space<vmem>>) dst(%dma_wait3A_149 : memref<16xf32, #tpu.memory_space<vmem_shared>>)
      tpu.yield
    }) : () -> ()
    %barrier3A_127 = arith.constant 0 : index
    tpu.barrier barrier_id(%barrier3A_127)
    "tpu.region"() ({
      %run_scoped3A = tpu.sem_alloc : memref<!tpu.dma_semaphore, #tpu.memory_space<semaphore_mem>>
      %dma_start3A = arith.constant 0 : i32
      %dma_start3A_140 = tpu.memref_slice %arg8[%xor3A_3, %dma_start3A] : memref<16x2048xf32, #tpu.memory_space<vmem_shared>> -> memref<1x16xf32, #tpu.memory_space<vmem_shared>>
      %dma_start3A_141 = tpu.memref_squeeze %dma_start3A_140 : memref<1x16xf32, #tpu.memory_space<vmem_shared>> -> memref<16xf32, #tpu.memory_space<vmem_shared>>
      %dma_start3A_142 = arith.constant 0 : i32
      %dma_start3A_143 = tpu.memref_slice %arg8[%xor3A_3, %dma_start3A_142] : memref<16x2048xf32, #tpu.memory_space<vmem_shared>> -> memref<1x16xf32, #tpu.memory_space<vmem_shared>>
      %dma_start3A_144 = tpu.memref_squeeze %dma_start3A_143 : memref<1x16xf32, #tpu.memory_space<vmem_shared>> -> memref<16xf32, #tpu.memory_space<vmem_shared>>
      tpu.enqueue_dma source(%dma_start3A_144 : memref<16xf32, #tpu.memory_space<vmem_shared>>) target(%arg7 : memref<16xf32, #tpu.memory_space<vmem>>) target_semaphore(%run_scoped3A : memref<!tpu.dma_semaphore, #tpu.memory_space<semaphore_mem>>)
      %dma_wait3A = arith.constant 0 : i32
      %dma_wait3A_145 = tpu.memref_slice %arg8[%xor3A_3, %dma_wait3A] : memref<16x2048xf32, #tpu.memory_space<vmem_shared>> -> memref<1x16xf32, #tpu.memory_space<vmem_shared>>
      %dma_wait3A_146 = tpu.memref_squeeze %dma_wait3A_145 : memref<1x16xf32, #tpu.memory_space<vmem_shared>> -> memref<16xf32, #tpu.memory_space<vmem_shared>>
      %dma_wait3A_147 = arith.constant 0 : i32
      %dma_wait3A_148 = tpu.memref_slice %arg8[%xor3A_3, %dma_wait3A_147] : memref<16x2048xf32, #tpu.memory_space<vmem_shared>> -> memref<1x16xf32, #tpu.memory_space<vmem_shared>>
      %dma_wait3A_149 = tpu.memref_squeeze %dma_wait3A_148 : memref<1x16xf32, #tpu.memory_space<vmem_shared>> -> memref<16xf32, #tpu.memory_space<vmem_shared>>
      tpu.wait_dma2 semaphore(%run_scoped3A : memref<!tpu.dma_semaphore, #tpu.memory_space<semaphore_mem>>) src(%dma_wait3A_149 : memref<16xf32, #tpu.memory_space<vmem_shared>>) dst(%arg7 : memref<16xf32, #tpu.memory_space<vmem>>)
      tpu.yield
    }) : () -> ()
    %get3A = arith.constant 0 : index
    %get3A_128 = tpu.vector_load %arg7[%get3A] {strides = array<i32>} : memref<16xf32, #tpu.memory_space<vmem>>, vector<16xf32>,
    %reduce_max3A_129 = arith.constant true
    %reduce_max3A_130 = vector.broadcast %reduce_max3A_129 : i1 to vector<16xi1>
    %reduce_max3A_131 = tpu.scan <max>, %get3A_128 masked %reduce_max3A_130 : vector<16xf32>, vector<16xi1> -> vector<16xf32>
    %reduce_max3A_132 = vector.extract %reduce_max3A_131[15] : f32 from vector<16xf32>
    %add3A_133 = arith.addf %reduce_sum3A_124, %reduce_max3A_132 : f32
    %mul3A_134 = arith.mulf %sub3A_103, %reduce_max3A_110 : f32
    %add3A_135 = arith.addf %add3A_133, %mul3A_134 : f32
    %mul3A_136 = arith.constant 6.781960e-05 : f32
    %mul3A_137 = arith.mulf %add3A_135, %mul3A_136 : f32
    %eq3A = arith.constant 0 : i32
    %eq3A_138 = arith.cmpi eq, %and3A_2, %eq3A : i32
    %convert_element_type3A = arith.extui %eq3A_138 : i1 to i32
    %cond3A = arith.constant 0 : i32
    %cond3A_139 = arith.cmpi ne, %convert_element_type3A, %cond3A : i32
    scf.if %cond3A_139 {
      %broadcast_in_dim3A_140 = vector.broadcast %mul3A_137 : f32 to vector<16xf32>
      %swap3A_141 = arith.constant 0 : index
      %swap3A_142 = tpu.vector_load %arg7[%swap3A_141] {strides = array<i32>} : memref<16xf32, #tpu.memory_space<vmem>>, vector<16xf32>,
      tpu.vector_store %arg7[%swap3A_141], %broadcast_in_dim3A_140 {strides = array<i32>} : memref<16xf32, #tpu.memory_space<vmem>>, vector<16xf32>,
      "tpu.region"() ({
        %run_scoped3A = tpu.sem_alloc : memref<!tpu.dma_semaphore, #tpu.memory_space<semaphore_mem>>
        %dma_start3A = arith.constant 0 : i32
        %dma_start3A_143 = tpu.memref_slice %arg3[%add3A, %dma_start3A] : memref<16x16xf32, #tpu.memory_space<hbm>> -> memref<1x16xf32, #tpu.memory_space<hbm>>
        %dma_start3A_144 = tpu.memref_squeeze %dma_start3A_143 : memref<1x16xf32, #tpu.memory_space<hbm>> -> memref<16xf32, #tpu.memory_space<hbm>>
        %dma_start3A_145 = arith.constant 0 : i32
        %dma_start3A_146 = tpu.memref_slice %arg3[%add3A, %dma_start3A_145] : memref<16x16xf32, #tpu.memory_space<hbm>> -> memref<1x16xf32, #tpu.memory_space<hbm>>
        %dma_start3A_147 = tpu.memref_squeeze %dma_start3A_146 : memref<1x16xf32, #tpu.memory_space<hbm>> -> memref<16xf32, #tpu.memory_space<hbm>>
        tpu.enqueue_dma source(%arg7 : memref<16xf32, #tpu.memory_space<vmem>>) target(%dma_start3A_147 : memref<16xf32, #tpu.memory_space<hbm>>) target_semaphore(%run_scoped3A : memref<!tpu.dma_semaphore, #tpu.memory_space<semaphore_mem>>)
        %dma_wait3A = arith.constant 0 : i32
        %dma_wait3A_148 = tpu.memref_slice %arg3[%add3A, %dma_wait3A] : memref<16x16xf32, #tpu.memory_space<hbm>> -> memref<1x16xf32, #tpu.memory_space<hbm>>
        %dma_wait3A_149 = tpu.memref_squeeze %dma_wait3A_148 : memref<1x16xf32, #tpu.memory_space<hbm>> -> memref<16xf32, #tpu.memory_space<hbm>>
        %dma_wait3A_150 = arith.constant 0 : i32
        %dma_wait3A_151 = tpu.memref_slice %arg3[%add3A, %dma_wait3A_150] : memref<16x16xf32, #tpu.memory_space<hbm>> -> memref<1x16xf32, #tpu.memory_space<hbm>>
        %dma_wait3A_152 = tpu.memref_squeeze %dma_wait3A_151 : memref<1x16xf32, #tpu.memory_space<hbm>> -> memref<16xf32, #tpu.memory_space<hbm>>
        tpu.wait_dma2 semaphore(%run_scoped3A : memref<!tpu.dma_semaphore, #tpu.memory_space<semaphore_mem>>) src(%arg7 : memref<16xf32, #tpu.memory_space<vmem>>) dst(%dma_wait3A_152 : memref<16xf32, #tpu.memory_space<hbm>>)
        tpu.yield
      }) : () -> ()
    } else {
    }
    return
  }
}

module attributes {stable_mosaic.version = 14 : i64} {
  func.func @_stage_a(%arg0: i32, %arg1: i32, %arg2: memref<1x1x384x384xf32, #tpu.memory_space<vmem>>, %arg3: memref<1x1x384x384xf32, #tpu.memory_space<vmem>>, %arg4: memref<1x1x384x384xf32, #tpu.memory_space<vmem>>, %arg5: memref<1x1x384x384xf32, #tpu.memory_space<vmem>>, %arg6: memref<1x1x1x128xf32, #tpu.memory_space<vmem>>, %arg7: memref<1x1x1x128xf32, #tpu.memory_space<vmem>>) attributes {dimension_semantics = [#tpu.dimension_semantics<arbitrary>, #tpu.dimension_semantics<arbitrary>], iteration_bounds = array<i64: 4, 4>, scalar_prefetch = 0 : i64, scratch_operands = 0 : i64, tpu.core_type = #tpu.core_type<tc>, window_params = [{transform_indices = @transform_0, window_bounds = array<i64: 1, 1, 384, 384>}, {transform_indices = @transform_1, window_bounds = array<i64: 1, 1, 384, 384>}, {transform_indices = @transform_2, window_bounds = array<i64: 1, 1, 384, 384>}, {transform_indices = @transform_3, window_bounds = array<i64: 1, 1, 384, 384>}, {transform_indices = @transform_4, window_bounds = array<i64: 1, 1, 1, 128>}, {transform_indices = @transform_5, window_bounds = array<i64: 1, 1, 1, 128>}]} {
    %get3A = arith.constant 0 : index
    %get3A_0 = arith.constant 0 : index
    %get3A_1 = arith.constant 0 : index
    %get3A_2 = arith.constant 0 : index
    %get3A_3 = vector.load %arg2[%get3A, %get3A_0, %get3A_1, %get3A_2] : memref<1x1x384x384xf32, #tpu.memory_space<vmem>>, vector<1x1x384x384xf32>
    %get3A_4 = vector.shape_cast %get3A_3 : vector<1x1x384x384xf32> to vector<384x384xf32>
    %get3A_5 = arith.constant 0 : index
    %get3A_6 = arith.constant 0 : index
    %get3A_7 = arith.constant 0 : index
    %get3A_8 = arith.constant 0 : index
    %get3A_9 = vector.load %arg3[%get3A_5, %get3A_6, %get3A_7, %get3A_8] : memref<1x1x384x384xf32, #tpu.memory_space<vmem>>, vector<1x1x384x384xf32>
    %get3A_10 = vector.shape_cast %get3A_9 : vector<1x1x384x384xf32> to vector<384x384xf32>
    %log3A = math.log %get3A_4 : vector<384x384xf32>
    %mul3A = arith.mulf %get3A_10, %log3A : vector<384x384xf32>
    %neg3A = arith.constant 0.000000e+00 : f32
    %neg3A_11 = vector.broadcast %neg3A : f32 to vector<384x384xf32>
    %neg3A_12 = arith.subf %neg3A_11, %mul3A : vector<384x384xf32>
    %max3A = arith.constant 0.000000e+00 : f32
    %max3A_13 = vector.broadcast %max3A : f32 to vector<384x384xf32>
    %max3A_14 = arith.maximumf %neg3A_12, %max3A_13 : vector<384x384xf32>
    %swap3A = arith.constant 0 : index
    %swap3A_15 = arith.constant 0 : index
    %swap3A_16 = arith.constant 0 : index
    %swap3A_17 = arith.constant 0 : index
    %swap3A_18 = vector.load %arg5[%swap3A, %swap3A_15, %swap3A_16, %swap3A_17] : memref<1x1x384x384xf32, #tpu.memory_space<vmem>>, vector<1x1x384x384xf32>
    %swap3A_19 = vector.shape_cast %swap3A_18 : vector<1x1x384x384xf32> to vector<384x384xf32>
    %swap3A_20 = vector.shape_cast %max3A_14 : vector<384x384xf32> to vector<1x1x384x384xf32>
    tpu.vector_store %arg5[%swap3A, %swap3A_15, %swap3A_16, %swap3A_17], %swap3A_20 {strides = array<i32>} : memref<1x1x384x384xf32, #tpu.memory_space<vmem>>, vector<1x1x384x384xf32>,
    %reduce_max3A = vector.shape_cast %get3A_10 : vector<384x384xf32> to vector<1x384x384xf32>
    %reduce_max3A_21 = arith.constant dense<0xFF800000> : vector<1xf32>
    %reduce_max3A_22 = vector.multi_reduction <maximumf>, %reduce_max3A, %reduce_max3A_21 [1, 2] : vector<1x384x384xf32> to vector<1xf32>
    %reduce_max3A_23 = vector.shape_cast %reduce_max3A_22 : vector<1xf32> to vector<1x1x1xf32>
    %reduce_max3A_24 = vector.extract %reduce_max3A_23[0, 0, 0] : f32 from vector<1x1x1xf32>
    %broadcast_in_dim3A = vector.broadcast %reduce_max3A_24 : f32 to vector<1x1x1x128xf32>
    %swap3A_25 = arith.constant 0 : index
    %swap3A_26 = arith.constant 0 : index
    %swap3A_27 = arith.constant 0 : index
    %swap3A_28 = arith.constant 0 : index
    %swap3A_29 = vector.load %arg6[%swap3A_25, %swap3A_26, %swap3A_27, %swap3A_28] : memref<1x1x1x128xf32, #tpu.memory_space<vmem>>, vector<1x1x1x128xf32>
    tpu.vector_store %arg6[%swap3A_25, %swap3A_26, %swap3A_27, %swap3A_28], %broadcast_in_dim3A {strides = array<i32>} : memref<1x1x1x128xf32, #tpu.memory_space<vmem>>, vector<1x1x1x128xf32>,
    %get3A_30 = arith.constant 0 : index
    %get3A_31 = arith.constant 0 : index
    %get3A_32 = arith.constant 0 : index
    %get3A_33 = arith.constant 0 : index
    %get3A_34 = vector.load %arg4[%get3A_30, %get3A_31, %get3A_32, %get3A_33] : memref<1x1x384x384xf32, #tpu.memory_space<vmem>>, vector<1x1x384x384xf32>
    %get3A_35 = vector.shape_cast %get3A_34 : vector<1x1x384x384xf32> to vector<384x384xf32>
    %reduce_max3A_36 = vector.shape_cast %get3A_35 : vector<384x384xf32> to vector<1x384x384xf32>
    %reduce_max3A_37 = arith.constant dense<0xFF800000> : vector<1xf32>
    %reduce_max3A_38 = vector.multi_reduction <maximumf>, %reduce_max3A_36, %reduce_max3A_37 [1, 2] : vector<1x384x384xf32> to vector<1xf32>
    %reduce_max3A_39 = vector.shape_cast %reduce_max3A_38 : vector<1xf32> to vector<1x1x1xf32>
    %reduce_max3A_40 = vector.extract %reduce_max3A_39[0, 0, 0] : f32 from vector<1x1x1xf32>
    %broadcast_in_dim3A_41 = vector.broadcast %reduce_max3A_40 : f32 to vector<1x1x1x128xf32>
    %swap3A_42 = arith.constant 0 : index
    %swap3A_43 = arith.constant 0 : index
    %swap3A_44 = arith.constant 0 : index
    %swap3A_45 = arith.constant 0 : index
    %swap3A_46 = vector.load %arg7[%swap3A_42, %swap3A_43, %swap3A_44, %swap3A_45] : memref<1x1x1x128xf32, #tpu.memory_space<vmem>>, vector<1x1x1x128xf32>
    tpu.vector_store %arg7[%swap3A_42, %swap3A_43, %swap3A_44, %swap3A_45], %broadcast_in_dim3A_41 {strides = array<i32>} : memref<1x1x1x128xf32, #tpu.memory_space<vmem>>, vector<1x1x1x128xf32>,
    return
  }
  func.func @transform_0(%arg0: i32, %arg1: i32) -> (i32, i32, i32, i32) {
    %c0_i32 = arith.constant 0 : i32
    %c0_i32_0 = arith.constant 0 : i32
    %c0_i32_1 = arith.constant 0 : i32
    return %arg0, %arg1, %c0_i32, %c0_i32_0 : i32, i32, i32, i32
  }
  func.func @transform_1(%arg0: i32, %arg1: i32) -> (i32, i32, i32, i32) {
    %c0_i32 = arith.constant 0 : i32
    %c0_i32_0 = arith.constant 0 : i32
    %c0_i32_1 = arith.constant 0 : i32
    return %arg0, %arg1, %c0_i32, %c0_i32_0 : i32, i32, i32, i32
  }
  func.func @transform_2(%arg0: i32, %arg1: i32) -> (i32, i32, i32, i32) {
    %c0_i32 = arith.constant 0 : i32
    %c0_i32_0 = arith.constant 0 : i32
    %c0_i32_1 = arith.constant 0 : i32
    return %arg0, %arg1, %c0_i32, %c0_i32_0 : i32, i32, i32, i32
  }
  func.func @transform_3(%arg0: i32, %arg1: i32) -> (i32, i32, i32, i32) {
    %c0_i32 = arith.constant 0 : i32
    %c0_i32_0 = arith.constant 0 : i32
    %c0_i32_1 = arith.constant 0 : i32
    return %arg0, %arg1, %c0_i32, %c0_i32_0 : i32, i32, i32, i32
  }
  func.func @transform_4(%arg0: i32, %arg1: i32) -> (i32, i32, i32, i32) {
    %c0_i32 = arith.constant 0 : i32
    %c0_i32_0 = arith.constant 0 : i32
    %c0_i32_1 = arith.constant 0 : i32
    return %arg0, %arg1, %c0_i32, %c0_i32_0 : i32, i32, i32, i32
  }
  func.func @transform_5(%arg0: i32, %arg1: i32) -> (i32, i32, i32, i32) {
    %c0_i32 = arith.constant 0 : i32
    %c0_i32_0 = arith.constant 0 : i32
    %c0_i32_1 = arith.constant 0 : i32
    return %arg0, %arg1, %c0_i32, %c0_i32_0 : i32, i32, i32, i32
  }
}

</mosaic_0001>

<sc_bundles>
// kernel: kernel.4.cloned.1.call-start
scs
__scs_entry_jumppad:
0x0: {  	(pc) =	sbr.rel $0x88, $3  }
0x1: {  	(tag) =	ssettag $0x0;
	lr =	simm.s32 $0x1  }
0x2: {  	[smem:$0x3F9E] =	sst lr;
	_ =	strace $0xD0000000  }
0x3: {  	_ = 	snop  }
0x4: {  	_ = 	snop  }
0x5: {  	_ = 	snop  }
0x6: {  	_ = 	snop  }
0x7: {  	_ = 	snop  }
__scs_overlays_trampoline_lowered:
0x8: {  	[smem:$0x3FAD] =	sst s0  }
0x9: {  	[smem:$0x3FAE] =	sst s1  }
0xa: {  	[smem:$0x3FAF] =	sst s2  }
0xb: {  	[smem:$0x3FB0] =	sst s3  }
0xc: {  	[smem:$0x3FB1] =	sst s4  }
0xd: {  	[smem:$0x3FB2] =	sst s5  }
0xe: {  	[smem:$0x3FB3] =	sst s6  }
0xf: {  	[smem:$0x3FB4] =	sst s7  }
0x10: {  	[smem:$0x3FB5] =	sst s8  }
0x11: {  	[smem:$0x3FB6] =	sst s9;
	s0 =	simm.s32 @!p0 $0x0  }
0x12: {  	s1 =	sld [smem:$0x3F9C];
	s0 =	simm.s32 @p0 $0x1  }
0x13: {  	[smem:$0x3FB7] =	sst s0;
	s0 =	simm.s32 @!p1 $0x0  }
0x14: {  	s2 =	sld [smem:$0x3F9B];
	s0 =	simm.s32 @p1 $0x1  }
0x15: {  	[smem:$0x3FB8] =	sst s0;
	s0 =	simm.s32 @!p2 $0x0  }
0x16: {  	s3 =	sld [smem:$0x3FDB];
	s0 =	simm.s32 @p2 $0x1  }
0x17: {  	s4 =	simm.s32 $0x1BF5;
	[smem:$0x3FBA] =	sst s0  }
0x18: {  	s0 =	sld [smem:$0x3F9D];
	_ =	swait.ge [sflag:s4], $0x0  }
0x19: {  	s7 =	sld [smem:$0x3F9E]  }
0x1a: {  	s8 =	sadd.s32 $0xFFFFE003, lr  }
0x1b: {  	s9 =	sadd.s32 $0xFFFFFEF7, lr;
	s5 =	simm.s32 $0xFFFFFFFF;
	p2 =	slt.u32 s8, $0xFFFFF086  }
0x1c: {  	p1 =	slt.u32 s9, $0xF7A;
	s5 =	simm.s32 @!p2 $0x0  }
0x1d: {  	s5 =	simm.s32 @p1 $0x1;
	p0 =	seq.s32 s7, s2  }
0x1e: {  	s7 =	smul.u32 @!p0 $0xF7A, s2;
	p2 =	seq.s32 @!p0 s5, $0x0  }
0x1f: {  	s9 =	smul.u32 $0xF7A, s1;
	s8 =	simm.s32 @!p0 $0x1BF5;
	p2 =	por !p2, p0  }
0x20: {  	[sflag:s8] =	ssyncset.s32 @!p0 $0xFFFFF086;
	s6 =	sadd.s32 @!p0 s3, s7;
	s7 =	simm.s32 @!p0 $0x108  }
0x21: {  	s3 =	sadd.s32 s3, s9;
	s6 =	sadd.s32 @!p0 $0x88, s6;
	s7 =	simm.s32 @p2 $0x1082  }
0x22: {  	[simem:s7], [sflag:s8] =	dma.local @!p0 [hbm:s6], $0xF7A  }
0x23: {  	s9 =	sor.u32 $0xD0000000, s2;
	s6 =	simm.s32 $0x108;
	_ =	swait.ge @!p0 [sflag:s8], $0x0  }
0x24: {  	s3 =	sadd.s32 $0x88, s3;
	s6 =	simm.s32 @!p1 $0x1082;
	[sflag:s4] =	ssyncset.s32 $0xFFFFF086  }
0x25: {  	[simem:s6], [sflag:s4] =	dma.local [hbm:s3], $0xF7A  }
0x26: {  	[smem:$0x3F9E] =	sst s1;
	(tag) =	ssettag s2;
	_ =	strace s9  }
0x27: {  	s1 =	sld [smem:$0x3FAE]  }
0x28: {  	s2 =	sld [smem:$0x3FAF]  }
0x29: {  	s4 =	sld [smem:$0x3FB1]  }
0x2a: {  	p0 =	seq.s32 s5, $0x0;
	s5 =	sld [smem:$0x3FB2]  }
0x2b: {  	s6 =	sld [smem:$0x3FB3]  }
0x2c: {  	s7 =	sld [smem:$0x3FB4]  }
0x2d: {  	s3 =	simm.s32 $0x108;
	s8 =	sld [smem:$0x3FB5]  }
0x2e: {  	s3 =	simm.s32 @!p0 $0x1082;
	s9 =	sld [smem:$0x3FB6]  }
0x2f: {  	lr =	sadd.s32 s0, s3;
	s0 =	sld [smem:$0x3FAD]  }
0x30: {  	s3 =	sld [smem:$0x3FB0]  }
0x31: {  	[smem:$0x3FB9] =	sst s10  }
0x32: {  	s10 =	sld [smem:$0x3FB7];
	_ =	sdelay $0x3  }
0x33: {  	p0 =	seq.s32 s10, $0x1;
	s10 =	sld [smem:$0x3FB9];
	_ =	sdelay $0x3  }
0x34: {  	[smem:$0x3FB9] =	sst s10  }
0x35: {  	s10 =	sld [smem:$0x3FB8];
	_ =	sdelay $0x3  }
0x36: {  	p1 =	seq.s32 s10, $0x1;
	s10 =	sld [smem:$0x3FB9];
	_ =	sdelay $0x3  }
0x37: {  	[smem:$0x3FB9] =	sst s10  }
0x38: {  	s10 =	sld [smem:$0x3FBA]  }
0x39: {  	_ = 	snop;
	(pc) =	sbr.ind lr, $3  }
0x3a: {  	_ = 	snop  }
0x3b: {  	_ = 	snop  }
0x3c: {  	p2 =	seq.s32 s10, $0x1;
	s10 =	sld [smem:$0x3FB9]  }
0x3d: {  	_ =	shalt  }
0x3e: {  	_ =	shalt  }
0x3f: {  	_ =	shalt  }
0x40: {  	_ =	shalt  }
0x41: {  	_ =	shalt  }
0x42: {  	_ =	shalt  }
0x43: {  	_ =	shalt  }
0x44: {  	_ =	shalt  }
0x45: {  	_ =	shalt  }
0x46: {  	_ =	shalt  }
0x47: {  	_ =	shalt  }
0x48: {  	_ =	shalt  }
0x49: {  	_ =	shalt  }
0x4a: {  	_ =	shalt  }
0x4b: {  	_ =	shalt  }
0x4c: {  	_ =	shalt  }
0x4d: {  	_ =	shalt  }
0x4e: {  	_ =	shalt  }
0x4f: {  	_ =	shalt  }
0x50: {  	_ =	shalt  }
0x51: {  	_ =	shalt  }
0x52: {  	_ =	shalt  }
0x53: {  	_ =	shalt  }
0x54: {  	_ =	shalt  }
0x55: {  	_ =	shalt  }
0x56: {  	_ =	shalt  }
0x57: {  	_ =	shalt  }
0x58: {  	_ =	shalt  }
0x59: {  	_ =	shalt  }
0x5a: {  	_ =	shalt  }
0x5b: {  	_ =	shalt  }
0x5c: {  	_ =	shalt  }
0x5d: {  	_ =	shalt  }
0x5e: {  	_ =	shalt  }
0x5f: {  	_ =	shalt  }
0x60: {  	_ =	shalt  }
0x61: {  	_ =	shalt  }
0x62: {  	_ =	shalt  }
0x63: {  	_ =	shalt  }
0x64: {  	_ =	shalt  }
0x65: {  	_ =	shalt  }
0x66: {  	_ =	shalt  }
0x67: {  	_ =	shalt  }
0x68: {  	_ =	shalt  }
0x69: {  	_ =	shalt  }
0x6a: {  	_ =	shalt  }
0x6b: {  	_ =	shalt  }
0x6c: {  	_ =	shalt  }
0x6d: {  	_ =	shalt  }
0x6e: {  	_ =	shalt  }
0x6f: {  	_ =	shalt  }
0x70: {  	_ =	shalt  }
0x71: {  	_ =	shalt  }
0x72: {  	_ =	shalt  }
0x73: {  	_ =	shalt  }
0x74: {  	_ =	shalt  }
0x75: {  	_ =	shalt  }
0x76: {  	_ =	shalt  }
0x77: {  	_ =	shalt  }
0x78: {  	_ =	shalt  }
0x79: {  	_ =	shalt  }
0x7a: {  	_ =	shalt  }
0x7b: {  	_ =	shalt  }
0x7c: {  	_ =	shalt  }
0x7d: {  	_ =	shalt  }
0x7e: {  	_ =	shalt  }
0x7f: {  	_ =	shalt  }
0x80: {  	_ =	shalt  }
0x81: {  	_ =	shalt  }
0x82: {  	_ =	shalt  }
0x83: {  	_ =	shalt  }
0x84: {  	_ =	shalt  }
0x85: {  	_ =	shalt  }
0x86: {  	_ =	shalt  }
0x87: {  	_ =	shalt  }
.Lfunc_end0:
.L_simem_size_0:
called_computation_lowered:
.L_overlay_start_0:
0x88: {  	s2 =	sld [smem:$0x3FD9]  }
0x89: {  	s3 =	sld [smem:$0x3FFE];
	_ =	sdelay $0x1  }
0x8a: {  	s1 =	srdreg.scid  }
0x8b: {  	s0 =	sand.u32 $0x1, s1  }
0x8c: {  	s16 =	sshll.u32 s0, $0xA;
	s2 =	sadd.s32 s3, s2  }
0x8d: {  	s2 =	sadd.s32 s2, s16  }
0x8e: {  	[smem:$0x3FC5] =	sst s2  }
0x8f: {  	_ = 	snop  }
0x90: {  	(tm) =	ssettm $0x1  }
0x91: {  	s17 =	sld [smem:$0x3FFB];
	_ =	sdelay $0x3  }
0x92: {  	_ =	strace s17  }
0x93: {  	s2 =	sld [smem:$0x3FFC];
	_ =	sdelay $0x3  }
0x94: {  	_ =	strace s2  }
0x95: {  	s2 =	sld [smem:$0x3FFD];
	_ =	sdelay $0x3  }
0x96: {  	_ =	strace s2  }
0x97: {  	_ =	strace $0x8FFFFFFF  }
0x98: {  	s18 =	sld [smem:$0x3FDB];
	_ =	sdelay $0x1  }
0x99: {  	s19 =	simm.s32 $_scs_section_size  }
0x9a: {  	s4 =	simm.s32 $_size__tile_overlayer_lowered;
	s5 =	simm.s32 $_tile_overlayer_lowered  }
0x9b: {  	s22 =	simm.s32 $0x1BFF;
	s21 =	sshll.u32 s5, $0x1;
	s2 =	sadd.s32 s19, s18  }
0x9c: {  	s6 =	simm.s32 $0x0;
	s20 =	sshll.u32 s4, $0x1;
	s4 =	sadd.s32 s21, s2  }
0x9d: {  	[timem:s6], [sflag:s22] =	dma.local [hbm:s4], s20  }
0x9e: {  	_ =	swait.ge [sflag:s22], s20  }
0x9f: {  	s3 =	ssub.s32 $0x0, s20;
	[sflag:s22] =	ssyncset.done $0x0  }
0xa0: {  	[sflag:s22] =	ssyncadd.s32 s3;
	_ =	sdelay $0x1  }
0xa1: {  	s23 =	simm.s32 $0x1B8B  }
0xa2: {  	_ =	swait.ge [sflag:s23], $0x1  }
0xa3: {  	[sflag:s23] =	ssyncset.done $0x0  }
0xa4: {  	s25 =	simm.s32 $0x1B8E;
	s24 =	sld [smem:$0x3FFE];
	[sflag:s23] =	ssyncadd.s32 $0xFFFFFFFF  }
0xa5: {  	s26 =	simm.s32 $execute0_lowered;
	[smem:$0x3FD2] =	sst s25  }
0xa6: {  	s4 =	sshll.u32 s26, $0x1;
	_ =	strace $0x80000046;
	[dreg:$0x1] =	wrdreg $0xFFFFFFFF  }
0xa7: {  	s28 =	simm.s32 $_size_execute0_lowered;
	s2 =	sadd.s32 s2, s4;
	[dreg:$0x0] =	wrdreg $0x0  }
0xa8: {  	s4 =	sshll.u32 s28, $0x1;
	[dreg:$0x2] =	wrdreg s2  }
0xa9: {  	[dreg:$0x3] =	wrdreg s4  }
0xaa: {  	[dreg:$0x4] =	wrdreg $0xC0  }
0xab: {  	_ =	task [dreg:s6], $0x5FFFF  }
0xac: {  	[dreg:$0x1] =	wrdreg $0xFFFFFFFF  }
0xad: {  	[dreg:$0x0] =	wrdreg $0x60  }
0xae: {  	[dreg:$0x2] =	wrdreg s24  }
0xaf: {  	[dreg:$0x3] =	wrdreg $0x130800  }
0xb0: {  	[dreg:$0x4] =	wrdreg $0x9  }
0xb1: {  	_ =	task.clear_ibuf [dreg:s6], $0x5FFFF;
	_ =	strace $0x90000046  }
0xb2: {  	s29 =	simm.s32 $0x9;
	_ =	strace $0x80000048  }
0xb3: {  	_ =	swait.ge [sflag:s29], $0x1  }
0xb4: {  	[sflag:s29] =	ssyncadd.s32 $0xFFFFFFFF  }
0xb5: {  	_ =	strace $0x90000048  }
0xb6: {  	_ =	sfence  }
0xb7: {  	s30 =	sld [smem:$0x0];
	_ =	sdelay $0x2  }
0xb8: {  	s31 =	sshll.u32 s1, $0xD;
	s1 =	sshrl.u32 s1, $0x2  }
0xb9: {  	s3 =	sand.u32 $0x4000, s31;
	s1 =	sadd.s32 s1, s30  }
0xba: {  	s0 =	sor.u32 s3, s0;
	s1 =	sshll.u32 s1, $0x11  }
0xbb: {  	s0 =	sor.u32 s1, s0  }
0xbc: {  	s0 =	sadd.s32 $0x8F2B, s0  }
0xbd: {  	[sflag:s0] =	ssyncadd.remote.s32 $0x1  }
0xbe: {  	_ =	sfence.sel $0xFFFF  }
0xbf: {  	[dreg:$0x0] =	wrdreg $0xFFFFFFFF;
	(pc) =	sbr.abs _section_cstart, $3  }
0xc0: {  	[dreg:$0x1] =	wrdreg $0xFFFFFFFF  }
0xc1: {  	_ =	task.clear_ibuf [dreg:s6], $0x2FFFF;
	_ =	strace $0x9FFFFFFF  }
0xc2: {  	(tm) =	ssettm $0x7FFFFFFF  }
0xc3: {  	_ =	shalt  }
tec
execute0_lowered:
.L_overlay_start_1:
0x0: {  	(tag) =	ssettag $0x1  }
0x1: {  	s0 =	rddreg [dreg:$0x0]  }
0x2: {  	s1 =	rddreg [dreg:$0x1];
	s3 =	simm.s32 $0x0  }
0x3: {  	s2 =	srdreg.scid;
	s10 =	stileid.u32;
	s13 =	simm.s32 $0x1  }
0x4: {  	s14 =	simm.s32 $0x80;
	s15 =	simm.s32 $0x400;
	[smem:$0x7FF] =	sst s3  }
0x5: {  	s2 =	sand.u32 $0x1, s2;
	s24 =	sshrl.u32 s10, $0x1;
	s6 =	sand.u32 $0x1, s10  }
0x6: {  	s25 =	sshll.u32 s10, $0xB;
	s26 =	sshll.u32 s10, $0x7;
	_ =	strace $0x80000047  }
0x7: {  	s4 =	sshll.u32 s2, $0x3;
	s5 =	sand.u32 $0x3, s24;
	s7 =	ssub.s32 $0x2, s2  }
0x8: {  	s8 =	smul.u32 $0x12000, s6;
	s2 =	sshll.u32 s2, $0x7;
	s3 =	sshll.u32 s24, $0x4  }
0x9: {  	p0 =	sne.s32 s6, $0x0;
	s4 =	sor.u32 s24, s4;
	s5 =	smul.u32 $0x24000, s5  }
0xa: {  	s9 =	sshrl.u32 s7, $0x1;
	s2 =	sadd.s32 s2, s0;
	s4 =	sshrl.u32 s4, $0x2  }
0xb: {  	s7 =	ssub.s32 s7, s9;
	s2 =	sadd.s32 s3, s2;
	s4 =	smul.u32 $0x90000, s4  }
0xc: {  	s5 =	sadd.s32 s8, s5;
	s8 =	sand.u32 $0x380, s26;
	s30 =	sadd.s32 $0x48000, s2  }
0xd: {  	s31 =	smax.u32 s7, $0x1;
	[dreg:$0x6] =	wrdreg s30;
	s4 =	sadd.s32 s4, s5  }
0xe: {  	[dreg:$0x7] =	wrdreg s31;
	s5 =	sand.u32 $0x4000, s25;
	s4 =	sshrl.u32 s4, $0x3  }
0xf: {  	s28 =	sor.u32 s5, s8;
	s29 =	sadd.s32 s5, s1;
	s0 =	sadd.s32 s0, s4  }
0x10: {  	v0 =	vlaneseq.u32;
	s11 =	sadd.s32 s8, s29;
	[dreg:$0x3] =	wrdreg s0;
	s0 =	sxor.u32 $0x80, s28  }
0x11: {  	v3 =	vmul.u32 $0xFFFFFFFF, v0;
	[dreg:$0x4] =	wrdreg s11;
	s12 =	sadd.s32 s0, s1;
	s0 =	simm.s32 @!p0 $0x0  }
0x12: {  	s17 =	simm.s32 $0x12800;
	s0 =	simm.s32 @p0 $0x1;
	[dreg:$0x5] =	wrdreg s12  }
0x13: {  	v1 =	vimm.f32 $0.0e+00;
	v2 =	vimm.f32 $1.000000000e+00;
	v3 =	vadd.s32 $0xF, v3;
	s9 =	simm.s32 $0x12000;
	s5 =	simm.s32 $0x0;
	[smem:$0x7FD] =	sst s0  }
.LBB2_1:
0x14: {  	s0 =	simm.s32 $0x0;
	s1 =	rddreg [dreg:$0x3]  }
0x15: {  	[tilespmem:s0], [sflag:$0x1] =	stream.linear.gather [hbm4b:s1+s0], $0x12000, $0x38;
	[tilespmem:$0x13880] =	vst v63  }
0x16: {  	_ =	swait.ge [sflag:s13], $0x12000  }
0x17: {  	[sflag:s13] =	ssyncset.done $0x0  }
0x18: {  	s1 =	simm.s32 $0x0;
	s0 =	simm.s32 $0x200;
	[sflag:s13] =	ssyncadd.s32 $0xFFFEE000  }
.LBB2_2:
0x19: {  	p0 =	sne.s32 s0, $0x1E00;
	[tilespmem:s1+$0x12070] =	vst v1  }
0x1a: {  	[tilespmem:s1+$0x12000] =	vst v1  }
0x1b: {  	[tilespmem:s1+$0x12010] =	vst v1  }
.Ltmp0:
0x1c: {  	[tilespmem:s1+$0x12020] =	vst v1;
	(pc) =	sbr.rel @p0 .LBB2_2-.Ltmp0, $4  }
0x1d: {  	[tilespmem:s1+$0x12030] =	vst v1  }
0x1e: {  	[tilespmem:s1+$0x12040] =	vst v1  }
0x1f: {  	[tilespmem:s1+$0x12050] =	vst v1  }
0x20: {  	[tilespmem:s1+$0x12060] =	vst v1;
	s1 =	sshra.s32 s0, $0x2;
	s0 =	sadd.s32 $0x200, s0  }
0x21: {  	[tilespmem:s1+$0x12070] =	vst v1  }
0x22: {  	[tilespmem:s1+$0x12000] =	vst v1  }
0x23: {  	[tilespmem:s1+$0x12010] =	vst v1  }
0x24: {  	[tilespmem:s1+$0x12020] =	vst v1;
	s0 =	simm.s32 $0x0  }
0x25: {  	[tilespmem:s1+$0x12030] =	vst v1;
	s2 =	smul.u32 $0x3000, s0  }
0x26: {  	[tilespmem:s1+$0x12040] =	vst v1;
	s0 =	simm.s32 $0x0  }
0x27: {  	[tilespmem:s1+$0x12050] =	vst v1;
	s3 =	sand.u32 $0x380, s0;
	s2 =	sshra.s32 s2, $0x2  }
0x28: {  	[tilespmem:s1+$0x12060] =	vst v1;
	s31 =	sor.u32 s3, s2  }
0x29: {  	v4 =	vld [tilespmem:s31+$0x20]  }
0x2a: {  	v5 =	vld [tilespmem:s31+$0x70]  }
0x2b: {  	v6 =	vld [tilespmem:s31+$0x60]  }
0x2c: {  	v7 =	vld [tilespmem:s31+$0x30]  }
0x2d: {  	v8 =	vld [tilespmem:s31+$0x470]  }
0x2e: {  	v9 =	vld [tilespmem:s31+$0x10]  }
0x2f: {  	v10 =	vld [tilespmem:s31+$0x0]  }
0x30: {  	v11 =	vld [tilespmem:s31+$0x50]  }
0x31: {  	v12 =	vld [tilespmem:s31+$0x40]  }
0x32: {  	v13 =	vld [tilespmem:s31+$0x460]  }
0x33: {  	v14 =	vld [tilespmem:s31+$0x450]  }
0x34: {  	v15 =	vld [tilespmem:s31+$0x440];
	v10 =	vshrl.u32 v10, $0x15  }
0x35: {  	v16 =	vld [tilespmem:s31+$0x430];
	v9 =	vshrl.u32 v9, $0x15  }
0x36: {  	v17 =	vld [tilespmem:s31+$0x420];
	v4 =	vshrl.u32 v4, $0x15  }
0x37: {  	v18 =	vld [tilespmem:s31+$0x400];
	v7 =	vshrl.u32 v7, $0x15  }
0x38: {  	v19 =	vld [tilespmem:s31+$0x410];
	v12 =	vshrl.u32 v12, $0x15  }
0x39: {  	v11 =	vshrl.u32 v11, $0x15;
	[tilespmem:v10+s9+$0x0] =	vst.idx.add.f32.msk $0xffff, v2  }
0x3a: {  	v6 =	vshrl.u32 v6, $0x15;
	[tilespmem:v9+s9+$0x0] =	vst.idx.add.f32.msk $0xffff, v2  }
0x3b: {  	v5 =	vshrl.u32 v5, $0x15;
	[tilespmem:v4+s9+$0x0] =	vst.idx.add.f32.msk $0xffff, v2  }
0x3c: {  	[tilespmem:v7+s9+$0x0] =	vst.idx.add.f32.msk $0xffff, v2  }
0x3d: {  	[tilespmem:v12+s9+$0x0] =	vst.idx.add.f32.msk $0xffff, v2  }
0x3e: {  	[tilespmem:v11+s9+$0x0] =	vst.idx.add.f32.msk $0xffff, v2  }
0x3f: {  	[tilespmem:v6+s9+$0x0] =	vst.idx.add.f32.msk $0xffff, v2  }
0x40: {  	[tilespmem:v5+s9+$0x0] =	vst.idx.add.f32.msk $0xffff, v2  }
0x41: {  	v4 =	vld [tilespmem:s31+$0x800]  }
0x42: {  	v5 =	vld [tilespmem:s31+$0x870]  }
0x43: {  	v6 =	vld [tilespmem:s31+$0x820]  }
0x44: {  	v7 =	vshrl.u32 v18, $0x15;
	v10 =	vld [tilespmem:s31+$0x830]  }
0x45: {  	v9 =	vshrl.u32 v19, $0x15;
	v11 =	vld [tilespmem:s31+$0x860]  }
0x46: {  	v58 =	vshrl.u32 v17, $0x15;
	v59 =	vld [tilespmem:s31+$0x850]  }
0x47: {  	v16 =	vshrl.u32 v16, $0x15;
	v60 =	vld [tilespmem:s31+$0x810]  }
0x48: {  	v15 =	vshrl.u32 v15, $0x15;
	v61 =	vld [tilespmem:s31+$0x840]  }
0x49: {  	v14 =	vshrl.u32 v14, $0x15;
	[tilespmem:v7+s9+$0x0] =	vst.idx.add.f32.msk $0xffff, v2  }
0x4a: {  	v7 =	vshrl.u32 v13, $0x15;
	[tilespmem:v9+s9+$0x0] =	vst.idx.add.f32.msk $0xffff, v2  }
0x4b: {  	v8 =	vshrl.u32 v8, $0x15;
	[tilespmem:v58+s9+$0x0] =	vst.idx.add.f32.msk $0xffff, v2  }
0x4c: {  	[tilespmem:v16+s9+$0x0] =	vst.idx.add.f32.msk $0xffff, v2;
	v62 =	vshrl.u32 v4, $0x15  }
0x4d: {  	[tilespmem:v15+s9+$0x0] =	vst.idx.add.f32.msk $0xffff, v2;
	v63 =	vshrl.u32 v60, $0x15  }
0x4e: {  	[tilespmem:v14+s9+$0x0] =	vst.idx.add.f32.msk $0xffff, v2  }
0x4f: {  	v9 =	vshrl.u32 v6, $0x15;
	[tilespmem:v7+s9+$0x0] =	vst.idx.add.f32.msk $0xffff, v2  }
0x50: {  	v4 =	vshrl.u32 v5, $0x15;
	v5 =	vshrl.u32 v10, $0x15;
	[tilespmem:v8+s9+$0x0] =	vst.idx.add.f32.msk $0xffff, v2  }
0x51: {  	v8 =	vshrl.u32 v61, $0x15;
	[tilespmem:v62+s9+$0x0] =	vst.idx.add.f32.msk $0xffff, v2  }
0x52: {  	s2 =	simm.s32 $0x1;
	v6 =	vshrl.u32 v59, $0x15;
	v7 =	vshrl.u32 v11, $0x15;
	[tilespmem:v63+s9+$0x0] =	vst.idx.add.f32.msk $0xffff, v2  }
.LBB2_4:
0x53: {  	s1 =	smov.u32 s2  }
0x54: {  	s3 =	sshrl.u32 s2, $0x3;
	[tilespmem:v9+s9+$0x0] =	vst.idx.add.f32.msk $0xffff, v2;
	s0 =	sadd.s32 $0x80, s0;
	s1 =	sadd.s32 $0x1, s2  }
0x55: {  	p0 =	sne.s32 s2, $0xBF;
	s3 =	smul.u32 $0x3000, s3;
	[tilespmem:v5+s9+$0x0] =	vst.idx.add.f32.msk $0xffff, v2  }
0x56: {  	[tilespmem:v8+s9+$0x0] =	vst.idx.add.f32.msk $0xffff, v2  }
0x57: {  	s2 =	sand.u32 $0x380, s0;
	s3 =	sshra.s32 s3, $0x2;
	[tilespmem:v6+s9+$0x0] =	vst.idx.add.f32.msk $0xffff, v2  }
0x58: {  	s2 =	sor.u32 s2, s3;
	[tilespmem:v7+s9+$0x0] =	vst.idx.add.f32.msk $0xffff, v2  }
0x59: {  	[tilespmem:v4+s9+$0x0] =	vst.idx.add.f32.msk $0xffff, v2  }
0x5a: {  	v4 =	vld [tilespmem:s2+$0x20]  }
0x5b: {  	v5 =	vld [tilespmem:s2+$0x70]  }
0x5c: {  	v6 =	vld [tilespmem:s2+$0x60]  }
0x5d: {  	v7 =	vld [tilespmem:s2+$0x30]  }
0x5e: {  	v8 =	vld [tilespmem:s2+$0x470]  }
0x5f: {  	v9 =	vld [tilespmem:s2+$0x10]  }
0x60: {  	v10 =	vld [tilespmem:s2+$0x0]  }
0x61: {  	v11 =	vld [tilespmem:s2+$0x50]  }
0x62: {  	v12 =	vld [tilespmem:s2+$0x40]  }
0x63: {  	v13 =	vld [tilespmem:s2+$0x460]  }
0x64: {  	v9 =	vshrl.u32 v9, $0x15;
	v14 =	vld [tilespmem:s2+$0x450]  }
0x65: {  	v4 =	vshrl.u32 v4, $0x15;
	v10 =	vshrl.u32 v10, $0x15;
	v15 =	vld [tilespmem:s2+$0x440]  }
0x66: {  	v16 =	vld [tilespmem:s2+$0x430]  }
0x67: {  	v12 =	vshrl.u32 v12, $0x15;
	v17 =	vld [tilespmem:s2+$0x420]  }
0x68: {  	v7 =	vshrl.u32 v7, $0x15;
	v11 =	vshrl.u32 v11, $0x15;
	v18 =	vld [tilespmem:s2+$0x400]  }
0x69: {  	v6 =	vshrl.u32 v6, $0x15;
	v19 =	vld [tilespmem:s2+$0x410]  }
0x6a: {  	v5 =	vshrl.u32 v5, $0x15;
	[tilespmem:v10+s9+$0x0] =	vst.idx.add.f32.msk $0xffff, v2  }
0x6b: {  	[tilespmem:v9+s9+$0x0] =	vst.idx.add.f32.msk $0xffff, v2  }
0x6c: {  	[tilespmem:v4+s9+$0x0] =	vst.idx.add.f32.msk $0xffff, v2  }
0x6d: {  	[tilespmem:v7+s9+$0x0] =	vst.idx.add.f32.msk $0xffff, v2  }
0x6e: {  	[tilespmem:v12+s9+$0x0] =	vst.idx.add.f32.msk $0xffff, v2  }
0x6f: {  	[tilespmem:v11+s9+$0x0] =	vst.idx.add.f32.msk $0xffff, v2  }
0x70: {  	[tilespmem:v6+s9+$0x0] =	vst.idx.add.f32.msk $0xffff, v2  }
0x71: {  	[tilespmem:v5+s9+$0x0] =	vst.idx.add.f32.msk $0xffff, v2  }
0x72: {  	v5 =	vld [tilespmem:s2+$0x800]  }
0x73: {  	v4 =	vld [tilespmem:s2+$0x870]  }
0x74: {  	v6 =	vld [tilespmem:s2+$0x820]  }
0x75: {  	v7 =	vshrl.u32 v18, $0x15;
	v10 =	vld [tilespmem:s2+$0x830]  }
0x76: {  	v9 =	vshrl.u32 v19, $0x15;
	v11 =	vld [tilespmem:s2+$0x860]  }
0x77: {  	v12 =	vshrl.u32 v17, $0x15;
	v17 =	vld [tilespmem:s2+$0x850]  }
0x78: {  	v16 =	vshrl.u32 v16, $0x15;
	v18 =	vld [tilespmem:s2+$0x810];
	v4 =	vshrl.u32 v4, $0x15  }
0x79: {  	v15 =	vshrl.u32 v15, $0x15;
	v19 =	vld [tilespmem:s2+$0x840]  }
0x7a: {  	v14 =	vshrl.u32 v14, $0x15;
	[tilespmem:v7+s9+$0x0] =	vst.idx.add.f32.msk $0xffff, v2  }
0x7b: {  	v7 =	vshrl.u32 v13, $0x15;
	[tilespmem:v9+s9+$0x0] =	vst.idx.add.f32.msk $0xffff, v2  }
0x7c: {  	v13 =	vshrl.u32 v8, $0x15;
	[tilespmem:v12+s9+$0x0] =	vst.idx.add.f32.msk $0xffff, v2  }
0x7d: {  	v12 =	vshrl.u32 v5, $0x15;
	v18 =	vshrl.u32 v18, $0x15;
	[tilespmem:v16+s9+$0x0] =	vst.idx.add.f32.msk $0xffff, v2  }
0x7e: {  	[tilespmem:v15+s9+$0x0] =	vst.idx.add.f32.msk $0xffff, v2  }
.Ltmp1:
0x7f: {  	v9 =	vshrl.u32 v6, $0x15;
	[tilespmem:v14+s9+$0x0] =	vst.idx.add.f32.msk $0xffff, v2;
	(pc) =	sbr.rel @p0 .LBB2_4-.Ltmp1, $4  }
0x80: {  	v5 =	vshrl.u32 v10, $0x15;
	[tilespmem:v7+s9+$0x0] =	vst.idx.add.f32.msk $0xffff, v2  }
0x81: {  	v8 =	vshrl.u32 v19, $0x15;
	[tilespmem:v13+s9+$0x0] =	vst.idx.add.f32.msk $0xffff, v2  }
0x82: {  	v6 =	vshrl.u32 v17, $0x15;
	[tilespmem:v12+s9+$0x0] =	vst.idx.add.f32.msk $0xffff, v2  }
0x83: {  	s2 =	smov.u32 s1;
	v7 =	vshrl.u32 v11, $0x15;
	[tilespmem:v18+s9+$0x0] =	vst.idx.add.f32.msk $0xffff, v2  }
0x84: {  	_ =	sdelay $0x3  }
0x85: {  	[tilespmem:v9+s9+$0x0] =	vst.idx.add.f32.msk $0xffff, v2  }
0x86: {  	[tilespmem:v5+s9+$0x0] =	vst.idx.add.f32.msk $0xffff, v2  }
0x87: {  	[tilespmem:v8+s9+$0x0] =	vst.idx.add.f32.msk $0xffff, v2  }
0x88: {  	[tilespmem:v6+s9+$0x0] =	vst.idx.add.f32.msk $0xffff, v2  }
0x89: {  	[tilespmem:v7+s9+$0x0] =	vst.idx.add.f32.msk $0xffff, v2  }
0x8a: {  	[tilespmem:v4+s9+$0x0] =	vst.idx.add.f32.msk $0xffff, v2  }
0x8b: {  	[spmem:s11] =	stream.strided.scatter [tilespmem:s9], [sflag:$0x1], $0x800, s15, s14, $0x38;
	[tilespmem:$0x13880] =	vst v63  }
0x8c: {  	_ =	swait.ge [sflag:s13], $0x800  }
0x8d: {  	[sflag:s13] =	ssyncset.done $0x0  }
0x8e: {  	[sflag:s13] =	ssyncadd.s32 $0xFFFFF800  }
0x8f: {  	[bflag:$0x0] =	sbarrier.arrive $0xFFFF  }
0x90: {  	[tilespmem:s17], [sflag:$0x1] =	stream.strided.gather [spmem:s12], $0x800, s15, s14, $0x38;
	[tilespmem:$0x13880] =	vst v63  }
0x91: {  	_ =	swait.ge [sflag:s13], $0x800  }
0x92: {  	[sflag:s13] =	ssyncset.done $0x0  }
0x93: {  	[sflag:s13] =	ssyncadd.s32 $0xFFFFF800  }
0x94: {  	s0 =	simm.s32 $0x0;
	[bflag:$0x0] =	sbarrier.arrive $0xFFFF  }
0x95: {  	v11 =	vld [tilespmem:s0+$0x12800]  }
0x96: {  	v15 =	vld [tilespmem:s0+$0x12810]  }
0x97: {  	v9 =	vld [tilespmem:s0+$0x12820]  }
0x98: {  	v8 =	vld [tilespmem:s0+$0x12830]  }
0x99: {  	v7 =	vld [tilespmem:s0+$0x12840]  }
0x9a: {  	v6 =	vld [tilespmem:s0+$0x12850]  }
0x9b: {  	v5 =	vld [tilespmem:s0+$0x12860]  }
0x9c: {  	v4 =	vld [tilespmem:s0+$0x12870]  }
0x9d: {  	v16 =	vld [tilespmem:s0+$0x12000]  }
0x9e: {  	v17 =	vld [tilespmem:s0+$0x12010]  }
0x9f: {  	v14 =	vld [tilespmem:s0+$0x12020]  }
0xa0: {  	v13 =	vld [tilespmem:s0+$0x12030]  }
0xa1: {  	v12 =	vld [tilespmem:s0+$0x12040]  }
0xa2: {  	v10 =	vld [tilespmem:s0+$0x12050];
	v16 =	vadd.f32 v11, v16  }
0xa3: {  	s1 =	simm.s32 $0x200;
	v15 =	vadd.f32 v15, v17;
	v11 =	vld [tilespmem:s0+$0x12060]  }
.LBB2_6:
0xa4: {  	s2 =	sshra.s32 s1, $0x2;
	p0 =	sne.s32 s1, $0x1E00;
	[tilespmem:s0+$0x12000] =	vst v16;
	v9 =	vadd.f32 v9, v14;
	v14 =	vld [tilespmem:s0+$0x12070]  }
0xa5: {  	v16 =	vld [tilespmem:s2+$0x12800];
	[tilespmem:s0+$0x12010] =	vst v15;
	v8 =	vadd.f32 v8, v13  }
0xa6: {  	v15 =	vld [tilespmem:s2+$0x12810];
	[tilespmem:s0+$0x12020] =	vst v9;
	v7 =	vadd.f32 v7, v12  }
0xa7: {  	v9 =	vld [tilespmem:s2+$0x12820];
	[tilespmem:s0+$0x12030] =	vst v8;
	v6 =	vadd.f32 v6, v10  }
0xa8: {  	v8 =	vld [tilespmem:s2+$0x12830];
	[tilespmem:s0+$0x12040] =	vst v7;
	v5 =	vadd.f32 v5, v11  }
0xa9: {  	v7 =	vld [tilespmem:s2+$0x12840];
	[tilespmem:s0+$0x12050] =	vst v6;
	v4 =	vadd.f32 v4, v14  }
0xaa: {  	v6 =	vld [tilespmem:s2+$0x12850];
	[tilespmem:s0+$0x12060] =	vst v5  }
0xab: {  	v5 =	vld [tilespmem:s2+$0x12860];
	[tilespmem:s0+$0x12070] =	vst v4;
	s0 =	smov.u32 s2  }
0xac: {  	v4 =	vld [tilespmem:s0+$0x12870]  }
0xad: {  	v10 =	vld [tilespmem:s0+$0x12000]  }
0xae: {  	v11 =	vld [tilespmem:s0+$0x12010]  }
.Ltmp2:
0xaf: {  	v14 =	vld [tilespmem:s0+$0x12020];
	(pc) =	sbr.rel @p0 .LBB2_6-.Ltmp2, $4  }
0xb0: {  	v13 =	vld [tilespmem:s0+$0x12030]  }
0xb1: {  	v12 =	vld [tilespmem:s0+$0x12040]  }
0xb2: {  	v16 =	vadd.f32 v16, v10;
	v10 =	vld [tilespmem:s0+$0x12050]  }
0xb3: {  	s1 =	sadd.s32 $0x200, s1;
	v15 =	vadd.f32 v15, v11;
	v11 =	vld [tilespmem:s0+$0x12060]  }
0xb4: {  	[tilespmem:s0+$0x12000] =	vst v16;
	v9 =	vadd.f32 v9, v14;
	v63 =	vld [tilespmem:s0+$0x12070]  }
0xb5: {  	[tilespmem:s0+$0x12010] =	vst v15;
	v8 =	vadd.f32 v8, v13  }
0xb6: {  	[tilespmem:s0+$0x12020] =	vst v9;
	v7 =	vadd.f32 v7, v12  }
0xb7: {  	p0 =	por $0x0, $0x0;
	[tilespmem:s0+$0x12030] =	vst v8;
	v6 =	vadd.f32 v6, v10  }
.Ltmp3:
0xb8: {  	[tilespmem:s0+$0x12040] =	vst v7;
	v5 =	vadd.f32 v5, v11;
	(pc) =	sbr.rel @p0 .LBB2_8-.Ltmp3, $4  }
0xb9: {  	[tilespmem:s0+$0x12050] =	vst v6;
	v4 =	vadd.f32 v4, v63  }
0xba: {  	p1 =	por $0x0, $0x0;
	[tilespmem:s0+$0x12060] =	vst v5  }
0xbb: {  	s16 =	simm.f32 $0.0e+00;
	s25 =	simm.s32 $0x800003EF;
	s1 =	simm.s32 $0x123F0;
	[tilespmem:s0+$0x12070] =	vst v4  }
0xbc: {  	p4 =	por $0x0, $0x0;
	p2 =	por $0x0, $0x0;
	[dreg:$0x8] =	wrdreg s5;
	v4 =	vld [tilespmem:s1+$0x0]  }
0xbd: {  	_ = 	snop  }
0xbe: {  	p0 =	por $0x0, $0x0  }
.Ltmp4:
0xbf: {  	_ = 	snop;
	(pc) =	sbr.rel @p0 .LBB2_10-.Ltmp4, $4  }
0xc0: {  	_ = 	snop  }
0xc1: {  	v5 =	vperm.xlane v4, v3  }
0xc2: {  	s0 =	simm.s32 $0x123E0;
	(xrf2) =	vadd.scan.msk.f32 $0xffff, v4  }
0xc3: {  	p4 =	por $0x1, $0x1;
	(xrf2) =	vadd.scan.msk.f32 $0xffff, v5;
	v5 =	vld [tilespmem:s0+$0x0]  }
0xc4: {  	_ =	sdelay $0x7  }
0xc5: {  	v6, _, _ =	vpop (xrf2)  }
0xc6: {  	p0 =	por $0x0, $0x0;
	v7, _, _ =	vpop (xrf2)  }
.Ltmp5:
0xc7: {  	v7 =	vperm.xlane v7, v3;
	(pc) =	sbr.rel @p0 .LBB2_12-.Ltmp5, $4  }
0xc8: {  	_ = 	snop  }
0xc9: {  	v8 =	vperm.xlane v5, v3;
	v7 =	vadd.f32 s16, v7  }
0xca: {  	s0 =	simm.s32 $0x123D0;
	(xrf2) =	vadd.scan.msk.f32 $0xffff, v5  }
0xcb: {  	(v2sf) =	vpush v6, $0xF;
	(xrf2) =	vadd.scan.msk.f32 $0xffff, v8;
	v8 =	vld [tilespmem:s0+$0x0];
	vm0 =	vge.f32 v7, $1.474500000e+04  }
0xcc: {  	_ =	sdelay $0x7  }
0xcd: {  	v6 =	vmpcnt.ones.xlane vm0;
	_ =	sdelay $0x1  }
0xce: {  	v6 =	vxor.u32 $0x80000000, v6;
	_ =	sdelay $0x1  }
0xcf: {  	(xrf0) =	vmax.scan.msk.u32 $0xffff, v6  }
0xd0: {  	v6, _, _ =	vpop (xrf2)  }
0xd1: {  	p0 =	por $0x0, $0x0;
	v7, _, _ =	vpop (xrf2);
	s0 =	spop (v2sf)  }
.Ltmp6:
0xd2: {  	v7 =	vperm.xlane v7, v3;
	s3 =	sadd.f32 s0, s16;
	(pc) =	sbr.rel @p0 .LBB2_14-.Ltmp6, $4  }
0xd3: {  	_ = 	snop  }
0xd4: {  	v9 =	vperm.xlane v8, v3;
	v10 =	vadd.f32 s3, v7  }
0xd5: {  	s31 =	simm.s32 $0x123C0;
	(xrf2) =	vadd.scan.msk.f32 $0xffff, v8;
	(v2sf) =	vpush v6, $0xF;
	v6, _, _ =	vpop (xrf0)  }
0xd6: {  	(xrf2) =	vadd.scan.msk.f32 $0xffff, v9;
	(v2sf) =	vpush v6, $0xF;
	v7 =	vld [tilespmem:s31+$0x0];
	vm0 =	vge.f32 v10, $1.474500000e+04  }
0xd7: {  	_ =	sdelay $0x6  }
0xd8: {  	v6 =	vmpcnt.ones.xlane vm0;
	_ =	sdelay $0x1  }
0xd9: {  	v6 =	vxor.u32 $0x80000000, v6;
	_ =	sdelay $0x1  }
0xda: {  	(xrf0) =	vmax.scan.msk.u32 $0xffff, v6  }
0xdb: {  	v6, _, _ =	vpop (xrf2)  }
0xdc: {  	p0 =	por $0x0, $0x0;
	v9, _, _ =	vpop (xrf2);
	s0 =	spop (v2sf)  }
.Ltmp7:
0xdd: {  	v9 =	vperm.xlane v9, v3;
	s6 =	sadd.f32 s0, s3;
	(pc) =	sbr.rel @p0 .LBB2_16-.Ltmp7, $4  }
0xde: {  	_ = 	snop  }
0xdf: {  	v10 =	vperm.xlane v7, v3;
	v11 =	vadd.f32 s6, v9  }
0xe0: {  	s31 =	simm.s32 $0x123B0;
	(xrf2) =	vadd.scan.msk.f32 $0xffff, v7;
	(v2sf) =	vpush v6, $0xF;
	v6, _, _ =	vpop (xrf0)  }
0xe1: {  	(xrf2) =	vadd.scan.msk.f32 $0xffff, v10;
	(v2sf) =	vpush v6, $0xF;
	v9 =	vld [tilespmem:s31+$0x0];
	vm0 =	vge.f32 v11, $1.474500000e+04  }
0xe2: {  	_ =	sdelay $0x6  }
0xe3: {  	v6 =	vmpcnt.ones.xlane vm0;
	_ =	sdelay $0x1  }
0xe4: {  	v6 =	vxor.u32 $0x80000000, v6;
	_ =	sdelay $0x1  }
0xe5: {  	(xrf0) =	vmax.scan.msk.u32 $0xffff, v6  }
0xe6: {  	s8 =	spop (v2sf);
	v6, _, _ =	vpop (xrf2)  }
0xe7: {  	p0 =	por $0x0, $0x0;
	v10, _, _ =	vpop (xrf2);
	s0 =	spop (v2sf)  }
.Ltmp8:
0xe8: {  	s1 =	sadd.s32 $0x7FFFFFFF, s8;
	v10 =	vperm.xlane v10, v3;
	s30 =	sadd.f32 s0, s6;
	(pc) =	sbr.rel @p0 .LBB2_18-.Ltmp8, $4  }
0xe9: {  	v12 =	vmov s1;
	v11 =	vperm.xlane v9, v3  }
0xea: {  	[dreg:$0x9] =	wrdreg s3;
	vm0 =	vlt.s32 v12, v0;
	(xrf2) =	vadd.scan.msk.f32 $0xffff, v9;
	v63 =	vadd.f32 s30, v10  }
0xeb: {  	s31 =	simm.s32 $0x123A0;
	s19 =	sadd.s32 $0x800003EF, s8;
	[dreg:$0xc] =	wrdreg s8;
	v4 =	vnsel vm0, $0x0, v4;
	(xrf2) =	vadd.scan.msk.f32 $0xffff, v11;
	(v2sf) =	vpush v6, $0xF;
	v6, _, _ =	vpop (xrf0)  }
0xec: {  	s25 =	simm.s32 $0x8000038F;
	[dreg:$0xd] =	wrdreg s19;
	(xrf2) =	vadd.scan.msk.f32 $0xffff, v4;
	(v2sf) =	vpush v6, $0xF;
	v10 =	vld [tilespmem:s31+$0x0];
	vm0 =	vge.f32 v63, $1.474500000e+04  }
0xed: {  	_ =	sdelay $0x6  }
0xee: {  	v4 =	vmpcnt.ones.xlane vm0;
	_ =	sdelay $0x1  }
0xef: {  	v4 =	vxor.u32 $0x80000000, v4;
	_ =	sdelay $0x1  }
0xf0: {  	(xrf0) =	vmax.scan.msk.u32 $0xffff, v4  }
0xf1: {  	s4 =	spop (v2sf);
	v4, _, _ =	vpop (xrf2)  }
0xf2: {  	p0 =	por $0x0, $0x0;
	v6, _, _ =	vpop (xrf2);
	s28 =	spop (v2sf)  }
.Ltmp9:
0xf3: {  	s1 =	sadd.s32 $0x7FFFFFFF, s4;
	v6 =	vperm.xlane v6, v3;
	s31 =	sadd.f32 s28, s30;
	(pc) =	sbr.rel @p0 .LBB2_20-.Ltmp9, $4  }
0xf4: {  	[dreg:$0xe] =	wrdreg s30;
	v12 =	vmov s1;
	v11 =	vperm.xlane v10, v3  }
0xf5: {  	s0 =	simm.s32 $0x800003CF;
	[dreg:$0xf] =	wrdreg s6;
	vm0 =	vlt.s32 v12, v0;
	(xrf2) =	vadd.scan.msk.f32 $0xffff, v10;
	(v2sf) =	vpush v4, $0xF;
	v4, _, _ =	vpop (xrf2);
	v6 =	vadd.f32 s31, v6  }
0xf6: {  	s29 =	simm.s32 $0x12390;
	[dreg:$0x10] =	wrdreg s0;
	s23 =	sadd.s32 $0x800003DF, s4;
	(xrf2) =	vadd.scan.msk.f32 $0xffff, v11;
	v11 =	vnsel vm0, $0x0, v5;
	v63, _, _ =	vpop (xrf0);
	(v2sf) =	vpush v4, $0xF  }
0xf7: {  	s14 =	simm.s32 $0x8000037F;
	[dreg:$0x11] =	wrdreg s23;
	(xrf2) =	vadd.scan.msk.f32 $0xffff, v11;
	v4 =	vld [tilespmem:s29+$0x0];
	(v2sf) =	vpush v63, $0xF;
	vm0 =	vge.f32 v6, $1.474500000e+04  }
0xf8: {  	_ =	sdelay $0x4  }
0xf9: {  	v6 =	vmpcnt.ones.xlane vm0;
	_ =	sdelay $0x1  }
0xfa: {  	v6 =	vxor.u32 $0x80000000, v6  }
0xfb: {  	(xrf0) =	vmax.scan.msk.u32 $0xffff, v6;
	_ =	sdelay $0x1  }
0xfc: {  	v6, _, _ =	vpop (xrf2)  }
0xfd: {  	s5 =	spop (v2sf);
	v11, _, _ =	vpop (xrf2)  }
0xfe: {  	s26 =	spop (v2sf);
	(v2sf) =	vpush v6, $0xF;
	v6, _, _ =	vpop (xrf2)  }
0xff: {  	(v2sf) =	vpush v6, $0xF  }
0x100: {  	v6, _, _ =	vpop (xrf0)  }
0x101: {  	(v2sf) =	vpush v6, $0xF;
	_ =	sdelay $0x2  }
0x102: {  	s0 =	simm.s32 $0x8000039F;
	p0 =	por $0x1, $0x1  }
0x103: {  	[dreg:$0x14] =	wrdreg s0;
	s0 =	simm.s32 @!p0 $0x0  }
0x104: {  	s21 =	simm.s32 $0x800003AF;
	s0 =	simm.s32 @p0 $0x1;
	p0 =	por $0x0, $0x0  }
.Ltmp10:
0x105: {  	s1 =	sadd.s32 $0x7FFFFFFF, s5;
	v11 =	vperm.xlane v11, v3;
	s20 =	sadd.f32 s26, s31;
	(pc) =	sbr.rel @p0 .LBB2_22-.Ltmp10, $4  }
0x106: {  	s22 =	simm.s32 $0x800003DF;
	[dreg:$0x13] =	wrdreg s21;
	v13 =	vmov s1;
	v12 =	vperm.xlane v4, v3  }
0x107: {  	s24 =	simm.s32 $0x800003BF;
	[dreg:$0xb] =	wrdreg s22;
	vm0 =	vlt.s32 v13, v0;
	(xrf2) =	vadd.scan.msk.f32 $0xffff, v4;
	v11 =	vadd.f32 s20, v11  }
0x108: {  	s29 =	simm.s32 $0x12380;
	s17 =	simm.s32 $0x8000036F;
	[dreg:$0xa] =	wrdreg s24;
	(xrf2) =	vadd.scan.msk.f32 $0xffff, v12;
	v12 =	vnsel vm0, $0x0, v8  }
0x109: {  	s28 =	sadd.s32 $0x800003CF, s5;
	v14 =	vld [tilespmem:s29+$0x0];
	[smem:$0x7FC] =	sst s0;
	(xrf2) =	vadd.scan.msk.f32 $0xffff, v12;
	vm1 =	vge.f32 v11, $1.474500000e+04  }
0x10a: {  	_ =	sdelay $0x1  }
0x10b: {  	p0 =	por $0x1, $0x1;
	s24 =	spop (v2sf);
	p6 =	por $0x0, $0x0  }
0x10c: {  	v6 =	vmpcnt.ones.xlane vm1;
	p5 =	por !p1, !p1;
	p1 =	sgt.u32 s8, $0x80000000;
	s13 =	simm.f32 $0.0e+00  }
0x10d: {  	s7 =	simm.s32 $0x0;
	s8 =	simm.s32 $0x12370;
	p2 =	por $0x1, $0x1  }
0x10e: {  	s12 =	smov.u32 s3;
	s11 =	smov.u32 s5;
	s10 =	simm.s32 $0x800003AF;
	v6 =	vxor.u32 $0x80000000, v6  }
0x10f: {  	s29 =	smov.u32 s23;
	s15 =	smov.u32 s28;
	s23 =	smov.u32 s30;
	(xrf0) =	vmax.scan.msk.u32 $0xffff, v6  }
0x110: {  	s30 =	simm.s32 $0x8000039F;
	s0 =	simm.s32 @!p0 $0x0;
	s21 =	spop (v2sf);
	v11, _, _ =	vpop (xrf2)  }
0x111: {  	s0 =	simm.s32 @p0 $0x1;
	p0 =	por $0x1, $0x1;
	s1 =	spop (v2sf);
	(xrf2) =	vadd.scan.msk.f32 $0xffff, v14;
	(v2sf) =	vpush v11, $0xF  }
0x112: {  	s26 =	sadd.s32 $0x7FFFFFFF, s21;
	[smem:$0x7F7] =	sst s0;
	s0 =	simm.s32 @!p0 $0x0;
	v6, _, _ =	vpop (xrf2)  }
0x113: {  	s18 =	sadd.f32 s1, s20;
	s0 =	simm.s32 @p0 $0x1;
	p0 =	por $0x1, $0x1;
	v12 =	vperm.xlane v14, v3;
	v6 =	vperm.xlane v6, v3  }
0x114: {  	s22 =	sadd.s32 $0x800003BF, s21;
	[smem:$0x7F8] =	sst s0;
	s0 =	simm.s32 @!p0 $0x0;
	v11, _, _ =	vpop (xrf2)  }
.Ltmp11:
0x115: {  	v13 =	vmov s26;
	s26 =	smov.u32 s4;
	s0 =	simm.s32 @p0 $0x1;
	(xrf2) =	vadd.scan.msk.f32 $0xffff, v12;
	(v2sf) =	vpush v11, $0xF;
	v11, _, _ =	vpop (xrf0);
	v6 =	vadd.f32 s18, v6;
	(pc) =	sbr.rel @p6 .LBB2_24-.Ltmp11, $4  }
0x116: {  	s1 =	smov.u32 s31;
	vm0 =	vlt.s32 v13, v0;
	p0 =	por !p1, !p5;
	[smem:$0x7F9] =	sst s0;
	(v2sf) =	vpush v11, $0xF  }
0x117: {  	s2 =	smov.u32 s18;
	s0 =	sadd.f32 s24, s16;
	p0 =	por !p0, !p0;
	v12 =	vnsel vm0, $0x0, v7;
	vm0 =	vge.f32 v6, $1.474500000e+04;
	v6 =	vld [tilespmem:s8+$0x0]  }
0x118: {  	s24 =	smov.u32 s6;
	s6 =	smov.u32 s20;
	s7 =	smov.u32 @p0 s19;
	(xrf2) =	vadd.scan.msk.f32 $0xffff, v12  }
0x119: {  	v13 =	vmov v9;
	s19 =	simm.s32 $0x8000035F;
	s13 =	smov.u32 @p0 s0;
	p0 =	por $0x0, $0x0;
	v11 =	vmov v10  }
.LBB2_25:
0x11a: {  	p6 =	seq.s32 s19, $0x7FFFFFFF;
	p0 =	por p0, p1  }
0x11b: {  	v12, _, _ =	vpop (xrf2);
	v15 =	vmpcnt.ones.xlane vm0;
	s0 =	smov.u32 s14;
	s14 =	smov.u32 s17;
	s17 =	smov.u32 s19  }
0x11c: {  	p1 =	sgt.u32 s26, $0x80000000;
	(xrf2) =	vadd.scan.msk.f32 $0xffff, v6;
	(v2sf) =	vpush v12, $0xF;
	p5 =	por !p0, !p0;
	s26 =	spop (v2sf);
	v12 =	vmov v6  }
0x11d: {  	v16 =	vxor.u32 $0x80000000, v15;
	p5 =	por !p1, !p5;
	s12 =	sadd.f32 s26, s12;
	s26 =	smov.u32 s11  }
0x11e: {  	v15 =	vperm.xlane v12, v3;
	s11 =	smov.u32 s21;
	(xrf0) =	vmax.scan.msk.u32 $0xffff, v16;
	p5 =	por !p5, !p5;
	s21 =	spop (v2sf)  }
0x11f: {  	v6, _, _ =	vpop (xrf2);
	s3 =	sadd.s32 $0x7FFFFFFF, s21;
	s10 =	sadd.s32 s10, s21;
	s13 =	smov.u32 @p5 s12  }
0x120: {  	s7 =	smov.u32 @p5 s29;
	s29 =	smov.u32 s15;
	(xrf2) =	vadd.scan.msk.f32 $0xffff, v15;
	s12 =	spop (v2sf);
	v15 =	vmov s3  }
.Ltmp12:
0x121: {  	s8 =	sadd.s32 $0xFFFFFFF0, s8;
	v16 =	vperm.xlane v6, v3;
	s18 =	sadd.f32 s12, s18;
	vm0 =	vlt.s32 v15, v0;
	(pc) =	sbr.rel @!p6 .LBB2_25-.Ltmp12, $4  }
0x122: {  	s15 =	smov.u32 s22;
	s22 =	smov.u32 s10;
	s12 =	smov.u32 s24;
	v6 =	vld [tilespmem:s8+$0x0];
	v15 =	vnsel vm0, $0x0, v13;
	v17, _, _ =	vpop (xrf2);
	v13 =	vmov v11;
	v11 =	vmov v4  }
0x123: {  	s24 =	smov.u32 s23;
	s23 =	smov.u32 s1;
	s1 =	smov.u32 s6;
	v4 =	vmovc v14;
	v14 =	vmov v12;
	v16 =	vadd.f32 s18, v16;
	(xrf2) =	vadd.scan.msk.f32 $0xffff, v15;
	(v2sf) =	vpush v17, $0xF  }
0x124: {  	s10 =	smov.u32 s30;
	s6 =	smov.u32 s2;
	s2 =	smov.u32 s18;
	v12, _, _ =	vpop (xrf0)  }
0x125: {  	s19 =	sadd.s32 $0xFFFFFFF0, s19;
	s30 =	smov.u32 s25;
	s25 =	smov.u32 s0;
	vm0 =	vge.f32 v16, $1.474500000e+04;
	(v2sf) =	vpush v12, $0xF  }
0x126: {  	p2 =	por $0x1, $0x1  }
0x127: {  	s0 =	simm.s32 @!p2 $0x0  }
0x128: {  	p3 =	por $0x1, $0x1;
	s0 =	simm.s32 @p2 $0x1  }
0x129: {  	[smem:$0x7FA] =	sst s0;
	s0 =	simm.s32 @!p3 $0x0  }
0x12a: {  	[dreg:$0x12] =	wrdreg s14;
	s0 =	simm.s32 @p3 $0x1  }
0x12b: {  	v12 =	vmov v4;
	s14 =	smov.u32 s17;
	v4 =	vmov v14;
	p2 =	por $0x1, $0x1;
	[smem:$0x7FB] =	sst s0  }
.LBB2_27:
0x12c: {  	s0 =	sld [smem:$0x7F7]  }
0x12d: {  	s19 =	sld [smem:$0x7F8]  }
0x12e: {  	p3 =	por @p2 p0, p1;
	p0 =	por $0x0, $0x0;
	s3 =	sld [smem:$0x7FC]  }
0x12f: {  	s8 =	sld [smem:$0x7FA];
	p3 =	por @!p2 p0, p0;
	p0 =	seq.s32 s0, $0x1  }
0x130: {  	p6 =	seq.s32 s19, $0x1;
	s19 =	smov.u32 s16;
	p1 =	sgt.u32 @p0 s26, $0x80000000  }
0x131: {  	p5 =	por @p0 !p3, !p3;
	s0 =	spop @p0 (v2sf);
	s26 =	rddreg [dreg:$0xc]  }
0x132: {  	p5 =	por @p0 !p1, !p5;
	s0 =	sadd.f32 @p0 s0, s12;
	p1 =	por @!p0 p0, p0  }
0x133: {  	s12 =	smov.u32 s16;
	p5 =	por @p0 !p5, !p5;
	p3 =	por @p0 p3, p1  }
0x134: {  	p1 =	por $0x0, $0x0;
	p2 =	por !p5, !p0;
	p5 =	seq.s32 s3, $0x1  }
0x135: {  	p3 =	por @!p0 p1, p1;
	s0 =	smov.u32 @p2 s13;
	s3 =	spop @p5 (v2sf)  }
0x136: {  	s29 =	smov.u32 @p2 s7;
	p2 =	seq.s32 s8, $0x1;
	s13 =	simm.s32 $0x0  }
0x137: {  	s8 =	spop @p2 (v2sf);
	s13 =	smov.u32 @p0 s29;
	s29 =	rddreg [dreg:$0xf]  }
0x138: {  	v14, _, _ =	vpop @p4 (xrf2);
	s7 =	sadd.s32 @p5 $0x7FFFFFFF, s3;
	s5 =	smov.u32 @p5 s3;
	s8 =	sadd.f32 @p2 s8, s18  }
0x139: {  	(v2sf) =	vpush @p4 v14, $0xF;
	v14 =	vmov @p5 s7;
	s7 =	smov.u32 @p6 s11;
	s11 =	smov.u32 s26;
	s18 =	smov.u32 s29  }
0x13a: {  	s11 =	smov.u32 @p6 s7;
	s7 =	smov.u32 @p6 s24;
	s24 =	sld [smem:$0x7F9]  }
0x13b: {  	s18 =	smov.u32 @p5 s1;
	s12 =	smov.u32 @p6 s7;
	s7 =	simm.s32 @!p3 $0x0  }
0x13c: {  	s1 =	smov.u32 s16;
	p1 =	sgt.u32 @p6 s11, $0x80000000;
	s7 =	simm.s32 @p3 $0x1  }
0x13d: {  	p3 =	por @p6 !p3, !p3;
	[smem:$0x7F3] =	sst s7;
	s7 =	simm.s32 @!p1 $0x0  }
0x13e: {  	s11 =	spop @p6 (v2sf);
	p3 =	por @p6 !p1, !p3;
	s7 =	simm.s32 @p1 $0x1  }
0x13f: {  	p1 =	seq.s32 s24, $0x1;
	[smem:$0x7F2] =	sst s7;
	s7 =	smov.u32 s16  }
0x140: {  	p3 =	por @p6 !p3, !p3;
	s24 =	rddreg [dreg:$0xd];
	s7 =	smov.u32 @p0 s0  }
0x141: {  	s0 =	sadd.f32 @p6 s11, s12;
	s11 =	smov.u32 @p6 s15;
	s12 =	smov.u32 s24  }
0x142: {  	p3 =	por !p3, !p6;
	s12 =	smov.u32 @p6 s11;
	s11 =	simm.s32 @!p6 $0x0  }
0x143: {  	s11 =	simm.s32 @p6 $0x1;
	s0 =	smov.u32 @p3 s7;
	s12 =	smov.u32 @p3 s13  }
0x144: {  	s7 =	smov.u32 s16;
	s13 =	smov.u32 s4;
	[smem:$0x7F8] =	sst s11  }
0x145: {  	s11 =	smov.u32 @p1 s21;
	s7 =	smov.u32 @p2 s8;
	s8 =	simm.s32 @!p5 $0x0  }
0x146: {  	s13 =	smov.u32 @p1 s11;
	s11 =	sadd.s32 @p5 s10, s3;
	s10 =	sld [smem:$0x7FB]  }
0x147: {  	v15 =	vperm.xlane v6, v3;
	(xrf2) =	vadd.scan.msk.f32 $0xffff, v6;
	s21 =	rddreg [dreg:$0x9];
	s19 =	smov.u32 @p6 s0;
	s0 =	simm.s32 $0x0  }
0x148: {  	v16 =	vmpcnt.ones.xlane @p2 vm0;
	vm0 =	vlt.s32 @p5 v14, v0;
	s8 =	simm.s32 @p5 $0x1;
	s3 =	smov.u32 @p1 s22;
	s22 =	rddreg [dreg:$0xa]  }
0x149: {  	(xrf2) =	vadd.scan.msk.f32 $0xffff, v15;
	v13 =	vnsel @p5 vm0, $0x0, v13;
	s0 =	smov.u32 @p6 s12;
	s12 =	sld [smem:$0x7F2];
	p3 =	seq.s32 s10, $0x1  }
0x14a: {  	(xrf2) =	vadd.scan.msk.f32 @p5 $0xffff, v13;
	s10 =	smov.u32 s22;
	s15 =	smov.u32 @p3 s30;
	s30 =	rddreg [dreg:$0x11]  }
0x14b: {  	v14 =	vxor.u32 @p2 $0x80000000, v16;
	[smem:$0x7FC] =	sst s8;
	s8 =	smov.u32 s30;
	s10 =	smov.u32 @p3 s15  }
0x14c: {  	(xrf0) =	vmax.scan.msk.u32 @p2 $0xffff, v14;
	s15 =	smov.u32 s21;
	s8 =	smov.u32 @p1 s3;
	s3 =	smov.u32 @p5 s11  }
0x14d: {  	v13, _, _ =	vpop @p4 (xrf2);
	s11 =	spop @p3 (v2sf);
	s28 =	smov.u32 @p5 s3;
	s3 =	smov.u32 @p1 s23  }
0x14e: {  	v13 =	vperm.xlane @p4 v13, v3;
	s23 =	rddreg [dreg:$0xe];
	s15 =	smov.u32 @p1 s3;
	s3 =	spop @p4 (v2sf)  }
0x14f: {  	s17 =	smov.u32 @p3 s6;
	s6 =	smov.u32 s23;
	s3 =	sadd.f32 @p4 s3, s7  }
0x150: {  	v14, _, _ =	vpop @p1 (xrf2);
	v13 =	vadd.f32 @p4 s7, v13;
	p0 =	seq.s32 s12, $0x1;
	s12 =	sld [smem:$0x7F8];
	s6 =	smov.u32 @p3 s17  }
0x151: {  	v59, _, _ =	vpop (xrf2);
	s17 =	smov.u32 s26;
	s1 =	smov.u32 @p4 s3;
	s3 =	smov.u32 @p5 s5  }
0x152: {  	(v2sf) =	vpush @p1 v14, $0xF;
	v14, _, _ =	vpop @p2 (xrf0);
	s17 =	smov.u32 @p5 s3;
	s3 =	smov.u32 @p5 s28;
	s28 =	sld [smem:$0x7F3]  }
0x153: {  	v60, _, _ =	vpop (xrf2);
	(v2sf) =	vpush @p2 v14, $0xF;
	p0 =	por @!p6 p0, p0;
	s5 =	sadd.s32 @p3 $0x7FFFFFFF, s11  }
0x154: {  	vm0 =	vge.f32 @p4 v13, $1.474500000e+04;
	v13, _, _ =	vpop @p5 (xrf2);
	p6 =	por p0, p0;
	(v2sf) =	vpush v59, $0xF;
	v15 =	vmov @p3 s5;
	s5 =	smov.u32 s24  }
0x155: {  	(v2sf) =	vpush @p5 v13, $0xF;
	s5 =	smov.u32 @p5 s3;
	p5 =	seq.s32 s12, $0x1;
	p0 =	seq.s32 s28, $0x1  }
0x156: {  	p0 =	por @p5 p0, p6  }
0x157: {  	s3 =	simm.s32 @!p0 $0x0  }
0x158: {  	s3 =	simm.s32 @p0 $0x1  }
0x159: {  	[smem:$0x7F4] =	sst s3  }
0x15a: {  	s3 =	smov.u32 @p1 s13;
	s13 =	sld [smem:$0x7F8]  }
0x15b: {  	s28 =	sld [smem:$0x7F4];
	_ =	sdelay $0x2  }
0x15c: {  	p0 =	por $0x0, $0x0;
	p5 =	seq.s32 s13, $0x1;
	p6 =	seq.s32 s28, $0x1  }
0x15d: {  	p6 =	por @!p5 p0, p0  }
0x15e: {  	s12 =	simm.s32 @!p6 $0x0  }
0x15f: {  	s12 =	simm.s32 @p6 $0x1  }
0x160: {  	[smem:$0x7F4] =	sst s12  }
0x161: {  	s12 =	sld [smem:$0x7F4]  }
0x162: {  	vm1 =	vmmov @p4 vm0  }
0x163: {  	s31 =	smov.u32 @p2 s2;
	v14 =	vperm.xlane v60, v3;
	v13 =	vmpcnt.ones.xlane @p4 vm1;
	s3 =	smov.u32 @p1 s3;
	s28 =	sld [smem:$0x7FC]  }
0x164: {  	v11 =	vpsel p3, v11, v7;
	p0 =	sgt.u32 @p1 s3, $0x80000000;
	s3 =	smov.u32 @p1 s15;
	p6 =	seq.s32 s12, $0x1  }
0x165: {  	s2 =	rddreg [dreg:$0x12];
	v13 =	vxor.u32 @p4 $0x80000000, v13;
	v61 =	vadd.f32 s1, v14;
	vm0 =	vlt.s32 @p3 v15, v0;
	s3 =	smov.u32 @p1 s3;
	p5 =	por @p1 !p6, !p6  }
0x166: {  	(xrf0) =	vmax.scan.msk.u32 @p4 $0xffff, v13;
	v11 =	vnsel @p3 vm0, $0x0, v11;
	s12 =	spop @p1 (v2sf);
	p6 =	por @p1 !p0, !p5;
	p5 =	seq.s32 s28, $0x1  }
0x167: {  	vm14 =	vge.f32 v61, $1.474500000e+04;
	(xrf2) =	vadd.scan.msk.f32 @p3 $0xffff, v11;
	s13 =	smov.u32 s16;
	s3 =	sadd.f32 @p1 s12, s3;
	s12 =	smov.u32 @p5 s18  }
0x168: {  	v62 =	vmpcnt.ones.xlane vm14;
	p6 =	por @p1 !p6, !p6;
	s13 =	smov.u32 @p5 s12;
	s12 =	sld [smem:$0x7F4]  }
0x169: {  	s4 =	smov.u32 @p3 s11;
	s15 =	smov.u32 @p1 s8;
	p6 =	por !p6, !p1  }
0x16a: {  	v11 =	vxor.u32 $0x80000000, v62;
	p0 =	por @!p1 p0, p0;
	s15 =	smov.u32 @p6 s0;
	s0 =	smov.u32 @p5 s17  }
0x16b: {  	s3 =	smov.u32 @p6 s19;
	s0 =	smov.u32 @p5 s0;
	p6 =	seq.s32 s12, $0x1  }
0x16c: {  	(xrf0) =	vmax.scan.msk.u32 $0xffff, v11;
	s8 =	spop @p2 (v2sf);
	p6 =	por @p1 p6, p0;
	p0 =	sgt.u32 @p5 s0, $0x80000000  }
0x16d: {  	v11, _, _ =	vpop @p4 (xrf0);
	s26 =	smov.u32 @p2 s8;
	s18 =	spop (v2sf);
	s0 =	simm.s32 @!p0 $0x0  }
0x16e: {  	(v2sf) =	vpush @p4 v11, $0xF;
	v11 =	vmov @p2 v12;
	s18 =	simm.s32 $0x0;
	s17 =	spop @p5 (v2sf);
	s0 =	simm.s32 @p0 $0x1  }
0x16f: {  	s12 =	smov.u32 @p5 s13;
	p0 =	por $0x0, $0x0;
	[smem:$0x7F5] =	sst s0  }
0x170: {  	s13 =	smov.u32 s16;
	p6 =	por @!p1 p0, p0;
	s19 =	sld [smem:$0x7F5]  }
0x171: {  	v9 =	vpsel p2, v11, v9;
	v11, _, _ =	vpop @p3 (xrf2);
	s13 =	smov.u32 @p1 s3;
	s0 =	smov.u32 @p5 s12;
	s12 =	simm.s32 @!p6 $0x0  }
0x172: {  	v63, _, _ =	vpop (xrf0);
	(v2sf) =	vpush @p3 v11, $0xF;
	s3 =	simm.s32 $0x0;
	p0 =	por @p5 !p6, !p6;
	s12 =	simm.s32 @p6 $0x1  }
0x173: {  	(v2sf) =	vpush v63, $0xF;
	[smem:$0x7F6] =	sst s12;
	s12 =	sadd.s32 @p2 $0x7FFFFFFF, s8;
	p6 =	seq.s32 s19, $0x1  }
0x174: {  	s3 =	smov.u32 @p1 s15;
	v12 =	vmov @p2 s12;
	s12 =	sadd.f32 @p5 s17, s0;
	p0 =	por @p5 !p6, !p0  }
0x175: {  	v8 =	vpsel p2, v9, v8;
	s0 =	smov.u32 @p5 s5;
	s5 =	rddreg [dreg:$0x13];
	vm0 =	vlt.s32 @p2 v12, v0;
	p0 =	por @p5 !p0, !p0  }
0x176: {  	s15 =	simm.s32 $0x400;
	s28 =	sld [smem:$0x7F6];
	v8 =	vnsel @p2 vm0, $0x0, v8;
	p0 =	por !p0, !p5  }
0x177: {  	s17 =	simm.s32 $0x12800;
	s0 =	smov.u32 @p5 s0;
	(xrf2) =	vadd.scan.msk.f32 @p2 $0xffff, v8;
	s12 =	smov.u32 @p0 s13  }
0x178: {  	s0 =	smov.u32 @p0 s3;
	s3 =	smov.u32 @p4 s7;
	s13 =	rddreg [dreg:$0x14]  }
0x179: {  	p1 =	seq.s32 s28, $0x1;
	s7 =	rddreg [dreg:$0x10];
	s20 =	smov.u32 @p4 s3  }
0x17a: {  	s3 =	smov.u32 @p2 s25;
	s13 =	smov.u32 @p4 s2;
	s2 =	sadd.s32 @p3 s10, s11  }
0x17b: {  	p6 =	por @!p5 p0, p0;
	s5 =	smov.u32 @p2 s3;
	s30 =	smov.u32 @p3 s2  }
0x17c: {  	s2 =	smov.u32 s21;
	s3 =	smov.u32 @p2 s5;
	s5 =	smov.u32 @p4 s20  }
0x17d: {  	s7 =	smov.u32 @p2 s3;
	s3 =	smov.u32 @p3 s6;
	s23 =	smov.u32 @p4 s5  }
0x17e: {  	s5 =	spop @p4 (v2sf);
	s2 =	smov.u32 @p3 s3;
	s3 =	smov.u32 @p2 s31  }
0x17f: {  	v4 =	vpsel p4, v4, v10;
	s6 =	sadd.s32 @p4 $0x7FFFFFFF, s5;
	s29 =	smov.u32 @p2 s3;
	s3 =	smov.u32 @p4 s13  }
0x180: {  	v4 =	vpsel p4, v4, v7;
	p6 =	por @p5 p1, p6;
	p1 =	por $0x0, $0x0;
	v7 =	vmov @p4 s6;
	s22 =	smov.u32 @p4 s3  }
0x181: {  	v4 =	vpsel p4, v4, v5;
	s3 =	smov.u32 @p3 s4;
	s4 =	sadd.s32 @p2 s7, s8;
	vm0 =	vlt.s32 @p4 v7, v0;
	s7 =	spop @p3 (v2sf);
	v8, _, _ =	vpop @p2 (xrf2)  }
0x182: {  	s11 =	rddreg [dreg:$0x4];
	s8 =	simm.s32 $0x0;
	v4 =	vnsel @p4 vm0, $0x0, v4;
	s25 =	spop (v2sf);
	(v2sf) =	vpush @p2 v8, $0xF  }
0x183: {  	s6 =	smov.u32 s16;
	s8 =	smov.u32 @p5 s0;
	(xrf2) =	vadd.scan.msk.f32 @p4 $0xffff, v4;
	s0 =	sadd.s32 $0x7FFFFFFF, s25  }
0x184: {  	p6 =	por @!p5 p1, p1;
	s13 =	simm.s32 $0x1;
	s6 =	smov.u32 @p5 s12;
	v4 =	vmov s0  }
0x185: {  	s12 =	rddreg [dreg:$0x5];
	s3 =	smov.u32 @p3 s3;
	s24 =	smov.u32 @p2 s4;
	vm15 =	vlt.s32 v4, v0  }
0x186: {  	s4 =	smov.u32 @p3 s2;
	p5 =	por @p3 !p6, !p6;
	s3 =	smov.u32 @p3 s3;
	v4 =	vnsel vm15, $0x0, v6  }
0x187: {  	p0 =	sgt.u32 @p3 s3, $0x80000000;
	s0 =	smov.u32 @p3 s4;
	s3 =	smov.u32 @p3 s30;
	(xrf2) =	vadd.scan.msk.f32 $0xffff, v4  }
0x188: {  	s4 =	smov.u32 @p2 s29;
	s0 =	smov.u32 @p3 s0;
	p5 =	por @p3 !p0, !p5  }
0x189: {  	s3 =	smov.u32 @p3 s3;
	p0 =	por @!p3 p0, p0;
	s0 =	sadd.f32 @p3 s7, s0  }
0x18a: {  	s7 =	smov.u32 s16;
	p5 =	por @p3 !p5, !p5;
	s3 =	smov.u32 @p3 s3  }
0x18b: {  	p0 =	por @p3 p6, p0;
	p6 =	sgt.u32 s25, $0x80000000;
	s7 =	smov.u32 @p2 s4  }
0x18c: {  	p5 =	por !p5, !p3;
	s4 =	smov.u32 @p2 s26;
	p0 =	por @!p3 p1, p1  }
0x18d: {  	s0 =	smov.u32 @p5 s6;
	s3 =	smov.u32 @p5 s8;
	s4 =	smov.u32 @p2 s4;
	v4, _, _ =	vpop @p4 (xrf2)  }
0x18e: {  	s6 =	smov.u32 @p2 s24;
	s7 =	smov.u32 @p2 s7;
	s4 =	smov.u32 @p2 s4;
	(v2sf) =	vpush @p4 v4, $0xF  }
0x18f: {  	p5 =	por @p2 !p0, !p0;
	p1 =	sgt.u32 @p2 s4, $0x80000000;
	s4 =	smov.u32 s16  }
0x190: {  	s6 =	smov.u32 @p2 s6;
	s7 =	smov.u32 @p2 s7;
	s4 =	smov.u32 @p3 s0  }
0x191: {  	p5 =	por @p2 !p1, !p5;
	p1 =	por @!p2 p0, p0;
	v4, _, _ =	vpop (xrf2);
	s0 =	spop @p2 (v2sf)  }
0x192: {  	p5 =	por @p2 !p5, !p5;
	(v2sf) =	vpush v4, $0xF;
	s0 =	sadd.f32 @p2 s0, s7;
	s7 =	simm.s32 $0x0  }
0x193: {  	p0 =	por @p2 p0, p1;
	s7 =	smov.u32 @p3 s3;
	s3 =	smov.u32 @p2 s6  }
0x194: {  	p3 =	por !p5, !p2;
	s6 =	smov.u32 @p4 s22;
	p5 =	por $0x0, $0x0  }
0x195: {  	s0 =	smov.u32 @p3 s4;
	s3 =	smov.u32 @p2 s3;
	s4 =	smov.u32 @p4 s23  }
0x196: {  	s3 =	smov.u32 @p3 s7;
	s7 =	rddreg [dreg:$0xb];
	s21 =	smov.u32 @p4 s4  }
0x197: {  	s4 =	smov.u32 s16;
	s7 =	smov.u32 @p4 s6;
	s6 =	simm.s32 $0x0  }
0x198: {  	p0 =	por @!p2 p5, p5;
	s4 =	smov.u32 @p2 s0;
	s6 =	smov.u32 @p2 s3  }
0x199: {  	s0 =	sadd.s32 @p4 s7, s5;
	s3 =	smov.u32 @p4 s21;
	s5 =	smov.u32 @p4 s5  }
0x19a: {  	p1 =	por @p4 !p0, !p0;
	s3 =	smov.u32 @p4 s3;
	s5 =	smov.u32 @p4 s5  }
0x19b: {  	s0 =	smov.u32 @p4 s0;
	s3 =	smov.u32 @p4 s3;
	s5 =	smov.u32 @p4 s5  }
0x19c: {  	s0 =	smov.u32 @p4 s0;
	p3 =	sgt.u32 @p4 s5, $0x80000000;
	s3 =	smov.u32 @p4 s3  }
0x19d: {  	s5 =	spop @p4 (v2sf);
	p1 =	por @p4 !p3, !p1;
	p3 =	por @!p4 p0, p0  }
0x19e: {  	s3 =	sadd.f32 @p4 s5, s3;
	p1 =	por @p4 !p1, !p1;
	p0 =	por @p4 p0, p3  }
0x19f: {  	s0 =	smov.u32 @p4 s0;
	p1 =	por !p1, !p4;
	p0 =	por @!p4 p5, p5  }
0x1a0: {  	s3 =	smov.u32 @p1 s4;
	s4 =	sadd.s32 s14, s25;
	p0 =	por !p0, !p0  }
0x1a1: {  	s0 =	smov.u32 @p1 s6;
	s14 =	simm.s32 $0x80;
	s31 =	spop (v2sf)  }
0x1a2: {  	p0 =	por !p6, !p0;
	s16 =	smov.u32 @p4 s3;
	s1 =	sadd.f32 s31, s1  }
0x1a3: {  	s18 =	smov.u32 @p4 s0;
	s0 =	simm.s32 $0x0;
	p0 =	por !p0, !p0  }
0x1a4: {  	s18 =	smov.u32 @p0 s4;
	s16 =	smov.u32 @p0 s1;
	s1 =	simm.s32 $0x200  }
.LBB2_28:
0x1a5: {  	p0 =	seq.s32 s1, $0x1E00;
	[tilespmem:s0+$0x12070] =	vst v1  }
0x1a6: {  	[tilespmem:s0+$0x12000] =	vst v1  }
0x1a7: {  	[tilespmem:s0+$0x12010] =	vst v1  }
.Ltmp13:
0x1a8: {  	[tilespmem:s0+$0x12020] =	vst v1;
	(pc) =	sbr.rel @!p0 .LBB2_28-.Ltmp13, $4  }
0x1a9: {  	[tilespmem:s0+$0x12030] =	vst v1  }
0x1aa: {  	[tilespmem:s0+$0x12040] =	vst v1  }
0x1ab: {  	[tilespmem:s0+$0x12050] =	vst v1  }
0x1ac: {  	[tilespmem:s0+$0x12060] =	vst v1;
	s0 =	sshra.s32 s1, $0x2;
	s1 =	sadd.s32 $0x200, s1  }
0x1ad: {  	[tilespmem:s0+$0x12070] =	vst v1  }
0x1ae: {  	[tilespmem:s0+$0x12000] =	vst v1  }
0x1af: {  	[tilespmem:s0+$0x12010] =	vst v1  }
0x1b0: {  	[tilespmem:s0+$0x12020] =	vst v1  }
0x1b1: {  	[tilespmem:s0+$0x12030] =	vst v1  }
0x1b2: {  	[tilespmem:s0+$0x12040] =	vst v1;
	s1 =	simm.s32 $0x0  }
0x1b3: {  	[tilespmem:s0+$0x12050] =	vst v1;
	s1 =	smul.u32 $0x3000, s1  }
0x1b4: {  	[tilespmem:s0+$0x12060] =	vst v1;
	s0 =	simm.s32 $0x0  }
0x1b5: {  	s2 =	sand.u32 $0x380, s0;
	s1 =	sshra.s32 s1, $0x2  }
0x1b6: {  	s1 =	sor.u32 s2, s1  }
0x1b7: {  	v5 =	vld [tilespmem:s1+$0x10]  }
0x1b8: {  	v6 =	vld [tilespmem:s1+$0x0]  }
0x1b9: {  	v7 =	vld [tilespmem:s1+$0x20]  }
0x1ba: {  	v8 =	vld [tilespmem:s1+$0x30]  }
0x1bb: {  	v9 =	vld [tilespmem:s1+$0x40]  }
0x1bc: {  	v11 =	vld [tilespmem:s1+$0x60]  }
0x1bd: {  	v10 =	vld [tilespmem:s1+$0x470]  }
0x1be: {  	v4 =	vmov s18;
	v13 =	vld [tilespmem:s1+$0x70];
	v12 =	vshrl.u32 v5, $0xA  }
0x1bf: {  	v16 =	vld [tilespmem:s1+$0x460];
	v14 =	vshrl.u32 v6, $0x15;
	v5 =	vshrl.u32 v5, $0x15;
	v15 =	vshrl.u32 v7, $0xA  }
0x1c0: {  	v6 =	vshrl.u32 v6, $0xA;
	vm0 =	veq.s32 v5, v4;
	v5 =	vshrl.u32 v7, $0x15;
	v7 =	vld [tilespmem:s1+$0x50]  }
0x1c1: {  	v40 =	vld [tilespmem:s1+$0x450];
	v17 =	vshrl.u32 v9, $0x15;
	v19 =	vshrl.u32 v11, $0x15;
	vm2 =	veq.s32 v14, v4  }
0x1c2: {  	v18 =	vld [tilespmem:s1+$0x440];
	v9 =	vshrl.u32 v9, $0xA;
	v11 =	vshrl.u32 v11, $0xA;
	v6 =	vand.u32 $0x7FF, v6  }
0x1c3: {  	v41 =	vld [tilespmem:s1+$0x430];
	v12 =	vand.u32 $0x7FF, v12;
	vm1 =	veq.s32 v5, v4;
	v5 =	vshrl.u32 v8, $0x15  }
0x1c4: {  	v21 =	vld [tilespmem:s1+$0x410];
	v15 =	vand.u32 $0x7FF, v15;
	v8 =	vshrl.u32 v8, $0xA;
	vm4 =	veq.s32 v5, v4  }
0x1c5: {  	v42 =	vld [tilespmem:s1+$0x400];
	vm3 =	veq.s32 v17, v4;
	v8 =	vand.u32 $0x7FF, v8;
	v20 =	vshrl.u32 v7, $0x15  }
0x1c6: {  	v9 =	vand.u32 $0x7FF, v9;
	v5 =	vld [tilespmem:s1+$0x420];
	v7 =	vshrl.u32 v7, $0xA;
	vm5 =	veq.s32 v20, v4  }
0x1c7: {  	v22 =	vshrl.u32 v13, $0x15;
	vm6 =	veq.s32 v19, v4;
	[tilespmem:v6+s9+$0x0] =	vst.idx.add.f32.msk vm2, v2;
	v6 =	vand.u32 $0x7FF, v7  }
0x1c8: {  	v11 =	vand.u32 $0x7FF, v11;
	v7 =	vshrl.u32 v13, $0xA;
	vm2 =	veq.s32 v22, v4;
	[tilespmem:v12+s9+$0x0] =	vst.idx.add.f32.msk vm0, v2  }
0x1c9: {  	v7 =	vand.u32 $0x7FF, v7;
	[tilespmem:v15+s9+$0x0] =	vst.idx.add.f32.msk vm1, v2  }
0x1ca: {  	[tilespmem:v8+s9+$0x0] =	vst.idx.add.f32.msk vm4, v2  }
0x1cb: {  	[tilespmem:v9+s9+$0x0] =	vst.idx.add.f32.msk vm3, v2  }
0x1cc: {  	v43 =	vshrl.u32 v18, $0x15;
	[tilespmem:v6+s9+$0x0] =	vst.idx.add.f32.msk vm5, v2  }
0x1cd: {  	v45 =	vshrl.u32 v41, $0xA;
	v46 =	vshrl.u32 v18, $0xA;
	v48 =	vshrl.u32 v42, $0xA;
	[tilespmem:v11+s9+$0x0] =	vst.idx.add.f32.msk vm6, v2  }
0x1ce: {  	v49 =	vshrl.u32 v42, $0x15;
	v51 =	vshrl.u32 v10, $0xA;
	v52 =	vshrl.u32 v21, $0x15;
	[tilespmem:v7+s9+$0x0] =	vst.idx.add.f32.msk vm2, v2  }
0x1cf: {  	v10 =	vshrl.u32 v10, $0x15;
	v14 =	vshrl.u32 v40, $0xA;
	v18 =	vand.u32 $0x7FF, v48;
	v47 =	vld [tilespmem:s1+$0x860]  }
0x1d0: {  	v55 =	vand.u32 $0x7FF, v45;
	v57 =	vand.u32 $0x7FF, v46;
	v44 =	vshrl.u32 v5, $0xA;
	v50 =	vld [tilespmem:s1+$0x870]  }
0x1d1: {  	v5 =	vshrl.u32 v5, $0x15;
	vm1 =	veq.s32 v10, v4;
	vm2 =	veq.s32 v49, v4;
	v53 =	vld [tilespmem:s1+$0x850]  }
0x1d2: {  	v8 =	vshrl.u32 v16, $0x15;
	vm3 =	veq.s32 v52, v4;
	v7 =	vshrl.u32 v21, $0xA;
	v54 =	vld [tilespmem:s1+$0x840]  }
0x1d3: {  	vm4 =	veq.s32 v5, v4;
	v11 =	vshrl.u32 v41, $0x15;
	v5 =	vand.u32 $0x7FF, v7;
	v7 =	vld [tilespmem:s1+$0x800]  }
0x1d4: {  	vm0 =	veq.s32 v8, v4;
	v8 =	vand.u32 $0x7FF, v44;
	vm5 =	veq.s32 v11, v4;
	v10 =	vld [tilespmem:s1+$0x810]  }
0x1d5: {  	v9 =	vshrl.u32 v40, $0x15;
	v6 =	vshrl.u32 v16, $0xA;
	vm6 =	veq.s32 v43, v4;
	v56 =	vld [tilespmem:s1+$0x820]  }
0x1d6: {  	v60 =	vand.u32 $0x7FF, v51;
	vm7 =	veq.s32 v9, v4;
	v6 =	vand.u32 $0x7FF, v6;
	v9 =	vld [tilespmem:s1+$0x830]  }
0x1d7: {  	v11 =	vand.u32 $0x7FF, v14;
	v58 =	vshrl.u32 v47, $0x15;
	v59 =	vshrl.u32 v50, $0x15;
	[tilespmem:v18+s9+$0x0] =	vst.idx.add.f32.msk vm2, v2  }
0x1d8: {  	v23 =	vshrl.u32 v53, $0xA;
	[tilespmem:v5+s9+$0x0] =	vst.idx.add.f32.msk vm3, v2;
	v5 =	vshrl.u32 v7, $0x15;
	v7 =	vshrl.u32 v7, $0xA  }
0x1d9: {  	[tilespmem:v8+s9+$0x0] =	vst.idx.add.f32.msk vm4, v2;
	v8 =	vshrl.u32 v10, $0xA;
	v10 =	vshrl.u32 v10, $0x15;
	vm3 =	veq.s32 v5, v4  }
0x1da: {  	v5 =	vshrl.u32 v56, $0x15;
	v7 =	vand.u32 $0x7FF, v7;
	[tilespmem:v55+s9+$0x0] =	vst.idx.add.f32.msk vm5, v2;
	vm4 =	veq.s32 v10, v4  }
0x1db: {  	v10 =	vshrl.u32 v56, $0xA;
	vm5 =	veq.s32 v5, v4;
	v8 =	vand.u32 $0x7FF, v8;
	[tilespmem:v57+s9+$0x0] =	vst.idx.add.f32.msk vm6, v2  }
0x1dc: {  	v63 =	vshrl.u32 v9, $0x15;
	v9 =	vshrl.u32 v9, $0xA;
	v10 =	vand.u32 $0x7FF, v10;
	[tilespmem:v11+s9+$0x0] =	vst.idx.add.f32.msk vm7, v2  }
0x1dd: {  	vm2 =	veq.s32 v63, v4;
	v5 =	vshrl.u32 v53, $0x15;
	[tilespmem:v6+s9+$0x0] =	vst.idx.add.f32.msk vm0, v2;
	v6 =	vshrl.u32 v54, $0x15  }
0x1de: {  	v11 =	vshrl.u32 v54, $0xA;
	[tilespmem:v60+s9+$0x0] =	vst.idx.add.f32.msk vm1, v2;
	vm0 =	veq.s32 v6, v4;
	v6 =	vand.u32 $0x7FF, v9  }
0x1df: {  	v61 =	vshrl.u32 v47, $0xA;
	vm1 =	veq.s32 v5, v4;
	v5 =	vand.u32 $0x7FF, v11;
	[tilespmem:v7+s9+$0x0] =	vst.idx.add.f32.msk vm3, v2  }
0x1e0: {  	v62 =	vshrl.u32 v50, $0xA;
	vm3 =	veq.s32 v58, v4;
	v7 =	vand.u32 $0x7FF, v23;
	[tilespmem:v8+s9+$0x0] =	vst.idx.add.f32.msk vm4, v2  }
0x1e1: {  	s2 =	simm.s32 $0x1;
	v9 =	vand.u32 $0x7FF, v62;
	vm4 =	veq.s32 v59, v4;
	v8 =	vand.u32 $0x7FF, v61;
	[tilespmem:v10+s9+$0x0] =	vst.idx.add.f32.msk vm5, v2  }
.LBB2_30:
0x1e2: {  	s1 =	smov.u32 s2  }
0x1e3: {  	s3 =	sshrl.u32 s2, $0x3;
	[tilespmem:v6+s9+$0x0] =	vst.idx.add.f32.msk vm2, v2;
	s0 =	sadd.s32 $0x80, s0;
	s1 =	sadd.s32 $0x1, s2  }
0x1e4: {  	p0 =	sne.s32 s2, $0xBF;
	s3 =	smul.u32 $0x3000, s3;
	[tilespmem:v5+s9+$0x0] =	vst.idx.add.f32.msk vm0, v2  }
0x1e5: {  	[tilespmem:v7+s9+$0x0] =	vst.idx.add.f32.msk vm1, v2  }
0x1e6: {  	s2 =	sand.u32 $0x380, s0;
	s3 =	sshra.s32 s3, $0x2;
	[tilespmem:v8+s9+$0x0] =	vst.idx.add.f32.msk vm3, v2  }
0x1e7: {  	s2 =	sor.u32 s2, s3;
	[tilespmem:v9+s9+$0x0] =	vst.idx.add.f32.msk vm4, v2  }
0x1e8: {  	v5 =	vld [tilespmem:s2+$0x10]  }
0x1e9: {  	v6 =	vld [tilespmem:s2+$0x0]  }
0x1ea: {  	v7 =	vld [tilespmem:s2+$0x20]  }
0x1eb: {  	v8 =	vld [tilespmem:s2+$0x30]  }
0x1ec: {  	v9 =	vld [tilespmem:s2+$0x40]  }
0x1ed: {  	v10 =	vld [tilespmem:s2+$0x470]  }
0x1ee: {  	v12 =	vshrl.u32 v5, $0xA;
	v5 =	vshrl.u32 v5, $0x15;
	v11 =	vld [tilespmem:s2+$0x60];
	v13 =	vshrl.u32 v6, $0x15  }
0x1ef: {  	vm2 =	veq.s32 v5, v4;
	v14 =	vld [tilespmem:s2+$0x70];
	v15 =	vshrl.u32 v7, $0xA;
	v5 =	vshrl.u32 v7, $0x15  }
0x1f0: {  	v6 =	vshrl.u32 v6, $0xA;
	vm1 =	veq.s32 v5, v4;
	v5 =	vshrl.u32 v8, $0x15;
	v7 =	vld [tilespmem:s2+$0x460]  }
0x1f1: {  	v12 =	vand.u32 $0x7FF, v12;
	v8 =	vshrl.u32 v8, $0xA;
	v16 =	vld [tilespmem:s2+$0x50];
	v17 =	vshrl.u32 v9, $0x15  }
0x1f2: {  	vm3 =	veq.s32 v13, v4;
	v15 =	vand.u32 $0x7FF, v15;
	vm0 =	veq.s32 v17, v4;
	v13 =	vld [tilespmem:s2+$0x450]  }
0x1f3: {  	v6 =	vand.u32 $0x7FF, v6;
	v8 =	vand.u32 $0x7FF, v8;
	v17 =	vshrl.u32 v11, $0x15;
	v18 =	vld [tilespmem:s2+$0x440]  }
0x1f4: {  	v9 =	vshrl.u32 v9, $0xA;
	v11 =	vshrl.u32 v11, $0xA;
	v19 =	vshrl.u32 v14, $0x15;
	v20 =	vld [tilespmem:s2+$0x430]  }
0x1f5: {  	vm4 =	veq.s32 v5, v4;
	v14 =	vshrl.u32 v14, $0xA;
	v5 =	vld [tilespmem:s2+$0x420];
	v21 =	vshrl.u32 v7, $0x15  }
0x1f6: {  	v7 =	vshrl.u32 v7, $0xA;
	v22 =	vshrl.u32 v16, $0xA;
	v16 =	vshrl.u32 v16, $0x15;
	v23 =	vld [tilespmem:s2+$0x410]  }
0x1f7: {  	v9 =	vand.u32 $0x7FF, v9;
	vm5 =	veq.s32 v16, v4;
	v16 =	vld [tilespmem:s2+$0x400];
	v24 =	vshrl.u32 v13, $0x15  }
0x1f8: {  	vm6 =	veq.s32 v17, v4;
	v17 =	vshrl.u32 v18, $0x15;
	[tilespmem:v6+s9+$0x0] =	vst.idx.add.f32.msk vm3, v2;
	v6 =	vand.u32 $0x7FF, v22  }
0x1f9: {  	v11 =	vand.u32 $0x7FF, v11;
	vm3 =	veq.s32 v19, v4;
	v19 =	vshrl.u32 v20, $0x15;
	[tilespmem:v12+s9+$0x0] =	vst.idx.add.f32.msk vm2, v2  }
0x1fa: {  	v14 =	vand.u32 $0x7FF, v14;
	v12 =	vshrl.u32 v5, $0xA;
	v5 =	vshrl.u32 v5, $0x15;
	[tilespmem:v15+s9+$0x0] =	vst.idx.add.f32.msk vm1, v2  }
0x1fb: {  	v18 =	vshrl.u32 v18, $0xA;
	v20 =	vshrl.u32 v20, $0xA;
	v15 =	vshrl.u32 v23, $0xA;
	[tilespmem:v8+s9+$0x0] =	vst.idx.add.f32.msk vm4, v2  }
0x1fc: {  	v13 =	vshrl.u32 v13, $0xA;
	v8 =	vshrl.u32 v16, $0xA;
	v16 =	vshrl.u32 v16, $0x15;
	[tilespmem:v9+s9+$0x0] =	vst.idx.add.f32.msk vm0, v2  }
0x1fd: {  	v9 =	vshrl.u32 v10, $0xA;
	v10 =	vshrl.u32 v10, $0x15;
	[tilespmem:v6+s9+$0x0] =	vst.idx.add.f32.msk vm5, v2  }
0x1fe: {  	[tilespmem:v11+s9+$0x0] =	vst.idx.add.f32.msk vm6, v2  }
0x1ff: {  	[tilespmem:v14+s9+$0x0] =	vst.idx.add.f32.msk vm3, v2  }
0x200: {  	v6 =	vld [tilespmem:s2+$0x860]  }
0x201: {  	vm1 =	veq.s32 v21, v4;
	vm0 =	veq.s32 v10, v4;
	v10 =	vld [tilespmem:s2+$0x870]  }
0x202: {  	v13 =	vand.u32 $0x7FF, v13;
	v11 =	vshrl.u32 v23, $0x15;
	vm3 =	veq.s32 v16, v4;
	v14 =	vld [tilespmem:s2+$0x850]  }
0x203: {  	vm2 =	veq.s32 v24, v4;
	v8 =	vand.u32 $0x7FF, v8;
	vm4 =	veq.s32 v11, v4;
	v11 =	vld [tilespmem:s2+$0x840]  }
0x204: {  	v15 =	vand.u32 $0x7FF, v15;
	vm5 =	veq.s32 v5, v4;
	v16 =	vand.u32 $0x7FF, v18;
	v5 =	vld [tilespmem:s2+$0x830]  }
0x205: {  	v12 =	vand.u32 $0x7FF, v12;
	vm6 =	veq.s32 v19, v4;
	v18 =	vld [tilespmem:s2+$0x800];
	v19 =	vshrl.u32 v6, $0x15  }
0x206: {  	vm7 =	veq.s32 v17, v4;
	v20 =	vand.u32 $0x7FF, v20;
	v17 =	vld [tilespmem:s2+$0x810];
	v21 =	vshrl.u32 v10, $0x15  }
0x207: {  	v24 =	vshrl.u32 v6, $0xA;
	v22 =	vld [tilespmem:s2+$0x820];
	v23 =	vshrl.u32 v14, $0xA;
	v14 =	vshrl.u32 v14, $0x15  }
0x208: {  	v10 =	vshrl.u32 v10, $0xA;
	v25 =	vshrl.u32 v11, $0xA;
	v6 =	vshrl.u32 v11, $0x15;
	[tilespmem:v8+s9+$0x0] =	vst.idx.add.f32.msk vm3, v2  }
0x209: {  	v7 =	vand.u32 $0x7FF, v7;
	v8 =	vshrl.u32 v5, $0xA;
	v5 =	vshrl.u32 v5, $0x15;
	[tilespmem:v15+s9+$0x0] =	vst.idx.add.f32.msk vm4, v2  }
0x20a: {  	v9 =	vand.u32 $0x7FF, v9;
	v11 =	vshrl.u32 v18, $0x15;
	[tilespmem:v12+s9+$0x0] =	vst.idx.add.f32.msk vm5, v2  }
0x20b: {  	v12 =	vshrl.u32 v18, $0xA;
	v15 =	vshrl.u32 v17, $0xA;
	v17 =	vshrl.u32 v17, $0x15;
	[tilespmem:v20+s9+$0x0] =	vst.idx.add.f32.msk vm6, v2  }
0x20c: {  	vm4 =	veq.s32 v11, v4;
	v18 =	vshrl.u32 v22, $0xA;
	v11 =	vshrl.u32 v22, $0x15;
	[tilespmem:v16+s9+$0x0] =	vst.idx.add.f32.msk vm7, v2  }
0x20d: {  	v12 =	vand.u32 $0x7FF, v12;
	vm5 =	veq.s32 v17, v4;
	[tilespmem:v13+s9+$0x0] =	vst.idx.add.f32.msk vm2, v2  }
0x20e: {  	vm6 =	veq.s32 v11, v4;
	v11 =	vand.u32 $0x7FF, v15;
	[tilespmem:v7+s9+$0x0] =	vst.idx.add.f32.msk vm1, v2  }
0x20f: {  	vm2 =	veq.s32 v5, v4;
	[tilespmem:v9+s9+$0x0] =	vst.idx.add.f32.msk vm0, v2;
	v9 =	vand.u32 $0x7FF, v18  }
.Ltmp14:
0x210: {  	vm0 =	veq.s32 v6, v4;
	v6 =	vand.u32 $0x7FF, v8;
	(pc) =	sbr.rel @p0 .LBB2_30-.Ltmp14, $4  }
0x211: {  	v5 =	vand.u32 $0x7FF, v25;
	vm1 =	veq.s32 v14, v4  }
0x212: {  	vm3 =	veq.s32 v19, v4;
	v7 =	vand.u32 $0x7FF, v23;
	[tilespmem:v12+s9+$0x0] =	vst.idx.add.f32.msk vm4, v2  }
0x213: {  	v8 =	vand.u32 $0x7FF, v24;
	vm4 =	veq.s32 v21, v4;
	[tilespmem:v11+s9+$0x0] =	vst.idx.add.f32.msk vm5, v2  }
0x214: {  	s2 =	smov.u32 s1;
	[tilespmem:v9+s9+$0x0] =	vst.idx.add.f32.msk vm6, v2;
	v9 =	vand.u32 $0x7FF, v10  }
0x215: {  	_ =	sdelay $0x4  }
0x216: {  	[tilespmem:v6+s9+$0x0] =	vst.idx.add.f32.msk vm2, v2  }
0x217: {  	[tilespmem:v5+s9+$0x0] =	vst.idx.add.f32.msk vm0, v2  }
0x218: {  	[tilespmem:v7+s9+$0x0] =	vst.idx.add.f32.msk vm1, v2  }
0x219: {  	[tilespmem:v8+s9+$0x0] =	vst.idx.add.f32.msk vm3, v2  }
0x21a: {  	[tilespmem:v9+s9+$0x0] =	vst.idx.add.f32.msk vm4, v2  }
0x21b: {  	[spmem:s11] =	stream.strided.scatter [tilespmem:s9], [sflag:$0x1], $0x800, s15, s14, $0x38;
	[tilespmem:$0x13880] =	vst v63  }
0x21c: {  	_ =	swait.ge [sflag:s13], $0x800  }
0x21d: {  	[sflag:s13] =	ssyncset.done $0x0  }
0x21e: {  	[sflag:s13] =	ssyncadd.s32 $0xFFFFF800  }
0x21f: {  	[bflag:$0x0] =	sbarrier.arrive $0xFFFF  }
0x220: {  	[tilespmem:s17], [sflag:$0x1] =	stream.strided.gather [spmem:s12], $0x800, s15, s14, $0x38;
	[tilespmem:$0x13880] =	vst v63  }
0x221: {  	_ =	swait.ge [sflag:s13], $0x800  }
0x222: {  	[sflag:s13] =	ssyncset.done $0x0  }
0x223: {  	[sflag:s13] =	ssyncadd.s32 $0xFFFFF800  }
0x224: {  	s0 =	simm.s32 $0x0;
	[bflag:$0x0] =	sbarrier.arrive $0xFFFF  }
0x225: {  	v11 =	vld [tilespmem:s0+$0x12800]  }
0x226: {  	v15 =	vld [tilespmem:s0+$0x12810]  }
0x227: {  	v9 =	vld [tilespmem:s0+$0x12820]  }
0x228: {  	v8 =	vld [tilespmem:s0+$0x12830]  }
0x229: {  	v7 =	vld [tilespmem:s0+$0x12840]  }
0x22a: {  	v6 =	vld [tilespmem:s0+$0x12850]  }
0x22b: {  	v5 =	vld [tilespmem:s0+$0x12860]  }
0x22c: {  	v4 =	vld [tilespmem:s0+$0x12870]  }
0x22d: {  	v16 =	vld [tilespmem:s0+$0x12000]  }
0x22e: {  	v17 =	vld [tilespmem:s0+$0x12010]  }
0x22f: {  	v14 =	vld [tilespmem:s0+$0x12020]  }
0x230: {  	v13 =	vld [tilespmem:s0+$0x12030]  }
0x231: {  	v12 =	vld [tilespmem:s0+$0x12040]  }
0x232: {  	v10 =	vld [tilespmem:s0+$0x12050];
	v16 =	vadd.f32 v11, v16  }
0x233: {  	s1 =	simm.s32 $0x200;
	v15 =	vadd.f32 v15, v17;
	v11 =	vld [tilespmem:s0+$0x12060]  }
.LBB2_32:
0x234: {  	s2 =	sshra.s32 s1, $0x2;
	p0 =	seq.s32 s1, $0x1E00;
	[tilespmem:s0+$0x12000] =	vst v16;
	v9 =	vadd.f32 v9, v14;
	v14 =	vld [tilespmem:s0+$0x12070]  }
0x235: {  	v16 =	vld [tilespmem:s2+$0x12800];
	[tilespmem:s0+$0x12010] =	vst v15;
	v8 =	vadd.f32 v8, v13  }
0x236: {  	v15 =	vld [tilespmem:s2+$0x12810];
	[tilespmem:s0+$0x12020] =	vst v9;
	v7 =	vadd.f32 v7, v12  }
0x237: {  	v9 =	vld [tilespmem:s2+$0x12820];
	[tilespmem:s0+$0x12030] =	vst v8;
	v6 =	vadd.f32 v6, v10  }
0x238: {  	v8 =	vld [tilespmem:s2+$0x12830];
	[tilespmem:s0+$0x12040] =	vst v7;
	v5 =	vadd.f32 v5, v11  }
0x239: {  	v7 =	vld [tilespmem:s2+$0x12840];
	[tilespmem:s0+$0x12050] =	vst v6;
	v4 =	vadd.f32 v4, v14  }
0x23a: {  	v6 =	vld [tilespmem:s2+$0x12850];
	[tilespmem:s0+$0x12060] =	vst v5  }
0x23b: {  	v5 =	vld [tilespmem:s2+$0x12860];
	[tilespmem:s0+$0x12070] =	vst v4;
	s0 =	smov.u32 s2  }
0x23c: {  	v4 =	vld [tilespmem:s0+$0x12870]  }
0x23d: {  	v10 =	vld [tilespmem:s0+$0x12000]  }
0x23e: {  	v11 =	vld [tilespmem:s0+$0x12010]  }
.Ltmp15:
0x23f: {  	v14 =	vld [tilespmem:s0+$0x12020];
	(pc) =	sbr.rel @!p0 .LBB2_32-.Ltmp15, $4  }
0x240: {  	v13 =	vld [tilespmem:s0+$0x12030]  }
0x241: {  	v12 =	vld [tilespmem:s0+$0x12040]  }
0x242: {  	v16 =	vadd.f32 v16, v10;
	v10 =	vld [tilespmem:s0+$0x12050]  }
0x243: {  	s1 =	sadd.s32 $0x200, s1;
	v15 =	vadd.f32 v15, v11;
	v11 =	vld [tilespmem:s0+$0x12060]  }
0x244: {  	[tilespmem:s0+$0x12000] =	vst v16;
	v9 =	vadd.f32 v9, v14;
	v63 =	vld [tilespmem:s0+$0x12070]  }
0x245: {  	[tilespmem:s0+$0x12010] =	vst v15;
	v8 =	vadd.f32 v8, v13  }
0x246: {  	[tilespmem:s0+$0x12020] =	vst v9;
	v7 =	vadd.f32 v7, v12  }
0x247: {  	[tilespmem:s0+$0x12030] =	vst v8;
	v6 =	vadd.f32 v6, v10  }
0x248: {  	[tilespmem:s0+$0x12040] =	vst v7;
	v5 =	vadd.f32 v5, v11  }
0x249: {  	[tilespmem:s0+$0x12050] =	vst v6;
	v4 =	vadd.f32 v4, v63  }
0x24a: {  	[tilespmem:s0+$0x12060] =	vst v5  }
0x24b: {  	p0 =	por $0x0, $0x0;
	[tilespmem:s0+$0x12070] =	vst v4;
	s0 =	ssub.f32 $1.474500000e+04, s16  }
0x24c: {  	s3 =	simm.s32 $0x0;
	s4 =	simm.f32 $0.0e+00;
	s5 =	simm.s32 $0x800007EF  }
0x24d: {  	s6 =	simm.s32 $0x127F0;
	s1 =	simm.f32 $0.0e+00;
	s2 =	simm.s32 $0x0;
	v4 =	vmov s0  }
.LBB2_34:
0x24e: {  	v5 =	vld [tilespmem:s6+$0x0];
	_ =	sdelay $0x4  }
0x24f: {  	v6 =	vperm.xlane v5, v3  }
0x250: {  	(xrf2) =	vadd.scan.msk.f32 $0xffff, v5  }
0x251: {  	(xrf2) =	vadd.scan.msk.f32 $0xffff, v6;
	_ =	sdelay $0x8  }
0x252: {  	v6, _, _ =	vpop (xrf2)  }
0x253: {  	v7, _, _ =	vpop (xrf2)  }
0x254: {  	v7 =	vperm.xlane v7, v3;
	_ =	sdelay $0x1  }
0x255: {  	v7 =	vadd.f32 s4, v7;
	_ =	sdelay $0x1  }
0x256: {  	vm0 =	vge.f32 v7, v4  }
0x257: {  	v7 =	vmpcnt.ones.xlane vm0;
	_ =	sdelay $0x1  }
0x258: {  	v7 =	vxor.u32 $0x80000000, v7  }
0x259: {  	(xrf0) =	vmax.scan.msk.u32 $0xffff, v7;
	_ =	sdelay $0x5  }
0x25a: {  	(v2sf) =	vpush v6, $0xF;
	v6, _, _ =	vpop (xrf0)  }
0x25b: {  	(v2sf) =	vpush v6, $0xF;
	_ =	sdelay $0xd  }
0x25c: {  	s7 =	spop (v2sf)  }
0x25d: {  	s8 =	spop (v2sf)  }
0x25e: {  	s10 =	sadd.s32 $0x7FFFFFFF, s8  }
0x25f: {  	v6 =	vmov s10  }
0x260: {  	vm15 =	vlt.s32 v6, v0  }
0x261: {  	v5 =	vnsel vm15, $0x0, v5  }
0x262: {  	(xrf2) =	vadd.scan.msk.f32 $0xffff, v5;
	_ =	sdelay $0x9  }
0x263: {  	v5, _, _ =	vpop (xrf2)  }
0x264: {  	(v2sf) =	vpush v5, $0xF;
	_ =	sdelay $0xe  }
0x265: {  	p1 =	por !p0, !p0;
	p2 =	sgt.u32 s8, $0x80000000;
	s31 =	spop (v2sf)  }
0x266: {  	p1 =	por !p2, !p1;
	s10 =	sadd.f32 s31, s4  }
0x267: {  	s8 =	sadd.s32 s5, s8;
	p1 =	por !p1, !p1  }
0x268: {  	s2 =	smov.u32 @p1 s8;
	s1 =	smov.u32 @p1 s10;
	p1 =	seq.s32 s5, $0x7FFFFFFF  }
.Ltmp16:
0x269: {  	_ = 	snop;
	(pc) =	sbr.rel @!p1 .LBB2_34-.Ltmp16, $3  }
0x26a: {  	_ =	sdelay $0x1  }
0x26b: {  	s6 =	sadd.s32 $0xFFFFFFF0, s6  }
0x26c: {  	p0 =	por p0, p2;
	s4 =	sadd.f32 s7, s4;
	s5 =	sadd.s32 $0xFFFFFFF0, s5  }
0x26d: {  	s4 =	sshra.s32 s3, $0x2;
	s3 =	sadd.s32 $0x200, s3  }
.LBB2_36:
0x26e: {  	p0 =	seq.s32 s3, $0x1E00;
	[tilespmem:s4+$0x12070] =	vst v1  }
0x26f: {  	[tilespmem:s4+$0x12000] =	vst v1  }
0x270: {  	[tilespmem:s4+$0x12010] =	vst v1  }
.Ltmp17:
0x271: {  	[tilespmem:s4+$0x12020] =	vst v1;
	(pc) =	sbr.rel @!p0 .LBB2_36-.Ltmp17, $4  }
0x272: {  	[tilespmem:s4+$0x12030] =	vst v1  }
0x273: {  	[tilespmem:s4+$0x12040] =	vst v1  }
0x274: {  	[tilespmem:s4+$0x12050] =	vst v1  }
0x275: {  	[tilespmem:s4+$0x12060] =	vst v1;
	s4 =	sshra.s32 s3, $0x2;
	s3 =	sadd.s32 $0x200, s3  }
0x276: {  	[tilespmem:s4+$0x12070] =	vst v1  }
0x277: {  	[tilespmem:s4+$0x12000] =	vst v1  }
0x278: {  	[tilespmem:s4+$0x12010] =	vst v1  }
0x279: {  	[tilespmem:s4+$0x12020] =	vst v1  }
0x27a: {  	[tilespmem:s4+$0x12030] =	vst v1  }
0x27b: {  	[tilespmem:s4+$0x12040] =	vst v1;
	s3 =	sshll.u32 s18, $0xB;
	s31 =	simm.s32 $0x0  }
0x27c: {  	[tilespmem:s4+$0x12050] =	vst v1;
	s2 =	sor.u32 s3, s2;
	s3 =	smul.u32 $0x3000, s31  }
0x27d: {  	[tilespmem:s4+$0x12060] =	vst v1;
	s4 =	simm.s32 $0x0  }
0x27e: {  	s5 =	sand.u32 $0x380, s4;
	s3 =	sshra.s32 s3, $0x2  }
0x27f: {  	s3 =	sor.u32 s5, s3  }
0x280: {  	v7 =	vld [tilespmem:s3+$0x10]  }
0x281: {  	v12 =	vld [tilespmem:s3+$0x30]  }
0x282: {  	v11 =	vld [tilespmem:s3+$0x20]  }
0x283: {  	v13 =	vld [tilespmem:s3+$0x70]  }
0x284: {  	v10 =	vld [tilespmem:s3+$0x0]  }
0x285: {  	v6 =	vld [tilespmem:s3+$0x410]  }
0x286: {  	v8 =	vld [tilespmem:s3+$0x400]  }
0x287: {  	v14 =	vld [tilespmem:s3+$0x60]  }
0x288: {  	v15 =	vld [tilespmem:s3+$0x40]  }
0x289: {  	v4 =	vmov s2;
	v16 =	vld [tilespmem:s3+$0x50];
	v5 =	vshrl.u32 v10, $0xA  }
0x28a: {  	v9 =	vld [tilespmem:s3+$0x420];
	v17 =	vshrl.u32 v7, $0xA;
	v18 =	vshrl.u32 v11, $0xA;
	vm0 =	veq.s32 v5, v4  }
0x28b: {  	v19 =	vand.u32 $0x3FF, v7;
	v7 =	vld [tilespmem:s3+$0x460];
	vm1 =	veq.s32 v17, v4;
	v17 =	vand.u32 $0x3FF, v10  }
0x28c: {  	v20 =	vand.u32 $0x3FF, v11;
	v11 =	vld [tilespmem:s3+$0x440];
	v10 =	vshrl.u32 v12, $0xA;
	vm2 =	veq.s32 v18, v4  }
0x28d: {  	v5 =	vld [tilespmem:s3+$0x470];
	v18 =	vshrl.u32 v15, $0xA;
	vm3 =	veq.s32 v10, v4  }
0x28e: {  	v21 =	vand.u32 $0x3FF, v12;
	v12 =	vld [tilespmem:s3+$0x430];
	vm4 =	veq.s32 v18, v4;
	v18 =	vshrl.u32 v16, $0xA  }
0x28f: {  	v22 =	vshrl.u32 v14, $0xA;
	v15 =	vand.u32 $0x3FF, v15;
	v10 =	vld [tilespmem:s3+$0x450];
	vm5 =	veq.s32 v18, v4  }
0x290: {  	vm6 =	veq.s32 v22, v4;
	v16 =	vand.u32 $0x3FF, v16;
	v18 =	vshrl.u32 v13, $0xA;
	[tilespmem:v17+s9+$0x0] =	vst.idx.add.f32.msk vm0, v2  }
0x291: {  	v63 =	vand.u32 $0x3FF, v14;
	vm7 =	veq.s32 v18, v4;
	[tilespmem:v19+s9+$0x0] =	vst.idx.add.f32.msk vm1, v2  }
0x292: {  	v23 =	vand.u32 $0x3FF, v13;
	[tilespmem:v20+s9+$0x0] =	vst.idx.add.f32.msk vm2, v2  }
0x293: {  	[tilespmem:v21+s9+$0x0] =	vst.idx.add.f32.msk vm3, v2  }
0x294: {  	[tilespmem:v15+s9+$0x0] =	vst.idx.add.f32.msk vm4, v2  }
0x295: {  	v13 =	vshrl.u32 v8, $0xA;
	v14 =	vshrl.u32 v7, $0xA;
	v18 =	vshrl.u32 v11, $0xA;
	[tilespmem:v16+s9+$0x0] =	vst.idx.add.f32.msk vm5, v2  }
0x296: {  	vm0 =	veq.s32 v13, v4;
	v17 =	vshrl.u32 v9, $0xA;
	v13 =	vshrl.u32 v5, $0xA;
	[tilespmem:v63+s9+$0x0] =	vst.idx.add.f32.msk vm6, v2  }
0x297: {  	s6 =	simm.s32 $0x1;
	v19 =	vshrl.u32 v12, $0xA;
	v15 =	vshrl.u32 v6, $0xA;
	v16 =	vshrl.u32 v10, $0xA;
	[tilespmem:v23+s9+$0x0] =	vst.idx.add.f32.msk vm7, v2  }
.LBB2_38:
0x298: {  	s5 =	smov.u32 s6  }
0x299: {  	s7 =	sshrl.u32 s6, $0x3;
	v20 =	vld [tilespmem:s3+$0x870];
	s4 =	sadd.s32 $0x80, s4;
	s5 =	sadd.s32 $0x1, s6  }
0x29a: {  	p0 =	sne.s32 s6, $0xBF;
	s7 =	smul.u32 $0x3000, s7;
	v21 =	vld [tilespmem:s3+$0x860]  }
0x29b: {  	v22 =	vld [tilespmem:s3+$0x850]  }
0x29c: {  	vm2 =	veq.s32 v15, v4;
	v8 =	vand.u32 $0x3FF, v8;
	s6 =	sand.u32 $0x380, s4;
	s7 =	sshra.s32 s7, $0x2;
	v15 =	vld [tilespmem:s3+$0x840]  }
0x29d: {  	vm3 =	veq.s32 v17, v4;
	v6 =	vand.u32 $0x3FF, v6;
	s6 =	sor.u32 s6, s7;
	v17 =	vld [tilespmem:s3+$0x800]  }
0x29e: {  	vm1 =	veq.s32 v19, v4;
	v9 =	vand.u32 $0x3FF, v9;
	v23 =	vshrl.u32 v20, $0xA;
	v19 =	vld [tilespmem:s3+$0x810]  }
0x29f: {  	vm4 =	veq.s32 v18, v4;
	v12 =	vand.u32 $0x3FF, v12;
	v18 =	vld [tilespmem:s3+$0x830];
	v24 =	vshrl.u32 v21, $0xA  }
0x2a0: {  	vm5 =	veq.s32 v16, v4;
	v11 =	vand.u32 $0x3FF, v11;
	v16 =	vld [tilespmem:s3+$0x820];
	v25 =	vshrl.u32 v22, $0xA;
	s3 =	smov.u32 s6  }
0x2a1: {  	vm6 =	veq.s32 v14, v4;
	v14 =	vshrl.u32 v15, $0xA;
	[tilespmem:v8+s9+$0x0] =	vst.idx.add.f32.msk vm0, v2;
	v8 =	vand.u32 $0x3FF, v10  }
0x2a2: {  	vm0 =	veq.s32 v13, v4;
	v10 =	vshrl.u32 v17, $0xA;
	[tilespmem:v6+s9+$0x0] =	vst.idx.add.f32.msk vm2, v2;
	v6 =	vand.u32 $0x3FF, v7  }
0x2a3: {  	v5 =	vand.u32 $0x3FF, v5;
	vm2 =	veq.s32 v10, v4;
	v7 =	vshrl.u32 v19, $0xA;
	[tilespmem:v9+s9+$0x0] =	vst.idx.add.f32.msk vm3, v2  }
0x2a4: {  	v9 =	vand.u32 $0x3FF, v17;
	vm3 =	veq.s32 v7, v4;
	v7 =	vshrl.u32 v18, $0xA;
	[tilespmem:v12+s9+$0x0] =	vst.idx.add.f32.msk vm1, v2  }
0x2a5: {  	v10 =	vshrl.u32 v16, $0xA;
	[tilespmem:v11+s9+$0x0] =	vst.idx.add.f32.msk vm4, v2;
	v11 =	vand.u32 $0x3FF, v19  }
0x2a6: {  	vm1 =	veq.s32 v10, v4;
	[tilespmem:v8+s9+$0x0] =	vst.idx.add.f32.msk vm5, v2  }
0x2a7: {  	vm4 =	veq.s32 v7, v4;
	[tilespmem:v6+s9+$0x0] =	vst.idx.add.f32.msk vm6, v2;
	v6 =	vand.u32 $0x3FF, v16  }
0x2a8: {  	vm5 =	veq.s32 v14, v4;
	vm6 =	veq.s32 v25, v4;
	[tilespmem:v5+s9+$0x0] =	vst.idx.add.f32.msk vm0, v2;
	v5 =	vand.u32 $0x3FF, v18  }
0x2a9: {  	v7 =	vand.u32 $0x3FF, v15;
	v8 =	vand.u32 $0x3FF, v22;
	vm0 =	veq.s32 v24, v4;
	[tilespmem:v9+s9+$0x0] =	vst.idx.add.f32.msk vm2, v2  }
0x2aa: {  	vm2 =	veq.s32 v23, v4;
	v9 =	vand.u32 $0x3FF, v21;
	[tilespmem:v11+s9+$0x0] =	vst.idx.add.f32.msk vm3, v2  }
0x2ab: {  	v10 =	vand.u32 $0x3FF, v20  }
0x2ac: {  	[tilespmem:v6+s9+$0x0] =	vst.idx.add.f32.msk vm1, v2  }
0x2ad: {  	[tilespmem:v5+s9+$0x0] =	vst.idx.add.f32.msk vm4, v2  }
0x2ae: {  	[tilespmem:v7+s9+$0x0] =	vst.idx.add.f32.msk vm5, v2  }
0x2af: {  	[tilespmem:v8+s9+$0x0] =	vst.idx.add.f32.msk vm6, v2  }
0x2b0: {  	[tilespmem:v9+s9+$0x0] =	vst.idx.add.f32.msk vm0, v2  }
0x2b1: {  	[tilespmem:v10+s9+$0x0] =	vst.idx.add.f32.msk vm2, v2  }
0x2b2: {  	v5 =	vld [tilespmem:s3+$0x10]  }
0x2b3: {  	v12 =	vld [tilespmem:s3+$0x30]  }
0x2b4: {  	v11 =	vld [tilespmem:s3+$0x20]  }
0x2b5: {  	v7 =	vld [tilespmem:s3+$0x70]  }
0x2b6: {  	v10 =	vld [tilespmem:s3+$0x0]  }
0x2b7: {  	v13 =	vshrl.u32 v5, $0xA;
	v6 =	vld [tilespmem:s3+$0x410]  }
0x2b8: {  	v8 =	vld [tilespmem:s3+$0x400]  }
0x2b9: {  	v14 =	vld [tilespmem:s3+$0x60];
	v16 =	vshrl.u32 v11, $0xA  }
0x2ba: {  	v19 =	vand.u32 $0x3FF, v5;
	v17 =	vld [tilespmem:s3+$0x40];
	v18 =	vshrl.u32 v7, $0xA  }
0x2bb: {  	v9 =	vshrl.u32 v12, $0xA;
	v21 =	vand.u32 $0x3FF, v7;
	v20 =	vld [tilespmem:s3+$0x50];
	v5 =	vshrl.u32 v10, $0xA  }
0x2bc: {  	vm1 =	veq.s32 v9, v4;
	vm3 =	veq.s32 v5, v4;
	v9 =	vld [tilespmem:s3+$0x420];
	v15 =	vshrl.u32 v6, $0xA  }
0x2bd: {  	vm4 =	veq.s32 v13, v4;
	v22 =	vand.u32 $0x3FF, v10;
	v5 =	vld [tilespmem:s3+$0x470];
	v13 =	vshrl.u32 v8, $0xA  }
0x2be: {  	vm5 =	veq.s32 v16, v4;
	v10 =	vshrl.u32 v14, $0xA;
	v7 =	vld [tilespmem:s3+$0x460];
	vm0 =	veq.s32 v13, v4  }
0x2bf: {  	v23 =	vand.u32 $0x3FF, v11;
	v13 =	vshrl.u32 v17, $0xA;
	vm2 =	veq.s32 v10, v4;
	v10 =	vld [tilespmem:s3+$0x450]  }
0x2c0: {  	v24 =	vand.u32 $0x3FF, v12;
	vm6 =	veq.s32 v13, v4;
	v13 =	vshrl.u32 v20, $0xA;
	v11 =	vld [tilespmem:s3+$0x440]  }
0x2c1: {  	v26 =	vand.u32 $0x3FF, v14;
	v25 =	vand.u32 $0x3FF, v17;
	vm7 =	veq.s32 v13, v4;
	v12 =	vld [tilespmem:s3+$0x430]  }
0x2c2: {  	v20 =	vand.u32 $0x3FF, v20;
	v17 =	vshrl.u32 v9, $0xA;
	v13 =	vshrl.u32 v5, $0xA;
	[tilespmem:v22+s9+$0x0] =	vst.idx.add.f32.msk vm3, v2  }
0x2c3: {  	vm3 =	veq.s32 v18, v4;
	v14 =	vshrl.u32 v7, $0xA;
	[tilespmem:v19+s9+$0x0] =	vst.idx.add.f32.msk vm4, v2  }
0x2c4: {  	v16 =	vshrl.u32 v10, $0xA;
	[tilespmem:v23+s9+$0x0] =	vst.idx.add.f32.msk vm5, v2  }
.Ltmp18:
0x2c5: {  	v18 =	vshrl.u32 v11, $0xA;
	[tilespmem:v24+s9+$0x0] =	vst.idx.add.f32.msk vm1, v2;
	(pc) =	sbr.rel @p0 .LBB2_38-.Ltmp18, $4  }
0x2c6: {  	v19 =	vshrl.u32 v12, $0xA;
	[tilespmem:v25+s9+$0x0] =	vst.idx.add.f32.msk vm6, v2  }
0x2c7: {  	[tilespmem:v20+s9+$0x0] =	vst.idx.add.f32.msk vm7, v2  }
0x2c8: {  	[tilespmem:v26+s9+$0x0] =	vst.idx.add.f32.msk vm2, v2  }
0x2c9: {  	s6 =	smov.u32 s5;
	[tilespmem:v21+s9+$0x0] =	vst.idx.add.f32.msk vm3, v2  }
0x2ca: {  	v20 =	vld [tilespmem:s3+$0x870]  }
0x2cb: {  	v21 =	vld [tilespmem:s3+$0x860]  }
0x2cc: {  	v22 =	vld [tilespmem:s3+$0x850]  }
0x2cd: {  	vm1 =	veq.s32 v15, v4;
	v15 =	vld [tilespmem:s3+$0x840];
	v8 =	vand.u32 $0x3FF, v8  }
0x2ce: {  	vm2 =	veq.s32 v17, v4;
	v17 =	vld [tilespmem:s3+$0x800];
	v6 =	vand.u32 $0x3FF, v6  }
0x2cf: {  	vm3 =	veq.s32 v19, v4;
	v19 =	vld [tilespmem:s3+$0x810];
	v9 =	vand.u32 $0x3FF, v9  }
0x2d0: {  	vm4 =	veq.s32 v18, v4;
	v12 =	vand.u32 $0x3FF, v12;
	v18 =	vld [tilespmem:s3+$0x820]  }
0x2d1: {  	v23 =	vld [tilespmem:s3+$0x830];
	vm5 =	veq.s32 v16, v4;
	v11 =	vand.u32 $0x3FF, v11  }
0x2d2: {  	vm6 =	veq.s32 v14, v4;
	[tilespmem:v8+s9+$0x0] =	vst.idx.add.f32.msk vm0, v2;
	v8 =	vand.u32 $0x3FF, v10  }
0x2d3: {  	vm14 =	veq.s32 v13, v4;
	v10 =	vshrl.u32 v17, $0xA;
	[tilespmem:v6+s9+$0x0] =	vst.idx.add.f32.msk vm1, v2;
	v6 =	vand.u32 $0x3FF, v7  }
0x2d4: {  	v5 =	vand.u32 $0x3FF, v5;
	vm15 =	veq.s32 v10, v4;
	v7 =	vshrl.u32 v19, $0xA;
	[tilespmem:v9+s9+$0x0] =	vst.idx.add.f32.msk vm2, v2  }
0x2d5: {  	vm9 =	veq.s32 v7, v4;
	v7 =	vand.u32 $0x3FF, v17;
	v9 =	vshrl.u32 v18, $0xA;
	[tilespmem:v12+s9+$0x0] =	vst.idx.add.f32.msk vm3, v2  }
0x2d6: {  	v10 =	vshrl.u32 v23, $0xA;
	vm10 =	veq.s32 v9, v4;
	[tilespmem:v11+s9+$0x0] =	vst.idx.add.f32.msk vm4, v2;
	v11 =	vand.u32 $0x3FF, v19  }
0x2d7: {  	vm11 =	veq.s32 v10, v4;
	v9 =	vshrl.u32 v15, $0xA;
	[tilespmem:v8+s9+$0x0] =	vst.idx.add.f32.msk vm5, v2;
	v8 =	vand.u32 $0x3FF, v18  }
0x2d8: {  	v10 =	vshrl.u32 v22, $0xA;
	vm12 =	veq.s32 v9, v4;
	[tilespmem:v6+s9+$0x0] =	vst.idx.add.f32.msk vm6, v2;
	v6 =	vand.u32 $0x3FF, v23  }
0x2d9: {  	vm13 =	veq.s32 v10, v4;
	v9 =	vshrl.u32 v21, $0xA;
	[tilespmem:v5+s9+$0x0] =	vst.idx.add.f32.msk vm14, v2;
	v5 =	vand.u32 $0x3FF, v15  }
0x2da: {  	v10 =	vshrl.u32 v20, $0xA;
	vm14 =	veq.s32 v9, v4;
	[tilespmem:v7+s9+$0x0] =	vst.idx.add.f32.msk vm15, v2;
	v7 =	vand.u32 $0x3FF, v22  }
0x2db: {  	vm15 =	veq.s32 v10, v4;
	v4 =	vand.u32 $0x3FF, v21;
	[tilespmem:v11+s9+$0x0] =	vst.idx.add.f32.msk vm9, v2  }
0x2dc: {  	v9 =	vand.u32 $0x3FF, v20;
	[tilespmem:v8+s9+$0x0] =	vst.idx.add.f32.msk vm10, v2  }
0x2dd: {  	[tilespmem:v6+s9+$0x0] =	vst.idx.add.f32.msk vm11, v2  }
0x2de: {  	[tilespmem:v5+s9+$0x0] =	vst.idx.add.f32.msk vm12, v2  }
0x2df: {  	[tilespmem:v7+s9+$0x0] =	vst.idx.add.f32.msk vm13, v2  }
0x2e0: {  	[tilespmem:v4+s9+$0x0] =	vst.idx.add.f32.msk vm14, v2  }
0x2e1: {  	[tilespmem:v9+s9+$0x0] =	vst.idx.add.f32.msk vm15, v2  }
0x2e2: {  	[spmem:s11] =	stream.strided.scatter [tilespmem:s9], [sflag:$0x1], $0x800, s15, s14, $0x38;
	[tilespmem:$0x13880] =	vst v63  }
0x2e3: {  	_ =	swait.ge [sflag:s13], $0x800  }
0x2e4: {  	[sflag:s13] =	ssyncset.done $0x0  }
0x2e5: {  	[sflag:s13] =	ssyncadd.s32 $0xFFFFF800  }
0x2e6: {  	[bflag:$0x0] =	sbarrier.arrive $0xFFFF  }
0x2e7: {  	[tilespmem:s17], [sflag:$0x1] =	stream.strided.gather [spmem:s12], $0x800, s15, s14, $0x38;
	[tilespmem:$0x13880] =	vst v63  }
0x2e8: {  	_ =	swait.ge [sflag:s13], $0x800  }
0x2e9: {  	[sflag:s13] =	ssyncset.done $0x0  }
0x2ea: {  	[sflag:s13] =	ssyncadd.s32 $0xFFFFF800  }
0x2eb: {  	s3 =	simm.s32 $0x0;
	[bflag:$0x0] =	sbarrier.arrive $0xFFFF  }
0x2ec: {  	v11 =	vld [tilespmem:s3+$0x12800]  }
0x2ed: {  	v15 =	vld [tilespmem:s3+$0x12810]  }
0x2ee: {  	v9 =	vld [tilespmem:s3+$0x12820]  }
0x2ef: {  	v8 =	vld [tilespmem:s3+$0x12830]  }
0x2f0: {  	v7 =	vld [tilespmem:s3+$0x12840]  }
0x2f1: {  	v6 =	vld [tilespmem:s3+$0x12850]  }
0x2f2: {  	v5 =	vld [tilespmem:s3+$0x12860]  }
0x2f3: {  	v4 =	vld [tilespmem:s3+$0x12870]  }
0x2f4: {  	v16 =	vld [tilespmem:s3+$0x12000]  }
0x2f5: {  	v17 =	vld [tilespmem:s3+$0x12010]  }
0x2f6: {  	v14 =	vld [tilespmem:s3+$0x12020]  }
0x2f7: {  	v13 =	vld [tilespmem:s3+$0x12030]  }
0x2f8: {  	v12 =	vld [tilespmem:s3+$0x12040]  }
0x2f9: {  	v10 =	vld [tilespmem:s3+$0x12050];
	v16 =	vadd.f32 v11, v16  }
0x2fa: {  	s4 =	simm.s32 $0x200;
	v15 =	vadd.f32 v15, v17;
	v11 =	vld [tilespmem:s3+$0x12060]  }
.LBB2_40:
0x2fb: {  	s5 =	sshra.s32 s4, $0x2;
	p0 =	seq.s32 s4, $0x1E00;
	[tilespmem:s3+$0x12000] =	vst v16;
	v9 =	vadd.f32 v9, v14;
	v14 =	vld [tilespmem:s3+$0x12070]  }
0x2fc: {  	v16 =	vld [tilespmem:s5+$0x12800];
	[tilespmem:s3+$0x12010] =	vst v15;
	v8 =	vadd.f32 v8, v13  }
0x2fd: {  	v15 =	vld [tilespmem:s5+$0x12810];
	[tilespmem:s3+$0x12020] =	vst v9;
	v7 =	vadd.f32 v7, v12  }
0x2fe: {  	v9 =	vld [tilespmem:s5+$0x12820];
	[tilespmem:s3+$0x12030] =	vst v8;
	v6 =	vadd.f32 v6, v10  }
0x2ff: {  	v8 =	vld [tilespmem:s5+$0x12830];
	[tilespmem:s3+$0x12040] =	vst v7;
	v5 =	vadd.f32 v5, v11  }
0x300: {  	v7 =	vld [tilespmem:s5+$0x12840];
	[tilespmem:s3+$0x12050] =	vst v6;
	v4 =	vadd.f32 v4, v14  }
0x301: {  	v6 =	vld [tilespmem:s5+$0x12850];
	[tilespmem:s3+$0x12060] =	vst v5  }
0x302: {  	v5 =	vld [tilespmem:s5+$0x12860];
	[tilespmem:s3+$0x12070] =	vst v4;
	s3 =	smov.u32 s5  }
0x303: {  	v4 =	vld [tilespmem:s3+$0x12870]  }
0x304: {  	v10 =	vld [tilespmem:s3+$0x12000]  }
0x305: {  	v11 =	vld [tilespmem:s3+$0x12010]  }
.Ltmp19:
0x306: {  	v14 =	vld [tilespmem:s3+$0x12020];
	(pc) =	sbr.rel @!p0 .LBB2_40-.Ltmp19, $4  }
0x307: {  	v13 =	vld [tilespmem:s3+$0x12030]  }
0x308: {  	v12 =	vld [tilespmem:s3+$0x12040]  }
0x309: {  	v16 =	vadd.f32 v16, v10;
	v10 =	vld [tilespmem:s3+$0x12050]  }
0x30a: {  	s4 =	sadd.s32 $0x200, s4;
	v15 =	vadd.f32 v15, v11;
	v11 =	vld [tilespmem:s3+$0x12060]  }
0x30b: {  	[tilespmem:s3+$0x12000] =	vst v16;
	v9 =	vadd.f32 v9, v14;
	v63 =	vld [tilespmem:s3+$0x12070]  }
0x30c: {  	[tilespmem:s3+$0x12010] =	vst v15;
	v8 =	vadd.f32 v8, v13  }
0x30d: {  	[tilespmem:s3+$0x12020] =	vst v9;
	v7 =	vadd.f32 v7, v12  }
0x30e: {  	[tilespmem:s3+$0x12030] =	vst v8;
	v6 =	vadd.f32 v6, v10  }
0x30f: {  	[tilespmem:s3+$0x12040] =	vst v7;
	v5 =	vadd.f32 v5, v11  }
0x310: {  	s0 =	ssub.f32 s0, s1;
	[tilespmem:s3+$0x12050] =	vst v6;
	v4 =	vadd.f32 v4, v63  }
0x311: {  	p0 =	por $0x0, $0x0;
	s4 =	simm.f32 $0.0e+00;
	s5 =	simm.s32 $0x800003EF;
	[tilespmem:s3+$0x12060] =	vst v5  }
0x312: {  	s6 =	simm.s32 $0x123F0;
	s1 =	simm.f32 $0.0e+00;
	[tilespmem:s3+$0x12070] =	vst v4;
	s3 =	simm.s32 $0x0;
	v4 =	vmov s0  }
.LBB2_42:
0x313: {  	v5 =	vld [tilespmem:s6+$0x0];
	_ =	sdelay $0x4  }
0x314: {  	v6 =	vperm.xlane v5, v3  }
0x315: {  	(xrf2) =	vadd.scan.msk.f32 $0xffff, v5  }
0x316: {  	(xrf2) =	vadd.scan.msk.f32 $0xffff, v6;
	_ =	sdelay $0x8  }
0x317: {  	v6, _, _ =	vpop (xrf2)  }
0x318: {  	v7, _, _ =	vpop (xrf2)  }
0x319: {  	v7 =	vperm.xlane v7, v3;
	_ =	sdelay $0x1  }
0x31a: {  	v7 =	vadd.f32 s4, v7;
	_ =	sdelay $0x1  }
0x31b: {  	vm0 =	vge.f32 v7, v4  }
0x31c: {  	v7 =	vmpcnt.ones.xlane vm0;
	_ =	sdelay $0x1  }
0x31d: {  	v7 =	vxor.u32 $0x80000000, v7  }
0x31e: {  	(xrf0) =	vmax.scan.msk.u32 $0xffff, v7;
	_ =	sdelay $0x5  }
0x31f: {  	(v2sf) =	vpush v6, $0xF;
	v6, _, _ =	vpop (xrf0)  }
0x320: {  	(v2sf) =	vpush v6, $0xF;
	_ =	sdelay $0xd  }
0x321: {  	s7 =	spop (v2sf)  }
0x322: {  	s8 =	spop (v2sf)  }
0x323: {  	s10 =	sadd.s32 $0x7FFFFFFF, s8  }
0x324: {  	v6 =	vmov s10  }
0x325: {  	vm15 =	vlt.s32 v6, v0  }
0x326: {  	v5 =	vnsel vm15, $0x0, v5  }
0x327: {  	(xrf2) =	vadd.scan.msk.f32 $0xffff, v5;
	_ =	sdelay $0x9  }
0x328: {  	v5, _, _ =	vpop (xrf2)  }
0x329: {  	(v2sf) =	vpush v5, $0xF;
	_ =	sdelay $0xe  }
0x32a: {  	p1 =	por !p0, !p0;
	p2 =	sgt.u32 s8, $0x80000000;
	s31 =	spop (v2sf)  }
0x32b: {  	p1 =	por !p2, !p1;
	s10 =	sadd.f32 s31, s4  }
0x32c: {  	s8 =	sadd.s32 s5, s8;
	p1 =	por !p1, !p1  }
0x32d: {  	s3 =	smov.u32 @p1 s8;
	s1 =	smov.u32 @p1 s10;
	p1 =	sne.s32 s5, $0x7FFFFFFF  }
.Ltmp20:
0x32e: {  	_ = 	snop;
	(pc) =	sbr.rel @p1 .LBB2_42-.Ltmp20, $3  }
0x32f: {  	_ =	sdelay $0x1  }
0x330: {  	s6 =	sadd.s32 $0xFFFFFFF0, s6  }
0x331: {  	p0 =	por p0, p2;
	s4 =	sadd.f32 s7, s4;
	s5 =	sadd.s32 $0xFFFFFFF0, s5  }
0x332: {  	s4 =	simm.s32 $0x0  }
0x333: {  	s2 =	sshll.u32 s2, $0xA;
	s4 =	smul.u32 $0x3000, s4  }
0x334: {  	s2 =	sor.u32 s2, s3;
	s3 =	simm.s32 $0x0  }
0x335: {  	v4 =	vmov s2;
	s31 =	sand.u32 $0x380, s3;
	s4 =	sshra.s32 s4, $0x2  }
0x336: {  	v4 =	vbroadcast v4, $0x0;
	s2 =	sor.u32 s31, s4  }
0x337: {  	v9 =	vld [tilespmem:s2+$0x430]  }
0x338: {  	(xrf0) =	vmax.scan.msk.f32 $0xffff, v4;
	v13 =	vld [tilespmem:s2+$0x420]  }
0x339: {  	v6 =	vld [tilespmem:s2+$0x40]  }
0x33a: {  	v8 =	vld [tilespmem:s2+$0x50]  }
0x33b: {  	v11 =	vld [tilespmem:s2+$0x70]  }
0x33c: {  	v12 =	vld [tilespmem:s2+$0x60]  }
0x33d: {  	v15 =	vld [tilespmem:s2+$0x20]  }
0x33e: {  	v7 =	vld [tilespmem:s2+$0x10];
	v4, _, _ =	vpop (xrf0)  }
0x33f: {  	v17 =	vld [tilespmem:s2+$0x30];
	v5 =	vbroadcast v4, $0xF  }
0x340: {  	v18 =	vld [tilespmem:s2+$0x410]  }
0x341: {  	v16 =	vimm.f32 $0.0e+00;
	v14 =	vld [tilespmem:s2+$0x0];
	vm0 =	vgt.f32 v11, v5  }
0x342: {  	v23 =	vld [tilespmem:s2+$0x400];
	vm1 =	vgt.f32 v12, v5;
	vm2 =	vgt.f32 v15, v5;
	vm3 =	vgt.f32 v6, v5  }
0x343: {  	v10 =	vld [tilespmem:s2+$0x460];
	v11 =	vnsel vm0, $0x0, v11;
	v26 =	vnsel vm2, $0x0, v15;
	v6 =	vnsel vm3, $0x0, v6  }
0x344: {  	v21 =	vld [tilespmem:s2+$0x470];
	v20 =	vnsel vm1, $0x0, v12;
	vm0 =	vgt.f32 v17, v5;
	vm1 =	vgt.f32 v8, v5  }
0x345: {  	v24 =	vld [tilespmem:s2+$0x440];
	vm3 =	vgt.f32 v18, v5;
	vm2 =	vgt.f32 v13, v5;
	v12 =	vnsel vm1, $0x0, v8  }
0x346: {  	v15 =	vld [tilespmem:s2+$0x450];
	vm1 =	vgt.f32 v9, v5;
	v17 =	vnsel vm0, $0x0, v17;
	vm0 =	vgt.f32 v7, v5  }
0x347: {  	v8 =	vld [tilespmem:s2+$0x820];
	v22 =	vnsel vm2, $0x0, v13;
	vm2 =	vgt.f32 v23, v5;
	v13 =	vnsel vm3, $0x0, v18  }
0x348: {  	vm3 =	vgt.f32 v14, v5;
	v26 =	vadd.f32 v26, v16;
	v19 =	vnsel vm1, $0x0, v9;
	v9 =	vld [tilespmem:s2+$0x800]  }
0x349: {  	s5 =	simm.s32 $0x1;
	v18 =	vimm.f32 $0.0e+00;
	v25 =	vadd.f32 v17, v16;
	vm1 =	vgt.f32 v21, v5;
	v17 =	vld [tilespmem:s2+$0x810]  }
.LBB2_44:
0x34a: {  	s4 =	smov.u32 s5  }
0x34b: {  	s6 =	sshrl.u32 s5, $0x3;
	v14 =	vnsel vm3, $0x0, v14;
	v23 =	vnsel vm2, $0x0, v23;
	vm2 =	vgt.f32 v10, v5;
	v27 =	vld [tilespmem:s2+$0x830];
	s3 =	sadd.s32 $0x80, s3;
	s4 =	sadd.s32 $0x1, s5  }
0x34c: {  	p0 =	sne.s32 s5, $0xBF;
	v21 =	vnsel vm1, $0x0, v21;
	s6 =	smul.u32 $0x3000, s6;
	v20 =	vadd.f32 v20, v26;
	vm3 =	vgt.f32 v24, v5;
	v26 =	vld [tilespmem:s2+$0x860]  }
0x34d: {  	v7 =	vnsel vm0, $0x0, v7;
	v14 =	vadd.f32 v14, v16;
	v16 =	vnsel vm3, $0x0, v24;
	v24 =	vld [tilespmem:s2+$0x850]  }
0x34e: {  	v11 =	vadd.f32 v11, v25;
	s5 =	sand.u32 $0x380, s3;
	v10 =	vnsel vm2, $0x0, v10;
	s6 =	sshra.s32 s6, $0x2;
	v20 =	vadd.f32 v22, v20;
	v22 =	vld [tilespmem:s2+$0x840]  }
0x34f: {  	v7 =	vadd.f32 v7, v18;
	vm0 =	vgt.f32 v15, v5;
	vm1 =	vgt.f32 v9, v5;
	v18 =	vld [tilespmem:s2+$0x870];
	s2 =	sor.u32 s5, s6  }
0x350: {  	vm2 =	vgt.f32 v8, v5;
	v11 =	vadd.f32 v19, v11;
	v10 =	vadd.f32 v10, v20;
	v25 =	vld [tilespmem:s2+$0x430]  }
0x351: {  	v8 =	vnsel vm2, $0x0, v8;
	v7 =	vadd.f32 v12, v7;
	v12 =	vnsel vm0, $0x0, v15;
	v19 =	vld [tilespmem:s2+$0x420]  }
0x352: {  	v11 =	vadd.f32 v21, v11;
	vm0 =	vgt.f32 v17, v5;
	vm2 =	vgt.f32 v26, v5;
	v15 =	vld [tilespmem:s2+$0x40]  }
0x353: {  	v17 =	vnsel vm0, $0x0, v17;
	v8 =	vadd.f32 v8, v10;
	v28 =	vld [tilespmem:s2+$0x50];
	vm0 =	vgt.f32 v22, v5  }
0x354: {  	v6 =	vadd.f32 v6, v14;
	v9 =	vnsel vm1, $0x0, v9;
	vm1 =	vgt.f32 v27, v5;
	v10 =	vld [tilespmem:s2+$0x70]  }
0x355: {  	v13 =	vadd.f32 v13, v7;
	vm3 =	vgt.f32 v24, v5;
	vm4 =	vgt.f32 v18, v5;
	v20 =	vld [tilespmem:s2+$0x60]  }
0x356: {  	v6 =	vadd.f32 v23, v6;
	v14 =	vnsel vm2, $0x0, v26;
	v26 =	vnsel vm4, $0x0, v18;
	v21 =	vld [tilespmem:s2+$0x20]  }
0x357: {  	v12 =	vadd.f32 v12, v13;
	v13 =	vnsel vm0, $0x0, v22;
	v18 =	vnsel vm3, $0x0, v24;
	v7 =	vld [tilespmem:s2+$0x10]  }
0x358: {  	v6 =	vadd.f32 v16, v6;
	v16 =	vnsel vm1, $0x0, v27;
	v27 =	vadd.f32 v14, v8;
	v22 =	vld [tilespmem:s2+$0x30]  }
0x359: {  	v8 =	vadd.f32 v17, v12;
	v17 =	vadd.f32 v16, v11;
	v14 =	vld [tilespmem:s2+$0x0];
	vm0 =	vgt.f32 v10, v5  }
0x35a: {  	v9 =	vadd.f32 v9, v6;
	vm1 =	vgt.f32 v20, v5;
	v11 =	vnsel vm0, $0x0, v10;
	v29 =	vld [tilespmem:s2+$0x410]  }
0x35b: {  	v18 =	vadd.f32 v18, v8;
	vm2 =	vgt.f32 v15, v5;
	vm0 =	vgt.f32 v21, v5;
	v10 =	vld [tilespmem:s2+$0x460]  }
0x35c: {  	v6 =	vnsel vm2, $0x0, v15;
	v20 =	vnsel vm1, $0x0, v20;
	v30 =	vnsel vm0, $0x0, v21;
	v23 =	vld [tilespmem:s2+$0x400]  }
0x35d: {  	v16 =	vadd.f32 v13, v9;
	vm1 =	vgt.f32 v28, v5;
	vm0 =	vgt.f32 v22, v5;
	v21 =	vld [tilespmem:s2+$0x470]  }
.Ltmp21:
0x35e: {  	v9 =	vadd.f32 v26, v17;
	v12 =	vnsel vm1, $0x0, v28;
	vm1 =	vgt.f32 v25, v5;
	v8 =	vld [tilespmem:s2+$0x820];
	(pc) =	sbr.rel @p0 .LBB2_44-.Ltmp21, $4  }
0x35f: {  	vm2 =	vgt.f32 v19, v5;
	v13 =	vnsel vm0, $0x0, v22;
	vm3 =	vgt.f32 v29, v5;
	v24 =	vld [tilespmem:s2+$0x440]  }
0x360: {  	vm0 =	vgt.f32 v7, v5;
	v22 =	vnsel vm2, $0x0, v19;
	v19 =	vnsel vm1, $0x0, v25;
	v15 =	vld [tilespmem:s2+$0x450]  }
0x361: {  	v25 =	vadd.f32 v13, v9;
	v13 =	vnsel vm3, $0x0, v29;
	vm2 =	vgt.f32 v23, v5;
	v9 =	vld [tilespmem:s2+$0x800]  }
0x362: {  	s5 =	smov.u32 s4;
	v26 =	vadd.f32 v30, v27;
	vm3 =	vgt.f32 v14, v5;
	vm1 =	vgt.f32 v21, v5;
	v17 =	vld [tilespmem:s2+$0x810]  }
0x363: {  	v14 =	vnsel vm3, $0x0, v14;
	v23 =	vnsel vm2, $0x0, v23;
	vm15 =	vgt.f32 v10, v5  }
0x364: {  	v21 =	vnsel vm1, $0x0, v21;
	v7 =	vnsel vm0, $0x0, v7;
	v11 =	vadd.f32 v11, v25  }
0x365: {  	vm9 =	vgt.f32 v8, v5;
	v20 =	vadd.f32 v20, v26;
	vm6 =	vgt.f32 v24, v5  }
0x366: {  	v51 =	vld [tilespmem:s2+$0x860];
	v14 =	vadd.f32 v14, v16;
	v7 =	vadd.f32 v7, v18;
	v10 =	vnsel vm15, $0x0, v10  }
0x367: {  	v52 =	vld [tilespmem:s2+$0x840];
	v8 =	vnsel vm9, $0x0, v8;
	v24 =	vnsel vm6, $0x0, v24;
	v11 =	vadd.f32 v19, v11  }
0x368: {  	v53 =	vld [tilespmem:s2+$0x850];
	vm7 =	vgt.f32 v15, v5;
	v7 =	vadd.f32 v12, v7;
	v6 =	vadd.f32 v6, v14  }
0x369: {  	v55 =	vld [tilespmem:s2+$0x830];
	v20 =	vadd.f32 v22, v20;
	vm8 =	vgt.f32 v9, v5;
	v11 =	vadd.f32 v21, v11  }
0x36a: {  	v54 =	vnsel vm7, $0x0, v15;
	v7 =	vadd.f32 v13, v7;
	v6 =	vadd.f32 v23, v6  }
0x36b: {  	vm10 =	vgt.f32 v17, v5;
	v9 =	vnsel vm8, $0x0, v9;
	v10 =	vadd.f32 v10, v20  }
0x36c: {  	v57 =	vld [tilespmem:s2+$0x870];
	vm11 =	vgt.f32 v51, v5;
	v7 =	vadd.f32 v54, v7;
	v6 =	vadd.f32 v24, v6  }
0x36d: {  	v56 =	vnsel vm10, $0x0, v17;
	vm12 =	vgt.f32 v52, v5;
	vm13 =	vgt.f32 v53, v5  }
0x36e: {  	vm14 =	vgt.f32 v55, v5;
	v7 =	vadd.f32 v56, v7;
	v6 =	vadd.f32 v9, v6  }
0x36f: {  	v58 =	vnsel vm12, $0x0, v52;
	v59 =	vnsel vm13, $0x0, v53;
	v8 =	vadd.f32 v8, v10  }
0x370: {  	v61 =	vnsel vm14, $0x0, v55;
	v7 =	vadd.f32 v59, v7;
	v6 =	vadd.f32 v58, v6  }
0x371: {  	vm15 =	vgt.f32 v57, v5;
	v60 =	vnsel vm11, $0x0, v51;
	v5 =	vadd.f32 v61, v11  }
0x372: {  	v8 =	vadd.f32 v60, v8;
	v6 =	vadd.f32 v7, v6  }
0x373: {  	v62 =	vnsel vm15, $0x0, v57  }
0x374: {  	v5 =	vadd.f32 v62, v5;
	v6 =	vadd.f32 v8, v6;
	_ =	sdelay $0x1  }
0x375: {  	v5 =	vadd.f32 v5, v6;
	_ =	sdelay $0x1  }
0x376: {  	(xrf2) =	vadd.scan.msk.f32 $0xffff, v5;
	_ =	sdelay $0x9  }
0x377: {  	v5, _, _ =	vpop (xrf2)  }
0x378: {  	v63 =	vbroadcast v5, $0xF;
	_ =	sdelay $0x1  }
0x379: {  	s29 =	simm.s32 $0x13000;
	[tilespmem:$0x13000] =	vst v63  }
0x37a: {  	[spmem:s11] =	stream.linear.scatter [tilespmem:s29], [sflag:$0x1], $0x10, $0x38;
	[tilespmem:$0x13880] =	vst v63  }
0x37b: {  	_ =	swait.ge [sflag:s13], $0x10  }
0x37c: {  	[sflag:s13] =	ssyncset.done $0x0  }
0x37d: {  	[sflag:s13] =	ssyncadd.s32 $0xFFFFFFF0  }
0x37e: {  	[bflag:$0x0] =	sbarrier.arrive $0xFFFF  }
0x37f: {  	[tilespmem:s29], [sflag:$0x1] =	stream.linear.gather [spmem:s12], $0x10, $0x38;
	[tilespmem:$0x13880] =	vst v63  }
0x380: {  	_ =	swait.ge [sflag:s13], $0x10  }
0x381: {  	s30 =	sld [smem:$0x7FD];
	_ =	sdelay $0x1  }
0x382: {  	[sflag:s13] =	ssyncset.done $0x0  }
0x383: {  	[sflag:s13] =	ssyncadd.s32 $0xFFFFFFF0;
	p1 =	seq.s32 s30, $0x1  }
0x384: {  	v6 =	vld @!p1 [tilespmem:$0x13000];
	_ =	sdelay $0x4  }
0x385: {  	(xrf0) =	vmax.scan.msk.f32 @!p1 $0xffff, v6;
	_ =	sdelay $0x4  }
0x386: {  	(v2sf) =	vpush @!p1 v4, $0xF  }
0x387: {  	(v2sf) =	vpush @!p1 v5, $0xF;
	v4, _, _ =	vpop @!p1 (xrf0)  }
0x388: {  	(v2sf) =	vpush @!p1 v4, $0xF;
	_ =	sdelay $0xc  }
0x389: {  	s2 =	spop @!p1 (v2sf)  }
0x38a: {  	s0 =	ssub.f32 @!p1 s0, s1;
	s3 =	spop @!p1 (v2sf)  }
0x38b: {  	s1 =	spop @!p1 (v2sf)  }
0x38c: {  	s0 =	smul.f32 @!p1 s2, s0;
	s1 =	sadd.f32 @!p1 s1, s3  }
0x38d: {  	_ = 	snop  }
0x38e: {  	s0 =	sadd.f32 @!p1 s1, s0;
	_ =	sdelay $0x1  }
0x38f: {  	s0 =	smul.f32 @!p1 $6.781960100e-05, s0;
	_ =	sdelay $0x1  }
0x390: {  	v4 =	vmov @!p1 s0  }
0x391: {  	s2 =	rddreg [dreg:$0x6];
	s1 =	simm.s32 @!p1 $0x13000;
	s0 =	simm.s32 @!p1 $0x0;
	[tilespmem:$0x13000] =	vst @!p1 v4  }
0x392: {  	[hbm4b:s2+s0] =	stream.linear.scatter @!p1 [tilespmem:s1], [sflag:$0x1], $0x80, $0x38;
	[tilespmem:$0x13880] =	vst v63  }
0x393: {  	s0 =	simm.s32 @!p1 $0x1  }
0x394: {  	_ =	swait.ge @!p1 [sflag:s0], $0x80  }
0x395: {  	s5 =	rddreg [dreg:$0x8]  }
0x396: {  	s31 =	rddreg [dreg:$0x7];
	s5 =	sadd.s32 $0x1, s5  }
0x397: {  	p0 =	sne.s32 s5, s31  }
.Ltmp22:
0x398: {  	_ = 	snop;
	(pc) =	sbr.rel @p0 .LBB2_1-.Ltmp22, $4  }
.Ltmp23:
0x399: {  	_ = 	snop;
	(pc) =	sbr.rel @!p0 .LBB2_46-.Ltmp23, $4  }
0x39a: {  	_ = 	snop  }
0x39b: {  	[sflag:s0] =	ssyncset.done @!p1 $0x0  }
0x39c: {  	[sflag:s0] =	ssyncadd.s32 @!p1 $0xFFFFFF80  }
0x39d: {  	_ = 	snop  }
.LBB2_8:
0x39e: {  	p0 =	por $0x0, $0x0  }
0x39f: {  	s0 =	simm.s32 @!p0 $0x0  }
0x3a0: {  	s0 =	simm.s32 @p0 $0x1;
	p0 =	por $0x0, $0x0  }
0x3a1: {  	[smem:$0x7F7] =	sst s0;
	s0 =	simm.s32 @!p0 $0x0  }
0x3a2: {  	s0 =	simm.s32 @p0 $0x1;
	p0 =	por $0x0, $0x0  }
0x3a3: {  	[smem:$0x7F8] =	sst s0;
	s0 =	simm.s32 @!p0 $0x0  }
0x3a4: {  	s0 =	simm.s32 @p0 $0x1;
	p0 =	por $0x0, $0x0  }
0x3a5: {  	[smem:$0x7F9] =	sst s0;
	s0 =	simm.s32 @!p0 $0x0  }
0x3a6: {  	s0 =	simm.s32 @p0 $0x1;
	p0 =	por $0x0, $0x0  }
0x3a7: {  	[smem:$0x7FA] =	sst s0;
	s0 =	simm.s32 @!p0 $0x0  }
0x3a8: {  	s0 =	simm.s32 @p0 $0x1;
	p0 =	por $0x0, $0x0  }
0x3a9: {  	[smem:$0x7FB] =	sst s0;
	s0 =	simm.s32 @!p0 $0x0  }
0x3aa: {  	s0 =	simm.s32 @p0 $0x1  }
0x3ab: {  	[smem:$0x7FC] =	sst s0  }
0x3ac: {  	_ = 	snop  }
0x3ad: {  	_ = 	snop  }
0x3ae: {  	_ = 	snop  }
0x3af: {  	_ = 	snop  }
0x3b0: {  	_ = 	snop  }
0x3b1: {  	_ = 	snop  }
.Ltmp24:
0x3b2: {  	(pc) =	sbr.rel .LBB2_27-.Ltmp24, $4  }
0x3b3: {  	_ = 	snop  }
0x3b4: {  	_ = 	snop  }
0x3b5: {  	s14 =	simm.s32 $0x800003EF;
	s13 =	simm.f32 $0.0e+00  }
0x3b6: {  	s7 =	simm.s32 $0x0;
	s18 =	simm.f32 $0.0e+00;
	v6 =	vmov v4;
	p0 =	por $0x0, $0x0  }
.LBB2_10:
0x3b7: {  	p0 =	por $0x0, $0x0  }
0x3b8: {  	s0 =	simm.s32 @!p0 $0x0  }
0x3b9: {  	s0 =	simm.s32 @p0 $0x1;
	p0 =	por $0x0, $0x0  }
0x3ba: {  	[smem:$0x7F7] =	sst s0;
	s0 =	simm.s32 @!p0 $0x0  }
0x3bb: {  	s0 =	simm.s32 @p0 $0x1;
	p0 =	por $0x0, $0x0  }
0x3bc: {  	[smem:$0x7F8] =	sst s0;
	s0 =	simm.s32 @!p0 $0x0  }
0x3bd: {  	s0 =	simm.s32 @p0 $0x1;
	p0 =	por $0x0, $0x0  }
0x3be: {  	[smem:$0x7F9] =	sst s0;
	s0 =	simm.s32 @!p0 $0x0  }
0x3bf: {  	s0 =	simm.s32 @p0 $0x1;
	p0 =	por $0x0, $0x0  }
0x3c0: {  	[smem:$0x7FA] =	sst s0;
	s0 =	simm.s32 @!p0 $0x0  }
0x3c1: {  	s0 =	simm.s32 @p0 $0x1;
	p0 =	por $0x0, $0x0  }
0x3c2: {  	[smem:$0x7FB] =	sst s0;
	s0 =	simm.s32 @!p0 $0x0  }
0x3c3: {  	s0 =	simm.s32 @p0 $0x1  }
0x3c4: {  	[smem:$0x7FC] =	sst s0  }
0x3c5: {  	_ = 	snop  }
0x3c6: {  	_ = 	snop  }
0x3c7: {  	_ = 	snop  }
0x3c8: {  	_ = 	snop  }
0x3c9: {  	_ = 	snop  }
.Ltmp25:
0x3ca: {  	(pc) =	sbr.rel .LBB2_27-.Ltmp25, $4  }
0x3cb: {  	_ = 	snop  }
0x3cc: {  	s26 =	simm.s32 $0x800003EF  }
0x3cd: {  	s14 =	simm.s32 $0x800003DF;
	s13 =	simm.f32 $0.0e+00;
	s7 =	simm.s32 $0x0  }
0x3ce: {  	s18 =	simm.f32 $0.0e+00;
	[dreg:$0x12] =	wrdreg s26;
	v6 =	vmov v5;
	p0 =	por $0x0, $0x0  }
.LBB2_12:
0x3cf: {  	p0 =	por $0x0, $0x0  }
0x3d0: {  	s0 =	simm.s32 @!p0 $0x0  }
0x3d1: {  	s0 =	simm.s32 @p0 $0x1;
	p0 =	por $0x0, $0x0  }
0x3d2: {  	[smem:$0x7F7] =	sst s0;
	s0 =	simm.s32 @!p0 $0x0  }
0x3d3: {  	s0 =	simm.s32 @p0 $0x1;
	p0 =	por $0x0, $0x0  }
0x3d4: {  	[smem:$0x7F8] =	sst s0;
	s0 =	simm.s32 @!p0 $0x0  }
0x3d5: {  	s0 =	simm.s32 @p0 $0x1;
	p0 =	por $0x1, $0x1  }
0x3d6: {  	[smem:$0x7F9] =	sst s0;
	s0 =	simm.s32 @!p0 $0x0  }
0x3d7: {  	s0 =	simm.s32 @p0 $0x1;
	p0 =	por $0x0, $0x0  }
0x3d8: {  	[smem:$0x7FA] =	sst s0;
	s0 =	simm.s32 @!p0 $0x0  }
0x3d9: {  	s0 =	simm.s32 @p0 $0x1;
	p0 =	por $0x0, $0x0  }
0x3da: {  	[smem:$0x7FB] =	sst s0;
	s0 =	simm.s32 @!p0 $0x0  }
0x3db: {  	s0 =	simm.s32 @p0 $0x1  }
0x3dc: {  	[smem:$0x7FC] =	sst s0  }
0x3dd: {  	_ = 	snop  }
0x3de: {  	_ = 	snop  }
0x3df: {  	_ = 	snop  }
0x3e0: {  	_ = 	snop  }
0x3e1: {  	_ = 	snop  }
.Ltmp26:
0x3e2: {  	(pc) =	sbr.rel .LBB2_27-.Ltmp26, $4  }
0x3e3: {  	_ = 	snop  }
0x3e4: {  	s26 =	simm.s32 $0x800003DF;
	s14 =	simm.s32 $0x800003CF  }
0x3e5: {  	s13 =	simm.f32 $0.0e+00;
	s7 =	simm.s32 $0x0;
	s18 =	simm.f32 $0.0e+00  }
0x3e6: {  	v12 =	vmov v4;
	v4 =	vmov v5;
	s2 =	simm.f32 $0.0e+00;
	[dreg:$0x12] =	wrdreg s26;
	v6 =	vmov v8;
	p0 =	por $0x0, $0x0  }
.LBB2_14:
0x3e7: {  	p0 =	por $0x0, $0x0  }
0x3e8: {  	s0 =	simm.s32 @!p0 $0x0  }
0x3e9: {  	s0 =	simm.s32 @p0 $0x1;
	p0 =	por $0x0, $0x0  }
0x3ea: {  	[smem:$0x7F7] =	sst s0;
	s0 =	simm.s32 @!p0 $0x0  }
0x3eb: {  	s0 =	simm.s32 @p0 $0x1;
	p0 =	por $0x0, $0x0  }
0x3ec: {  	[smem:$0x7F8] =	sst s0;
	s0 =	simm.s32 @!p0 $0x0  }
0x3ed: {  	s0 =	simm.s32 @p0 $0x1;
	p0 =	por $0x1, $0x1  }
0x3ee: {  	[smem:$0x7F9] =	sst s0;
	s0 =	simm.s32 @!p0 $0x0  }
0x3ef: {  	s0 =	simm.s32 @p0 $0x1;
	p0 =	por $0x1, $0x1  }
0x3f0: {  	[smem:$0x7FA] =	sst s0;
	s0 =	simm.s32 @!p0 $0x0  }
0x3f1: {  	s0 =	simm.s32 @p0 $0x1;
	p0 =	por $0x0, $0x0  }
0x3f2: {  	[smem:$0x7FB] =	sst s0;
	s0 =	simm.s32 @!p0 $0x0  }
0x3f3: {  	s0 =	simm.s32 @p0 $0x1  }
0x3f4: {  	[smem:$0x7FC] =	sst s0  }
0x3f5: {  	_ = 	snop  }
0x3f6: {  	_ = 	snop  }
0x3f7: {  	_ = 	snop  }
0x3f8: {  	_ = 	snop  }
0x3f9: {  	_ = 	snop  }
.Ltmp27:
0x3fa: {  	(pc) =	sbr.rel .LBB2_27-.Ltmp27, $4  }
0x3fb: {  	s26 =	simm.s32 $0x800003CF;
	s14 =	simm.s32 $0x800003BF  }
0x3fc: {  	s13 =	simm.f32 $0.0e+00;
	s7 =	simm.s32 $0x0;
	s18 =	smov.u32 s3  }
0x3fd: {  	s2 =	smov.u32 s3;
	s6 =	simm.f32 $0.0e+00;
	s30 =	simm.s32 $0x800003EF  }
0x3fe: {  	v11 =	vmovc v4;
	v12 =	vmov v5;
	v4 =	vmov v8;
	s25 =	simm.s32 $0x800003DF;
	[dreg:$0x12] =	wrdreg s26;
	v6 =	vmov v7;
	p0 =	por $0x0, $0x0  }
.LBB2_16:
0x3ff: {  	p0 =	por $0x0, $0x0  }
0x400: {  	s0 =	simm.s32 @!p0 $0x0  }
0x401: {  	s0 =	simm.s32 @p0 $0x1;
	p0 =	por $0x0, $0x0  }
0x402: {  	[smem:$0x7F7] =	sst s0;
	s0 =	simm.s32 @!p0 $0x0  }
0x403: {  	s0 =	simm.s32 @p0 $0x1;
	p0 =	por $0x0, $0x0  }
0x404: {  	[smem:$0x7F8] =	sst s0;
	s0 =	simm.s32 @!p0 $0x0  }
0x405: {  	s0 =	simm.s32 @p0 $0x1;
	p0 =	por $0x1, $0x1  }
0x406: {  	[smem:$0x7F9] =	sst s0;
	s0 =	simm.s32 @!p0 $0x0  }
0x407: {  	s0 =	simm.s32 @p0 $0x1;
	p0 =	por $0x1, $0x1  }
0x408: {  	[smem:$0x7FA] =	sst s0;
	s0 =	simm.s32 @!p0 $0x0  }
0x409: {  	s0 =	simm.s32 @p0 $0x1;
	p0 =	por $0x1, $0x1  }
0x40a: {  	[smem:$0x7FB] =	sst s0;
	s0 =	simm.s32 @!p0 $0x0  }
0x40b: {  	s0 =	simm.s32 @p0 $0x1  }
0x40c: {  	[smem:$0x7FC] =	sst s0  }
0x40d: {  	_ = 	snop  }
0x40e: {  	_ = 	snop  }
0x40f: {  	_ = 	snop  }
0x410: {  	_ = 	snop  }
0x411: {  	_ = 	snop  }
.Ltmp28:
0x412: {  	s26 =	simm.s32 $0x800003BF;
	(pc) =	sbr.rel .LBB2_27-.Ltmp28, $4  }
0x413: {  	s14 =	simm.s32 $0x800003AF;
	s10 =	simm.s32 $0x800003EF;
	s13 =	simm.f32 $0.0e+00  }
0x414: {  	s7 =	simm.s32 $0x0;
	s18 =	smov.u32 s6;
	s2 =	smov.u32 s6  }
0x415: {  	s6 =	smov.u32 s3;
	s1 =	simm.f32 $0.0e+00;
	s30 =	simm.s32 $0x800003DF  }
0x416: {  	v13 =	vmovc v4;
	v11 =	vmovc v5;
	v12 =	vmov v8;
	v4 =	vmov v7;
	s25 =	simm.s32 $0x800003CF;
	[dreg:$0x12] =	wrdreg s26;
	v6 =	vmov v9;
	p0 =	por $0x0, $0x0  }
.LBB2_18:
0x417: {  	p0 =	por $0x0, $0x0  }
0x418: {  	s0 =	simm.s32 @!p0 $0x0  }
0x419: {  	s0 =	simm.s32 @p0 $0x1;
	p0 =	por $0x0, $0x0  }
0x41a: {  	[smem:$0x7F7] =	sst s0;
	s0 =	simm.s32 @!p0 $0x0  }
0x41b: {  	s0 =	simm.s32 @p0 $0x1;
	p0 =	por $0x1, $0x1  }
0x41c: {  	[smem:$0x7F8] =	sst s0;
	s0 =	simm.s32 @!p0 $0x0  }
0x41d: {  	s0 =	simm.s32 @p0 $0x1;
	p0 =	por $0x1, $0x1  }
0x41e: {  	[smem:$0x7F9] =	sst s0;
	s0 =	simm.s32 @!p0 $0x0  }
0x41f: {  	s0 =	simm.s32 @p0 $0x1;
	p0 =	por $0x1, $0x1  }
0x420: {  	[smem:$0x7FA] =	sst s0;
	s0 =	simm.s32 @!p0 $0x0  }
0x421: {  	s0 =	simm.s32 @p0 $0x1;
	p0 =	por $0x1, $0x1  }
0x422: {  	[smem:$0x7FB] =	sst s0;
	s0 =	simm.s32 @!p0 $0x0  }
0x423: {  	s0 =	simm.s32 @p0 $0x1  }
0x424: {  	s25 =	simm.s32 $0x800003DF;
	[smem:$0x7FC] =	sst s0  }
0x425: {  	s26 =	simm.s32 $0x800003AF;
	s14 =	simm.s32 $0x8000039F  }
.Ltmp29:
0x426: {  	s10 =	simm.s32 $0x800003DF;
	s13 =	simm.f32 $0.0e+00;
	(pc) =	sbr.rel .LBB2_27-.Ltmp29, $4  }
0x427: {  	s7 =	simm.s32 $0x0;
	s18 =	smov.u32 s30;
	s2 =	smov.u32 s30  }
0x428: {  	s21 =	smov.u32 s8;
	s22 =	smov.u32 s19;
	s23 =	simm.f32 $0.0e+00  }
0x429: {  	s1 =	smov.u32 s3;
	s30 =	simm.s32 $0x800003CF;
	[dreg:$0xb] =	wrdreg s25  }
0x42a: {  	v11 =	vmovc v8;
	v12 =	vmovc v7;
	v4 =	vmov v9;
	v13 =	vmov v5;
	[dreg:$0x12] =	wrdreg s26;
	s25 =	simm.s32 $0x800003BF;
	v6 =	vmov v10;
	p0 =	por $0x0, $0x0  }
.LBB2_20:
0x42b: {  	s24 =	simm.s32 $0x800003DF  }
0x42c: {  	s25 =	simm.s32 $0x800003BF;
	s26 =	simm.s32 $0x8000039F  }
0x42d: {  	p0 =	por $0x0, $0x0;
	s14 =	simm.s32 $0x8000038F;
	s10 =	simm.s32 $0x800003CF  }
0x42e: {  	s13 =	simm.f32 $0.0e+00;
	s7 =	simm.s32 $0x0;
	s0 =	simm.s32 @!p0 $0x0  }
0x42f: {  	s18 =	smov.u32 s31;
	s0 =	simm.s32 @p0 $0x1;
	p0 =	por $0x1, $0x1  }
0x430: {  	s2 =	smov.u32 s31;
	[smem:$0x7F7] =	sst s0;
	s0 =	simm.s32 @!p0 $0x0  }
0x431: {  	s11 =	smov.u32 s8;
	s0 =	simm.s32 @p0 $0x1;
	p0 =	por $0x1, $0x1  }
0x432: {  	s21 =	smov.u32 s4;
	[smem:$0x7F8] =	sst s0;
	s0 =	simm.s32 @!p0 $0x0  }
0x433: {  	[dreg:$0xb] =	wrdreg s24;
	s0 =	simm.s32 @p0 $0x1;
	p0 =	por $0x1, $0x1  }
0x434: {  	s15 =	smov.u32 s19;
	[smem:$0x7F9] =	sst s0;
	s0 =	simm.s32 @!p0 $0x0  }
0x435: {  	[dreg:$0xa] =	wrdreg s25;
	s0 =	simm.s32 @p0 $0x1;
	p0 =	por $0x1, $0x1  }
0x436: {  	s22 =	smov.u32 s23;
	[smem:$0x7FA] =	sst s0;
	s0 =	simm.s32 @!p0 $0x0  }
.Ltmp30:
0x437: {  	s0 =	simm.s32 @p0 $0x1;
	p0 =	por $0x1, $0x1;
	(pc) =	sbr.rel .LBB2_27-.Ltmp30, $4  }
0x438: {  	s23 =	smov.u32 s3;
	[smem:$0x7FB] =	sst s0;
	s0 =	simm.s32 @!p0 $0x0  }
0x439: {  	s1 =	smov.u32 s6;
	[dreg:$0x12] =	wrdreg s26;
	s0 =	simm.s32 @p0 $0x1  }
0x43a: {  	s6 =	smov.u32 s30;
	s30 =	simm.s32 $0x800003BF;
	[smem:$0x7FC] =	sst s0  }
0x43b: {  	v12 =	vmovc v9;
	v13 =	vmovc v8;
	v11 =	vmov v7;
	s24 =	simm.f32 $0.0e+00;
	s25 =	simm.s32 $0x800003AF;
	v6 =	vmov v4;
	v4 =	vmov v10;
	p0 =	por $0x0, $0x0  }
.LBB2_22:
0x43c: {  	p0 =	por $0x1, $0x1;
	s26 =	simm.s32 $0x8000038F;
	s12 =	simm.f32 $0.0e+00  }
0x43d: {  	s10 =	simm.s32 $0x800003BF;
	s13 =	simm.f32 $0.0e+00;
	s11 =	smov.u32 s4  }
0x43e: {  	s21 =	smov.u32 s5;
	s29 =	smov.u32 s19;
	s7 =	simm.s32 $0x0  }
0x43f: {  	s15 =	smov.u32 s23;
	s18 =	smov.u32 s20;
	s0 =	simm.s32 @!p0 $0x0  }
0x440: {  	s22 =	smov.u32 s28;
	s0 =	simm.s32 @p0 $0x1;
	p0 =	por $0x1, $0x1  }
0x441: {  	s24 =	smov.u32 s3;
	[smem:$0x7F7] =	sst s0;
	s0 =	simm.s32 @!p0 $0x0  }
0x442: {  	s23 =	smov.u32 s6;
	s0 =	simm.s32 @p0 $0x1;
	p0 =	por $0x1, $0x1  }
0x443: {  	s1 =	smov.u32 s30;
	[smem:$0x7F8] =	sst s0;
	s0 =	simm.s32 @!p0 $0x0  }
0x444: {  	s6 =	smov.u32 s31;
	s0 =	simm.s32 @p0 $0x1;
	p0 =	por $0x1, $0x1  }
.Ltmp31:
0x445: {  	[smem:$0x7F9] =	sst s0;
	s0 =	simm.s32 @!p0 $0x0;
	(pc) =	sbr.rel .LBB2_27-.Ltmp31, $4  }
0x446: {  	s2 =	smov.u32 s20;
	s0 =	simm.s32 @p0 $0x1;
	p0 =	por $0x1, $0x1  }
0x447: {  	s30 =	simm.s32 $0x800003AF;
	[smem:$0x7FA] =	sst s0;
	s0 =	simm.s32 @!p0 $0x0  }
0x448: {  	s25 =	simm.s32 $0x8000039F;
	[dreg:$0x12] =	wrdreg s26;
	s0 =	simm.s32 @p0 $0x1  }
0x449: {  	vm0 =	vmmov vm1;
	v13 =	vmovc v7;
	v11 =	vmovc v9;
	v12 =	vmov v10;
	s26 =	smov.u32 s8;
	v6 =	vmov v14;
	p0 =	por $0x0, $0x0;
	[smem:$0x7FB] =	sst s0  }
.LBB2_24:
0x44a: {  	s12 =	rddreg [dreg:$0x9]  }
0x44b: {  	p0 =	por $0x1, $0x1;
	s26 =	simm.s32 $0x8000037F;
	s29 =	rddreg [dreg:$0x11]  }
0x44c: {  	s14 =	simm.s32 $0x8000036F;
	s11 =	smov.u32 s5;
	s24 =	rddreg [dreg:$0xf]  }
0x44d: {  	s10 =	simm.s32 $0x800003AF;
	s15 =	smov.u32 s28;
	s23 =	rddreg [dreg:$0xe]  }
.Ltmp32:
0x44e: {  	s1 =	smov.u32 s31;
	s0 =	simm.s32 @!p0 $0x0;
	(pc) =	sbr.rel .LBB2_27-.Ltmp32, $4  }
0x44f: {  	s6 =	smov.u32 s20;
	s0 =	simm.s32 @p0 $0x1;
	p0 =	por $0x1, $0x1  }
0x450: {  	s2 =	smov.u32 s18;
	[smem:$0x7FA] =	sst s0;
	s0 =	simm.s32 @!p0 $0x0  }
0x451: {  	s30 =	simm.s32 $0x8000039F;
	[dreg:$0x12] =	wrdreg s26;
	s0 =	simm.s32 @p0 $0x1  }
0x452: {  	v12 =	vmovc v4;
	v13 =	vmov v9;
	v11 =	vmov v10;
	v4 =	vmov v14;
	s26 =	smov.u32 s4;
	p0 =	por $0x0, $0x0;
	[smem:$0x7FB] =	sst s0  }
.LBB2_46:
0x453: {  	_ =	sfence.sel $0x180000  }
0x454: {  	[bflag:$0x0] =	sbarrier.arrive $0xFFFF  }
0x455: {  	_ =	strace $0x90000047  }
0x456: {  	s0 =	stileid.u32;
	[bflag:$0x2] =	sbarrier.arrive $0xFFFF  }
0x457: {  	p0 =	sne.s32 s0, $0x0;
	s0 =	rddreg [dreg:$0x2]  }
0x458: {  	s0 =	sadd.s32 @!p0 $0x100000, s0  }
0x459: {  	[sflag:s0] =	ssyncadd.tile.s32 @!p0 $0x1;
	_ =	shalt  }
.Lfunc_end2:
_tile_overlayer_lowered:
.L_overlay_start_2:
0x45a: {  	(tag) =	ssettag $0x2  }
0x45b: {  	s0 =	rddreg [dreg:$0x0];
	s2 =	stileid.u32  }
0x45c: {  	s1 =	rddreg [dreg:$0x1];
	p0 =	sne.s32 s2, $0x0  }
0x45d: {  	s3 =	rddreg [dreg:$0x2];
	[bflag:$0x3] =	sbarrier.arrive $0xFFFF;
	s2 =	simm.s32 @!p0 $0x1C01  }
0x45e: {  	[timem:s3], [sflag:s2] =	dma.local @!p0 [hbm:s0], s1  }
0x45f: {  	s0 =	simm.s32 @!p0 $0x1  }
0x460: {  	_ =	swait.ge @!p0 [sflag:s0], s1  }
0x461: {  	s1 =	ssub.s32 @!p0 $0x0, s1;
	[sflag:s0] =	ssyncset.done @!p0 $0x0  }
0x462: {  	[sflag:s0] =	ssyncadd.s32 @!p0 s1  }
0x463: {  	[bflag:$0x3] =	sbarrier.arrive $0xFFFF  }
0x464: {  	_ =	shalt  }

</sc_bundles>
